<compile_context>
chip_gen: v7x
topology: tpu7x:2x2x1
jax: 0.10.2.dev20260603
libtpu: 0.0.44.dev20260713+nightly
codegen_flags: <defaults>
</compile_context>

<pallas_src>
import jax
import jax.numpy as jnp
from jax import lax
from jax.experimental import pallas as pl
from jax.experimental.pallas import tpu as pltpu
from jax.experimental.pallas import tpu_sc as plsc

IN_F = 128
K = 20
XMIN = -3.0
XMAX = 3.0
SCALE = (K - 1) / (XMAX - XMIN)
OFFS = -XMIN * SCALE
L = 16
NC = 2
NS = 16
NW = NC * NS
NCHUNK = 4
TAB = K * IN_F

B_TC = 8192
TC_BLOCK = 1024




def _sc_body(sc_rows, row0, x_hbm, ct_hbm, out_hbm, xbuf, tab, dtab, etab,
             outbuf, *sems):
    rows_per_w = sc_rows // NW
    wid = lax.axis_index("s") * NC + lax.axis_index("c")
    base = wid * rows_per_w
    rows_per_chunk = rows_per_w // NCHUNK
    groups_per_chunk = rows_per_chunk // L

    copies = [
        pltpu.async_copy(
            x_hbm.at[pl.ds(row0 + base + i * rows_per_chunk, rows_per_chunk)],
            xbuf.at[pl.ds(i * rows_per_chunk, rows_per_chunk)],
            sems[i],
        )
        for i in range(NCHUNK)
    ]
    pltpu.sync_copy(ct_hbm, tab)

    @pl.loop(0, K - 1)
    def _mkd(k):
        kf = k.astype(jnp.float32)
        for v in range(IN_F // L):
            o = k * IN_F + v * L
            lo = tab[pl.ds(o, L)]
            hi = tab[pl.ds(o + IN_F, L)]
            d = hi - lo
            dtab[pl.ds(o, L)] = d
            etab[pl.ds(o, L)] = lo - kf * d

    lane = lax.iota(jnp.int32, L)

    @pl.loop(0, rows_per_w // L)
    def _group(g):
        for i in range(NCHUNK):
            @pl.when(g == i * groups_per_chunk)
            def _wait():
                copies[i].wait()

        rsvec = jnp.zeros((L,), jnp.float32)
        for j in range(L):
            r = g * L + j
            acc = jnp.zeros((L,), jnp.float32)
            for v in range(IN_F // L):
                xv = xbuf[r, pl.ds(v * L, L)]
                t = xv * SCALE + OFFS
                t0 = jnp.clip(t, 0.0, float(K - 2)).astype(jnp.int32)
                idx = t0 * IN_F + (lane + v * L)
                ee = plsc.load_gather(etab, [idx])
                dd = plsc.load_gather(dtab, [idx])
                acc = acc + (ee + t * dd)
            rsvec = jnp.where(lane == j, jnp.sum(acc), rsvec)
        outbuf[pl.ds(g * L, L)] = rsvec

    pltpu.sync_copy(outbuf, out_hbm.at[pl.ds(base, rows_per_w)])


def _sc_part(x, ct, row0, sc_rows):
    rows_per_w = sc_rows // NW

    def body(x_hbm, ct_hbm, out_hbm, xbuf, tab, dtab, etab, outbuf, *sems):
        _sc_body(sc_rows, row0, x_hbm, ct_hbm, out_hbm, xbuf, tab, dtab,
                 etab, outbuf, *sems)

    f = pl.kernel(
        body,
        out_type=jax.ShapeDtypeStruct((sc_rows,), jnp.float32),
        mesh=plsc.VectorSubcoreMesh(core_axis_name="c", subcore_axis_name="s"),
        compiler_params=pltpu.CompilerParams(needs_layout_passes=False),
        scratch_types=[
            pltpu.VMEM((rows_per_w, IN_F), jnp.float32),
            pltpu.VMEM((TAB,), jnp.float32),
            pltpu.VMEM((TAB,), jnp.float32),
            pltpu.VMEM((TAB,), jnp.float32),
            pltpu.VMEM((rows_per_w,), jnp.float32),
        ] + [pltpu.SemaphoreType.DMA] * NCHUNK,
    )
    return f(x, ct)




def _tc_kernel(x_ref, ct_ref, o_ref):
    nv = TC_BLOCK // 8
    t = x_ref[...].reshape(nv, 8, IN_F) * SCALE + OFFS
    d_k = ct_ref[1:2] - ct_ref[0:1]
    e_k = ct_ref[0:1]
    ee = jnp.broadcast_to(e_k, t.shape)
    dd = jnp.broadcast_to(d_k, t.shape)
    for k in range(1, K - 1):
        d_k = ct_ref[k + 1:k + 2] - ct_ref[k:k + 1]
        e_k = ct_ref[k:k + 1] - float(k) * d_k
        m = t >= float(k)
        ee = jnp.where(m, e_k, ee)
        dd = jnp.where(m, d_k, dd)
    val = ee + t * dd
    o_ref[...] = jnp.sum(val, axis=2).reshape(TC_BLOCK)


def _tc_part(x, ct8, n_rows):
    grid = (n_rows // TC_BLOCK,)
    return pl.pallas_call(
        _tc_kernel,
        grid=grid,
        in_specs=[
            pl.BlockSpec((TC_BLOCK, IN_F), lambda i: (i, 0)),
            pl.BlockSpec((K, 8, IN_F), lambda i: (0, 0, 0)),
        ],
        out_specs=pl.BlockSpec((TC_BLOCK,), lambda i: (i,)),
        out_shape=jax.ShapeDtypeStruct((n_rows,), jnp.float32),
        compiler_params=pltpu.CompilerParams(
            dimension_semantics=("parallel",),
        ),
    )(x, ct8)


def kernel(x, coeffs):
    batch = x.shape[0]
    ct2d = coeffs.T.reshape(K, IN_F)
    ct = ct2d.reshape(TAB)
    ct8 = jnp.broadcast_to(ct2d[:, None, :], (K, 8, IN_F))
    sc_rows = batch - B_TC
    out_sc = _sc_part(x, ct, B_TC, sc_rows)
    out_tc = _tc_part(x, ct8, B_TC)
    return jnp.concatenate([out_tc, out_sc])

# --- scband reference (transcript-rebuilt; emitter-appended) ---
"""Pipeline reference for scband-spline-layer-83588653515336 (READ-ONLY COPY).

The authoritative reference and input builder live on the scoring server;
editing this copy changes nothing except your own understanding.
"""

import jax, jax.numpy as jnp
import numpy as np

IN_FEATURES = 128
NUM_KNOTS = 20
XMIN = -3.0
XMAX = 3.0


def setup_inputs(seed: int = 0) -> dict:
    key = jax.random.key(seed)
    k1, k2 = jax.random.split(key)
    x = jax.random.normal(k1, (16384, IN_FEATURES), dtype=jnp.float32)
    coeffs = jax.random.normal(k2, (IN_FEATURES, NUM_KNOTS), dtype=jnp.float32) * 0.01
    return {"x": x, "coeffs": coeffs}


def reference(x, coeffs):
    # Vectorized, faithful translation of the per-feature loop:
    # for each feature i: linear interp of coeffs[i] at clamped knot index.
    K = NUM_KNOTS
    t = (x - XMIN) / (XMAX - XMIN) * (K - 1)          # (B, F)
    t0 = jnp.clip(jnp.floor(t).astype(jnp.int32), 0, K - 2)  # (B, F)
    t1 = t0 + 1
    w1 = t - t0.astype(jnp.float32)
    w0 = 1.0 - w1
    F = coeffs.shape[0]
    fidx = jnp.arange(F)[None, :]                     # (1, F) broadcast over batch
    c0 = coeffs[fidx, t0]                             # gather -> (B, F)
    c1 = coeffs[fidx, t1]                             # gather -> (B, F)
    val = w0 * c0 + w1 * c1                           # (B, F)
    out = jnp.sum(val, axis=1)                        # (B,) == sum of per-feature contributions
    return out

if __name__ == "__main__":
    import jax
    _d = setup_inputs()
    print(jax.jit(kernel)(*tuple(_d.values())))

</pallas_src>

<mosaic_0001>
#map = affine_map<(d0, d1) -> (0, 0)>
#map1 = affine_map<(d0, d1) -> (0)>
module attributes {stable_mosaic.version = 14 : i64} {
  func.func @body(%arg0: i32, %arg1: i32, %arg2: memref<16384x128xf32, #tpu.memory_space<hbm>>, %arg3: memref<2560xf32, #tpu.memory_space<hbm>>, %arg4: memref<8192xf32, #tpu.memory_space<hbm>>, %arg5: memref<256x128xf32, #tpu.memory_space<vmem>>, %arg6: memref<2560xf32, #tpu.memory_space<vmem>>, %arg7: memref<2560xf32, #tpu.memory_space<vmem>>, %arg8: memref<2560xf32, #tpu.memory_space<vmem>>, %arg9: memref<256xf32, #tpu.memory_space<vmem>>, %arg10: memref<!tpu.dma_semaphore, #tpu.memory_space<semaphore_mem>>, %arg11: memref<!tpu.dma_semaphore, #tpu.memory_space<semaphore_mem>>, %arg12: memref<!tpu.dma_semaphore, #tpu.memory_space<semaphore_mem>>, %arg13: memref<!tpu.dma_semaphore, #tpu.memory_space<semaphore_mem>>) attributes {dimension_semantics = [#tpu.dimension_semantics<core_parallel>, #tpu.dimension_semantics<subcore_parallel>], iteration_bounds = array<i64: 2, 16>, scalar_prefetch = 0 : i64, scratch_operands = 9 : i64, tpu.core_type = #tpu.core_type<sc_vector_subcore>, window_params = [{transform_indices = #map}, {transform_indices = #map1}, {transform_indices = #map1}]} {
    %mul3A = arith.constant 2 : i32
    %mul3A_0 = arith.muli %arg1, %mul3A : i32
    %add3A = arith.addi %mul3A_0, %arg0 : i32
    %mul3A_1 = arith.constant 256 : i32
    %mul3A_2 = arith.muli %add3A, %mul3A_1 : i32
    %add3A_3 = arith.constant 8192 : i32
    %add3A_4 = arith.addi %add3A_3, %mul3A_2 : i32
    %add3A_5 = arith.constant 0 : i32
    %add3A_6 = arith.addi %add3A_4, %add3A_5 : i32
    %dma_start3A = arith.constant 0 : i32
    %dma_start3A_7 = arith.constant 0 : i32
    %dma_start3A_8 = tpu.memref_slice %arg5[%dma_start3A, %dma_start3A_7] : memref<256x128xf32, #tpu.memory_space<vmem>> -> memref<64x128xf32, #tpu.memory_space<vmem>>
    %dma_start3A_9 = arith.constant 0 : i32
    %dma_start3A_10 = tpu.memref_slice %arg2[%add3A_6, %dma_start3A_9] : memref<16384x128xf32, #tpu.memory_space<hbm>> -> memref<64x128xf32, #tpu.memory_space<hbm>>
    %dma_start3A_11 = arith.constant 0 : i32
    %dma_start3A_12 = arith.constant 0 : i32
    %dma_start3A_13 = tpu.memref_slice %arg5[%dma_start3A_11, %dma_start3A_12] : memref<256x128xf32, #tpu.memory_space<vmem>> -> memref<64x128xf32, #tpu.memory_space<vmem>>
    %dma_start3A_14 = arith.constant 0 : i32
    %dma_start3A_15 = tpu.memref_slice %arg2[%add3A_6, %dma_start3A_14] : memref<16384x128xf32, #tpu.memory_space<hbm>> -> memref<64x128xf32, #tpu.memory_space<hbm>>
    tpu.enqueue_dma source(%dma_start3A_15 : memref<64x128xf32, #tpu.memory_space<hbm>>) target(%dma_start3A_13 : memref<64x128xf32, #tpu.memory_space<vmem>>) target_semaphore(%arg10 : memref<!tpu.dma_semaphore, #tpu.memory_space<semaphore_mem>>)
    %add3A_16 = arith.constant 8192 : i32
    %add3A_17 = arith.addi %add3A_16, %mul3A_2 : i32
    %add3A_18 = arith.constant 64 : i32
    %add3A_19 = arith.addi %add3A_17, %add3A_18 : i32
    %dma_start3A_20 = arith.constant 64 : i32
    %dma_start3A_21 = arith.constant 0 : i32
    %dma_start3A_22 = tpu.memref_slice %arg5[%dma_start3A_20, %dma_start3A_21] : memref<256x128xf32, #tpu.memory_space<vmem>> -> memref<64x128xf32, #tpu.memory_space<vmem>>
    %dma_start3A_23 = arith.constant 0 : i32
    %dma_start3A_24 = tpu.memref_slice %arg2[%add3A_19, %dma_start3A_23] : memref<16384x128xf32, #tpu.memory_space<hbm>> -> memref<64x128xf32, #tpu.memory_space<hbm>>
    %dma_start3A_25 = arith.constant 64 : i32
    %dma_start3A_26 = arith.constant 0 : i32
    %dma_start3A_27 = tpu.memref_slice %arg5[%dma_start3A_25, %dma_start3A_26] : memref<256x128xf32, #tpu.memory_space<vmem>> -> memref<64x128xf32, #tpu.memory_space<vmem>>
    %dma_start3A_28 = arith.constant 0 : i32
    %dma_start3A_29 = tpu.memref_slice %arg2[%add3A_19, %dma_start3A_28] : memref<16384x128xf32, #tpu.memory_space<hbm>> -> memref<64x128xf32, #tpu.memory_space<hbm>>
    tpu.enqueue_dma source(%dma_start3A_29 : memref<64x128xf32, #tpu.memory_space<hbm>>) target(%dma_start3A_27 : memref<64x128xf32, #tpu.memory_space<vmem>>) target_semaphore(%arg11 : memref<!tpu.dma_semaphore, #tpu.memory_space<semaphore_mem>>)
    %add3A_30 = arith.constant 8192 : i32
    %add3A_31 = arith.addi %add3A_30, %mul3A_2 : i32
    %add3A_32 = arith.constant 128 : i32
    %add3A_33 = arith.addi %add3A_31, %add3A_32 : i32
    %dma_start3A_34 = arith.constant 128 : i32
    %dma_start3A_35 = arith.constant 0 : i32
    %dma_start3A_36 = tpu.memref_slice %arg5[%dma_start3A_34, %dma_start3A_35] : memref<256x128xf32, #tpu.memory_space<vmem>> -> memref<64x128xf32, #tpu.memory_space<vmem>>
    %dma_start3A_37 = arith.constant 0 : i32
    %dma_start3A_38 = tpu.memref_slice %arg2[%add3A_33, %dma_start3A_37] : memref<16384x128xf32, #tpu.memory_space<hbm>> -> memref<64x128xf32, #tpu.memory_space<hbm>>
    %dma_start3A_39 = arith.constant 128 : i32
    %dma_start3A_40 = arith.constant 0 : i32
    %dma_start3A_41 = tpu.memref_slice %arg5[%dma_start3A_39, %dma_start3A_40] : memref<256x128xf32, #tpu.memory_space<vmem>> -> memref<64x128xf32, #tpu.memory_space<vmem>>
    %dma_start3A_42 = arith.constant 0 : i32
    %dma_start3A_43 = tpu.memref_slice %arg2[%add3A_33, %dma_start3A_42] : memref<16384x128xf32, #tpu.memory_space<hbm>> -> memref<64x128xf32, #tpu.memory_space<hbm>>
    tpu.enqueue_dma source(%dma_start3A_43 : memref<64x128xf32, #tpu.memory_space<hbm>>) target(%dma_start3A_41 : memref<64x128xf32, #tpu.memory_space<vmem>>) target_semaphore(%arg12 : memref<!tpu.dma_semaphore, #tpu.memory_space<semaphore_mem>>)
    %add3A_44 = arith.constant 8192 : i32
    %add3A_45 = arith.addi %add3A_44, %mul3A_2 : i32
    %add3A_46 = arith.constant 192 : i32
    %add3A_47 = arith.addi %add3A_45, %add3A_46 : i32
    %dma_start3A_48 = arith.constant 192 : i32
    %dma_start3A_49 = arith.constant 0 : i32
    %dma_start3A_50 = tpu.memref_slice %arg5[%dma_start3A_48, %dma_start3A_49] : memref<256x128xf32, #tpu.memory_space<vmem>> -> memref<64x128xf32, #tpu.memory_space<vmem>>
    %dma_start3A_51 = arith.constant 0 : i32
    %dma_start3A_52 = tpu.memref_slice %arg2[%add3A_47, %dma_start3A_51] : memref<16384x128xf32, #tpu.memory_space<hbm>> -> memref<64x128xf32, #tpu.memory_space<hbm>>
    %dma_start3A_53 = arith.constant 192 : i32
    %dma_start3A_54 = arith.constant 0 : i32
    %dma_start3A_55 = tpu.memref_slice %arg5[%dma_start3A_53, %dma_start3A_54] : memref<256x128xf32, #tpu.memory_space<vmem>> -> memref<64x128xf32, #tpu.memory_space<vmem>>
    %dma_start3A_56 = arith.constant 0 : i32
    %dma_start3A_57 = tpu.memref_slice %arg2[%add3A_47, %dma_start3A_56] : memref<16384x128xf32, #tpu.memory_space<hbm>> -> memref<64x128xf32, #tpu.memory_space<hbm>>
    tpu.enqueue_dma source(%dma_start3A_57 : memref<64x128xf32, #tpu.memory_space<hbm>>) target(%dma_start3A_55 : memref<64x128xf32, #tpu.memory_space<vmem>>) target_semaphore(%arg13 : memref<!tpu.dma_semaphore, #tpu.memory_space<semaphore_mem>>)
    "tpu.region"() ({
      %run_scoped3A = tpu.sem_alloc : memref<!tpu.dma_semaphore, #tpu.memory_space<semaphore_mem>>
      tpu.enqueue_dma source(%arg3 : memref<2560xf32, #tpu.memory_space<hbm>>) target(%arg6 : memref<2560xf32, #tpu.memory_space<vmem>>) target_semaphore(%run_scoped3A : memref<!tpu.dma_semaphore, #tpu.memory_space<semaphore_mem>>)
      tpu.wait_dma2 semaphore(%run_scoped3A : memref<!tpu.dma_semaphore, #tpu.memory_space<semaphore_mem>>) src(%arg3 : memref<2560xf32, #tpu.memory_space<hbm>>) dst(%arg6 : memref<2560xf32, #tpu.memory_space<vmem>>)
      tpu.yield
    }) : () -> ()
    %scan3A = arith.constant 0 : i32
    %scan3A_58 = arith.constant 19 : i32
    %scan3A_59 = arith.addi %scan3A, %scan3A_58 : i32
    %scan3A_60 = arith.constant 1 : i32
    scf.for %scan3A_67 = %scan3A to %scan3A_59 step %scan3A_60  : i32 {
      %mul3A_68 = arith.constant 1 : i32
      %mul3A_69 = arith.muli %scan3A_67, %mul3A_68 : i32
      %add3A_70 = arith.constant 0 : i32
      %add3A_71 = arith.addi %add3A_70, %mul3A_69 : i32
      %convert_element_type3A = arith.sitofp %add3A_71 : i32 to f32
      %mul3A_72 = arith.constant 128 : i32
      %mul3A_73 = arith.muli %add3A_71, %mul3A_72 : i32
      %add3A_74 = arith.constant 0 : i32
      %add3A_75 = arith.addi %mul3A_73, %add3A_74 : i32
      %get3A = arith.index_cast %add3A_75 : i32 to index
      %get3A_76 = tpu.vector_load %arg6[%get3A] {strides = array<i32>} : memref<2560xf32, #tpu.memory_space<vmem>>, vector<16xf32>,
      %add3A_77 = arith.constant 128 : i32
      %add3A_78 = arith.addi %add3A_75, %add3A_77 : i32
      %get3A_79 = arith.index_cast %add3A_78 : i32 to index
      %get3A_80 = tpu.vector_load %arg6[%get3A_79] {strides = array<i32>} : memref<2560xf32, #tpu.memory_space<vmem>>, vector<16xf32>,
      %sub3A = arith.subf %get3A_80, %get3A_76 : vector<16xf32>
      %swap3A = arith.index_cast %add3A_75 : i32 to index
      %swap3A_81 = tpu.vector_load %arg7[%swap3A] {strides = array<i32>} : memref<2560xf32, #tpu.memory_space<vmem>>, vector<16xf32>,
      tpu.vector_store %arg7[%swap3A], %sub3A {strides = array<i32>} : memref<2560xf32, #tpu.memory_space<vmem>>, vector<16xf32>,
      %mul3A_82 = vector.broadcast %convert_element_type3A : f32 to vector<16xf32>
      %mul3A_83 = arith.mulf %mul3A_82, %sub3A : vector<16xf32>
      %sub3A_84 = arith.subf %get3A_76, %mul3A_83 : vector<16xf32>
      %swap3A_85 = arith.index_cast %add3A_75 : i32 to index
      %swap3A_86 = tpu.vector_load %arg8[%swap3A_85] {strides = array<i32>} : memref<2560xf32, #tpu.memory_space<vmem>>, vector<16xf32>,
      tpu.vector_store %arg8[%swap3A_85], %sub3A_84 {strides = array<i32>} : memref<2560xf32, #tpu.memory_space<vmem>>, vector<16xf32>,
      %mul3A_87 = arith.constant 128 : i32
      %mul3A_88 = arith.muli %add3A_71, %mul3A_87 : i32
      %add3A_89 = arith.constant 16 : i32
      %add3A_90 = arith.addi %mul3A_88, %add3A_89 : i32
      %get3A_91 = arith.index_cast %add3A_90 : i32 to index
      %get3A_92 = tpu.vector_load %arg6[%get3A_91] {strides = array<i32>} : memref<2560xf32, #tpu.memory_space<vmem>>, vector<16xf32>,
      %add3A_93 = arith.constant 128 : i32
      %add3A_94 = arith.addi %add3A_90, %add3A_93 : i32
      %get3A_95 = arith.index_cast %add3A_94 : i32 to index
      %get3A_96 = tpu.vector_load %arg6[%get3A_95] {strides = array<i32>} : memref<2560xf32, #tpu.memory_space<vmem>>, vector<16xf32>,
      %sub3A_97 = arith.subf %get3A_96, %get3A_92 : vector<16xf32>
      %swap3A_98 = arith.index_cast %add3A_90 : i32 to index
      %swap3A_99 = tpu.vector_load %arg7[%swap3A_98] {strides = array<i32>} : memref<2560xf32, #tpu.memory_space<vmem>>, vector<16xf32>,
      tpu.vector_store %arg7[%swap3A_98], %sub3A_97 {strides = array<i32>} : memref<2560xf32, #tpu.memory_space<vmem>>, vector<16xf32>,
      %mul3A_100 = vector.broadcast %convert_element_type3A : f32 to vector<16xf32>
      %mul3A_101 = arith.mulf %mul3A_100, %sub3A_97 : vector<16xf32>
      %sub3A_102 = arith.subf %get3A_92, %mul3A_101 : vector<16xf32>
      %swap3A_103 = arith.index_cast %add3A_90 : i32 to index
      %swap3A_104 = tpu.vector_load %arg8[%swap3A_103] {strides = array<i32>} : memref<2560xf32, #tpu.memory_space<vmem>>, vector<16xf32>,
      tpu.vector_store %arg8[%swap3A_103], %sub3A_102 {strides = array<i32>} : memref<2560xf32, #tpu.memory_space<vmem>>, vector<16xf32>,
      %mul3A_105 = arith.constant 128 : i32
      %mul3A_106 = arith.muli %add3A_71, %mul3A_105 : i32
      %add3A_107 = arith.constant 32 : i32
      %add3A_108 = arith.addi %mul3A_106, %add3A_107 : i32
      %get3A_109 = arith.index_cast %add3A_108 : i32 to index
      %get3A_110 = tpu.vector_load %arg6[%get3A_109] {strides = array<i32>} : memref<2560xf32, #tpu.memory_space<vmem>>, vector<16xf32>,
      %add3A_111 = arith.constant 128 : i32
      %add3A_112 = arith.addi %add3A_108, %add3A_111 : i32
      %get3A_113 = arith.index_cast %add3A_112 : i32 to index
      %get3A_114 = tpu.vector_load %arg6[%get3A_113] {strides = array<i32>} : memref<2560xf32, #tpu.memory_space<vmem>>, vector<16xf32>,
      %sub3A_115 = arith.subf %get3A_114, %get3A_110 : vector<16xf32>
      %swap3A_116 = arith.index_cast %add3A_108 : i32 to index
      %swap3A_117 = tpu.vector_load %arg7[%swap3A_116] {strides = array<i32>} : memref<2560xf32, #tpu.memory_space<vmem>>, vector<16xf32>,
      tpu.vector_store %arg7[%swap3A_116], %sub3A_115 {strides = array<i32>} : memref<2560xf32, #tpu.memory_space<vmem>>, vector<16xf32>,
      %mul3A_118 = vector.broadcast %convert_element_type3A : f32 to vector<16xf32>
      %mul3A_119 = arith.mulf %mul3A_118, %sub3A_115 : vector<16xf32>
      %sub3A_120 = arith.subf %get3A_110, %mul3A_119 : vector<16xf32>
      %swap3A_121 = arith.index_cast %add3A_108 : i32 to index
      %swap3A_122 = tpu.vector_load %arg8[%swap3A_121] {strides = array<i32>} : memref<2560xf32, #tpu.memory_space<vmem>>, vector<16xf32>,
      tpu.vector_store %arg8[%swap3A_121], %sub3A_120 {strides = array<i32>} : memref<2560xf32, #tpu.memory_space<vmem>>, vector<16xf32>,
      %mul3A_123 = arith.constant 128 : i32
      %mul3A_124 = arith.muli %add3A_71, %mul3A_123 : i32
      %add3A_125 = arith.constant 48 : i32
      %add3A_126 = arith.addi %mul3A_124, %add3A_125 : i32
      %get3A_127 = arith.index_cast %add3A_126 : i32 to index
      %get3A_128 = tpu.vector_load %arg6[%get3A_127] {strides = array<i32>} : memref<2560xf32, #tpu.memory_space<vmem>>, vector<16xf32>,
      %add3A_129 = arith.constant 128 : i32
      %add3A_130 = arith.addi %add3A_126, %add3A_129 : i32
      %get3A_131 = arith.index_cast %add3A_130 : i32 to index
      %get3A_132 = tpu.vector_load %arg6[%get3A_131] {strides = array<i32>} : memref<2560xf32, #tpu.memory_space<vmem>>, vector<16xf32>,
      %sub3A_133 = arith.subf %get3A_132, %get3A_128 : vector<16xf32>
      %swap3A_134 = arith.index_cast %add3A_126 : i32 to index
      %swap3A_135 = tpu.vector_load %arg7[%swap3A_134] {strides = array<i32>} : memref<2560xf32, #tpu.memory_space<vmem>>, vector<16xf32>,
      tpu.vector_store %arg7[%swap3A_134], %sub3A_133 {strides = array<i32>} : memref<2560xf32, #tpu.memory_space<vmem>>, vector<16xf32>,
      %mul3A_136 = vector.broadcast %convert_element_type3A : f32 to vector<16xf32>
      %mul3A_137 = arith.mulf %mul3A_136, %sub3A_133 : vector<16xf32>
      %sub3A_138 = arith.subf %get3A_128, %mul3A_137 : vector<16xf32>
      %swap3A_139 = arith.index_cast %add3A_126 : i32 to index
      %swap3A_140 = tpu.vector_load %arg8[%swap3A_139] {strides = array<i32>} : memref<2560xf32, #tpu.memory_space<vmem>>, vector<16xf32>,
      tpu.vector_store %arg8[%swap3A_139], %sub3A_138 {strides = array<i32>} : memref<2560xf32, #tpu.memory_space<vmem>>, vector<16xf32>,
      %mul3A_141 = arith.constant 128 : i32
      %mul3A_142 = arith.muli %add3A_71, %mul3A_141 : i32
      %add3A_143 = arith.constant 64 : i32
      %add3A_144 = arith.addi %mul3A_142, %add3A_143 : i32
      %get3A_145 = arith.index_cast %add3A_144 : i32 to index
      %get3A_146 = tpu.vector_load %arg6[%get3A_145] {strides = array<i32>} : memref<2560xf32, #tpu.memory_space<vmem>>, vector<16xf32>,
      %add3A_147 = arith.constant 128 : i32
      %add3A_148 = arith.addi %add3A_144, %add3A_147 : i32
      %get3A_149 = arith.index_cast %add3A_148 : i32 to index
      %get3A_150 = tpu.vector_load %arg6[%get3A_149] {strides = array<i32>} : memref<2560xf32, #tpu.memory_space<vmem>>, vector<16xf32>,
      %sub3A_151 = arith.subf %get3A_150, %get3A_146 : vector<16xf32>
      %swap3A_152 = arith.index_cast %add3A_144 : i32 to index
      %swap3A_153 = tpu.vector_load %arg7[%swap3A_152] {strides = array<i32>} : memref<2560xf32, #tpu.memory_space<vmem>>, vector<16xf32>,
      tpu.vector_store %arg7[%swap3A_152], %sub3A_151 {strides = array<i32>} : memref<2560xf32, #tpu.memory_space<vmem>>, vector<16xf32>,
      %mul3A_154 = vector.broadcast %convert_element_type3A : f32 to vector<16xf32>
      %mul3A_155 = arith.mulf %mul3A_154, %sub3A_151 : vector<16xf32>
      %sub3A_156 = arith.subf %get3A_146, %mul3A_155 : vector<16xf32>
      %swap3A_157 = arith.index_cast %add3A_144 : i32 to index
      %swap3A_158 = tpu.vector_load %arg8[%swap3A_157] {strides = array<i32>} : memref<2560xf32, #tpu.memory_space<vmem>>, vector<16xf32>,
      tpu.vector_store %arg8[%swap3A_157], %sub3A_156 {strides = array<i32>} : memref<2560xf32, #tpu.memory_space<vmem>>, vector<16xf32>,
      %mul3A_159 = arith.constant 128 : i32
      %mul3A_160 = arith.muli %add3A_71, %mul3A_159 : i32
      %add3A_161 = arith.constant 80 : i32
      %add3A_162 = arith.addi %mul3A_160, %add3A_161 : i32
      %get3A_163 = arith.index_cast %add3A_162 : i32 to index
      %get3A_164 = tpu.vector_load %arg6[%get3A_163] {strides = array<i32>} : memref<2560xf32, #tpu.memory_space<vmem>>, vector<16xf32>,
      %add3A_165 = arith.constant 128 : i32
      %add3A_166 = arith.addi %add3A_162, %add3A_165 : i32
      %get3A_167 = arith.index_cast %add3A_166 : i32 to index
      %get3A_168 = tpu.vector_load %arg6[%get3A_167] {strides = array<i32>} : memref<2560xf32, #tpu.memory_space<vmem>>, vector<16xf32>,
      %sub3A_169 = arith.subf %get3A_168, %get3A_164 : vector<16xf32>
      %swap3A_170 = arith.index_cast %add3A_162 : i32 to index
      %swap3A_171 = tpu.vector_load %arg7[%swap3A_170] {strides = array<i32>} : memref<2560xf32, #tpu.memory_space<vmem>>, vector<16xf32>,
      tpu.vector_store %arg7[%swap3A_170], %sub3A_169 {strides = array<i32>} : memref<2560xf32, #tpu.memory_space<vmem>>, vector<16xf32>,
      %mul3A_172 = vector.broadcast %convert_element_type3A : f32 to vector<16xf32>
      %mul3A_173 = arith.mulf %mul3A_172, %sub3A_169 : vector<16xf32>
      %sub3A_174 = arith.subf %get3A_164, %mul3A_173 : vector<16xf32>
      %swap3A_175 = arith.index_cast %add3A_162 : i32 to index
      %swap3A_176 = tpu.vector_load %arg8[%swap3A_175] {strides = array<i32>} : memref<2560xf32, #tpu.memory_space<vmem>>, vector<16xf32>,
      tpu.vector_store %arg8[%swap3A_175], %sub3A_174 {strides = array<i32>} : memref<2560xf32, #tpu.memory_space<vmem>>, vector<16xf32>,
      %mul3A_177 = arith.constant 128 : i32
      %mul3A_178 = arith.muli %add3A_71, %mul3A_177 : i32
      %add3A_179 = arith.constant 96 : i32
      %add3A_180 = arith.addi %mul3A_178, %add3A_179 : i32
      %get3A_181 = arith.index_cast %add3A_180 : i32 to index
      %get3A_182 = tpu.vector_load %arg6[%get3A_181] {strides = array<i32>} : memref<2560xf32, #tpu.memory_space<vmem>>, vector<16xf32>,
      %add3A_183 = arith.constant 128 : i32
      %add3A_184 = arith.addi %add3A_180, %add3A_183 : i32
      %get3A_185 = arith.index_cast %add3A_184 : i32 to index
      %get3A_186 = tpu.vector_load %arg6[%get3A_185] {strides = array<i32>} : memref<2560xf32, #tpu.memory_space<vmem>>, vector<16xf32>,
      %sub3A_187 = arith.subf %get3A_186, %get3A_182 : vector<16xf32>
      %swap3A_188 = arith.index_cast %add3A_180 : i32 to index
      %swap3A_189 = tpu.vector_load %arg7[%swap3A_188] {strides = array<i32>} : memref<2560xf32, #tpu.memory_space<vmem>>, vector<16xf32>,
      tpu.vector_store %arg7[%swap3A_188], %sub3A_187 {strides = array<i32>} : memref<2560xf32, #tpu.memory_space<vmem>>, vector<16xf32>,
      %mul3A_190 = vector.broadcast %convert_element_type3A : f32 to vector<16xf32>
      %mul3A_191 = arith.mulf %mul3A_190, %sub3A_187 : vector<16xf32>
      %sub3A_192 = arith.subf %get3A_182, %mul3A_191 : vector<16xf32>
      %swap3A_193 = arith.index_cast %add3A_180 : i32 to index
      %swap3A_194 = tpu.vector_load %arg8[%swap3A_193] {strides = array<i32>} : memref<2560xf32, #tpu.memory_space<vmem>>, vector<16xf32>,
      tpu.vector_store %arg8[%swap3A_193], %sub3A_192 {strides = array<i32>} : memref<2560xf32, #tpu.memory_space<vmem>>, vector<16xf32>,
      %mul3A_195 = arith.constant 128 : i32
      %mul3A_196 = arith.muli %add3A_71, %mul3A_195 : i32
      %add3A_197 = arith.constant 112 : i32
      %add3A_198 = arith.addi %mul3A_196, %add3A_197 : i32
      %get3A_199 = arith.index_cast %add3A_198 : i32 to index
      %get3A_200 = tpu.vector_load %arg6[%get3A_199] {strides = array<i32>} : memref<2560xf32, #tpu.memory_space<vmem>>, vector<16xf32>,
      %add3A_201 = arith.constant 128 : i32
      %add3A_202 = arith.addi %add3A_198, %add3A_201 : i32
      %get3A_203 = arith.index_cast %add3A_202 : i32 to index
      %get3A_204 = tpu.vector_load %arg6[%get3A_203] {strides = array<i32>} : memref<2560xf32, #tpu.memory_space<vmem>>, vector<16xf32>,
      %sub3A_205 = arith.subf %get3A_204, %get3A_200 : vector<16xf32>
      %swap3A_206 = arith.index_cast %add3A_198 : i32 to index
      %swap3A_207 = tpu.vector_load %arg7[%swap3A_206] {strides = array<i32>} : memref<2560xf32, #tpu.memory_space<vmem>>, vector<16xf32>,
      tpu.vector_store %arg7[%swap3A_206], %sub3A_205 {strides = array<i32>} : memref<2560xf32, #tpu.memory_space<vmem>>, vector<16xf32>,
      %mul3A_208 = vector.broadcast %convert_element_type3A : f32 to vector<16xf32>
      %mul3A_209 = arith.mulf %mul3A_208, %sub3A_205 : vector<16xf32>
      %sub3A_210 = arith.subf %get3A_200, %mul3A_209 : vector<16xf32>
      %swap3A_211 = arith.index_cast %add3A_198 : i32 to index
      %swap3A_212 = tpu.vector_load %arg8[%swap3A_211] {strides = array<i32>} : memref<2560xf32, #tpu.memory_space<vmem>>, vector<16xf32>,
      tpu.vector_store %arg8[%swap3A_211], %sub3A_210 {strides = array<i32>} : memref<2560xf32, #tpu.memory_space<vmem>>, vector<16xf32>,
    }
    %scan3A_61 = arith.constant 19 : i32
    %iota3A = tpu.iota {dimensions = array<i32: 0>} : vector<16xi32>
    %scan3A_62 = arith.constant 0 : i32
    %scan3A_63 = arith.constant 16 : i32
    %scan3A_64 = arith.addi %scan3A_62, %scan3A_63 : i32
    %scan3A_65 = arith.constant 1 : i32
    scf.for %scan3A_67 = %scan3A_62 to %scan3A_64 step %scan3A_65  : i32 {
      %mul3A_68 = arith.constant 1 : i32
      %mul3A_69 = arith.muli %scan3A_67, %mul3A_68 : i32
      %add3A_70 = arith.constant 0 : i32
      %add3A_71 = arith.addi %add3A_70, %mul3A_69 : i32
      %eq3A = arith.constant 0 : i32
      %eq3A_72 = arith.cmpi eq, %add3A_71, %eq3A : i32
      %convert_element_type3A = arith.extui %eq3A_72 : i1 to i32
      %cond3A = arith.constant 0 : i32
      %cond3A_73 = arith.cmpi ne, %convert_element_type3A, %cond3A : i32
      scf.if %cond3A_73 {
        %dma_wait3A = arith.constant 0 : i32
        %dma_wait3A_3910 = arith.constant 0 : i32
        %dma_wait3A_3911 = tpu.memref_slice %arg5[%dma_wait3A, %dma_wait3A_3910] : memref<256x128xf32, #tpu.memory_space<vmem>> -> memref<64x128xf32, #tpu.memory_space<vmem>>
        %dma_wait3A_3912 = arith.constant 0 : i32
        %dma_wait3A_3913 = tpu.memref_slice %arg2[%add3A_6, %dma_wait3A_3912] : memref<16384x128xf32, #tpu.memory_space<hbm>> -> memref<64x128xf32, #tpu.memory_space<hbm>>
        %dma_wait3A_3914 = arith.constant 0 : i32
        %dma_wait3A_3915 = arith.constant 0 : i32
        %dma_wait3A_3916 = tpu.memref_slice %arg5[%dma_wait3A_3914, %dma_wait3A_3915] : memref<256x128xf32, #tpu.memory_space<vmem>> -> memref<64x128xf32, #tpu.memory_space<vmem>>
        %dma_wait3A_3917 = arith.constant 0 : i32
        %dma_wait3A_3918 = tpu.memref_slice %arg2[%add3A_6, %dma_wait3A_3917] : memref<16384x128xf32, #tpu.memory_space<hbm>> -> memref<64x128xf32, #tpu.memory_space<hbm>>
        tpu.wait_dma2 semaphore(%arg10 : memref<!tpu.dma_semaphore, #tpu.memory_space<semaphore_mem>>) src(%dma_wait3A_3918 : memref<64x128xf32, #tpu.memory_space<hbm>>) dst(%dma_wait3A_3916 : memref<64x128xf32, #tpu.memory_space<vmem>>)
      } else {
      }
      %eq3A_74 = arith.constant 4 : i32
      %eq3A_75 = arith.cmpi eq, %add3A_71, %eq3A_74 : i32
      %convert_element_type3A_76 = arith.extui %eq3A_75 : i1 to i32
      %cond3A_77 = arith.constant 0 : i32
      %cond3A_78 = arith.cmpi ne, %convert_element_type3A_76, %cond3A_77 : i32
      scf.if %cond3A_78 {
        %dma_wait3A = arith.constant 64 : i32
        %dma_wait3A_3910 = arith.constant 0 : i32
        %dma_wait3A_3911 = tpu.memref_slice %arg5[%dma_wait3A, %dma_wait3A_3910] : memref<256x128xf32, #tpu.memory_space<vmem>> -> memref<64x128xf32, #tpu.memory_space<vmem>>
        %dma_wait3A_3912 = arith.constant 0 : i32
        %dma_wait3A_3913 = tpu.memref_slice %arg2[%add3A_19, %dma_wait3A_3912] : memref<16384x128xf32, #tpu.memory_space<hbm>> -> memref<64x128xf32, #tpu.memory_space<hbm>>
        %dma_wait3A_3914 = arith.constant 64 : i32
        %dma_wait3A_3915 = arith.constant 0 : i32
        %dma_wait3A_3916 = tpu.memref_slice %arg5[%dma_wait3A_3914, %dma_wait3A_3915] : memref<256x128xf32, #tpu.memory_space<vmem>> -> memref<64x128xf32, #tpu.memory_space<vmem>>
        %dma_wait3A_3917 = arith.constant 0 : i32
        %dma_wait3A_3918 = tpu.memref_slice %arg2[%add3A_19, %dma_wait3A_3917] : memref<16384x128xf32, #tpu.memory_space<hbm>> -> memref<64x128xf32, #tpu.memory_space<hbm>>
        tpu.wait_dma2 semaphore(%arg11 : memref<!tpu.dma_semaphore, #tpu.memory_space<semaphore_mem>>) src(%dma_wait3A_3918 : memref<64x128xf32, #tpu.memory_space<hbm>>) dst(%dma_wait3A_3916 : memref<64x128xf32, #tpu.memory_space<vmem>>)
      } else {
      }
      %eq3A_79 = arith.constant 8 : i32
      %eq3A_80 = arith.cmpi eq, %add3A_71, %eq3A_79 : i32
      %convert_element_type3A_81 = arith.extui %eq3A_80 : i1 to i32
      %cond3A_82 = arith.constant 0 : i32
      %cond3A_83 = arith.cmpi ne, %convert_element_type3A_81, %cond3A_82 : i32
      scf.if %cond3A_83 {
        %dma_wait3A = arith.constant 128 : i32
        %dma_wait3A_3910 = arith.constant 0 : i32
        %dma_wait3A_3911 = tpu.memref_slice %arg5[%dma_wait3A, %dma_wait3A_3910] : memref<256x128xf32, #tpu.memory_space<vmem>> -> memref<64x128xf32, #tpu.memory_space<vmem>>
        %dma_wait3A_3912 = arith.constant 0 : i32
        %dma_wait3A_3913 = tpu.memref_slice %arg2[%add3A_33, %dma_wait3A_3912] : memref<16384x128xf32, #tpu.memory_space<hbm>> -> memref<64x128xf32, #tpu.memory_space<hbm>>
        %dma_wait3A_3914 = arith.constant 128 : i32
        %dma_wait3A_3915 = arith.constant 0 : i32
        %dma_wait3A_3916 = tpu.memref_slice %arg5[%dma_wait3A_3914, %dma_wait3A_3915] : memref<256x128xf32, #tpu.memory_space<vmem>> -> memref<64x128xf32, #tpu.memory_space<vmem>>
        %dma_wait3A_3917 = arith.constant 0 : i32
        %dma_wait3A_3918 = tpu.memref_slice %arg2[%add3A_33, %dma_wait3A_3917] : memref<16384x128xf32, #tpu.memory_space<hbm>> -> memref<64x128xf32, #tpu.memory_space<hbm>>
        tpu.wait_dma2 semaphore(%arg12 : memref<!tpu.dma_semaphore, #tpu.memory_space<semaphore_mem>>) src(%dma_wait3A_3918 : memref<64x128xf32, #tpu.memory_space<hbm>>) dst(%dma_wait3A_3916 : memref<64x128xf32, #tpu.memory_space<vmem>>)
      } else {
      }
      %eq3A_84 = arith.constant 12 : i32
      %eq3A_85 = arith.cmpi eq, %add3A_71, %eq3A_84 : i32
      %convert_element_type3A_86 = arith.extui %eq3A_85 : i1 to i32
      %cond3A_87 = arith.constant 0 : i32
      %cond3A_88 = arith.cmpi ne, %convert_element_type3A_86, %cond3A_87 : i32
      scf.if %cond3A_88 {
        %dma_wait3A = arith.constant 192 : i32
        %dma_wait3A_3910 = arith.constant 0 : i32
        %dma_wait3A_3911 = tpu.memref_slice %arg5[%dma_wait3A, %dma_wait3A_3910] : memref<256x128xf32, #tpu.memory_space<vmem>> -> memref<64x128xf32, #tpu.memory_space<vmem>>
        %dma_wait3A_3912 = arith.constant 0 : i32
        %dma_wait3A_3913 = tpu.memref_slice %arg2[%add3A_47, %dma_wait3A_3912] : memref<16384x128xf32, #tpu.memory_space<hbm>> -> memref<64x128xf32, #tpu.memory_space<hbm>>
        %dma_wait3A_3914 = arith.constant 192 : i32
        %dma_wait3A_3915 = arith.constant 0 : i32
        %dma_wait3A_3916 = tpu.memref_slice %arg5[%dma_wait3A_3914, %dma_wait3A_3915] : memref<256x128xf32, #tpu.memory_space<vmem>> -> memref<64x128xf32, #tpu.memory_space<vmem>>
        %dma_wait3A_3917 = arith.constant 0 : i32
        %dma_wait3A_3918 = tpu.memref_slice %arg2[%add3A_47, %dma_wait3A_3917] : memref<16384x128xf32, #tpu.memory_space<hbm>> -> memref<64x128xf32, #tpu.memory_space<hbm>>
        tpu.wait_dma2 semaphore(%arg13 : memref<!tpu.dma_semaphore, #tpu.memory_space<semaphore_mem>>) src(%dma_wait3A_3918 : memref<64x128xf32, #tpu.memory_space<hbm>>) dst(%dma_wait3A_3916 : memref<64x128xf32, #tpu.memory_space<vmem>>)
      } else {
      }
      %broadcast_in_dim3A = arith.constant 0.000000e+00 : f32
      %broadcast_in_dim3A_89 = vector.broadcast %broadcast_in_dim3A : f32 to vector<16xf32>
      %mul3A_90 = arith.constant 16 : i32
      %mul3A_91 = arith.muli %add3A_71, %mul3A_90 : i32
      %add3A_92 = arith.constant 0 : i32
      %add3A_93 = arith.addi %mul3A_91, %add3A_92 : i32
      %broadcast_in_dim3A_94 = arith.constant 0.000000e+00 : f32
      %broadcast_in_dim3A_95 = vector.broadcast %broadcast_in_dim3A_94 : f32 to vector<16xf32>
      %get3A = arith.index_cast %add3A_93 : i32 to index
      %get3A_96 = arith.constant 0 : index
      %get3A_97 = tpu.vector_load %arg5[%get3A, %get3A_96] {strides = array<i32>} : memref<256x128xf32, #tpu.memory_space<vmem>>, vector<16xf32>,
      %mul3A_98 = arith.constant 3.16666675 : f32
      %mul3A_99 = vector.broadcast %mul3A_98 : f32 to vector<16xf32>
      %mul3A_100 = arith.mulf %get3A_97, %mul3A_99 : vector<16xf32>
      %add3A_101 = arith.constant 9.500000e+00 : f32
      %add3A_102 = vector.broadcast %add3A_101 : f32 to vector<16xf32>
      %add3A_103 = arith.addf %mul3A_100, %add3A_102 : vector<16xf32>
      %jit3A = arith.constant 0.000000e+00 : f32
      %jit3A_104 = arith.constant 1.800000e+01 : f32
      %max3A = vector.broadcast %jit3A : f32 to vector<16xf32>
      %max3A_105 = arith.maximumf %max3A, %add3A_103 : vector<16xf32>
      %min3A = vector.broadcast %jit3A_104 : f32 to vector<16xf32>
      %min3A_106 = arith.minimumf %min3A, %max3A_105 : vector<16xf32>
      %convert_element_type3A_107 = arith.fptosi %min3A_106 : vector<16xf32> to vector<16xi32>
      %mul3A_108 = arith.constant 128 : i32
      %mul3A_109 = vector.broadcast %mul3A_108 : i32 to vector<16xi32>
      %mul3A_110 = arith.muli %convert_element_type3A_107, %mul3A_109 : vector<16xi32>
      %add3A_111 = arith.constant 0 : i32
      %add3A_112 = vector.broadcast %add3A_111 : i32 to vector<16xi32>
      %add3A_113 = arith.addi %iota3A, %add3A_112 : vector<16xi32>
      %add3A_114 = arith.addi %mul3A_110, %add3A_113 : vector<16xi32>
      %gather3A = tpu.vector_load_idx %arg8[%add3A_114] : memref<2560xf32, #tpu.memory_space<vmem>>[vector<16xi32>], vector<16xf32>,
      %gather3A_115 = tpu.vector_load_idx %arg7[%add3A_114] : memref<2560xf32, #tpu.memory_space<vmem>>[vector<16xi32>], vector<16xf32>,
      %mul3A_116 = arith.mulf %add3A_103, %gather3A_115 : vector<16xf32>
      %add3A_117 = arith.addf %gather3A, %mul3A_116 : vector<16xf32>
      %add3A_118 = arith.addf %broadcast_in_dim3A_95, %add3A_117 : vector<16xf32>
      %get3A_119 = arith.index_cast %add3A_93 : i32 to index
      %get3A_120 = arith.constant 16 : index
      %get3A_121 = tpu.vector_load %arg5[%get3A_119, %get3A_120] {strides = array<i32>} : memref<256x128xf32, #tpu.memory_space<vmem>>, vector<16xf32>,
      %mul3A_122 = arith.constant 3.16666675 : f32
      %mul3A_123 = vector.broadcast %mul3A_122 : f32 to vector<16xf32>
      %mul3A_124 = arith.mulf %get3A_121, %mul3A_123 : vector<16xf32>
      %add3A_125 = arith.constant 9.500000e+00 : f32
      %add3A_126 = vector.broadcast %add3A_125 : f32 to vector<16xf32>
      %add3A_127 = arith.addf %mul3A_124, %add3A_126 : vector<16xf32>
      %jit3A_128 = arith.constant 0.000000e+00 : f32
      %jit3A_129 = arith.constant 1.800000e+01 : f32
      %max3A_130 = vector.broadcast %jit3A_128 : f32 to vector<16xf32>
      %max3A_131 = arith.maximumf %max3A_130, %add3A_127 : vector<16xf32>
      %min3A_132 = vector.broadcast %jit3A_129 : f32 to vector<16xf32>
      %min3A_133 = arith.minimumf %min3A_132, %max3A_131 : vector<16xf32>
      %convert_element_type3A_134 = arith.fptosi %min3A_133 : vector<16xf32> to vector<16xi32>
      %mul3A_135 = arith.constant 128 : i32
      %mul3A_136 = vector.broadcast %mul3A_135 : i32 to vector<16xi32>
      %mul3A_137 = arith.muli %convert_element_type3A_134, %mul3A_136 : vector<16xi32>
      %add3A_138 = arith.constant 16 : i32
      %add3A_139 = vector.broadcast %add3A_138 : i32 to vector<16xi32>
      %add3A_140 = arith.addi %iota3A, %add3A_139 : vector<16xi32>
      %add3A_141 = arith.addi %mul3A_137, %add3A_140 : vector<16xi32>
      %gather3A_142 = tpu.vector_load_idx %arg8[%add3A_141] : memref<2560xf32, #tpu.memory_space<vmem>>[vector<16xi32>], vector<16xf32>,
      %gather3A_143 = tpu.vector_load_idx %arg7[%add3A_141] : memref<2560xf32, #tpu.memory_space<vmem>>[vector<16xi32>], vector<16xf32>,
      %mul3A_144 = arith.mulf %add3A_127, %gather3A_143 : vector<16xf32>
      %add3A_145 = arith.addf %gather3A_142, %mul3A_144 : vector<16xf32>
      %add3A_146 = arith.addf %add3A_118, %add3A_145 : vector<16xf32>
      %get3A_147 = arith.index_cast %add3A_93 : i32 to index
      %get3A_148 = arith.constant 32 : index
      %get3A_149 = tpu.vector_load %arg5[%get3A_147, %get3A_148] {strides = array<i32>} : memref<256x128xf32, #tpu.memory_space<vmem>>, vector<16xf32>,
      %mul3A_150 = arith.constant 3.16666675 : f32
      %mul3A_151 = vector.broadcast %mul3A_150 : f32 to vector<16xf32>
      %mul3A_152 = arith.mulf %get3A_149, %mul3A_151 : vector<16xf32>
      %add3A_153 = arith.constant 9.500000e+00 : f32
      %add3A_154 = vector.broadcast %add3A_153 : f32 to vector<16xf32>
      %add3A_155 = arith.addf %mul3A_152, %add3A_154 : vector<16xf32>
      %jit3A_156 = arith.constant 0.000000e+00 : f32
      %jit3A_157 = arith.constant 1.800000e+01 : f32
      %max3A_158 = vector.broadcast %jit3A_156 : f32 to vector<16xf32>
      %max3A_159 = arith.maximumf %max3A_158, %add3A_155 : vector<16xf32>
      %min3A_160 = vector.broadcast %jit3A_157 : f32 to vector<16xf32>
      %min3A_161 = arith.minimumf %min3A_160, %max3A_159 : vector<16xf32>
      %convert_element_type3A_162 = arith.fptosi %min3A_161 : vector<16xf32> to vector<16xi32>
      %mul3A_163 = arith.constant 128 : i32
      %mul3A_164 = vector.broadcast %mul3A_163 : i32 to vector<16xi32>
      %mul3A_165 = arith.muli %convert_element_type3A_162, %mul3A_164 : vector<16xi32>
      %add3A_166 = arith.constant 32 : i32
      %add3A_167 = vector.broadcast %add3A_166 : i32 to vector<16xi32>
      %add3A_168 = arith.addi %iota3A, %add3A_167 : vector<16xi32>
      %add3A_169 = arith.addi %mul3A_165, %add3A_168 : vector<16xi32>
      %gather3A_170 = tpu.vector_load_idx %arg8[%add3A_169] : memref<2560xf32, #tpu.memory_space<vmem>>[vector<16xi32>], vector<16xf32>,
      %gather3A_171 = tpu.vector_load_idx %arg7[%add3A_169] : memref<2560xf32, #tpu.memory_space<vmem>>[vector<16xi32>], vector<16xf32>,
      %mul3A_172 = arith.mulf %add3A_155, %gather3A_171 : vector<16xf32>
      %add3A_173 = arith.addf %gather3A_170, %mul3A_172 : vector<16xf32>
      %add3A_174 = arith.addf %add3A_146, %add3A_173 : vector<16xf32>
      %get3A_175 = arith.index_cast %add3A_93 : i32 to index
      %get3A_176 = arith.constant 48 : index
      %get3A_177 = tpu.vector_load %arg5[%get3A_175, %get3A_176] {strides = array<i32>} : memref<256x128xf32, #tpu.memory_space<vmem>>, vector<16xf32>,
      %mul3A_178 = arith.constant 3.16666675 : f32
      %mul3A_179 = vector.broadcast %mul3A_178 : f32 to vector<16xf32>
      %mul3A_180 = arith.mulf %get3A_177, %mul3A_179 : vector<16xf32>
      %add3A_181 = arith.constant 9.500000e+00 : f32
      %add3A_182 = vector.broadcast %add3A_181 : f32 to vector<16xf32>
      %add3A_183 = arith.addf %mul3A_180, %add3A_182 : vector<16xf32>
      %jit3A_184 = arith.constant 0.000000e+00 : f32
      %jit3A_185 = arith.constant 1.800000e+01 : f32
      %max3A_186 = vector.broadcast %jit3A_184 : f32 to vector<16xf32>
      %max3A_187 = arith.maximumf %max3A_186, %add3A_183 : vector<16xf32>
      %min3A_188 = vector.broadcast %jit3A_185 : f32 to vector<16xf32>
      %min3A_189 = arith.minimumf %min3A_188, %max3A_187 : vector<16xf32>
      %convert_element_type3A_190 = arith.fptosi %min3A_189 : vector<16xf32> to vector<16xi32>
      %mul3A_191 = arith.constant 128 : i32
      %mul3A_192 = vector.broadcast %mul3A_191 : i32 to vector<16xi32>
      %mul3A_193 = arith.muli %convert_element_type3A_190, %mul3A_192 : vector<16xi32>
      %add3A_194 = arith.constant 48 : i32
      %add3A_195 = vector.broadcast %add3A_194 : i32 to vector<16xi32>
      %add3A_196 = arith.addi %iota3A, %add3A_195 : vector<16xi32>
      %add3A_197 = arith.addi %mul3A_193, %add3A_196 : vector<16xi32>
      %gather3A_198 = tpu.vector_load_idx %arg8[%add3A_197] : memref<2560xf32, #tpu.memory_space<vmem>>[vector<16xi32>], vector<16xf32>,
      %gather3A_199 = tpu.vector_load_idx %arg7[%add3A_197] : memref<2560xf32, #tpu.memory_space<vmem>>[vector<16xi32>], vector<16xf32>,
      %mul3A_200 = arith.mulf %add3A_183, %gather3A_199 : vector<16xf32>
      %add3A_201 = arith.addf %gather3A_198, %mul3A_200 : vector<16xf32>
      %add3A_202 = arith.addf %add3A_174, %add3A_201 : vector<16xf32>
      %get3A_203 = arith.index_cast %add3A_93 : i32 to index
      %get3A_204 = arith.constant 64 : index
      %get3A_205 = tpu.vector_load %arg5[%get3A_203, %get3A_204] {strides = array<i32>} : memref<256x128xf32, #tpu.memory_space<vmem>>, vector<16xf32>,
      %mul3A_206 = arith.constant 3.16666675 : f32
      %mul3A_207 = vector.broadcast %mul3A_206 : f32 to vector<16xf32>
      %mul3A_208 = arith.mulf %get3A_205, %mul3A_207 : vector<16xf32>
      %add3A_209 = arith.constant 9.500000e+00 : f32
      %add3A_210 = vector.broadcast %add3A_209 : f32 to vector<16xf32>
      %add3A_211 = arith.addf %mul3A_208, %add3A_210 : vector<16xf32>
      %jit3A_212 = arith.constant 0.000000e+00 : f32
      %jit3A_213 = arith.constant 1.800000e+01 : f32
      %max3A_214 = vector.broadcast %jit3A_212 : f32 to vector<16xf32>
      %max3A_215 = arith.maximumf %max3A_214, %add3A_211 : vector<16xf32>
      %min3A_216 = vector.broadcast %jit3A_213 : f32 to vector<16xf32>
      %min3A_217 = arith.minimumf %min3A_216, %max3A_215 : vector<16xf32>
      %convert_element_type3A_218 = arith.fptosi %min3A_217 : vector<16xf32> to vector<16xi32>
      %mul3A_219 = arith.constant 128 : i32
      %mul3A_220 = vector.broadcast %mul3A_219 : i32 to vector<16xi32>
      %mul3A_221 = arith.muli %convert_element_type3A_218, %mul3A_220 : vector<16xi32>
      %add3A_222 = arith.constant 64 : i32
      %add3A_223 = vector.broadcast %add3A_222 : i32 to vector<16xi32>
      %add3A_224 = arith.addi %iota3A, %add3A_223 : vector<16xi32>
      %add3A_225 = arith.addi %mul3A_221, %add3A_224 : vector<16xi32>
      %gather3A_226 = tpu.vector_load_idx %arg8[%add3A_225] : memref<2560xf32, #tpu.memory_space<vmem>>[vector<16xi32>], vector<16xf32>,
      %gather3A_227 = tpu.vector_load_idx %arg7[%add3A_225] : memref<2560xf32, #tpu.memory_space<vmem>>[vector<16xi32>], vector<16xf32>,
      %mul3A_228 = arith.mulf %add3A_211, %gather3A_227 : vector<16xf32>
      %add3A_229 = arith.addf %gather3A_226, %mul3A_228 : vector<16xf32>
      %add3A_230 = arith.addf %add3A_202, %add3A_229 : vector<16xf32>
      %get3A_231 = arith.index_cast %add3A_93 : i32 to index
      %get3A_232 = arith.constant 80 : index
      %get3A_233 = tpu.vector_load %arg5[%get3A_231, %get3A_232] {strides = array<i32>} : memref<256x128xf32, #tpu.memory_space<vmem>>, vector<16xf32>,
      %mul3A_234 = arith.constant 3.16666675 : f32
      %mul3A_235 = vector.broadcast %mul3A_234 : f32 to vector<16xf32>
      %mul3A_236 = arith.mulf %get3A_233, %mul3A_235 : vector<16xf32>
      %add3A_237 = arith.constant 9.500000e+00 : f32
      %add3A_238 = vector.broadcast %add3A_237 : f32 to vector<16xf32>
      %add3A_239 = arith.addf %mul3A_236, %add3A_238 : vector<16xf32>
      %jit3A_240 = arith.constant 0.000000e+00 : f32
      %jit3A_241 = arith.constant 1.800000e+01 : f32
      %max3A_242 = vector.broadcast %jit3A_240 : f32 to vector<16xf32>
      %max3A_243 = arith.maximumf %max3A_242, %add3A_239 : vector<16xf32>
      %min3A_244 = vector.broadcast %jit3A_241 : f32 to vector<16xf32>
      %min3A_245 = arith.minimumf %min3A_244, %max3A_243 : vector<16xf32>
      %convert_element_type3A_246 = arith.fptosi %min3A_245 : vector<16xf32> to vector<16xi32>
      %mul3A_247 = arith.constant 128 : i32
      %mul3A_248 = vector.broadcast %mul3A_247 : i32 to vector<16xi32>
      %mul3A_249 = arith.muli %convert_element_type3A_246, %mul3A_248 : vector<16xi32>
      %add3A_250 = arith.constant 80 : i32
      %add3A_251 = vector.broadcast %add3A_250 : i32 to vector<16xi32>
      %add3A_252 = arith.addi %iota3A, %add3A_251 : vector<16xi32>
      %add3A_253 = arith.addi %mul3A_249, %add3A_252 : vector<16xi32>
      %gather3A_254 = tpu.vector_load_idx %arg8[%add3A_253] : memref<2560xf32, #tpu.memory_space<vmem>>[vector<16xi32>], vector<16xf32>,
      %gather3A_255 = tpu.vector_load_idx %arg7[%add3A_253] : memref<2560xf32, #tpu.memory_space<vmem>>[vector<16xi32>], vector<16xf32>,
      %mul3A_256 = arith.mulf %add3A_239, %gather3A_255 : vector<16xf32>
      %add3A_257 = arith.addf %gather3A_254, %mul3A_256 : vector<16xf32>
      %add3A_258 = arith.addf %add3A_230, %add3A_257 : vector<16xf32>
      %get3A_259 = arith.index_cast %add3A_93 : i32 to index
      %get3A_260 = arith.constant 96 : index
      %get3A_261 = tpu.vector_load %arg5[%get3A_259, %get3A_260] {strides = array<i32>} : memref<256x128xf32, #tpu.memory_space<vmem>>, vector<16xf32>,
      %mul3A_262 = arith.constant 3.16666675 : f32
      %mul3A_263 = vector.broadcast %mul3A_262 : f32 to vector<16xf32>
      %mul3A_264 = arith.mulf %get3A_261, %mul3A_263 : vector<16xf32>
      %add3A_265 = arith.constant 9.500000e+00 : f32
      %add3A_266 = vector.broadcast %add3A_265 : f32 to vector<16xf32>
      %add3A_267 = arith.addf %mul3A_264, %add3A_266 : vector<16xf32>
      %jit3A_268 = arith.constant 0.000000e+00 : f32
      %jit3A_269 = arith.constant 1.800000e+01 : f32
      %max3A_270 = vector.broadcast %jit3A_268 : f32 to vector<16xf32>
      %max3A_271 = arith.maximumf %max3A_270, %add3A_267 : vector<16xf32>
      %min3A_272 = vector.broadcast %jit3A_269 : f32 to vector<16xf32>
      %min3A_273 = arith.minimumf %min3A_272, %max3A_271 : vector<16xf32>
      %convert_element_type3A_274 = arith.fptosi %min3A_273 : vector<16xf32> to vector<16xi32>
      %mul3A_275 = arith.constant 128 : i32
      %mul3A_276 = vector.broadcast %mul3A_275 : i32 to vector<16xi32>
      %mul3A_277 = arith.muli %convert_element_type3A_274, %mul3A_276 : vector<16xi32>
      %add3A_278 = arith.constant 96 : i32
      %add3A_279 = vector.broadcast %add3A_278 : i32 to vector<16xi32>
      %add3A_280 = arith.addi %iota3A, %add3A_279 : vector<16xi32>
      %add3A_281 = arith.addi %mul3A_277, %add3A_280 : vector<16xi32>
      %gather3A_282 = tpu.vector_load_idx %arg8[%add3A_281] : memref<2560xf32, #tpu.memory_space<vmem>>[vector<16xi32>], vector<16xf32>,
      %gather3A_283 = tpu.vector_load_idx %arg7[%add3A_281] : memref<2560xf32, #tpu.memory_space<vmem>>[vector<16xi32>], vector<16xf32>,
      %mul3A_284 = arith.mulf %add3A_267, %gather3A_283 : vector<16xf32>
      %add3A_285 = arith.addf %gather3A_282, %mul3A_284 : vector<16xf32>
      %add3A_286 = arith.addf %add3A_258, %add3A_285 : vector<16xf32>
      %get3A_287 = arith.index_cast %add3A_93 : i32 to index
      %get3A_288 = arith.constant 112 : index
      %get3A_289 = tpu.vector_load %arg5[%get3A_287, %get3A_288] {strides = array<i32>} : memref<256x128xf32, #tpu.memory_space<vmem>>, vector<16xf32>,
      %mul3A_290 = arith.constant 3.16666675 : f32
      %mul3A_291 = vector.broadcast %mul3A_290 : f32 to vector<16xf32>
      %mul3A_292 = arith.mulf %get3A_289, %mul3A_291 : vector<16xf32>
      %add3A_293 = arith.constant 9.500000e+00 : f32
      %add3A_294 = vector.broadcast %add3A_293 : f32 to vector<16xf32>
      %add3A_295 = arith.addf %mul3A_292, %add3A_294 : vector<16xf32>
      %jit3A_296 = arith.constant 0.000000e+00 : f32
      %jit3A_297 = arith.constant 1.800000e+01 : f32
      %max3A_298 = vector.broadcast %jit3A_296 : f32 to vector<16xf32>
      %max3A_299 = arith.maximumf %max3A_298, %add3A_295 : vector<16xf32>
      %min3A_300 = vector.broadcast %jit3A_297 : f32 to vector<16xf32>
      %min3A_301 = arith.minimumf %min3A_300, %max3A_299 : vector<16xf32>
      %convert_element_type3A_302 = arith.fptosi %min3A_301 : vector<16xf32> to vector<16xi32>
      %mul3A_303 = arith.constant 128 : i32
      %mul3A_304 = vector.broadcast %mul3A_303 : i32 to vector<16xi32>
      %mul3A_305 = arith.muli %convert_element_type3A_302, %mul3A_304 : vector<16xi32>
      %add3A_306 = arith.constant 112 : i32
      %add3A_307 = vector.broadcast %add3A_306 : i32 to vector<16xi32>
      %add3A_308 = arith.addi %iota3A, %add3A_307 : vector<16xi32>
      %add3A_309 = arith.addi %mul3A_305, %add3A_308 : vector<16xi32>
      %gather3A_310 = tpu.vector_load_idx %arg8[%add3A_309] : memref<2560xf32, #tpu.memory_space<vmem>>[vector<16xi32>], vector<16xf32>,
      %gather3A_311 = tpu.vector_load_idx %arg7[%add3A_309] : memref<2560xf32, #tpu.memory_space<vmem>>[vector<16xi32>], vector<16xf32>,
      %mul3A_312 = arith.mulf %add3A_295, %gather3A_311 : vector<16xf32>
      %add3A_313 = arith.addf %gather3A_310, %mul3A_312 : vector<16xf32>
      %add3A_314 = arith.addf %add3A_286, %add3A_313 : vector<16xf32>
      %eq3A_315 = arith.constant 0 : i32
      %eq3A_316 = vector.broadcast %eq3A_315 : i32 to vector<16xi32>
      %eq3A_317 = arith.cmpi eq, %iota3A, %eq3A_316 : vector<16xi32>
      %reduce_sum3A = arith.constant true
      %reduce_sum3A_318 = vector.broadcast %reduce_sum3A : i1 to vector<16xi1>
      %reduce_sum3A_319 = tpu.scan <sum>, %add3A_314 masked %reduce_sum3A_318 : vector<16xf32>, vector<16xi1> -> vector<16xf32>
      %reduce_sum3A_320 = vector.extract %reduce_sum3A_319[15] : f32 from vector<16xf32>
      %broadcast_in_dim3A_321 = vector.broadcast %reduce_sum3A_320 : f32 to vector<16xf32>
      %select_n3A = arith.select %eq3A_317, %broadcast_in_dim3A_321, %broadcast_in_dim3A_89 : vector<16xi1>, vector<16xf32>
      %mul3A_322 = arith.constant 16 : i32
      %mul3A_323 = arith.muli %add3A_71, %mul3A_322 : i32
      %add3A_324 = arith.constant 1 : i32
      %add3A_325 = arith.addi %mul3A_323, %add3A_324 : i32
      %broadcast_in_dim3A_326 = arith.constant 0.000000e+00 : f32
      %broadcast_in_dim3A_327 = vector.broadcast %broadcast_in_dim3A_326 : f32 to vector<16xf32>
      %get3A_328 = arith.index_cast %add3A_325 : i32 to index
      %get3A_329 = arith.constant 0 : index
      %get3A_330 = tpu.vector_load %arg5[%get3A_328, %get3A_329] {strides = array<i32>} : memref<256x128xf32, #tpu.memory_space<vmem>>, vector<16xf32>,
      %mul3A_331 = arith.constant 3.16666675 : f32
      %mul3A_332 = vector.broadcast %mul3A_331 : f32 to vector<16xf32>
      %mul3A_333 = arith.mulf %get3A_330, %mul3A_332 : vector<16xf32>
      %add3A_334 = arith.constant 9.500000e+00 : f32
      %add3A_335 = vector.broadcast %add3A_334 : f32 to vector<16xf32>
      %add3A_336 = arith.addf %mul3A_333, %add3A_335 : vector<16xf32>
      %jit3A_337 = arith.constant 0.000000e+00 : f32
      %jit3A_338 = arith.constant 1.800000e+01 : f32
      %max3A_339 = vector.broadcast %jit3A_337 : f32 to vector<16xf32>
      %max3A_340 = arith.maximumf %max3A_339, %add3A_336 : vector<16xf32>
      %min3A_341 = vector.broadcast %jit3A_338 : f32 to vector<16xf32>
      %min3A_342 = arith.minimumf %min3A_341, %max3A_340 : vector<16xf32>
      %convert_element_type3A_343 = arith.fptosi %min3A_342 : vector<16xf32> to vector<16xi32>
      %mul3A_344 = arith.constant 128 : i32
      %mul3A_345 = vector.broadcast %mul3A_344 : i32 to vector<16xi32>
      %mul3A_346 = arith.muli %convert_element_type3A_343, %mul3A_345 : vector<16xi32>
      %add3A_347 = arith.constant 0 : i32
      %add3A_348 = vector.broadcast %add3A_347 : i32 to vector<16xi32>
      %add3A_349 = arith.addi %iota3A, %add3A_348 : vector<16xi32>
      %add3A_350 = arith.addi %mul3A_346, %add3A_349 : vector<16xi32>
      %gather3A_351 = tpu.vector_load_idx %arg8[%add3A_350] : memref<2560xf32, #tpu.memory_space<vmem>>[vector<16xi32>], vector<16xf32>,
      %gather3A_352 = tpu.vector_load_idx %arg7[%add3A_350] : memref<2560xf32, #tpu.memory_space<vmem>>[vector<16xi32>], vector<16xf32>,
      %mul3A_353 = arith.mulf %add3A_336, %gather3A_352 : vector<16xf32>
      %add3A_354 = arith.addf %gather3A_351, %mul3A_353 : vector<16xf32>
      %add3A_355 = arith.addf %broadcast_in_dim3A_327, %add3A_354 : vector<16xf32>
      %get3A_356 = arith.index_cast %add3A_325 : i32 to index
      %get3A_357 = arith.constant 16 : index
      %get3A_358 = tpu.vector_load %arg5[%get3A_356, %get3A_357] {strides = array<i32>} : memref<256x128xf32, #tpu.memory_space<vmem>>, vector<16xf32>,
      %mul3A_359 = arith.constant 3.16666675 : f32
      %mul3A_360 = vector.broadcast %mul3A_359 : f32 to vector<16xf32>
      %mul3A_361 = arith.mulf %get3A_358, %mul3A_360 : vector<16xf32>
      %add3A_362 = arith.constant 9.500000e+00 : f32
      %add3A_363 = vector.broadcast %add3A_362 : f32 to vector<16xf32>
      %add3A_364 = arith.addf %mul3A_361, %add3A_363 : vector<16xf32>
      %jit3A_365 = arith.constant 0.000000e+00 : f32
      %jit3A_366 = arith.constant 1.800000e+01 : f32
      %max3A_367 = vector.broadcast %jit3A_365 : f32 to vector<16xf32>
      %max3A_368 = arith.maximumf %max3A_367, %add3A_364 : vector<16xf32>
      %min3A_369 = vector.broadcast %jit3A_366 : f32 to vector<16xf32>
      %min3A_370 = arith.minimumf %min3A_369, %max3A_368 : vector<16xf32>
      %convert_element_type3A_371 = arith.fptosi %min3A_370 : vector<16xf32> to vector<16xi32>
      %mul3A_372 = arith.constant 128 : i32
      %mul3A_373 = vector.broadcast %mul3A_372 : i32 to vector<16xi32>
      %mul3A_374 = arith.muli %convert_element_type3A_371, %mul3A_373 : vector<16xi32>
      %add3A_375 = arith.constant 16 : i32
      %add3A_376 = vector.broadcast %add3A_375 : i32 to vector<16xi32>
      %add3A_377 = arith.addi %iota3A, %add3A_376 : vector<16xi32>
      %add3A_378 = arith.addi %mul3A_374, %add3A_377 : vector<16xi32>
      %gather3A_379 = tpu.vector_load_idx %arg8[%add3A_378] : memref<2560xf32, #tpu.memory_space<vmem>>[vector<16xi32>], vector<16xf32>,
      %gather3A_380 = tpu.vector_load_idx %arg7[%add3A_378] : memref<2560xf32, #tpu.memory_space<vmem>>[vector<16xi32>], vector<16xf32>,
      %mul3A_381 = arith.mulf %add3A_364, %gather3A_380 : vector<16xf32>
      %add3A_382 = arith.addf %gather3A_379, %mul3A_381 : vector<16xf32>
      %add3A_383 = arith.addf %add3A_355, %add3A_382 : vector<16xf32>
      %get3A_384 = arith.index_cast %add3A_325 : i32 to index
      %get3A_385 = arith.constant 32 : index
      %get3A_386 = tpu.vector_load %arg5[%get3A_384, %get3A_385] {strides = array<i32>} : memref<256x128xf32, #tpu.memory_space<vmem>>, vector<16xf32>,
      %mul3A_387 = arith.constant 3.16666675 : f32
      %mul3A_388 = vector.broadcast %mul3A_387 : f32 to vector<16xf32>
      %mul3A_389 = arith.mulf %get3A_386, %mul3A_388 : vector<16xf32>
      %add3A_390 = arith.constant 9.500000e+00 : f32
      %add3A_391 = vector.broadcast %add3A_390 : f32 to vector<16xf32>
      %add3A_392 = arith.addf %mul3A_389, %add3A_391 : vector<16xf32>
      %jit3A_393 = arith.constant 0.000000e+00 : f32
      %jit3A_394 = arith.constant 1.800000e+01 : f32
      %max3A_395 = vector.broadcast %jit3A_393 : f32 to vector<16xf32>
      %max3A_396 = arith.maximumf %max3A_395, %add3A_392 : vector<16xf32>
      %min3A_397 = vector.broadcast %jit3A_394 : f32 to vector<16xf32>
      %min3A_398 = arith.minimumf %min3A_397, %max3A_396 : vector<16xf32>
      %convert_element_type3A_399 = arith.fptosi %min3A_398 : vector<16xf32> to vector<16xi32>
      %mul3A_400 = arith.constant 128 : i32
      %mul3A_401 = vector.broadcast %mul3A_400 : i32 to vector<16xi32>
      %mul3A_402 = arith.muli %convert_element_type3A_399, %mul3A_401 : vector<16xi32>
      %add3A_403 = arith.constant 32 : i32
      %add3A_404 = vector.broadcast %add3A_403 : i32 to vector<16xi32>
      %add3A_405 = arith.addi %iota3A, %add3A_404 : vector<16xi32>
      %add3A_406 = arith.addi %mul3A_402, %add3A_405 : vector<16xi32>
      %gather3A_407 = tpu.vector_load_idx %arg8[%add3A_406] : memref<2560xf32, #tpu.memory_space<vmem>>[vector<16xi32>], vector<16xf32>,
      %gather3A_408 = tpu.vector_load_idx %arg7[%add3A_406] : memref<2560xf32, #tpu.memory_space<vmem>>[vector<16xi32>], vector<16xf32>,
      %mul3A_409 = arith.mulf %add3A_392, %gather3A_408 : vector<16xf32>
      %add3A_410 = arith.addf %gather3A_407, %mul3A_409 : vector<16xf32>
      %add3A_411 = arith.addf %add3A_383, %add3A_410 : vector<16xf32>
      %get3A_412 = arith.index_cast %add3A_325 : i32 to index
      %get3A_413 = arith.constant 48 : index
      %get3A_414 = tpu.vector_load %arg5[%get3A_412, %get3A_413] {strides = array<i32>} : memref<256x128xf32, #tpu.memory_space<vmem>>, vector<16xf32>,
      %mul3A_415 = arith.constant 3.16666675 : f32
      %mul3A_416 = vector.broadcast %mul3A_415 : f32 to vector<16xf32>
      %mul3A_417 = arith.mulf %get3A_414, %mul3A_416 : vector<16xf32>
      %add3A_418 = arith.constant 9.500000e+00 : f32
      %add3A_419 = vector.broadcast %add3A_418 : f32 to vector<16xf32>
      %add3A_420 = arith.addf %mul3A_417, %add3A_419 : vector<16xf32>
      %jit3A_421 = arith.constant 0.000000e+00 : f32
      %jit3A_422 = arith.constant 1.800000e+01 : f32
      %max3A_423 = vector.broadcast %jit3A_421 : f32 to vector<16xf32>
      %max3A_424 = arith.maximumf %max3A_423, %add3A_420 : vector<16xf32>
      %min3A_425 = vector.broadcast %jit3A_422 : f32 to vector<16xf32>
      %min3A_426 = arith.minimumf %min3A_425, %max3A_424 : vector<16xf32>
      %convert_element_type3A_427 = arith.fptosi %min3A_426 : vector<16xf32> to vector<16xi32>
      %mul3A_428 = arith.constant 128 : i32
      %mul3A_429 = vector.broadcast %mul3A_428 : i32 to vector<16xi32>
      %mul3A_430 = arith.muli %convert_element_type3A_427, %mul3A_429 : vector<16xi32>
      %add3A_431 = arith.constant 48 : i32
      %add3A_432 = vector.broadcast %add3A_431 : i32 to vector<16xi32>
      %add3A_433 = arith.addi %iota3A, %add3A_432 : vector<16xi32>
      %add3A_434 = arith.addi %mul3A_430, %add3A_433 : vector<16xi32>
      %gather3A_435 = tpu.vector_load_idx %arg8[%add3A_434] : memref<2560xf32, #tpu.memory_space<vmem>>[vector<16xi32>], vector<16xf32>,
      %gather3A_436 = tpu.vector_load_idx %arg7[%add3A_434] : memref<2560xf32, #tpu.memory_space<vmem>>[vector<16xi32>], vector<16xf32>,
      %mul3A_437 = arith.mulf %add3A_420, %gather3A_436 : vector<16xf32>
      %add3A_438 = arith.addf %gather3A_435, %mul3A_437 : vector<16xf32>
      %add3A_439 = arith.addf %add3A_411, %add3A_438 : vector<16xf32>
      %get3A_440 = arith.index_cast %add3A_325 : i32 to index
      %get3A_441 = arith.constant 64 : index
      %get3A_442 = tpu.vector_load %arg5[%get3A_440, %get3A_441] {strides = array<i32>} : memref<256x128xf32, #tpu.memory_space<vmem>>, vector<16xf32>,
      %mul3A_443 = arith.constant 3.16666675 : f32
      %mul3A_444 = vector.broadcast %mul3A_443 : f32 to vector<16xf32>
      %mul3A_445 = arith.mulf %get3A_442, %mul3A_444 : vector<16xf32>
      %add3A_446 = arith.constant 9.500000e+00 : f32
      %add3A_447 = vector.broadcast %add3A_446 : f32 to vector<16xf32>
      %add3A_448 = arith.addf %mul3A_445, %add3A_447 : vector<16xf32>
      %jit3A_449 = arith.constant 0.000000e+00 : f32
      %jit3A_450 = arith.constant 1.800000e+01 : f32
      %max3A_451 = vector.broadcast %jit3A_449 : f32 to vector<16xf32>
      %max3A_452 = arith.maximumf %max3A_451, %add3A_448 : vector<16xf32>
      %min3A_453 = vector.broadcast %jit3A_450 : f32 to vector<16xf32>
      %min3A_454 = arith.minimumf %min3A_453, %max3A_452 : vector<16xf32>
      %convert_element_type3A_455 = arith.fptosi %min3A_454 : vector<16xf32> to vector<16xi32>
      %mul3A_456 = arith.constant 128 : i32
      %mul3A_457 = vector.broadcast %mul3A_456 : i32 to vector<16xi32>
      %mul3A_458 = arith.muli %convert_element_type3A_455, %mul3A_457 : vector<16xi32>
      %add3A_459 = arith.constant 64 : i32
      %add3A_460 = vector.broadcast %add3A_459 : i32 to vector<16xi32>
      %add3A_461 = arith.addi %iota3A, %add3A_460 : vector<16xi32>
      %add3A_462 = arith.addi %mul3A_458, %add3A_461 : vector<16xi32>
      %gather3A_463 = tpu.vector_load_idx %arg8[%add3A_462] : memref<2560xf32, #tpu.memory_space<vmem>>[vector<16xi32>], vector<16xf32>,
      %gather3A_464 = tpu.vector_load_idx %arg7[%add3A_462] : memref<2560xf32, #tpu.memory_space<vmem>>[vector<16xi32>], vector<16xf32>,
      %mul3A_465 = arith.mulf %add3A_448, %gather3A_464 : vector<16xf32>
      %add3A_466 = arith.addf %gather3A_463, %mul3A_465 : vector<16xf32>
      %add3A_467 = arith.addf %add3A_439, %add3A_466 : vector<16xf32>
      %get3A_468 = arith.index_cast %add3A_325 : i32 to index
      %get3A_469 = arith.constant 80 : index
      %get3A_470 = tpu.vector_load %arg5[%get3A_468, %get3A_469] {strides = array<i32>} : memref<256x128xf32, #tpu.memory_space<vmem>>, vector<16xf32>,
      %mul3A_471 = arith.constant 3.16666675 : f32
      %mul3A_472 = vector.broadcast %mul3A_471 : f32 to vector<16xf32>
      %mul3A_473 = arith.mulf %get3A_470, %mul3A_472 : vector<16xf32>
      %add3A_474 = arith.constant 9.500000e+00 : f32
      %add3A_475 = vector.broadcast %add3A_474 : f32 to vector<16xf32>
      %add3A_476 = arith.addf %mul3A_473, %add3A_475 : vector<16xf32>
      %jit3A_477 = arith.constant 0.000000e+00 : f32
      %jit3A_478 = arith.constant 1.800000e+01 : f32
      %max3A_479 = vector.broadcast %jit3A_477 : f32 to vector<16xf32>
      %max3A_480 = arith.maximumf %max3A_479, %add3A_476 : vector<16xf32>
      %min3A_481 = vector.broadcast %jit3A_478 : f32 to vector<16xf32>
      %min3A_482 = arith.minimumf %min3A_481, %max3A_480 : vector<16xf32>
      %convert_element_type3A_483 = arith.fptosi %min3A_482 : vector<16xf32> to vector<16xi32>
      %mul3A_484 = arith.constant 128 : i32
      %mul3A_485 = vector.broadcast %mul3A_484 : i32 to vector<16xi32>
      %mul3A_486 = arith.muli %convert_element_type3A_483, %mul3A_485 : vector<16xi32>
      %add3A_487 = arith.constant 80 : i32
      %add3A_488 = vector.broadcast %add3A_487 : i32 to vector<16xi32>
      %add3A_489 = arith.addi %iota3A, %add3A_488 : vector<16xi32>
      %add3A_490 = arith.addi %mul3A_486, %add3A_489 : vector<16xi32>
      %gather3A_491 = tpu.vector_load_idx %arg8[%add3A_490] : memref<2560xf32, #tpu.memory_space<vmem>>[vector<16xi32>], vector<16xf32>,
      %gather3A_492 = tpu.vector_load_idx %arg7[%add3A_490] : memref<2560xf32, #tpu.memory_space<vmem>>[vector<16xi32>], vector<16xf32>,
      %mul3A_493 = arith.mulf %add3A_476, %gather3A_492 : vector<16xf32>
      %add3A_494 = arith.addf %gather3A_491, %mul3A_493 : vector<16xf32>
      %add3A_495 = arith.addf %add3A_467, %add3A_494 : vector<16xf32>
      %get3A_496 = arith.index_cast %add3A_325 : i32 to index
      %get3A_497 = arith.constant 96 : index
      %get3A_498 = tpu.vector_load %arg5[%get3A_496, %get3A_497] {strides = array<i32>} : memref<256x128xf32, #tpu.memory_space<vmem>>, vector<16xf32>,
      %mul3A_499 = arith.constant 3.16666675 : f32
      %mul3A_500 = vector.broadcast %mul3A_499 : f32 to vector<16xf32>
      %mul3A_501 = arith.mulf %get3A_498, %mul3A_500 : vector<16xf32>
      %add3A_502 = arith.constant 9.500000e+00 : f32
      %add3A_503 = vector.broadcast %add3A_502 : f32 to vector<16xf32>
      %add3A_504 = arith.addf %mul3A_501, %add3A_503 : vector<16xf32>
      %jit3A_505 = arith.constant 0.000000e+00 : f32
      %jit3A_506 = arith.constant 1.800000e+01 : f32
      %max3A_507 = vector.broadcast %jit3A_505 : f32 to vector<16xf32>
      %max3A_508 = arith.maximumf %max3A_507, %add3A_504 : vector<16xf32>
      %min3A_509 = vector.broadcast %jit3A_506 : f32 to vector<16xf32>
      %min3A_510 = arith.minimumf %min3A_509, %max3A_508 : vector<16xf32>
      %convert_element_type3A_511 = arith.fptosi %min3A_510 : vector<16xf32> to vector<16xi32>
      %mul3A_512 = arith.constant 128 : i32
      %mul3A_513 = vector.broadcast %mul3A_512 : i32 to vector<16xi32>
      %mul3A_514 = arith.muli %convert_element_type3A_511, %mul3A_513 : vector<16xi32>
      %add3A_515 = arith.constant 96 : i32
      %add3A_516 = vector.broadcast %add3A_515 : i32 to vector<16xi32>
      %add3A_517 = arith.addi %iota3A, %add3A_516 : vector<16xi32>
      %add3A_518 = arith.addi %mul3A_514, %add3A_517 : vector<16xi32>
      %gather3A_519 = tpu.vector_load_idx %arg8[%add3A_518] : memref<2560xf32, #tpu.memory_space<vmem>>[vector<16xi32>], vector<16xf32>,
      %gather3A_520 = tpu.vector_load_idx %arg7[%add3A_518] : memref<2560xf32, #tpu.memory_space<vmem>>[vector<16xi32>], vector<16xf32>,
      %mul3A_521 = arith.mulf %add3A_504, %gather3A_520 : vector<16xf32>
      %add3A_522 = arith.addf %gather3A_519, %mul3A_521 : vector<16xf32>
      %add3A_523 = arith.addf %add3A_495, %add3A_522 : vector<16xf32>
      %get3A_524 = arith.index_cast %add3A_325 : i32 to index
      %get3A_525 = arith.constant 112 : index
      %get3A_526 = tpu.vector_load %arg5[%get3A_524, %get3A_525] {strides = array<i32>} : memref<256x128xf32, #tpu.memory_space<vmem>>, vector<16xf32>,
      %mul3A_527 = arith.constant 3.16666675 : f32
      %mul3A_528 = vector.broadcast %mul3A_527 : f32 to vector<16xf32>
      %mul3A_529 = arith.mulf %get3A_526, %mul3A_528 : vector<16xf32>
      %add3A_530 = arith.constant 9.500000e+00 : f32
      %add3A_531 = vector.broadcast %add3A_530 : f32 to vector<16xf32>
      %add3A_532 = arith.addf %mul3A_529, %add3A_531 : vector<16xf32>
      %jit3A_533 = arith.constant 0.000000e+00 : f32
      %jit3A_534 = arith.constant 1.800000e+01 : f32
      %max3A_535 = vector.broadcast %jit3A_533 : f32 to vector<16xf32>
      %max3A_536 = arith.maximumf %max3A_535, %add3A_532 : vector<16xf32>
      %min3A_537 = vector.broadcast %jit3A_534 : f32 to vector<16xf32>
      %min3A_538 = arith.minimumf %min3A_537, %max3A_536 : vector<16xf32>
      %convert_element_type3A_539 = arith.fptosi %min3A_538 : vector<16xf32> to vector<16xi32>
      %mul3A_540 = arith.constant 128 : i32
      %mul3A_541 = vector.broadcast %mul3A_540 : i32 to vector<16xi32>
      %mul3A_542 = arith.muli %convert_element_type3A_539, %mul3A_541 : vector<16xi32>
      %add3A_543 = arith.constant 112 : i32
      %add3A_544 = vector.broadcast %add3A_543 : i32 to vector<16xi32>
      %add3A_545 = arith.addi %iota3A, %add3A_544 : vector<16xi32>
      %add3A_546 = arith.addi %mul3A_542, %add3A_545 : vector<16xi32>
      %gather3A_547 = tpu.vector_load_idx %arg8[%add3A_546] : memref<2560xf32, #tpu.memory_space<vmem>>[vector<16xi32>], vector<16xf32>,
      %gather3A_548 = tpu.vector_load_idx %arg7[%add3A_546] : memref<2560xf32, #tpu.memory_space<vmem>>[vector<16xi32>], vector<16xf32>,
      %mul3A_549 = arith.mulf %add3A_532, %gather3A_548 : vector<16xf32>
      %add3A_550 = arith.addf %gather3A_547, %mul3A_549 : vector<16xf32>
      %add3A_551 = arith.addf %add3A_523, %add3A_550 : vector<16xf32>
      %eq3A_552 = arith.constant 1 : i32
      %eq3A_553 = vector.broadcast %eq3A_552 : i32 to vector<16xi32>
      %eq3A_554 = arith.cmpi eq, %iota3A, %eq3A_553 : vector<16xi32>
      %reduce_sum3A_555 = arith.constant true
      %reduce_sum3A_556 = vector.broadcast %reduce_sum3A_555 : i1 to vector<16xi1>
      %reduce_sum3A_557 = tpu.scan <sum>, %add3A_551 masked %reduce_sum3A_556 : vector<16xf32>, vector<16xi1> -> vector<16xf32>
      %reduce_sum3A_558 = vector.extract %reduce_sum3A_557[15] : f32 from vector<16xf32>
      %broadcast_in_dim3A_559 = vector.broadcast %reduce_sum3A_558 : f32 to vector<16xf32>
      %select_n3A_560 = arith.select %eq3A_554, %broadcast_in_dim3A_559, %select_n3A : vector<16xi1>, vector<16xf32>
      %mul3A_561 = arith.constant 16 : i32
      %mul3A_562 = arith.muli %add3A_71, %mul3A_561 : i32
      %add3A_563 = arith.constant 2 : i32
      %add3A_564 = arith.addi %mul3A_562, %add3A_563 : i32
      %broadcast_in_dim3A_565 = arith.constant 0.000000e+00 : f32
      %broadcast_in_dim3A_566 = vector.broadcast %broadcast_in_dim3A_565 : f32 to vector<16xf32>
      %get3A_567 = arith.index_cast %add3A_564 : i32 to index
      %get3A_568 = arith.constant 0 : index
      %get3A_569 = tpu.vector_load %arg5[%get3A_567, %get3A_568] {strides = array<i32>} : memref<256x128xf32, #tpu.memory_space<vmem>>, vector<16xf32>,
      %mul3A_570 = arith.constant 3.16666675 : f32
      %mul3A_571 = vector.broadcast %mul3A_570 : f32 to vector<16xf32>
      %mul3A_572 = arith.mulf %get3A_569, %mul3A_571 : vector<16xf32>
      %add3A_573 = arith.constant 9.500000e+00 : f32
      %add3A_574 = vector.broadcast %add3A_573 : f32 to vector<16xf32>
      %add3A_575 = arith.addf %mul3A_572, %add3A_574 : vector<16xf32>
      %jit3A_576 = arith.constant 0.000000e+00 : f32
      %jit3A_577 = arith.constant 1.800000e+01 : f32
      %max3A_578 = vector.broadcast %jit3A_576 : f32 to vector<16xf32>
      %max3A_579 = arith.maximumf %max3A_578, %add3A_575 : vector<16xf32>
      %min3A_580 = vector.broadcast %jit3A_577 : f32 to vector<16xf32>
      %min3A_581 = arith.minimumf %min3A_580, %max3A_579 : vector<16xf32>
      %convert_element_type3A_582 = arith.fptosi %min3A_581 : vector<16xf32> to vector<16xi32>
      %mul3A_583 = arith.constant 128 : i32
      %mul3A_584 = vector.broadcast %mul3A_583 : i32 to vector<16xi32>
      %mul3A_585 = arith.muli %convert_element_type3A_582, %mul3A_584 : vector<16xi32>
      %add3A_586 = arith.constant 0 : i32
      %add3A_587 = vector.broadcast %add3A_586 : i32 to vector<16xi32>
      %add3A_588 = arith.addi %iota3A, %add3A_587 : vector<16xi32>
      %add3A_589 = arith.addi %mul3A_585, %add3A_588 : vector<16xi32>
      %gather3A_590 = tpu.vector_load_idx %arg8[%add3A_589] : memref<2560xf32, #tpu.memory_space<vmem>>[vector<16xi32>], vector<16xf32>,
      %gather3A_591 = tpu.vector_load_idx %arg7[%add3A_589] : memref<2560xf32, #tpu.memory_space<vmem>>[vector<16xi32>], vector<16xf32>,
      %mul3A_592 = arith.mulf %add3A_575, %gather3A_591 : vector<16xf32>
      %add3A_593 = arith.addf %gather3A_590, %mul3A_592 : vector<16xf32>
      %add3A_594 = arith.addf %broadcast_in_dim3A_566, %add3A_593 : vector<16xf32>
      %get3A_595 = arith.index_cast %add3A_564 : i32 to index
      %get3A_596 = arith.constant 16 : index
      %get3A_597 = tpu.vector_load %arg5[%get3A_595, %get3A_596] {strides = array<i32>} : memref<256x128xf32, #tpu.memory_space<vmem>>, vector<16xf32>,
      %mul3A_598 = arith.constant 3.16666675 : f32
      %mul3A_599 = vector.broadcast %mul3A_598 : f32 to vector<16xf32>
      %mul3A_600 = arith.mulf %get3A_597, %mul3A_599 : vector<16xf32>
      %add3A_601 = arith.constant 9.500000e+00 : f32
      %add3A_602 = vector.broadcast %add3A_601 : f32 to vector<16xf32>
      %add3A_603 = arith.addf %mul3A_600, %add3A_602 : vector<16xf32>
      %jit3A_604 = arith.constant 0.000000e+00 : f32
      %jit3A_605 = arith.constant 1.800000e+01 : f32
      %max3A_606 = vector.broadcast %jit3A_604 : f32 to vector<16xf32>
      %max3A_607 = arith.maximumf %max3A_606, %add3A_603 : vector<16xf32>
      %min3A_608 = vector.broadcast %jit3A_605 : f32 to vector<16xf32>
      %min3A_609 = arith.minimumf %min3A_608, %max3A_607 : vector<16xf32>
      %convert_element_type3A_610 = arith.fptosi %min3A_609 : vector<16xf32> to vector<16xi32>
      %mul3A_611 = arith.constant 128 : i32
      %mul3A_612 = vector.broadcast %mul3A_611 : i32 to vector<16xi32>
      %mul3A_613 = arith.muli %convert_element_type3A_610, %mul3A_612 : vector<16xi32>
      %add3A_614 = arith.constant 16 : i32
      %add3A_615 = vector.broadcast %add3A_614 : i32 to vector<16xi32>
      %add3A_616 = arith.addi %iota3A, %add3A_615 : vector<16xi32>
      %add3A_617 = arith.addi %mul3A_613, %add3A_616 : vector<16xi32>
      %gather3A_618 = tpu.vector_load_idx %arg8[%add3A_617] : memref<2560xf32, #tpu.memory_space<vmem>>[vector<16xi32>], vector<16xf32>,
      %gather3A_619 = tpu.vector_load_idx %arg7[%add3A_617] : memref<2560xf32, #tpu.memory_space<vmem>>[vector<16xi32>], vector<16xf32>,
      %mul3A_620 = arith.mulf %add3A_603, %gather3A_619 : vector<16xf32>
      %add3A_621 = arith.addf %gather3A_618, %mul3A_620 : vector<16xf32>
      %add3A_622 = arith.addf %add3A_594, %add3A_621 : vector<16xf32>
      %get3A_623 = arith.index_cast %add3A_564 : i32 to index
      %get3A_624 = arith.constant 32 : index
      %get3A_625 = tpu.vector_load %arg5[%get3A_623, %get3A_624] {strides = array<i32>} : memref<256x128xf32, #tpu.memory_space<vmem>>, vector<16xf32>,
      %mul3A_626 = arith.constant 3.16666675 : f32
      %mul3A_627 = vector.broadcast %mul3A_626 : f32 to vector<16xf32>
      %mul3A_628 = arith.mulf %get3A_625, %mul3A_627 : vector<16xf32>
      %add3A_629 = arith.constant 9.500000e+00 : f32
      %add3A_630 = vector.broadcast %add3A_629 : f32 to vector<16xf32>
      %add3A_631 = arith.addf %mul3A_628, %add3A_630 : vector<16xf32>
      %jit3A_632 = arith.constant 0.000000e+00 : f32
      %jit3A_633 = arith.constant 1.800000e+01 : f32
      %max3A_634 = vector.broadcast %jit3A_632 : f32 to vector<16xf32>
      %max3A_635 = arith.maximumf %max3A_634, %add3A_631 : vector<16xf32>
      %min3A_636 = vector.broadcast %jit3A_633 : f32 to vector<16xf32>
      %min3A_637 = arith.minimumf %min3A_636, %max3A_635 : vector<16xf32>
      %convert_element_type3A_638 = arith.fptosi %min3A_637 : vector<16xf32> to vector<16xi32>
      %mul3A_639 = arith.constant 128 : i32
      %mul3A_640 = vector.broadcast %mul3A_639 : i32 to vector<16xi32>
      %mul3A_641 = arith.muli %convert_element_type3A_638, %mul3A_640 : vector<16xi32>
      %add3A_642 = arith.constant 32 : i32
      %add3A_643 = vector.broadcast %add3A_642 : i32 to vector<16xi32>
      %add3A_644 = arith.addi %iota3A, %add3A_643 : vector<16xi32>
      %add3A_645 = arith.addi %mul3A_641, %add3A_644 : vector<16xi32>
      %gather3A_646 = tpu.vector_load_idx %arg8[%add3A_645] : memref<2560xf32, #tpu.memory_space<vmem>>[vector<16xi32>], vector<16xf32>,
      %gather3A_647 = tpu.vector_load_idx %arg7[%add3A_645] : memref<2560xf32, #tpu.memory_space<vmem>>[vector<16xi32>], vector<16xf32>,
      %mul3A_648 = arith.mulf %add3A_631, %gather3A_647 : vector<16xf32>
      %add3A_649 = arith.addf %gather3A_646, %mul3A_648 : vector<16xf32>
      %add3A_650 = arith.addf %add3A_622, %add3A_649 : vector<16xf32>
      %get3A_651 = arith.index_cast %add3A_564 : i32 to index
      %get3A_652 = arith.constant 48 : index
      %get3A_653 = tpu.vector_load %arg5[%get3A_651, %get3A_652] {strides = array<i32>} : memref<256x128xf32, #tpu.memory_space<vmem>>, vector<16xf32>,
      %mul3A_654 = arith.constant 3.16666675 : f32
      %mul3A_655 = vector.broadcast %mul3A_654 : f32 to vector<16xf32>
      %mul3A_656 = arith.mulf %get3A_653, %mul3A_655 : vector<16xf32>
      %add3A_657 = arith.constant 9.500000e+00 : f32
      %add3A_658 = vector.broadcast %add3A_657 : f32 to vector<16xf32>
      %add3A_659 = arith.addf %mul3A_656, %add3A_658 : vector<16xf32>
      %jit3A_660 = arith.constant 0.000000e+00 : f32
      %jit3A_661 = arith.constant 1.800000e+01 : f32
      %max3A_662 = vector.broadcast %jit3A_660 : f32 to vector<16xf32>
      %max3A_663 = arith.maximumf %max3A_662, %add3A_659 : vector<16xf32>
      %min3A_664 = vector.broadcast %jit3A_661 : f32 to vector<16xf32>
      %min3A_665 = arith.minimumf %min3A_664, %max3A_663 : vector<16xf32>
      %convert_element_type3A_666 = arith.fptosi %min3A_665 : vector<16xf32> to vector<16xi32>
      %mul3A_667 = arith.constant 128 : i32
      %mul3A_668 = vector.broadcast %mul3A_667 : i32 to vector<16xi32>
      %mul3A_669 = arith.muli %convert_element_type3A_666, %mul3A_668 : vector<16xi32>
      %add3A_670 = arith.constant 48 : i32
      %add3A_671 = vector.broadcast %add3A_670 : i32 to vector<16xi32>
      %add3A_672 = arith.addi %iota3A, %add3A_671 : vector<16xi32>
      %add3A_673 = arith.addi %mul3A_669, %add3A_672 : vector<16xi32>
      %gather3A_674 = tpu.vector_load_idx %arg8[%add3A_673] : memref<2560xf32, #tpu.memory_space<vmem>>[vector<16xi32>], vector<16xf32>,
      %gather3A_675 = tpu.vector_load_idx %arg7[%add3A_673] : memref<2560xf32, #tpu.memory_space<vmem>>[vector<16xi32>], vector<16xf32>,
      %mul3A_676 = arith.mulf %add3A_659, %gather3A_675 : vector<16xf32>
      %add3A_677 = arith.addf %gather3A_674, %mul3A_676 : vector<16xf32>
      %add3A_678 = arith.addf %add3A_650, %add3A_677 : vector<16xf32>
      %get3A_679 = arith.index_cast %add3A_564 : i32 to index
      %get3A_680 = arith.constant 64 : index
      %get3A_681 = tpu.vector_load %arg5[%get3A_679, %get3A_680] {strides = array<i32>} : memref<256x128xf32, #tpu.memory_space<vmem>>, vector<16xf32>,
      %mul3A_682 = arith.constant 3.16666675 : f32
      %mul3A_683 = vector.broadcast %mul3A_682 : f32 to vector<16xf32>
      %mul3A_684 = arith.mulf %get3A_681, %mul3A_683 : vector<16xf32>
      %add3A_685 = arith.constant 9.500000e+00 : f32
      %add3A_686 = vector.broadcast %add3A_685 : f32 to vector<16xf32>
      %add3A_687 = arith.addf %mul3A_684, %add3A_686 : vector<16xf32>
      %jit3A_688 = arith.constant 0.000000e+00 : f32
      %jit3A_689 = arith.constant 1.800000e+01 : f32
      %max3A_690 = vector.broadcast %jit3A_688 : f32 to vector<16xf32>
      %max3A_691 = arith.maximumf %max3A_690, %add3A_687 : vector<16xf32>
      %min3A_692 = vector.broadcast %jit3A_689 : f32 to vector<16xf32>
      %min3A_693 = arith.minimumf %min3A_692, %max3A_691 : vector<16xf32>
      %convert_element_type3A_694 = arith.fptosi %min3A_693 : vector<16xf32> to vector<16xi32>
      %mul3A_695 = arith.constant 128 : i32
      %mul3A_696 = vector.broadcast %mul3A_695 : i32 to vector<16xi32>
      %mul3A_697 = arith.muli %convert_element_type3A_694, %mul3A_696 : vector<16xi32>
      %add3A_698 = arith.constant 64 : i32
      %add3A_699 = vector.broadcast %add3A_698 : i32 to vector<16xi32>
      %add3A_700 = arith.addi %iota3A, %add3A_699 : vector<16xi32>
      %add3A_701 = arith.addi %mul3A_697, %add3A_700 : vector<16xi32>
      %gather3A_702 = tpu.vector_load_idx %arg8[%add3A_701] : memref<2560xf32, #tpu.memory_space<vmem>>[vector<16xi32>], vector<16xf32>,
      %gather3A_703 = tpu.vector_load_idx %arg7[%add3A_701] : memref<2560xf32, #tpu.memory_space<vmem>>[vector<16xi32>], vector<16xf32>,
      %mul3A_704 = arith.mulf %add3A_687, %gather3A_703 : vector<16xf32>
      %add3A_705 = arith.addf %gather3A_702, %mul3A_704 : vector<16xf32>
      %add3A_706 = arith.addf %add3A_678, %add3A_705 : vector<16xf32>
      %get3A_707 = arith.index_cast %add3A_564 : i32 to index
      %get3A_708 = arith.constant 80 : index
      %get3A_709 = tpu.vector_load %arg5[%get3A_707, %get3A_708] {strides = array<i32>} : memref<256x128xf32, #tpu.memory_space<vmem>>, vector<16xf32>,
      %mul3A_710 = arith.constant 3.16666675 : f32
      %mul3A_711 = vector.broadcast %mul3A_710 : f32 to vector<16xf32>
      %mul3A_712 = arith.mulf %get3A_709, %mul3A_711 : vector<16xf32>
      %add3A_713 = arith.constant 9.500000e+00 : f32
      %add3A_714 = vector.broadcast %add3A_713 : f32 to vector<16xf32>
      %add3A_715 = arith.addf %mul3A_712, %add3A_714 : vector<16xf32>
      %jit3A_716 = arith.constant 0.000000e+00 : f32
      %jit3A_717 = arith.constant 1.800000e+01 : f32
      %max3A_718 = vector.broadcast %jit3A_716 : f32 to vector<16xf32>
      %max3A_719 = arith.maximumf %max3A_718, %add3A_715 : vector<16xf32>
      %min3A_720 = vector.broadcast %jit3A_717 : f32 to vector<16xf32>
      %min3A_721 = arith.minimumf %min3A_720, %max3A_719 : vector<16xf32>
      %convert_element_type3A_722 = arith.fptosi %min3A_721 : vector<16xf32> to vector<16xi32>
      %mul3A_723 = arith.constant 128 : i32
      %mul3A_724 = vector.broadcast %mul3A_723 : i32 to vector<16xi32>
      %mul3A_725 = arith.muli %convert_element_type3A_722, %mul3A_724 : vector<16xi32>
      %add3A_726 = arith.constant 80 : i32
      %add3A_727 = vector.broadcast %add3A_726 : i32 to vector<16xi32>
      %add3A_728 = arith.addi %iota3A, %add3A_727 : vector<16xi32>
      %add3A_729 = arith.addi %mul3A_725, %add3A_728 : vector<16xi32>
      %gather3A_730 = tpu.vector_load_idx %arg8[%add3A_729] : memref<2560xf32, #tpu.memory_space<vmem>>[vector<16xi32>], vector<16xf32>,
      %gather3A_731 = tpu.vector_load_idx %arg7[%add3A_729] : memref<2560xf32, #tpu.memory_space<vmem>>[vector<16xi32>], vector<16xf32>,
      %mul3A_732 = arith.mulf %add3A_715, %gather3A_731 : vector<16xf32>
      %add3A_733 = arith.addf %gather3A_730, %mul3A_732 : vector<16xf32>
      %add3A_734 = arith.addf %add3A_706, %add3A_733 : vector<16xf32>
      %get3A_735 = arith.index_cast %add3A_564 : i32 to index
      %get3A_736 = arith.constant 96 : index
      %get3A_737 = tpu.vector_load %arg5[%get3A_735, %get3A_736] {strides = array<i32>} : memref<256x128xf32, #tpu.memory_space<vmem>>, vector<16xf32>,
      %mul3A_738 = arith.constant 3.16666675 : f32
      %mul3A_739 = vector.broadcast %mul3A_738 : f32 to vector<16xf32>
      %mul3A_740 = arith.mulf %get3A_737, %mul3A_739 : vector<16xf32>
      %add3A_741 = arith.constant 9.500000e+00 : f32
      %add3A_742 = vector.broadcast %add3A_741 : f32 to vector<16xf32>
      %add3A_743 = arith.addf %mul3A_740, %add3A_742 : vector<16xf32>
      %jit3A_744 = arith.constant 0.000000e+00 : f32
      %jit3A_745 = arith.constant 1.800000e+01 : f32
      %max3A_746 = vector.broadcast %jit3A_744 : f32 to vector<16xf32>
      %max3A_747 = arith.maximumf %max3A_746, %add3A_743 : vector<16xf32>
      %min3A_748 = vector.broadcast %jit3A_745 : f32 to vector<16xf32>
      %min3A_749 = arith.minimumf %min3A_748, %max3A_747 : vector<16xf32>
      %convert_element_type3A_750 = arith.fptosi %min3A_749 : vector<16xf32> to vector<16xi32>
      %mul3A_751 = arith.constant 128 : i32
      %mul3A_752 = vector.broadcast %mul3A_751 : i32 to vector<16xi32>
      %mul3A_753 = arith.muli %convert_element_type3A_750, %mul3A_752 : vector<16xi32>
      %add3A_754 = arith.constant 96 : i32
      %add3A_755 = vector.broadcast %add3A_754 : i32 to vector<16xi32>
      %add3A_756 = arith.addi %iota3A, %add3A_755 : vector<16xi32>
      %add3A_757 = arith.addi %mul3A_753, %add3A_756 : vector<16xi32>
      %gather3A_758 = tpu.vector_load_idx %arg8[%add3A_757] : memref<2560xf32, #tpu.memory_space<vmem>>[vector<16xi32>], vector<16xf32>,
      %gather3A_759 = tpu.vector_load_idx %arg7[%add3A_757] : memref<2560xf32, #tpu.memory_space<vmem>>[vector<16xi32>], vector<16xf32>,
      %mul3A_760 = arith.mulf %add3A_743, %gather3A_759 : vector<16xf32>
      %add3A_761 = arith.addf %gather3A_758, %mul3A_760 : vector<16xf32>
      %add3A_762 = arith.addf %add3A_734, %add3A_761 : vector<16xf32>
      %get3A_763 = arith.index_cast %add3A_564 : i32 to index
      %get3A_764 = arith.constant 112 : index
      %get3A_765 = tpu.vector_load %arg5[%get3A_763, %get3A_764] {strides = array<i32>} : memref<256x128xf32, #tpu.memory_space<vmem>>, vector<16xf32>,
      %mul3A_766 = arith.constant 3.16666675 : f32
      %mul3A_767 = vector.broadcast %mul3A_766 : f32 to vector<16xf32>
      %mul3A_768 = arith.mulf %get3A_765, %mul3A_767 : vector<16xf32>
      %add3A_769 = arith.constant 9.500000e+00 : f32
      %add3A_770 = vector.broadcast %add3A_769 : f32 to vector<16xf32>
      %add3A_771 = arith.addf %mul3A_768, %add3A_770 : vector<16xf32>
      %jit3A_772 = arith.constant 0.000000e+00 : f32
      %jit3A_773 = arith.constant 1.800000e+01 : f32
      %max3A_774 = vector.broadcast %jit3A_772 : f32 to vector<16xf32>
      %max3A_775 = arith.maximumf %max3A_774, %add3A_771 : vector<16xf32>
      %min3A_776 = vector.broadcast %jit3A_773 : f32 to vector<16xf32>
      %min3A_777 = arith.minimumf %min3A_776, %max3A_775 : vector<16xf32>
      %convert_element_type3A_778 = arith.fptosi %min3A_777 : vector<16xf32> to vector<16xi32>
      %mul3A_779 = arith.constant 128 : i32
      %mul3A_780 = vector.broadcast %mul3A_779 : i32 to vector<16xi32>
      %mul3A_781 = arith.muli %convert_element_type3A_778, %mul3A_780 : vector<16xi32>
      %add3A_782 = arith.constant 112 : i32
      %add3A_783 = vector.broadcast %add3A_782 : i32 to vector<16xi32>
      %add3A_784 = arith.addi %iota3A, %add3A_783 : vector<16xi32>
      %add3A_785 = arith.addi %mul3A_781, %add3A_784 : vector<16xi32>
      %gather3A_786 = tpu.vector_load_idx %arg8[%add3A_785] : memref<2560xf32, #tpu.memory_space<vmem>>[vector<16xi32>], vector<16xf32>,
      %gather3A_787 = tpu.vector_load_idx %arg7[%add3A_785] : memref<2560xf32, #tpu.memory_space<vmem>>[vector<16xi32>], vector<16xf32>,
      %mul3A_788 = arith.mulf %add3A_771, %gather3A_787 : vector<16xf32>
      %add3A_789 = arith.addf %gather3A_786, %mul3A_788 : vector<16xf32>
      %add3A_790 = arith.addf %add3A_762, %add3A_789 : vector<16xf32>
      %eq3A_791 = arith.constant 2 : i32
      %eq3A_792 = vector.broadcast %eq3A_791 : i32 to vector<16xi32>
      %eq3A_793 = arith.cmpi eq, %iota3A, %eq3A_792 : vector<16xi32>
      %reduce_sum3A_794 = arith.constant true
      %reduce_sum3A_795 = vector.broadcast %reduce_sum3A_794 : i1 to vector<16xi1>
      %reduce_sum3A_796 = tpu.scan <sum>, %add3A_790 masked %reduce_sum3A_795 : vector<16xf32>, vector<16xi1> -> vector<16xf32>
      %reduce_sum3A_797 = vector.extract %reduce_sum3A_796[15] : f32 from vector<16xf32>
      %broadcast_in_dim3A_798 = vector.broadcast %reduce_sum3A_797 : f32 to vector<16xf32>
      %select_n3A_799 = arith.select %eq3A_793, %broadcast_in_dim3A_798, %select_n3A_560 : vector<16xi1>, vector<16xf32>
      %mul3A_800 = arith.constant 16 : i32
      %mul3A_801 = arith.muli %add3A_71, %mul3A_800 : i32
      %add3A_802 = arith.constant 3 : i32
      %add3A_803 = arith.addi %mul3A_801, %add3A_802 : i32
      %broadcast_in_dim3A_804 = arith.constant 0.000000e+00 : f32
      %broadcast_in_dim3A_805 = vector.broadcast %broadcast_in_dim3A_804 : f32 to vector<16xf32>
      %get3A_806 = arith.index_cast %add3A_803 : i32 to index
      %get3A_807 = arith.constant 0 : index
      %get3A_808 = tpu.vector_load %arg5[%get3A_806, %get3A_807] {strides = array<i32>} : memref<256x128xf32, #tpu.memory_space<vmem>>, vector<16xf32>,
      %mul3A_809 = arith.constant 3.16666675 : f32
      %mul3A_810 = vector.broadcast %mul3A_809 : f32 to vector<16xf32>
      %mul3A_811 = arith.mulf %get3A_808, %mul3A_810 : vector<16xf32>
      %add3A_812 = arith.constant 9.500000e+00 : f32
      %add3A_813 = vector.broadcast %add3A_812 : f32 to vector<16xf32>
      %add3A_814 = arith.addf %mul3A_811, %add3A_813 : vector<16xf32>
      %jit3A_815 = arith.constant 0.000000e+00 : f32
      %jit3A_816 = arith.constant 1.800000e+01 : f32
      %max3A_817 = vector.broadcast %jit3A_815 : f32 to vector<16xf32>
      %max3A_818 = arith.maximumf %max3A_817, %add3A_814 : vector<16xf32>
      %min3A_819 = vector.broadcast %jit3A_816 : f32 to vector<16xf32>
      %min3A_820 = arith.minimumf %min3A_819, %max3A_818 : vector<16xf32>
      %convert_element_type3A_821 = arith.fptosi %min3A_820 : vector<16xf32> to vector<16xi32>
      %mul3A_822 = arith.constant 128 : i32
      %mul3A_823 = vector.broadcast %mul3A_822 : i32 to vector<16xi32>
      %mul3A_824 = arith.muli %convert_element_type3A_821, %mul3A_823 : vector<16xi32>
      %add3A_825 = arith.constant 0 : i32
      %add3A_826 = vector.broadcast %add3A_825 : i32 to vector<16xi32>
      %add3A_827 = arith.addi %iota3A, %add3A_826 : vector<16xi32>
      %add3A_828 = arith.addi %mul3A_824, %add3A_827 : vector<16xi32>
      %gather3A_829 = tpu.vector_load_idx %arg8[%add3A_828] : memref<2560xf32, #tpu.memory_space<vmem>>[vector<16xi32>], vector<16xf32>,
      %gather3A_830 = tpu.vector_load_idx %arg7[%add3A_828] : memref<2560xf32, #tpu.memory_space<vmem>>[vector<16xi32>], vector<16xf32>,
      %mul3A_831 = arith.mulf %add3A_814, %gather3A_830 : vector<16xf32>
      %add3A_832 = arith.addf %gather3A_829, %mul3A_831 : vector<16xf32>
      %add3A_833 = arith.addf %broadcast_in_dim3A_805, %add3A_832 : vector<16xf32>
      %get3A_834 = arith.index_cast %add3A_803 : i32 to index
      %get3A_835 = arith.constant 16 : index
      %get3A_836 = tpu.vector_load %arg5[%get3A_834, %get3A_835] {strides = array<i32>} : memref<256x128xf32, #tpu.memory_space<vmem>>, vector<16xf32>,
      %mul3A_837 = arith.constant 3.16666675 : f32
      %mul3A_838 = vector.broadcast %mul3A_837 : f32 to vector<16xf32>
      %mul3A_839 = arith.mulf %get3A_836, %mul3A_838 : vector<16xf32>
      %add3A_840 = arith.constant 9.500000e+00 : f32
      %add3A_841 = vector.broadcast %add3A_840 : f32 to vector<16xf32>
      %add3A_842 = arith.addf %mul3A_839, %add3A_841 : vector<16xf32>
      %jit3A_843 = arith.constant 0.000000e+00 : f32
      %jit3A_844 = arith.constant 1.800000e+01 : f32
      %max3A_845 = vector.broadcast %jit3A_843 : f32 to vector<16xf32>
      %max3A_846 = arith.maximumf %max3A_845, %add3A_842 : vector<16xf32>
      %min3A_847 = vector.broadcast %jit3A_844 : f32 to vector<16xf32>
      %min3A_848 = arith.minimumf %min3A_847, %max3A_846 : vector<16xf32>
      %convert_element_type3A_849 = arith.fptosi %min3A_848 : vector<16xf32> to vector<16xi32>
      %mul3A_850 = arith.constant 128 : i32
      %mul3A_851 = vector.broadcast %mul3A_850 : i32 to vector<16xi32>
      %mul3A_852 = arith.muli %convert_element_type3A_849, %mul3A_851 : vector<16xi32>
      %add3A_853 = arith.constant 16 : i32
      %add3A_854 = vector.broadcast %add3A_853 : i32 to vector<16xi32>
      %add3A_855 = arith.addi %iota3A, %add3A_854 : vector<16xi32>
      %add3A_856 = arith.addi %mul3A_852, %add3A_855 : vector<16xi32>
      %gather3A_857 = tpu.vector_load_idx %arg8[%add3A_856] : memref<2560xf32, #tpu.memory_space<vmem>>[vector<16xi32>], vector<16xf32>,
      %gather3A_858 = tpu.vector_load_idx %arg7[%add3A_856] : memref<2560xf32, #tpu.memory_space<vmem>>[vector<16xi32>], vector<16xf32>,
      %mul3A_859 = arith.mulf %add3A_842, %gather3A_858 : vector<16xf32>
      %add3A_860 = arith.addf %gather3A_857, %mul3A_859 : vector<16xf32>
      %add3A_861 = arith.addf %add3A_833, %add3A_860 : vector<16xf32>
      %get3A_862 = arith.index_cast %add3A_803 : i32 to index
      %get3A_863 = arith.constant 32 : index
      %get3A_864 = tpu.vector_load %arg5[%get3A_862, %get3A_863] {strides = array<i32>} : memref<256x128xf32, #tpu.memory_space<vmem>>, vector<16xf32>,
      %mul3A_865 = arith.constant 3.16666675 : f32
      %mul3A_866 = vector.broadcast %mul3A_865 : f32 to vector<16xf32>
      %mul3A_867 = arith.mulf %get3A_864, %mul3A_866 : vector<16xf32>
      %add3A_868 = arith.constant 9.500000e+00 : f32
      %add3A_869 = vector.broadcast %add3A_868 : f32 to vector<16xf32>
      %add3A_870 = arith.addf %mul3A_867, %add3A_869 : vector<16xf32>
      %jit3A_871 = arith.constant 0.000000e+00 : f32
      %jit3A_872 = arith.constant 1.800000e+01 : f32
      %max3A_873 = vector.broadcast %jit3A_871 : f32 to vector<16xf32>
      %max3A_874 = arith.maximumf %max3A_873, %add3A_870 : vector<16xf32>
      %min3A_875 = vector.broadcast %jit3A_872 : f32 to vector<16xf32>
      %min3A_876 = arith.minimumf %min3A_875, %max3A_874 : vector<16xf32>
      %convert_element_type3A_877 = arith.fptosi %min3A_876 : vector<16xf32> to vector<16xi32>
      %mul3A_878 = arith.constant 128 : i32
      %mul3A_879 = vector.broadcast %mul3A_878 : i32 to vector<16xi32>
      %mul3A_880 = arith.muli %convert_element_type3A_877, %mul3A_879 : vector<16xi32>
      %add3A_881 = arith.constant 32 : i32
      %add3A_882 = vector.broadcast %add3A_881 : i32 to vector<16xi32>
      %add3A_883 = arith.addi %iota3A, %add3A_882 : vector<16xi32>
      %add3A_884 = arith.addi %mul3A_880, %add3A_883 : vector<16xi32>
      %gather3A_885 = tpu.vector_load_idx %arg8[%add3A_884] : memref<2560xf32, #tpu.memory_space<vmem>>[vector<16xi32>], vector<16xf32>,
      %gather3A_886 = tpu.vector_load_idx %arg7[%add3A_884] : memref<2560xf32, #tpu.memory_space<vmem>>[vector<16xi32>], vector<16xf32>,
      %mul3A_887 = arith.mulf %add3A_870, %gather3A_886 : vector<16xf32>
      %add3A_888 = arith.addf %gather3A_885, %mul3A_887 : vector<16xf32>
      %add3A_889 = arith.addf %add3A_861, %add3A_888 : vector<16xf32>
      %get3A_890 = arith.index_cast %add3A_803 : i32 to index
      %get3A_891 = arith.constant 48 : index
      %get3A_892 = tpu.vector_load %arg5[%get3A_890, %get3A_891] {strides = array<i32>} : memref<256x128xf32, #tpu.memory_space<vmem>>, vector<16xf32>,
      %mul3A_893 = arith.constant 3.16666675 : f32
      %mul3A_894 = vector.broadcast %mul3A_893 : f32 to vector<16xf32>
      %mul3A_895 = arith.mulf %get3A_892, %mul3A_894 : vector<16xf32>
      %add3A_896 = arith.constant 9.500000e+00 : f32
      %add3A_897 = vector.broadcast %add3A_896 : f32 to vector<16xf32>
      %add3A_898 = arith.addf %mul3A_895, %add3A_897 : vector<16xf32>
      %jit3A_899 = arith.constant 0.000000e+00 : f32
      %jit3A_900 = arith.constant 1.800000e+01 : f32
      %max3A_901 = vector.broadcast %jit3A_899 : f32 to vector<16xf32>
      %max3A_902 = arith.maximumf %max3A_901, %add3A_898 : vector<16xf32>
      %min3A_903 = vector.broadcast %jit3A_900 : f32 to vector<16xf32>
      %min3A_904 = arith.minimumf %min3A_903, %max3A_902 : vector<16xf32>
      %convert_element_type3A_905 = arith.fptosi %min3A_904 : vector<16xf32> to vector<16xi32>
      %mul3A_906 = arith.constant 128 : i32
      %mul3A_907 = vector.broadcast %mul3A_906 : i32 to vector<16xi32>
      %mul3A_908 = arith.muli %convert_element_type3A_905, %mul3A_907 : vector<16xi32>
      %add3A_909 = arith.constant 48 : i32
      %add3A_910 = vector.broadcast %add3A_909 : i32 to vector<16xi32>
      %add3A_911 = arith.addi %iota3A, %add3A_910 : vector<16xi32>
      %add3A_912 = arith.addi %mul3A_908, %add3A_911 : vector<16xi32>
      %gather3A_913 = tpu.vector_load_idx %arg8[%add3A_912] : memref<2560xf32, #tpu.memory_space<vmem>>[vector<16xi32>], vector<16xf32>,
      %gather3A_914 = tpu.vector_load_idx %arg7[%add3A_912] : memref<2560xf32, #tpu.memory_space<vmem>>[vector<16xi32>], vector<16xf32>,
      %mul3A_915 = arith.mulf %add3A_898, %gather3A_914 : vector<16xf32>
      %add3A_916 = arith.addf %gather3A_913, %mul3A_915 : vector<16xf32>
      %add3A_917 = arith.addf %add3A_889, %add3A_916 : vector<16xf32>
      %get3A_918 = arith.index_cast %add3A_803 : i32 to index
      %get3A_919 = arith.constant 64 : index
      %get3A_920 = tpu.vector_load %arg5[%get3A_918, %get3A_919] {strides = array<i32>} : memref<256x128xf32, #tpu.memory_space<vmem>>, vector<16xf32>,
      %mul3A_921 = arith.constant 3.16666675 : f32
      %mul3A_922 = vector.broadcast %mul3A_921 : f32 to vector<16xf32>
      %mul3A_923 = arith.mulf %get3A_920, %mul3A_922 : vector<16xf32>
      %add3A_924 = arith.constant 9.500000e+00 : f32
      %add3A_925 = vector.broadcast %add3A_924 : f32 to vector<16xf32>
      %add3A_926 = arith.addf %mul3A_923, %add3A_925 : vector<16xf32>
      %jit3A_927 = arith.constant 0.000000e+00 : f32
      %jit3A_928 = arith.constant 1.800000e+01 : f32
      %max3A_929 = vector.broadcast %jit3A_927 : f32 to vector<16xf32>
      %max3A_930 = arith.maximumf %max3A_929, %add3A_926 : vector<16xf32>
      %min3A_931 = vector.broadcast %jit3A_928 : f32 to vector<16xf32>
      %min3A_932 = arith.minimumf %min3A_931, %max3A_930 : vector<16xf32>
      %convert_element_type3A_933 = arith.fptosi %min3A_932 : vector<16xf32> to vector<16xi32>
      %mul3A_934 = arith.constant 128 : i32
      %mul3A_935 = vector.broadcast %mul3A_934 : i32 to vector<16xi32>
      %mul3A_936 = arith.muli %convert_element_type3A_933, %mul3A_935 : vector<16xi32>
      %add3A_937 = arith.constant 64 : i32
      %add3A_938 = vector.broadcast %add3A_937 : i32 to vector<16xi32>
      %add3A_939 = arith.addi %iota3A, %add3A_938 : vector<16xi32>
      %add3A_940 = arith.addi %mul3A_936, %add3A_939 : vector<16xi32>
      %gather3A_941 = tpu.vector_load_idx %arg8[%add3A_940] : memref<2560xf32, #tpu.memory_space<vmem>>[vector<16xi32>], vector<16xf32>,
      %gather3A_942 = tpu.vector_load_idx %arg7[%add3A_940] : memref<2560xf32, #tpu.memory_space<vmem>>[vector<16xi32>], vector<16xf32>,
      %mul3A_943 = arith.mulf %add3A_926, %gather3A_942 : vector<16xf32>
      %add3A_944 = arith.addf %gather3A_941, %mul3A_943 : vector<16xf32>
      %add3A_945 = arith.addf %add3A_917, %add3A_944 : vector<16xf32>
      %get3A_946 = arith.index_cast %add3A_803 : i32 to index
      %get3A_947 = arith.constant 80 : index
      %get3A_948 = tpu.vector_load %arg5[%get3A_946, %get3A_947] {strides = array<i32>} : memref<256x128xf32, #tpu.memory_space<vmem>>, vector<16xf32>,
      %mul3A_949 = arith.constant 3.16666675 : f32
      %mul3A_950 = vector.broadcast %mul3A_949 : f32 to vector<16xf32>
      %mul3A_951 = arith.mulf %get3A_948, %mul3A_950 : vector<16xf32>
      %add3A_952 = arith.constant 9.500000e+00 : f32
      %add3A_953 = vector.broadcast %add3A_952 : f32 to vector<16xf32>
      %add3A_954 = arith.addf %mul3A_951, %add3A_953 : vector<16xf32>
      %jit3A_955 = arith.constant 0.000000e+00 : f32
      %jit3A_956 = arith.constant 1.800000e+01 : f32
      %max3A_957 = vector.broadcast %jit3A_955 : f32 to vector<16xf32>
      %max3A_958 = arith.maximumf %max3A_957, %add3A_954 : vector<16xf32>
      %min3A_959 = vector.broadcast %jit3A_956 : f32 to vector<16xf32>
      %min3A_960 = arith.minimumf %min3A_959, %max3A_958 : vector<16xf32>
      %convert_element_type3A_961 = arith.fptosi %min3A_960 : vector<16xf32> to vector<16xi32>
      %mul3A_962 = arith.constant 128 : i32
      %mul3A_963 = vector.broadcast %mul3A_962 : i32 to vector<16xi32>
      %mul3A_964 = arith.muli %convert_element_type3A_961, %mul3A_963 : vector<16xi32>
      %add3A_965 = arith.constant 80 : i32
      %add3A_966 = vector.broadcast %add3A_965 : i32 to vector<16xi32>
      %add3A_967 = arith.addi %iota3A, %add3A_966 : vector<16xi32>
      %add3A_968 = arith.addi %mul3A_964, %add3A_967 : vector<16xi32>
      %gather3A_969 = tpu.vector_load_idx %arg8[%add3A_968] : memref<2560xf32, #tpu.memory_space<vmem>>[vector<16xi32>], vector<16xf32>,
      %gather3A_970 = tpu.vector_load_idx %arg7[%add3A_968] : memref<2560xf32, #tpu.memory_space<vmem>>[vector<16xi32>], vector<16xf32>,
      %mul3A_971 = arith.mulf %add3A_954, %gather3A_970 : vector<16xf32>
      %add3A_972 = arith.addf %gather3A_969, %mul3A_971 : vector<16xf32>
      %add3A_973 = arith.addf %add3A_945, %add3A_972 : vector<16xf32>
      %get3A_974 = arith.index_cast %add3A_803 : i32 to index
      %get3A_975 = arith.constant 96 : index
      %get3A_976 = tpu.vector_load %arg5[%get3A_974, %get3A_975] {strides = array<i32>} : memref<256x128xf32, #tpu.memory_space<vmem>>, vector<16xf32>,
      %mul3A_977 = arith.constant 3.16666675 : f32
      %mul3A_978 = vector.broadcast %mul3A_977 : f32 to vector<16xf32>
      %mul3A_979 = arith.mulf %get3A_976, %mul3A_978 : vector<16xf32>
      %add3A_980 = arith.constant 9.500000e+00 : f32
      %add3A_981 = vector.broadcast %add3A_980 : f32 to vector<16xf32>
      %add3A_982 = arith.addf %mul3A_979, %add3A_981 : vector<16xf32>
      %jit3A_983 = arith.constant 0.000000e+00 : f32
      %jit3A_984 = arith.constant 1.800000e+01 : f32
      %max3A_985 = vector.broadcast %jit3A_983 : f32 to vector<16xf32>
      %max3A_986 = arith.maximumf %max3A_985, %add3A_982 : vector<16xf32>
      %min3A_987 = vector.broadcast %jit3A_984 : f32 to vector<16xf32>
      %min3A_988 = arith.minimumf %min3A_987, %max3A_986 : vector<16xf32>
      %convert_element_type3A_989 = arith.fptosi %min3A_988 : vector<16xf32> to vector<16xi32>
      %mul3A_990 = arith.constant 128 : i32
      %mul3A_991 = vector.broadcast %mul3A_990 : i32 to vector<16xi32>
      %mul3A_992 = arith.muli %convert_element_type3A_989, %mul3A_991 : vector<16xi32>
      %add3A_993 = arith.constant 96 : i32
      %add3A_994 = vector.broadcast %add3A_993 : i32 to vector<16xi32>
      %add3A_995 = arith.addi %iota3A, %add3A_994 : vector<16xi32>
      %add3A_996 = arith.addi %mul3A_992, %add3A_995 : vector<16xi32>
      %gather3A_997 = tpu.vector_load_idx %arg8[%add3A_996] : memref<2560xf32, #tpu.memory_space<vmem>>[vector<16xi32>], vector<16xf32>,
      %gather3A_998 = tpu.vector_load_idx %arg7[%add3A_996] : memref<2560xf32, #tpu.memory_space<vmem>>[vector<16xi32>], vector<16xf32>,
      %mul3A_999 = arith.mulf %add3A_982, %gather3A_998 : vector<16xf32>
      %add3A_1000 = arith.addf %gather3A_997, %mul3A_999 : vector<16xf32>
      %add3A_1001 = arith.addf %add3A_973, %add3A_1000 : vector<16xf32>
      %get3A_1002 = arith.index_cast %add3A_803 : i32 to index
      %get3A_1003 = arith.constant 112 : index
      %get3A_1004 = tpu.vector_load %arg5[%get3A_1002, %get3A_1003] {strides = array<i32>} : memref<256x128xf32, #tpu.memory_space<vmem>>, vector<16xf32>,
      %mul3A_1005 = arith.constant 3.16666675 : f32
      %mul3A_1006 = vector.broadcast %mul3A_1005 : f32 to vector<16xf32>
      %mul3A_1007 = arith.mulf %get3A_1004, %mul3A_1006 : vector<16xf32>
      %add3A_1008 = arith.constant 9.500000e+00 : f32
      %add3A_1009 = vector.broadcast %add3A_1008 : f32 to vector<16xf32>
      %add3A_1010 = arith.addf %mul3A_1007, %add3A_1009 : vector<16xf32>
      %jit3A_1011 = arith.constant 0.000000e+00 : f32
      %jit3A_1012 = arith.constant 1.800000e+01 : f32
      %max3A_1013 = vector.broadcast %jit3A_1011 : f32 to vector<16xf32>
      %max3A_1014 = arith.maximumf %max3A_1013, %add3A_1010 : vector<16xf32>
      %min3A_1015 = vector.broadcast %jit3A_1012 : f32 to vector<16xf32>
      %min3A_1016 = arith.minimumf %min3A_1015, %max3A_1014 : vector<16xf32>
      %convert_element_type3A_1017 = arith.fptosi %min3A_1016 : vector<16xf32> to vector<16xi32>
      %mul3A_1018 = arith.constant 128 : i32
      %mul3A_1019 = vector.broadcast %mul3A_1018 : i32 to vector<16xi32>
      %mul3A_1020 = arith.muli %convert_element_type3A_1017, %mul3A_1019 : vector<16xi32>
      %add3A_1021 = arith.constant 112 : i32
      %add3A_1022 = vector.broadcast %add3A_1021 : i32 to vector<16xi32>
      %add3A_1023 = arith.addi %iota3A, %add3A_1022 : vector<16xi32>
      %add3A_1024 = arith.addi %mul3A_1020, %add3A_1023 : vector<16xi32>
      %gather3A_1025 = tpu.vector_load_idx %arg8[%add3A_1024] : memref<2560xf32, #tpu.memory_space<vmem>>[vector<16xi32>], vector<16xf32>,
      %gather3A_1026 = tpu.vector_load_idx %arg7[%add3A_1024] : memref<2560xf32, #tpu.memory_space<vmem>>[vector<16xi32>], vector<16xf32>,
      %mul3A_1027 = arith.mulf %add3A_1010, %gather3A_1026 : vector<16xf32>
      %add3A_1028 = arith.addf %gather3A_1025, %mul3A_1027 : vector<16xf32>
      %add3A_1029 = arith.addf %add3A_1001, %add3A_1028 : vector<16xf32>
      %eq3A_1030 = arith.constant 3 : i32
      %eq3A_1031 = vector.broadcast %eq3A_1030 : i32 to vector<16xi32>
      %eq3A_1032 = arith.cmpi eq, %iota3A, %eq3A_1031 : vector<16xi32>
      %reduce_sum3A_1033 = arith.constant true
      %reduce_sum3A_1034 = vector.broadcast %reduce_sum3A_1033 : i1 to vector<16xi1>
      %reduce_sum3A_1035 = tpu.scan <sum>, %add3A_1029 masked %reduce_sum3A_1034 : vector<16xf32>, vector<16xi1> -> vector<16xf32>
      %reduce_sum3A_1036 = vector.extract %reduce_sum3A_1035[15] : f32 from vector<16xf32>
      %broadcast_in_dim3A_1037 = vector.broadcast %reduce_sum3A_1036 : f32 to vector<16xf32>
      %select_n3A_1038 = arith.select %eq3A_1032, %broadcast_in_dim3A_1037, %select_n3A_799 : vector<16xi1>, vector<16xf32>
      %mul3A_1039 = arith.constant 16 : i32
      %mul3A_1040 = arith.muli %add3A_71, %mul3A_1039 : i32
      %add3A_1041 = arith.constant 4 : i32
      %add3A_1042 = arith.addi %mul3A_1040, %add3A_1041 : i32
      %broadcast_in_dim3A_1043 = arith.constant 0.000000e+00 : f32
      %broadcast_in_dim3A_1044 = vector.broadcast %broadcast_in_dim3A_1043 : f32 to vector<16xf32>
      %get3A_1045 = arith.index_cast %add3A_1042 : i32 to index
      %get3A_1046 = arith.constant 0 : index
      %get3A_1047 = tpu.vector_load %arg5[%get3A_1045, %get3A_1046] {strides = array<i32>} : memref<256x128xf32, #tpu.memory_space<vmem>>, vector<16xf32>,
      %mul3A_1048 = arith.constant 3.16666675 : f32
      %mul3A_1049 = vector.broadcast %mul3A_1048 : f32 to vector<16xf32>
      %mul3A_1050 = arith.mulf %get3A_1047, %mul3A_1049 : vector<16xf32>
      %add3A_1051 = arith.constant 9.500000e+00 : f32
      %add3A_1052 = vector.broadcast %add3A_1051 : f32 to vector<16xf32>
      %add3A_1053 = arith.addf %mul3A_1050, %add3A_1052 : vector<16xf32>
      %jit3A_1054 = arith.constant 0.000000e+00 : f32
      %jit3A_1055 = arith.constant 1.800000e+01 : f32
      %max3A_1056 = vector.broadcast %jit3A_1054 : f32 to vector<16xf32>
      %max3A_1057 = arith.maximumf %max3A_1056, %add3A_1053 : vector<16xf32>
      %min3A_1058 = vector.broadcast %jit3A_1055 : f32 to vector<16xf32>
      %min3A_1059 = arith.minimumf %min3A_1058, %max3A_1057 : vector<16xf32>
      %convert_element_type3A_1060 = arith.fptosi %min3A_1059 : vector<16xf32> to vector<16xi32>
      %mul3A_1061 = arith.constant 128 : i32
      %mul3A_1062 = vector.broadcast %mul3A_1061 : i32 to vector<16xi32>
      %mul3A_1063 = arith.muli %convert_element_type3A_1060, %mul3A_1062 : vector<16xi32>
      %add3A_1064 = arith.constant 0 : i32
      %add3A_1065 = vector.broadcast %add3A_1064 : i32 to vector<16xi32>
      %add3A_1066 = arith.addi %iota3A, %add3A_1065 : vector<16xi32>
      %add3A_1067 = arith.addi %mul3A_1063, %add3A_1066 : vector<16xi32>
      %gather3A_1068 = tpu.vector_load_idx %arg8[%add3A_1067] : memref<2560xf32, #tpu.memory_space<vmem>>[vector<16xi32>], vector<16xf32>,
      %gather3A_1069 = tpu.vector_load_idx %arg7[%add3A_1067] : memref<2560xf32, #tpu.memory_space<vmem>>[vector<16xi32>], vector<16xf32>,
      %mul3A_1070 = arith.mulf %add3A_1053, %gather3A_1069 : vector<16xf32>
      %add3A_1071 = arith.addf %gather3A_1068, %mul3A_1070 : vector<16xf32>
      %add3A_1072 = arith.addf %broadcast_in_dim3A_1044, %add3A_1071 : vector<16xf32>
      %get3A_1073 = arith.index_cast %add3A_1042 : i32 to index
      %get3A_1074 = arith.constant 16 : index
      %get3A_1075 = tpu.vector_load %arg5[%get3A_1073, %get3A_1074] {strides = array<i32>} : memref<256x128xf32, #tpu.memory_space<vmem>>, vector<16xf32>,
      %mul3A_1076 = arith.constant 3.16666675 : f32
      %mul3A_1077 = vector.broadcast %mul3A_1076 : f32 to vector<16xf32>
      %mul3A_1078 = arith.mulf %get3A_1075, %mul3A_1077 : vector<16xf32>
      %add3A_1079 = arith.constant 9.500000e+00 : f32
      %add3A_1080 = vector.broadcast %add3A_1079 : f32 to vector<16xf32>
      %add3A_1081 = arith.addf %mul3A_1078, %add3A_1080 : vector<16xf32>
      %jit3A_1082 = arith.constant 0.000000e+00 : f32
      %jit3A_1083 = arith.constant 1.800000e+01 : f32
      %max3A_1084 = vector.broadcast %jit3A_1082 : f32 to vector<16xf32>
      %max3A_1085 = arith.maximumf %max3A_1084, %add3A_1081 : vector<16xf32>
      %min3A_1086 = vector.broadcast %jit3A_1083 : f32 to vector<16xf32>
      %min3A_1087 = arith.minimumf %min3A_1086, %max3A_1085 : vector<16xf32>
      %convert_element_type3A_1088 = arith.fptosi %min3A_1087 : vector<16xf32> to vector<16xi32>
      %mul3A_1089 = arith.constant 128 : i32
      %mul3A_1090 = vector.broadcast %mul3A_1089 : i32 to vector<16xi32>
      %mul3A_1091 = arith.muli %convert_element_type3A_1088, %mul3A_1090 : vector<16xi32>
      %add3A_1092 = arith.constant 16 : i32
      %add3A_1093 = vector.broadcast %add3A_1092 : i32 to vector<16xi32>
      %add3A_1094 = arith.addi %iota3A, %add3A_1093 : vector<16xi32>
      %add3A_1095 = arith.addi %mul3A_1091, %add3A_1094 : vector<16xi32>
      %gather3A_1096 = tpu.vector_load_idx %arg8[%add3A_1095] : memref<2560xf32, #tpu.memory_space<vmem>>[vector<16xi32>], vector<16xf32>,
      %gather3A_1097 = tpu.vector_load_idx %arg7[%add3A_1095] : memref<2560xf32, #tpu.memory_space<vmem>>[vector<16xi32>], vector<16xf32>,
      %mul3A_1098 = arith.mulf %add3A_1081, %gather3A_1097 : vector<16xf32>
      %add3A_1099 = arith.addf %gather3A_1096, %mul3A_1098 : vector<16xf32>
      %add3A_1100 = arith.addf %add3A_1072, %add3A_1099 : vector<16xf32>
      %get3A_1101 = arith.index_cast %add3A_1042 : i32 to index
      %get3A_1102 = arith.constant 32 : index
      %get3A_1103 = tpu.vector_load %arg5[%get3A_1101, %get3A_1102] {strides = array<i32>} : memref<256x128xf32, #tpu.memory_space<vmem>>, vector<16xf32>,
      %mul3A_1104 = arith.constant 3.16666675 : f32
      %mul3A_1105 = vector.broadcast %mul3A_1104 : f32 to vector<16xf32>
      %mul3A_1106 = arith.mulf %get3A_1103, %mul3A_1105 : vector<16xf32>
      %add3A_1107 = arith.constant 9.500000e+00 : f32
      %add3A_1108 = vector.broadcast %add3A_1107 : f32 to vector<16xf32>
      %add3A_1109 = arith.addf %mul3A_1106, %add3A_1108 : vector<16xf32>
      %jit3A_1110 = arith.constant 0.000000e+00 : f32
      %jit3A_1111 = arith.constant 1.800000e+01 : f32
      %max3A_1112 = vector.broadcast %jit3A_1110 : f32 to vector<16xf32>
      %max3A_1113 = arith.maximumf %max3A_1112, %add3A_1109 : vector<16xf32>
      %min3A_1114 = vector.broadcast %jit3A_1111 : f32 to vector<16xf32>
      %min3A_1115 = arith.minimumf %min3A_1114, %max3A_1113 : vector<16xf32>
      %convert_element_type3A_1116 = arith.fptosi %min3A_1115 : vector<16xf32> to vector<16xi32>
      %mul3A_1117 = arith.constant 128 : i32
      %mul3A_1118 = vector.broadcast %mul3A_1117 : i32 to vector<16xi32>
      %mul3A_1119 = arith.muli %convert_element_type3A_1116, %mul3A_1118 : vector<16xi32>
      %add3A_1120 = arith.constant 32 : i32
      %add3A_1121 = vector.broadcast %add3A_1120 : i32 to vector<16xi32>
      %add3A_1122 = arith.addi %iota3A, %add3A_1121 : vector<16xi32>
      %add3A_1123 = arith.addi %mul3A_1119, %add3A_1122 : vector<16xi32>
      %gather3A_1124 = tpu.vector_load_idx %arg8[%add3A_1123] : memref<2560xf32, #tpu.memory_space<vmem>>[vector<16xi32>], vector<16xf32>,
      %gather3A_1125 = tpu.vector_load_idx %arg7[%add3A_1123] : memref<2560xf32, #tpu.memory_space<vmem>>[vector<16xi32>], vector<16xf32>,
      %mul3A_1126 = arith.mulf %add3A_1109, %gather3A_1125 : vector<16xf32>
      %add3A_1127 = arith.addf %gather3A_1124, %mul3A_1126 : vector<16xf32>
      %add3A_1128 = arith.addf %add3A_1100, %add3A_1127 : vector<16xf32>
      %get3A_1129 = arith.index_cast %add3A_1042 : i32 to index
      %get3A_1130 = arith.constant 48 : index
      %get3A_1131 = tpu.vector_load %arg5[%get3A_1129, %get3A_1130] {strides = array<i32>} : memref<256x128xf32, #tpu.memory_space<vmem>>, vector<16xf32>,
      %mul3A_1132 = arith.constant 3.16666675 : f32
      %mul3A_1133 = vector.broadcast %mul3A_1132 : f32 to vector<16xf32>
      %mul3A_1134 = arith.mulf %get3A_1131, %mul3A_1133 : vector<16xf32>
      %add3A_1135 = arith.constant 9.500000e+00 : f32
      %add3A_1136 = vector.broadcast %add3A_1135 : f32 to vector<16xf32>
      %add3A_1137 = arith.addf %mul3A_1134, %add3A_1136 : vector<16xf32>
      %jit3A_1138 = arith.constant 0.000000e+00 : f32
      %jit3A_1139 = arith.constant 1.800000e+01 : f32
      %max3A_1140 = vector.broadcast %jit3A_1138 : f32 to vector<16xf32>
      %max3A_1141 = arith.maximumf %max3A_1140, %add3A_1137 : vector<16xf32>
      %min3A_1142 = vector.broadcast %jit3A_1139 : f32 to vector<16xf32>
      %min3A_1143 = arith.minimumf %min3A_1142, %max3A_1141 : vector<16xf32>
      %convert_element_type3A_1144 = arith.fptosi %min3A_1143 : vector<16xf32> to vector<16xi32>
      %mul3A_1145 = arith.constant 128 : i32
      %mul3A_1146 = vector.broadcast %mul3A_1145 : i32 to vector<16xi32>
      %mul3A_1147 = arith.muli %convert_element_type3A_1144, %mul3A_1146 : vector<16xi32>
      %add3A_1148 = arith.constant 48 : i32
      %add3A_1149 = vector.broadcast %add3A_1148 : i32 to vector<16xi32>
      %add3A_1150 = arith.addi %iota3A, %add3A_1149 : vector<16xi32>
      %add3A_1151 = arith.addi %mul3A_1147, %add3A_1150 : vector<16xi32>
      %gather3A_1152 = tpu.vector_load_idx %arg8[%add3A_1151] : memref<2560xf32, #tpu.memory_space<vmem>>[vector<16xi32>], vector<16xf32>,
      %gather3A_1153 = tpu.vector_load_idx %arg7[%add3A_1151] : memref<2560xf32, #tpu.memory_space<vmem>>[vector<16xi32>], vector<16xf32>,
      %mul3A_1154 = arith.mulf %add3A_1137, %gather3A_1153 : vector<16xf32>
      %add3A_1155 = arith.addf %gather3A_1152, %mul3A_1154 : vector<16xf32>
      %add3A_1156 = arith.addf %add3A_1128, %add3A_1155 : vector<16xf32>
      %get3A_1157 = arith.index_cast %add3A_1042 : i32 to index
      %get3A_1158 = arith.constant 64 : index
      %get3A_1159 = tpu.vector_load %arg5[%get3A_1157, %get3A_1158] {strides = array<i32>} : memref<256x128xf32, #tpu.memory_space<vmem>>, vector<16xf32>,
      %mul3A_1160 = arith.constant 3.16666675 : f32
      %mul3A_1161 = vector.broadcast %mul3A_1160 : f32 to vector<16xf32>
      %mul3A_1162 = arith.mulf %get3A_1159, %mul3A_1161 : vector<16xf32>
      %add3A_1163 = arith.constant 9.500000e+00 : f32
      %add3A_1164 = vector.broadcast %add3A_1163 : f32 to vector<16xf32>
      %add3A_1165 = arith.addf %mul3A_1162, %add3A_1164 : vector<16xf32>
      %jit3A_1166 = arith.constant 0.000000e+00 : f32
      %jit3A_1167 = arith.constant 1.800000e+01 : f32
      %max3A_1168 = vector.broadcast %jit3A_1166 : f32 to vector<16xf32>
      %max3A_1169 = arith.maximumf %max3A_1168, %add3A_1165 : vector<16xf32>
      %min3A_1170 = vector.broadcast %jit3A_1167 : f32 to vector<16xf32>
      %min3A_1171 = arith.minimumf %min3A_1170, %max3A_1169 : vector<16xf32>
      %convert_element_type3A_1172 = arith.fptosi %min3A_1171 : vector<16xf32> to vector<16xi32>
      %mul3A_1173 = arith.constant 128 : i32
      %mul3A_1174 = vector.broadcast %mul3A_1173 : i32 to vector<16xi32>
      %mul3A_1175 = arith.muli %convert_element_type3A_1172, %mul3A_1174 : vector<16xi32>
      %add3A_1176 = arith.constant 64 : i32
      %add3A_1177 = vector.broadcast %add3A_1176 : i32 to vector<16xi32>
      %add3A_1178 = arith.addi %iota3A, %add3A_1177 : vector<16xi32>
      %add3A_1179 = arith.addi %mul3A_1175, %add3A_1178 : vector<16xi32>
      %gather3A_1180 = tpu.vector_load_idx %arg8[%add3A_1179] : memref<2560xf32, #tpu.memory_space<vmem>>[vector<16xi32>], vector<16xf32>,
      %gather3A_1181 = tpu.vector_load_idx %arg7[%add3A_1179] : memref<2560xf32, #tpu.memory_space<vmem>>[vector<16xi32>], vector<16xf32>,
      %mul3A_1182 = arith.mulf %add3A_1165, %gather3A_1181 : vector<16xf32>
      %add3A_1183 = arith.addf %gather3A_1180, %mul3A_1182 : vector<16xf32>
      %add3A_1184 = arith.addf %add3A_1156, %add3A_1183 : vector<16xf32>
      %get3A_1185 = arith.index_cast %add3A_1042 : i32 to index
      %get3A_1186 = arith.constant 80 : index
      %get3A_1187 = tpu.vector_load %arg5[%get3A_1185, %get3A_1186] {strides = array<i32>} : memref<256x128xf32, #tpu.memory_space<vmem>>, vector<16xf32>,
      %mul3A_1188 = arith.constant 3.16666675 : f32
      %mul3A_1189 = vector.broadcast %mul3A_1188 : f32 to vector<16xf32>
      %mul3A_1190 = arith.mulf %get3A_1187, %mul3A_1189 : vector<16xf32>
      %add3A_1191 = arith.constant 9.500000e+00 : f32
      %add3A_1192 = vector.broadcast %add3A_1191 : f32 to vector<16xf32>
      %add3A_1193 = arith.addf %mul3A_1190, %add3A_1192 : vector<16xf32>
      %jit3A_1194 = arith.constant 0.000000e+00 : f32
      %jit3A_1195 = arith.constant 1.800000e+01 : f32
      %max3A_1196 = vector.broadcast %jit3A_1194 : f32 to vector<16xf32>
      %max3A_1197 = arith.maximumf %max3A_1196, %add3A_1193 : vector<16xf32>
      %min3A_1198 = vector.broadcast %jit3A_1195 : f32 to vector<16xf32>
      %min3A_1199 = arith.minimumf %min3A_1198, %max3A_1197 : vector<16xf32>
      %convert_element_type3A_1200 = arith.fptosi %min3A_1199 : vector<16xf32> to vector<16xi32>
      %mul3A_1201 = arith.constant 128 : i32
      %mul3A_1202 = vector.broadcast %mul3A_1201 : i32 to vector<16xi32>
      %mul3A_1203 = arith.muli %convert_element_type3A_1200, %mul3A_1202 : vector<16xi32>
      %add3A_1204 = arith.constant 80 : i32
      %add3A_1205 = vector.broadcast %add3A_1204 : i32 to vector<16xi32>
      %add3A_1206 = arith.addi %iota3A, %add3A_1205 : vector<16xi32>
      %add3A_1207 = arith.addi %mul3A_1203, %add3A_1206 : vector<16xi32>
      %gather3A_1208 = tpu.vector_load_idx %arg8[%add3A_1207] : memref<2560xf32, #tpu.memory_space<vmem>>[vector<16xi32>], vector<16xf32>,
      %gather3A_1209 = tpu.vector_load_idx %arg7[%add3A_1207] : memref<2560xf32, #tpu.memory_space<vmem>>[vector<16xi32>], vector<16xf32>,
      %mul3A_1210 = arith.mulf %add3A_1193, %gather3A_1209 : vector<16xf32>
      %add3A_1211 = arith.addf %gather3A_1208, %mul3A_1210 : vector<16xf32>
      %add3A_1212 = arith.addf %add3A_1184, %add3A_1211 : vector<16xf32>
      %get3A_1213 = arith.index_cast %add3A_1042 : i32 to index
      %get3A_1214 = arith.constant 96 : index
      %get3A_1215 = tpu.vector_load %arg5[%get3A_1213, %get3A_1214] {strides = array<i32>} : memref<256x128xf32, #tpu.memory_space<vmem>>, vector<16xf32>,
      %mul3A_1216 = arith.constant 3.16666675 : f32
      %mul3A_1217 = vector.broadcast %mul3A_1216 : f32 to vector<16xf32>
      %mul3A_1218 = arith.mulf %get3A_1215, %mul3A_1217 : vector<16xf32>
      %add3A_1219 = arith.constant 9.500000e+00 : f32
      %add3A_1220 = vector.broadcast %add3A_1219 : f32 to vector<16xf32>
      %add3A_1221 = arith.addf %mul3A_1218, %add3A_1220 : vector<16xf32>
      %jit3A_1222 = arith.constant 0.000000e+00 : f32
      %jit3A_1223 = arith.constant 1.800000e+01 : f32
      %max3A_1224 = vector.broadcast %jit3A_1222 : f32 to vector<16xf32>
      %max3A_1225 = arith.maximumf %max3A_1224, %add3A_1221 : vector<16xf32>
      %min3A_1226 = vector.broadcast %jit3A_1223 : f32 to vector<16xf32>
      %min3A_1227 = arith.minimumf %min3A_1226, %max3A_1225 : vector<16xf32>
      %convert_element_type3A_1228 = arith.fptosi %min3A_1227 : vector<16xf32> to vector<16xi32>
      %mul3A_1229 = arith.constant 128 : i32
      %mul3A_1230 = vector.broadcast %mul3A_1229 : i32 to vector<16xi32>
      %mul3A_1231 = arith.muli %convert_element_type3A_1228, %mul3A_1230 : vector<16xi32>
      %add3A_1232 = arith.constant 96 : i32
      %add3A_1233 = vector.broadcast %add3A_1232 : i32 to vector<16xi32>
      %add3A_1234 = arith.addi %iota3A, %add3A_1233 : vector<16xi32>
      %add3A_1235 = arith.addi %mul3A_1231, %add3A_1234 : vector<16xi32>
      %gather3A_1236 = tpu.vector_load_idx %arg8[%add3A_1235] : memref<2560xf32, #tpu.memory_space<vmem>>[vector<16xi32>], vector<16xf32>,
      %gather3A_1237 = tpu.vector_load_idx %arg7[%add3A_1235] : memref<2560xf32, #tpu.memory_space<vmem>>[vector<16xi32>], vector<16xf32>,
      %mul3A_1238 = arith.mulf %add3A_1221, %gather3A_1237 : vector<16xf32>
      %add3A_1239 = arith.addf %gather3A_1236, %mul3A_1238 : vector<16xf32>
      %add3A_1240 = arith.addf %add3A_1212, %add3A_1239 : vector<16xf32>
      %get3A_1241 = arith.index_cast %add3A_1042 : i32 to index
      %get3A_1242 = arith.constant 112 : index
      %get3A_1243 = tpu.vector_load %arg5[%get3A_1241, %get3A_1242] {strides = array<i32>} : memref<256x128xf32, #tpu.memory_space<vmem>>, vector<16xf32>,
      %mul3A_1244 = arith.constant 3.16666675 : f32
      %mul3A_1245 = vector.broadcast %mul3A_1244 : f32 to vector<16xf32>
      %mul3A_1246 = arith.mulf %get3A_1243, %mul3A_1245 : vector<16xf32>
      %add3A_1247 = arith.constant 9.500000e+00 : f32
      %add3A_1248 = vector.broadcast %add3A_1247 : f32 to vector<16xf32>
      %add3A_1249 = arith.addf %mul3A_1246, %add3A_1248 : vector<16xf32>
      %jit3A_1250 = arith.constant 0.000000e+00 : f32
      %jit3A_1251 = arith.constant 1.800000e+01 : f32
      %max3A_1252 = vector.broadcast %jit3A_1250 : f32 to vector<16xf32>
      %max3A_1253 = arith.maximumf %max3A_1252, %add3A_1249 : vector<16xf32>
      %min3A_1254 = vector.broadcast %jit3A_1251 : f32 to vector<16xf32>
      %min3A_1255 = arith.minimumf %min3A_1254, %max3A_1253 : vector<16xf32>
      %convert_element_type3A_1256 = arith.fptosi %min3A_1255 : vector<16xf32> to vector<16xi32>
      %mul3A_1257 = arith.constant 128 : i32
      %mul3A_1258 = vector.broadcast %mul3A_1257 : i32 to vector<16xi32>
      %mul3A_1259 = arith.muli %convert_element_type3A_1256, %mul3A_1258 : vector<16xi32>
      %add3A_1260 = arith.constant 112 : i32
      %add3A_1261 = vector.broadcast %add3A_1260 : i32 to vector<16xi32>
      %add3A_1262 = arith.addi %iota3A, %add3A_1261 : vector<16xi32>
      %add3A_1263 = arith.addi %mul3A_1259, %add3A_1262 : vector<16xi32>
      %gather3A_1264 = tpu.vector_load_idx %arg8[%add3A_1263] : memref<2560xf32, #tpu.memory_space<vmem>>[vector<16xi32>], vector<16xf32>,
      %gather3A_1265 = tpu.vector_load_idx %arg7[%add3A_1263] : memref<2560xf32, #tpu.memory_space<vmem>>[vector<16xi32>], vector<16xf32>,
      %mul3A_1266 = arith.mulf %add3A_1249, %gather3A_1265 : vector<16xf32>
      %add3A_1267 = arith.addf %gather3A_1264, %mul3A_1266 : vector<16xf32>
      %add3A_1268 = arith.addf %add3A_1240, %add3A_1267 : vector<16xf32>
      %eq3A_1269 = arith.constant 4 : i32
      %eq3A_1270 = vector.broadcast %eq3A_1269 : i32 to vector<16xi32>
      %eq3A_1271 = arith.cmpi eq, %iota3A, %eq3A_1270 : vector<16xi32>
      %reduce_sum3A_1272 = arith.constant true
      %reduce_sum3A_1273 = vector.broadcast %reduce_sum3A_1272 : i1 to vector<16xi1>
      %reduce_sum3A_1274 = tpu.scan <sum>, %add3A_1268 masked %reduce_sum3A_1273 : vector<16xf32>, vector<16xi1> -> vector<16xf32>
      %reduce_sum3A_1275 = vector.extract %reduce_sum3A_1274[15] : f32 from vector<16xf32>
      %broadcast_in_dim3A_1276 = vector.broadcast %reduce_sum3A_1275 : f32 to vector<16xf32>
      %select_n3A_1277 = arith.select %eq3A_1271, %broadcast_in_dim3A_1276, %select_n3A_1038 : vector<16xi1>, vector<16xf32>
      %mul3A_1278 = arith.constant 16 : i32
      %mul3A_1279 = arith.muli %add3A_71, %mul3A_1278 : i32
      %add3A_1280 = arith.constant 5 : i32
      %add3A_1281 = arith.addi %mul3A_1279, %add3A_1280 : i32
      %broadcast_in_dim3A_1282 = arith.constant 0.000000e+00 : f32
      %broadcast_in_dim3A_1283 = vector.broadcast %broadcast_in_dim3A_1282 : f32 to vector<16xf32>
      %get3A_1284 = arith.index_cast %add3A_1281 : i32 to index
      %get3A_1285 = arith.constant 0 : index
      %get3A_1286 = tpu.vector_load %arg5[%get3A_1284, %get3A_1285] {strides = array<i32>} : memref<256x128xf32, #tpu.memory_space<vmem>>, vector<16xf32>,
      %mul3A_1287 = arith.constant 3.16666675 : f32
      %mul3A_1288 = vector.broadcast %mul3A_1287 : f32 to vector<16xf32>
      %mul3A_1289 = arith.mulf %get3A_1286, %mul3A_1288 : vector<16xf32>
      %add3A_1290 = arith.constant 9.500000e+00 : f32
      %add3A_1291 = vector.broadcast %add3A_1290 : f32 to vector<16xf32>
      %add3A_1292 = arith.addf %mul3A_1289, %add3A_1291 : vector<16xf32>
      %jit3A_1293 = arith.constant 0.000000e+00 : f32
      %jit3A_1294 = arith.constant 1.800000e+01 : f32
      %max3A_1295 = vector.broadcast %jit3A_1293 : f32 to vector<16xf32>
      %max3A_1296 = arith.maximumf %max3A_1295, %add3A_1292 : vector<16xf32>
      %min3A_1297 = vector.broadcast %jit3A_1294 : f32 to vector<16xf32>
      %min3A_1298 = arith.minimumf %min3A_1297, %max3A_1296 : vector<16xf32>
      %convert_element_type3A_1299 = arith.fptosi %min3A_1298 : vector<16xf32> to vector<16xi32>
      %mul3A_1300 = arith.constant 128 : i32
      %mul3A_1301 = vector.broadcast %mul3A_1300 : i32 to vector<16xi32>
      %mul3A_1302 = arith.muli %convert_element_type3A_1299, %mul3A_1301 : vector<16xi32>
      %add3A_1303 = arith.constant 0 : i32
      %add3A_1304 = vector.broadcast %add3A_1303 : i32 to vector<16xi32>
      %add3A_1305 = arith.addi %iota3A, %add3A_1304 : vector<16xi32>
      %add3A_1306 = arith.addi %mul3A_1302, %add3A_1305 : vector<16xi32>
      %gather3A_1307 = tpu.vector_load_idx %arg8[%add3A_1306] : memref<2560xf32, #tpu.memory_space<vmem>>[vector<16xi32>], vector<16xf32>,
      %gather3A_1308 = tpu.vector_load_idx %arg7[%add3A_1306] : memref<2560xf32, #tpu.memory_space<vmem>>[vector<16xi32>], vector<16xf32>,
      %mul3A_1309 = arith.mulf %add3A_1292, %gather3A_1308 : vector<16xf32>
      %add3A_1310 = arith.addf %gather3A_1307, %mul3A_1309 : vector<16xf32>
      %add3A_1311 = arith.addf %broadcast_in_dim3A_1283, %add3A_1310 : vector<16xf32>
      %get3A_1312 = arith.index_cast %add3A_1281 : i32 to index
      %get3A_1313 = arith.constant 16 : index
      %get3A_1314 = tpu.vector_load %arg5[%get3A_1312, %get3A_1313] {strides = array<i32>} : memref<256x128xf32, #tpu.memory_space<vmem>>, vector<16xf32>,
      %mul3A_1315 = arith.constant 3.16666675 : f32
      %mul3A_1316 = vector.broadcast %mul3A_1315 : f32 to vector<16xf32>
      %mul3A_1317 = arith.mulf %get3A_1314, %mul3A_1316 : vector<16xf32>
      %add3A_1318 = arith.constant 9.500000e+00 : f32
      %add3A_1319 = vector.broadcast %add3A_1318 : f32 to vector<16xf32>
      %add3A_1320 = arith.addf %mul3A_1317, %add3A_1319 : vector<16xf32>
      %jit3A_1321 = arith.constant 0.000000e+00 : f32
      %jit3A_1322 = arith.constant 1.800000e+01 : f32
      %max3A_1323 = vector.broadcast %jit3A_1321 : f32 to vector<16xf32>
      %max3A_1324 = arith.maximumf %max3A_1323, %add3A_1320 : vector<16xf32>
      %min3A_1325 = vector.broadcast %jit3A_1322 : f32 to vector<16xf32>
      %min3A_1326 = arith.minimumf %min3A_1325, %max3A_1324 : vector<16xf32>
      %convert_element_type3A_1327 = arith.fptosi %min3A_1326 : vector<16xf32> to vector<16xi32>
      %mul3A_1328 = arith.constant 128 : i32
      %mul3A_1329 = vector.broadcast %mul3A_1328 : i32 to vector<16xi32>
      %mul3A_1330 = arith.muli %convert_element_type3A_1327, %mul3A_1329 : vector<16xi32>
      %add3A_1331 = arith.constant 16 : i32
      %add3A_1332 = vector.broadcast %add3A_1331 : i32 to vector<16xi32>
      %add3A_1333 = arith.addi %iota3A, %add3A_1332 : vector<16xi32>
      %add3A_1334 = arith.addi %mul3A_1330, %add3A_1333 : vector<16xi32>
      %gather3A_1335 = tpu.vector_load_idx %arg8[%add3A_1334] : memref<2560xf32, #tpu.memory_space<vmem>>[vector<16xi32>], vector<16xf32>,
      %gather3A_1336 = tpu.vector_load_idx %arg7[%add3A_1334] : memref<2560xf32, #tpu.memory_space<vmem>>[vector<16xi32>], vector<16xf32>,
      %mul3A_1337 = arith.mulf %add3A_1320, %gather3A_1336 : vector<16xf32>
      %add3A_1338 = arith.addf %gather3A_1335, %mul3A_1337 : vector<16xf32>
      %add3A_1339 = arith.addf %add3A_1311, %add3A_1338 : vector<16xf32>
      %get3A_1340 = arith.index_cast %add3A_1281 : i32 to index
      %get3A_1341 = arith.constant 32 : index
      %get3A_1342 = tpu.vector_load %arg5[%get3A_1340, %get3A_1341] {strides = array<i32>} : memref<256x128xf32, #tpu.memory_space<vmem>>, vector<16xf32>,
      %mul3A_1343 = arith.constant 3.16666675 : f32
      %mul3A_1344 = vector.broadcast %mul3A_1343 : f32 to vector<16xf32>
      %mul3A_1345 = arith.mulf %get3A_1342, %mul3A_1344 : vector<16xf32>
      %add3A_1346 = arith.constant 9.500000e+00 : f32
      %add3A_1347 = vector.broadcast %add3A_1346 : f32 to vector<16xf32>
      %add3A_1348 = arith.addf %mul3A_1345, %add3A_1347 : vector<16xf32>
      %jit3A_1349 = arith.constant 0.000000e+00 : f32
      %jit3A_1350 = arith.constant 1.800000e+01 : f32
      %max3A_1351 = vector.broadcast %jit3A_1349 : f32 to vector<16xf32>
      %max3A_1352 = arith.maximumf %max3A_1351, %add3A_1348 : vector<16xf32>
      %min3A_1353 = vector.broadcast %jit3A_1350 : f32 to vector<16xf32>
      %min3A_1354 = arith.minimumf %min3A_1353, %max3A_1352 : vector<16xf32>
      %convert_element_type3A_1355 = arith.fptosi %min3A_1354 : vector<16xf32> to vector<16xi32>
      %mul3A_1356 = arith.constant 128 : i32
      %mul3A_1357 = vector.broadcast %mul3A_1356 : i32 to vector<16xi32>
      %mul3A_1358 = arith.muli %convert_element_type3A_1355, %mul3A_1357 : vector<16xi32>
      %add3A_1359 = arith.constant 32 : i32
      %add3A_1360 = vector.broadcast %add3A_1359 : i32 to vector<16xi32>
      %add3A_1361 = arith.addi %iota3A, %add3A_1360 : vector<16xi32>
      %add3A_1362 = arith.addi %mul3A_1358, %add3A_1361 : vector<16xi32>
      %gather3A_1363 = tpu.vector_load_idx %arg8[%add3A_1362] : memref<2560xf32, #tpu.memory_space<vmem>>[vector<16xi32>], vector<16xf32>,
      %gather3A_1364 = tpu.vector_load_idx %arg7[%add3A_1362] : memref<2560xf32, #tpu.memory_space<vmem>>[vector<16xi32>], vector<16xf32>,
      %mul3A_1365 = arith.mulf %add3A_1348, %gather3A_1364 : vector<16xf32>
      %add3A_1366 = arith.addf %gather3A_1363, %mul3A_1365 : vector<16xf32>
      %add3A_1367 = arith.addf %add3A_1339, %add3A_1366 : vector<16xf32>
      %get3A_1368 = arith.index_cast %add3A_1281 : i32 to index
      %get3A_1369 = arith.constant 48 : index
      %get3A_1370 = tpu.vector_load %arg5[%get3A_1368, %get3A_1369] {strides = array<i32>} : memref<256x128xf32, #tpu.memory_space<vmem>>, vector<16xf32>,
      %mul3A_1371 = arith.constant 3.16666675 : f32
      %mul3A_1372 = vector.broadcast %mul3A_1371 : f32 to vector<16xf32>
      %mul3A_1373 = arith.mulf %get3A_1370, %mul3A_1372 : vector<16xf32>
      %add3A_1374 = arith.constant 9.500000e+00 : f32
      %add3A_1375 = vector.broadcast %add3A_1374 : f32 to vector<16xf32>
      %add3A_1376 = arith.addf %mul3A_1373, %add3A_1375 : vector<16xf32>
      %jit3A_1377 = arith.constant 0.000000e+00 : f32
      %jit3A_1378 = arith.constant 1.800000e+01 : f32
      %max3A_1379 = vector.broadcast %jit3A_1377 : f32 to vector<16xf32>
      %max3A_1380 = arith.maximumf %max3A_1379, %add3A_1376 : vector<16xf32>
      %min3A_1381 = vector.broadcast %jit3A_1378 : f32 to vector<16xf32>
      %min3A_1382 = arith.minimumf %min3A_1381, %max3A_1380 : vector<16xf32>
      %convert_element_type3A_1383 = arith.fptosi %min3A_1382 : vector<16xf32> to vector<16xi32>
      %mul3A_1384 = arith.constant 128 : i32
      %mul3A_1385 = vector.broadcast %mul3A_1384 : i32 to vector<16xi32>
      %mul3A_1386 = arith.muli %convert_element_type3A_1383, %mul3A_1385 : vector<16xi32>
      %add3A_1387 = arith.constant 48 : i32
      %add3A_1388 = vector.broadcast %add3A_1387 : i32 to vector<16xi32>
      %add3A_1389 = arith.addi %iota3A, %add3A_1388 : vector<16xi32>
      %add3A_1390 = arith.addi %mul3A_1386, %add3A_1389 : vector<16xi32>
      %gather3A_1391 = tpu.vector_load_idx %arg8[%add3A_1390] : memref<2560xf32, #tpu.memory_space<vmem>>[vector<16xi32>], vector<16xf32>,
      %gather3A_1392 = tpu.vector_load_idx %arg7[%add3A_1390] : memref<2560xf32, #tpu.memory_space<vmem>>[vector<16xi32>], vector<16xf32>,
      %mul3A_1393 = arith.mulf %add3A_1376, %gather3A_1392 : vector<16xf32>
      %add3A_1394 = arith.addf %gather3A_1391, %mul3A_1393 : vector<16xf32>
      %add3A_1395 = arith.addf %add3A_1367, %add3A_1394 : vector<16xf32>
      %get3A_1396 = arith.index_cast %add3A_1281 : i32 to index
      %get3A_1397 = arith.constant 64 : index
      %get3A_1398 = tpu.vector_load %arg5[%get3A_1396, %get3A_1397] {strides = array<i32>} : memref<256x128xf32, #tpu.memory_space<vmem>>, vector<16xf32>,
      %mul3A_1399 = arith.constant 3.16666675 : f32
      %mul3A_1400 = vector.broadcast %mul3A_1399 : f32 to vector<16xf32>
      %mul3A_1401 = arith.mulf %get3A_1398, %mul3A_1400 : vector<16xf32>
      %add3A_1402 = arith.constant 9.500000e+00 : f32
      %add3A_1403 = vector.broadcast %add3A_1402 : f32 to vector<16xf32>
      %add3A_1404 = arith.addf %mul3A_1401, %add3A_1403 : vector<16xf32>
      %jit3A_1405 = arith.constant 0.000000e+00 : f32
      %jit3A_1406 = arith.constant 1.800000e+01 : f32
      %max3A_1407 = vector.broadcast %jit3A_1405 : f32 to vector<16xf32>
      %max3A_1408 = arith.maximumf %max3A_1407, %add3A_1404 : vector<16xf32>
      %min3A_1409 = vector.broadcast %jit3A_1406 : f32 to vector<16xf32>
      %min3A_1410 = arith.minimumf %min3A_1409, %max3A_1408 : vector<16xf32>
      %convert_element_type3A_1411 = arith.fptosi %min3A_1410 : vector<16xf32> to vector<16xi32>
      %mul3A_1412 = arith.constant 128 : i32
      %mul3A_1413 = vector.broadcast %mul3A_1412 : i32 to vector<16xi32>
      %mul3A_1414 = arith.muli %convert_element_type3A_1411, %mul3A_1413 : vector<16xi32>
      %add3A_1415 = arith.constant 64 : i32
      %add3A_1416 = vector.broadcast %add3A_1415 : i32 to vector<16xi32>
      %add3A_1417 = arith.addi %iota3A, %add3A_1416 : vector<16xi32>
      %add3A_1418 = arith.addi %mul3A_1414, %add3A_1417 : vector<16xi32>
      %gather3A_1419 = tpu.vector_load_idx %arg8[%add3A_1418] : memref<2560xf32, #tpu.memory_space<vmem>>[vector<16xi32>], vector<16xf32>,
      %gather3A_1420 = tpu.vector_load_idx %arg7[%add3A_1418] : memref<2560xf32, #tpu.memory_space<vmem>>[vector<16xi32>], vector<16xf32>,
      %mul3A_1421 = arith.mulf %add3A_1404, %gather3A_1420 : vector<16xf32>
      %add3A_1422 = arith.addf %gather3A_1419, %mul3A_1421 : vector<16xf32>
      %add3A_1423 = arith.addf %add3A_1395, %add3A_1422 : vector<16xf32>
      %get3A_1424 = arith.index_cast %add3A_1281 : i32 to index
      %get3A_1425 = arith.constant 80 : index
      %get3A_1426 = tpu.vector_load %arg5[%get3A_1424, %get3A_1425] {strides = array<i32>} : memref<256x128xf32, #tpu.memory_space<vmem>>, vector<16xf32>,
      %mul3A_1427 = arith.constant 3.16666675 : f32
      %mul3A_1428 = vector.broadcast %mul3A_1427 : f32 to vector<16xf32>
      %mul3A_1429 = arith.mulf %get3A_1426, %mul3A_1428 : vector<16xf32>
      %add3A_1430 = arith.constant 9.500000e+00 : f32
      %add3A_1431 = vector.broadcast %add3A_1430 : f32 to vector<16xf32>
      %add3A_1432 = arith.addf %mul3A_1429, %add3A_1431 : vector<16xf32>
      %jit3A_1433 = arith.constant 0.000000e+00 : f32
      %jit3A_1434 = arith.constant 1.800000e+01 : f32
      %max3A_1435 = vector.broadcast %jit3A_1433 : f32 to vector<16xf32>
      %max3A_1436 = arith.maximumf %max3A_1435, %add3A_1432 : vector<16xf32>
      %min3A_1437 = vector.broadcast %jit3A_1434 : f32 to vector<16xf32>
      %min3A_1438 = arith.minimumf %min3A_1437, %max3A_1436 : vector<16xf32>
      %convert_element_type3A_1439 = arith.fptosi %min3A_1438 : vector<16xf32> to vector<16xi32>
      %mul3A_1440 = arith.constant 128 : i32
      %mul3A_1441 = vector.broadcast %mul3A_1440 : i32 to vector<16xi32>
      %mul3A_1442 = arith.muli %convert_element_type3A_1439, %mul3A_1441 : vector<16xi32>
      %add3A_1443 = arith.constant 80 : i32
      %add3A_1444 = vector.broadcast %add3A_1443 : i32 to vector<16xi32>
      %add3A_1445 = arith.addi %iota3A, %add3A_1444 : vector<16xi32>
      %add3A_1446 = arith.addi %mul3A_1442, %add3A_1445 : vector<16xi32>
      %gather3A_1447 = tpu.vector_load_idx %arg8[%add3A_1446] : memref<2560xf32, #tpu.memory_space<vmem>>[vector<16xi32>], vector<16xf32>,
      %gather3A_1448 = tpu.vector_load_idx %arg7[%add3A_1446] : memref<2560xf32, #tpu.memory_space<vmem>>[vector<16xi32>], vector<16xf32>,
      %mul3A_1449 = arith.mulf %add3A_1432, %gather3A_1448 : vector<16xf32>
      %add3A_1450 = arith.addf %gather3A_1447, %mul3A_1449 : vector<16xf32>
      %add3A_1451 = arith.addf %add3A_1423, %add3A_1450 : vector<16xf32>
      %get3A_1452 = arith.index_cast %add3A_1281 : i32 to index
      %get3A_1453 = arith.constant 96 : index
      %get3A_1454 = tpu.vector_load %arg5[%get3A_1452, %get3A_1453] {strides = array<i32>} : memref<256x128xf32, #tpu.memory_space<vmem>>, vector<16xf32>,
      %mul3A_1455 = arith.constant 3.16666675 : f32
      %mul3A_1456 = vector.broadcast %mul3A_1455 : f32 to vector<16xf32>
      %mul3A_1457 = arith.mulf %get3A_1454, %mul3A_1456 : vector<16xf32>
      %add3A_1458 = arith.constant 9.500000e+00 : f32
      %add3A_1459 = vector.broadcast %add3A_1458 : f32 to vector<16xf32>
      %add3A_1460 = arith.addf %mul3A_1457, %add3A_1459 : vector<16xf32>
      %jit3A_1461 = arith.constant 0.000000e+00 : f32
      %jit3A_1462 = arith.constant 1.800000e+01 : f32
      %max3A_1463 = vector.broadcast %jit3A_1461 : f32 to vector<16xf32>
      %max3A_1464 = arith.maximumf %max3A_1463, %add3A_1460 : vector<16xf32>
      %min3A_1465 = vector.broadcast %jit3A_1462 : f32 to vector<16xf32>
      %min3A_1466 = arith.minimumf %min3A_1465, %max3A_1464 : vector<16xf32>
      %convert_element_type3A_1467 = arith.fptosi %min3A_1466 : vector<16xf32> to vector<16xi32>
      %mul3A_1468 = arith.constant 128 : i32
      %mul3A_1469 = vector.broadcast %mul3A_1468 : i32 to vector<16xi32>
      %mul3A_1470 = arith.muli %convert_element_type3A_1467, %mul3A_1469 : vector<16xi32>
      %add3A_1471 = arith.constant 96 : i32
      %add3A_1472 = vector.broadcast %add3A_1471 : i32 to vector<16xi32>
      %add3A_1473 = arith.addi %iota3A, %add3A_1472 : vector<16xi32>
      %add3A_1474 = arith.addi %mul3A_1470, %add3A_1473 : vector<16xi32>
      %gather3A_1475 = tpu.vector_load_idx %arg8[%add3A_1474] : memref<2560xf32, #tpu.memory_space<vmem>>[vector<16xi32>], vector<16xf32>,
      %gather3A_1476 = tpu.vector_load_idx %arg7[%add3A_1474] : memref<2560xf32, #tpu.memory_space<vmem>>[vector<16xi32>], vector<16xf32>,
      %mul3A_1477 = arith.mulf %add3A_1460, %gather3A_1476 : vector<16xf32>
      %add3A_1478 = arith.addf %gather3A_1475, %mul3A_1477 : vector<16xf32>
      %add3A_1479 = arith.addf %add3A_1451, %add3A_1478 : vector<16xf32>
      %get3A_1480 = arith.index_cast %add3A_1281 : i32 to index
      %get3A_1481 = arith.constant 112 : index
      %get3A_1482 = tpu.vector_load %arg5[%get3A_1480, %get3A_1481] {strides = array<i32>} : memref<256x128xf32, #tpu.memory_space<vmem>>, vector<16xf32>,
      %mul3A_1483 = arith.constant 3.16666675 : f32
      %mul3A_1484 = vector.broadcast %mul3A_1483 : f32 to vector<16xf32>
      %mul3A_1485 = arith.mulf %get3A_1482, %mul3A_1484 : vector<16xf32>
      %add3A_1486 = arith.constant 9.500000e+00 : f32
      %add3A_1487 = vector.broadcast %add3A_1486 : f32 to vector<16xf32>
      %add3A_1488 = arith.addf %mul3A_1485, %add3A_1487 : vector<16xf32>
      %jit3A_1489 = arith.constant 0.000000e+00 : f32
      %jit3A_1490 = arith.constant 1.800000e+01 : f32
      %max3A_1491 = vector.broadcast %jit3A_1489 : f32 to vector<16xf32>
      %max3A_1492 = arith.maximumf %max3A_1491, %add3A_1488 : vector<16xf32>
      %min3A_1493 = vector.broadcast %jit3A_1490 : f32 to vector<16xf32>
      %min3A_1494 = arith.minimumf %min3A_1493, %max3A_1492 : vector<16xf32>
      %convert_element_type3A_1495 = arith.fptosi %min3A_1494 : vector<16xf32> to vector<16xi32>
      %mul3A_1496 = arith.constant 128 : i32
      %mul3A_1497 = vector.broadcast %mul3A_1496 : i32 to vector<16xi32>
      %mul3A_1498 = arith.muli %convert_element_type3A_1495, %mul3A_1497 : vector<16xi32>
      %add3A_1499 = arith.constant 112 : i32
      %add3A_1500 = vector.broadcast %add3A_1499 : i32 to vector<16xi32>
      %add3A_1501 = arith.addi %iota3A, %add3A_1500 : vector<16xi32>
      %add3A_1502 = arith.addi %mul3A_1498, %add3A_1501 : vector<16xi32>
      %gather3A_1503 = tpu.vector_load_idx %arg8[%add3A_1502] : memref<2560xf32, #tpu.memory_space<vmem>>[vector<16xi32>], vector<16xf32>,
      %gather3A_1504 = tpu.vector_load_idx %arg7[%add3A_1502] : memref<2560xf32, #tpu.memory_space<vmem>>[vector<16xi32>], vector<16xf32>,
      %mul3A_1505 = arith.mulf %add3A_1488, %gather3A_1504 : vector<16xf32>
      %add3A_1506 = arith.addf %gather3A_1503, %mul3A_1505 : vector<16xf32>
      %add3A_1507 = arith.addf %add3A_1479, %add3A_1506 : vector<16xf32>
      %eq3A_1508 = arith.constant 5 : i32
      %eq3A_1509 = vector.broadcast %eq3A_1508 : i32 to vector<16xi32>
      %eq3A_1510 = arith.cmpi eq, %iota3A, %eq3A_1509 : vector<16xi32>
      %reduce_sum3A_1511 = arith.constant true
      %reduce_sum3A_1512 = vector.broadcast %reduce_sum3A_1511 : i1 to vector<16xi1>
      %reduce_sum3A_1513 = tpu.scan <sum>, %add3A_1507 masked %reduce_sum3A_1512 : vector<16xf32>, vector<16xi1> -> vector<16xf32>
      %reduce_sum3A_1514 = vector.extract %reduce_sum3A_1513[15] : f32 from vector<16xf32>
      %broadcast_in_dim3A_1515 = vector.broadcast %reduce_sum3A_1514 : f32 to vector<16xf32>
      %select_n3A_1516 = arith.select %eq3A_1510, %broadcast_in_dim3A_1515, %select_n3A_1277 : vector<16xi1>, vector<16xf32>
      %mul3A_1517 = arith.constant 16 : i32
      %mul3A_1518 = arith.muli %add3A_71, %mul3A_1517 : i32
      %add3A_1519 = arith.constant 6 : i32
      %add3A_1520 = arith.addi %mul3A_1518, %add3A_1519 : i32
      %broadcast_in_dim3A_1521 = arith.constant 0.000000e+00 : f32
      %broadcast_in_dim3A_1522 = vector.broadcast %broadcast_in_dim3A_1521 : f32 to vector<16xf32>
      %get3A_1523 = arith.index_cast %add3A_1520 : i32 to index
      %get3A_1524 = arith.constant 0 : index
      %get3A_1525 = tpu.vector_load %arg5[%get3A_1523, %get3A_1524] {strides = array<i32>} : memref<256x128xf32, #tpu.memory_space<vmem>>, vector<16xf32>,
      %mul3A_1526 = arith.constant 3.16666675 : f32
      %mul3A_1527 = vector.broadcast %mul3A_1526 : f32 to vector<16xf32>
      %mul3A_1528 = arith.mulf %get3A_1525, %mul3A_1527 : vector<16xf32>
      %add3A_1529 = arith.constant 9.500000e+00 : f32
      %add3A_1530 = vector.broadcast %add3A_1529 : f32 to vector<16xf32>
      %add3A_1531 = arith.addf %mul3A_1528, %add3A_1530 : vector<16xf32>
      %jit3A_1532 = arith.constant 0.000000e+00 : f32
      %jit3A_1533 = arith.constant 1.800000e+01 : f32
      %max3A_1534 = vector.broadcast %jit3A_1532 : f32 to vector<16xf32>
      %max3A_1535 = arith.maximumf %max3A_1534, %add3A_1531 : vector<16xf32>
      %min3A_1536 = vector.broadcast %jit3A_1533 : f32 to vector<16xf32>
      %min3A_1537 = arith.minimumf %min3A_1536, %max3A_1535 : vector<16xf32>
      %convert_element_type3A_1538 = arith.fptosi %min3A_1537 : vector<16xf32> to vector<16xi32>
      %mul3A_1539 = arith.constant 128 : i32
      %mul3A_1540 = vector.broadcast %mul3A_1539 : i32 to vector<16xi32>
      %mul3A_1541 = arith.muli %convert_element_type3A_1538, %mul3A_1540 : vector<16xi32>
      %add3A_1542 = arith.constant 0 : i32
      %add3A_1543 = vector.broadcast %add3A_1542 : i32 to vector<16xi32>
      %add3A_1544 = arith.addi %iota3A, %add3A_1543 : vector<16xi32>
      %add3A_1545 = arith.addi %mul3A_1541, %add3A_1544 : vector<16xi32>
      %gather3A_1546 = tpu.vector_load_idx %arg8[%add3A_1545] : memref<2560xf32, #tpu.memory_space<vmem>>[vector<16xi32>], vector<16xf32>,
      %gather3A_1547 = tpu.vector_load_idx %arg7[%add3A_1545] : memref<2560xf32, #tpu.memory_space<vmem>>[vector<16xi32>], vector<16xf32>,
      %mul3A_1548 = arith.mulf %add3A_1531, %gather3A_1547 : vector<16xf32>
      %add3A_1549 = arith.addf %gather3A_1546, %mul3A_1548 : vector<16xf32>
      %add3A_1550 = arith.addf %broadcast_in_dim3A_1522, %add3A_1549 : vector<16xf32>
      %get3A_1551 = arith.index_cast %add3A_1520 : i32 to index
      %get3A_1552 = arith.constant 16 : index
      %get3A_1553 = tpu.vector_load %arg5[%get3A_1551, %get3A_1552] {strides = array<i32>} : memref<256x128xf32, #tpu.memory_space<vmem>>, vector<16xf32>,
      %mul3A_1554 = arith.constant 3.16666675 : f32
      %mul3A_1555 = vector.broadcast %mul3A_1554 : f32 to vector<16xf32>
      %mul3A_1556 = arith.mulf %get3A_1553, %mul3A_1555 : vector<16xf32>
      %add3A_1557 = arith.constant 9.500000e+00 : f32
      %add3A_1558 = vector.broadcast %add3A_1557 : f32 to vector<16xf32>
      %add3A_1559 = arith.addf %mul3A_1556, %add3A_1558 : vector<16xf32>
      %jit3A_1560 = arith.constant 0.000000e+00 : f32
      %jit3A_1561 = arith.constant 1.800000e+01 : f32
      %max3A_1562 = vector.broadcast %jit3A_1560 : f32 to vector<16xf32>
      %max3A_1563 = arith.maximumf %max3A_1562, %add3A_1559 : vector<16xf32>
      %min3A_1564 = vector.broadcast %jit3A_1561 : f32 to vector<16xf32>
      %min3A_1565 = arith.minimumf %min3A_1564, %max3A_1563 : vector<16xf32>
      %convert_element_type3A_1566 = arith.fptosi %min3A_1565 : vector<16xf32> to vector<16xi32>
      %mul3A_1567 = arith.constant 128 : i32
      %mul3A_1568 = vector.broadcast %mul3A_1567 : i32 to vector<16xi32>
      %mul3A_1569 = arith.muli %convert_element_type3A_1566, %mul3A_1568 : vector<16xi32>
      %add3A_1570 = arith.constant 16 : i32
      %add3A_1571 = vector.broadcast %add3A_1570 : i32 to vector<16xi32>
      %add3A_1572 = arith.addi %iota3A, %add3A_1571 : vector<16xi32>
      %add3A_1573 = arith.addi %mul3A_1569, %add3A_1572 : vector<16xi32>
      %gather3A_1574 = tpu.vector_load_idx %arg8[%add3A_1573] : memref<2560xf32, #tpu.memory_space<vmem>>[vector<16xi32>], vector<16xf32>,
      %gather3A_1575 = tpu.vector_load_idx %arg7[%add3A_1573] : memref<2560xf32, #tpu.memory_space<vmem>>[vector<16xi32>], vector<16xf32>,
      %mul3A_1576 = arith.mulf %add3A_1559, %gather3A_1575 : vector<16xf32>
      %add3A_1577 = arith.addf %gather3A_1574, %mul3A_1576 : vector<16xf32>
      %add3A_1578 = arith.addf %add3A_1550, %add3A_1577 : vector<16xf32>
      %get3A_1579 = arith.index_cast %add3A_1520 : i32 to index
      %get3A_1580 = arith.constant 32 : index
      %get3A_1581 = tpu.vector_load %arg5[%get3A_1579, %get3A_1580] {strides = array<i32>} : memref<256x128xf32, #tpu.memory_space<vmem>>, vector<16xf32>,
      %mul3A_1582 = arith.constant 3.16666675 : f32
      %mul3A_1583 = vector.broadcast %mul3A_1582 : f32 to vector<16xf32>
      %mul3A_1584 = arith.mulf %get3A_1581, %mul3A_1583 : vector<16xf32>
      %add3A_1585 = arith.constant 9.500000e+00 : f32
      %add3A_1586 = vector.broadcast %add3A_1585 : f32 to vector<16xf32>
      %add3A_1587 = arith.addf %mul3A_1584, %add3A_1586 : vector<16xf32>
      %jit3A_1588 = arith.constant 0.000000e+00 : f32
      %jit3A_1589 = arith.constant 1.800000e+01 : f32
      %max3A_1590 = vector.broadcast %jit3A_1588 : f32 to vector<16xf32>
      %max3A_1591 = arith.maximumf %max3A_1590, %add3A_1587 : vector<16xf32>
      %min3A_1592 = vector.broadcast %jit3A_1589 : f32 to vector<16xf32>
      %min3A_1593 = arith.minimumf %min3A_1592, %max3A_1591 : vector<16xf32>
      %convert_element_type3A_1594 = arith.fptosi %min3A_1593 : vector<16xf32> to vector<16xi32>
      %mul3A_1595 = arith.constant 128 : i32
      %mul3A_1596 = vector.broadcast %mul3A_1595 : i32 to vector<16xi32>
      %mul3A_1597 = arith.muli %convert_element_type3A_1594, %mul3A_1596 : vector<16xi32>
      %add3A_1598 = arith.constant 32 : i32
      %add3A_1599 = vector.broadcast %add3A_1598 : i32 to vector<16xi32>
      %add3A_1600 = arith.addi %iota3A, %add3A_1599 : vector<16xi32>
      %add3A_1601 = arith.addi %mul3A_1597, %add3A_1600 : vector<16xi32>
      %gather3A_1602 = tpu.vector_load_idx %arg8[%add3A_1601] : memref<2560xf32, #tpu.memory_space<vmem>>[vector<16xi32>], vector<16xf32>,
      %gather3A_1603 = tpu.vector_load_idx %arg7[%add3A_1601] : memref<2560xf32, #tpu.memory_space<vmem>>[vector<16xi32>], vector<16xf32>,
      %mul3A_1604 = arith.mulf %add3A_1587, %gather3A_1603 : vector<16xf32>
      %add3A_1605 = arith.addf %gather3A_1602, %mul3A_1604 : vector<16xf32>
      %add3A_1606 = arith.addf %add3A_1578, %add3A_1605 : vector<16xf32>
      %get3A_1607 = arith.index_cast %add3A_1520 : i32 to index
      %get3A_1608 = arith.constant 48 : index
      %get3A_1609 = tpu.vector_load %arg5[%get3A_1607, %get3A_1608] {strides = array<i32>} : memref<256x128xf32, #tpu.memory_space<vmem>>, vector<16xf32>,
      %mul3A_1610 = arith.constant 3.16666675 : f32
      %mul3A_1611 = vector.broadcast %mul3A_1610 : f32 to vector<16xf32>
      %mul3A_1612 = arith.mulf %get3A_1609, %mul3A_1611 : vector<16xf32>
      %add3A_1613 = arith.constant 9.500000e+00 : f32
      %add3A_1614 = vector.broadcast %add3A_1613 : f32 to vector<16xf32>
      %add3A_1615 = arith.addf %mul3A_1612, %add3A_1614 : vector<16xf32>
      %jit3A_1616 = arith.constant 0.000000e+00 : f32
      %jit3A_1617 = arith.constant 1.800000e+01 : f32
      %max3A_1618 = vector.broadcast %jit3A_1616 : f32 to vector<16xf32>
      %max3A_1619 = arith.maximumf %max3A_1618, %add3A_1615 : vector<16xf32>
      %min3A_1620 = vector.broadcast %jit3A_1617 : f32 to vector<16xf32>
      %min3A_1621 = arith.minimumf %min3A_1620, %max3A_1619 : vector<16xf32>
      %convert_element_type3A_1622 = arith.fptosi %min3A_1621 : vector<16xf32> to vector<16xi32>
      %mul3A_1623 = arith.constant 128 : i32
      %mul3A_1624 = vector.broadcast %mul3A_1623 : i32 to vector<16xi32>
      %mul3A_1625 = arith.muli %convert_element_type3A_1622, %mul3A_1624 : vector<16xi32>
      %add3A_1626 = arith.constant 48 : i32
      %add3A_1627 = vector.broadcast %add3A_1626 : i32 to vector<16xi32>
      %add3A_1628 = arith.addi %iota3A, %add3A_1627 : vector<16xi32>
      %add3A_1629 = arith.addi %mul3A_1625, %add3A_1628 : vector<16xi32>
      %gather3A_1630 = tpu.vector_load_idx %arg8[%add3A_1629] : memref<2560xf32, #tpu.memory_space<vmem>>[vector<16xi32>], vector<16xf32>,
      %gather3A_1631 = tpu.vector_load_idx %arg7[%add3A_1629] : memref<2560xf32, #tpu.memory_space<vmem>>[vector<16xi32>], vector<16xf32>,
      %mul3A_1632 = arith.mulf %add3A_1615, %gather3A_1631 : vector<16xf32>
      %add3A_1633 = arith.addf %gather3A_1630, %mul3A_1632 : vector<16xf32>
      %add3A_1634 = arith.addf %add3A_1606, %add3A_1633 : vector<16xf32>
      %get3A_1635 = arith.index_cast %add3A_1520 : i32 to index
      %get3A_1636 = arith.constant 64 : index
      %get3A_1637 = tpu.vector_load %arg5[%get3A_1635, %get3A_1636] {strides = array<i32>} : memref<256x128xf32, #tpu.memory_space<vmem>>, vector<16xf32>,
      %mul3A_1638 = arith.constant 3.16666675 : f32
      %mul3A_1639 = vector.broadcast %mul3A_1638 : f32 to vector<16xf32>
      %mul3A_1640 = arith.mulf %get3A_1637, %mul3A_1639 : vector<16xf32>
      %add3A_1641 = arith.constant 9.500000e+00 : f32
      %add3A_1642 = vector.broadcast %add3A_1641 : f32 to vector<16xf32>
      %add3A_1643 = arith.addf %mul3A_1640, %add3A_1642 : vector<16xf32>
      %jit3A_1644 = arith.constant 0.000000e+00 : f32
      %jit3A_1645 = arith.constant 1.800000e+01 : f32
      %max3A_1646 = vector.broadcast %jit3A_1644 : f32 to vector<16xf32>
      %max3A_1647 = arith.maximumf %max3A_1646, %add3A_1643 : vector<16xf32>
      %min3A_1648 = vector.broadcast %jit3A_1645 : f32 to vector<16xf32>
      %min3A_1649 = arith.minimumf %min3A_1648, %max3A_1647 : vector<16xf32>
      %convert_element_type3A_1650 = arith.fptosi %min3A_1649 : vector<16xf32> to vector<16xi32>
      %mul3A_1651 = arith.constant 128 : i32
      %mul3A_1652 = vector.broadcast %mul3A_1651 : i32 to vector<16xi32>
      %mul3A_1653 = arith.muli %convert_element_type3A_1650, %mul3A_1652 : vector<16xi32>
      %add3A_1654 = arith.constant 64 : i32
      %add3A_1655 = vector.broadcast %add3A_1654 : i32 to vector<16xi32>
      %add3A_1656 = arith.addi %iota3A, %add3A_1655 : vector<16xi32>
      %add3A_1657 = arith.addi %mul3A_1653, %add3A_1656 : vector<16xi32>
      %gather3A_1658 = tpu.vector_load_idx %arg8[%add3A_1657] : memref<2560xf32, #tpu.memory_space<vmem>>[vector<16xi32>], vector<16xf32>,
      %gather3A_1659 = tpu.vector_load_idx %arg7[%add3A_1657] : memref<2560xf32, #tpu.memory_space<vmem>>[vector<16xi32>], vector<16xf32>,
      %mul3A_1660 = arith.mulf %add3A_1643, %gather3A_1659 : vector<16xf32>
      %add3A_1661 = arith.addf %gather3A_1658, %mul3A_1660 : vector<16xf32>
      %add3A_1662 = arith.addf %add3A_1634, %add3A_1661 : vector<16xf32>
      %get3A_1663 = arith.index_cast %add3A_1520 : i32 to index
      %get3A_1664 = arith.constant 80 : index
      %get3A_1665 = tpu.vector_load %arg5[%get3A_1663, %get3A_1664] {strides = array<i32>} : memref<256x128xf32, #tpu.memory_space<vmem>>, vector<16xf32>,
      %mul3A_1666 = arith.constant 3.16666675 : f32
      %mul3A_1667 = vector.broadcast %mul3A_1666 : f32 to vector<16xf32>
      %mul3A_1668 = arith.mulf %get3A_1665, %mul3A_1667 : vector<16xf32>
      %add3A_1669 = arith.constant 9.500000e+00 : f32
      %add3A_1670 = vector.broadcast %add3A_1669 : f32 to vector<16xf32>
      %add3A_1671 = arith.addf %mul3A_1668, %add3A_1670 : vector<16xf32>
      %jit3A_1672 = arith.constant 0.000000e+00 : f32
      %jit3A_1673 = arith.constant 1.800000e+01 : f32
      %max3A_1674 = vector.broadcast %jit3A_1672 : f32 to vector<16xf32>
      %max3A_1675 = arith.maximumf %max3A_1674, %add3A_1671 : vector<16xf32>
      %min3A_1676 = vector.broadcast %jit3A_1673 : f32 to vector<16xf32>
      %min3A_1677 = arith.minimumf %min3A_1676, %max3A_1675 : vector<16xf32>
      %convert_element_type3A_1678 = arith.fptosi %min3A_1677 : vector<16xf32> to vector<16xi32>
      %mul3A_1679 = arith.constant 128 : i32
      %mul3A_1680 = vector.broadcast %mul3A_1679 : i32 to vector<16xi32>
      %mul3A_1681 = arith.muli %convert_element_type3A_1678, %mul3A_1680 : vector<16xi32>
      %add3A_1682 = arith.constant 80 : i32
      %add3A_1683 = vector.broadcast %add3A_1682 : i32 to vector<16xi32>
      %add3A_1684 = arith.addi %iota3A, %add3A_1683 : vector<16xi32>
      %add3A_1685 = arith.addi %mul3A_1681, %add3A_1684 : vector<16xi32>
      %gather3A_1686 = tpu.vector_load_idx %arg8[%add3A_1685] : memref<2560xf32, #tpu.memory_space<vmem>>[vector<16xi32>], vector<16xf32>,
      %gather3A_1687 = tpu.vector_load_idx %arg7[%add3A_1685] : memref<2560xf32, #tpu.memory_space<vmem>>[vector<16xi32>], vector<16xf32>,
      %mul3A_1688 = arith.mulf %add3A_1671, %gather3A_1687 : vector<16xf32>
      %add3A_1689 = arith.addf %gather3A_1686, %mul3A_1688 : vector<16xf32>
      %add3A_1690 = arith.addf %add3A_1662, %add3A_1689 : vector<16xf32>
      %get3A_1691 = arith.index_cast %add3A_1520 : i32 to index
      %get3A_1692 = arith.constant 96 : index
      %get3A_1693 = tpu.vector_load %arg5[%get3A_1691, %get3A_1692] {strides = array<i32>} : memref<256x128xf32, #tpu.memory_space<vmem>>, vector<16xf32>,
      %mul3A_1694 = arith.constant 3.16666675 : f32
      %mul3A_1695 = vector.broadcast %mul3A_1694 : f32 to vector<16xf32>
      %mul3A_1696 = arith.mulf %get3A_1693, %mul3A_1695 : vector<16xf32>
      %add3A_1697 = arith.constant 9.500000e+00 : f32
      %add3A_1698 = vector.broadcast %add3A_1697 : f32 to vector<16xf32>
      %add3A_1699 = arith.addf %mul3A_1696, %add3A_1698 : vector<16xf32>
      %jit3A_1700 = arith.constant 0.000000e+00 : f32
      %jit3A_1701 = arith.constant 1.800000e+01 : f32
      %max3A_1702 = vector.broadcast %jit3A_1700 : f32 to vector<16xf32>
      %max3A_1703 = arith.maximumf %max3A_1702, %add3A_1699 : vector<16xf32>
      %min3A_1704 = vector.broadcast %jit3A_1701 : f32 to vector<16xf32>
      %min3A_1705 = arith.minimumf %min3A_1704, %max3A_1703 : vector<16xf32>
      %convert_element_type3A_1706 = arith.fptosi %min3A_1705 : vector<16xf32> to vector<16xi32>
      %mul3A_1707 = arith.constant 128 : i32
      %mul3A_1708 = vector.broadcast %mul3A_1707 : i32 to vector<16xi32>
      %mul3A_1709 = arith.muli %convert_element_type3A_1706, %mul3A_1708 : vector<16xi32>
      %add3A_1710 = arith.constant 96 : i32
      %add3A_1711 = vector.broadcast %add3A_1710 : i32 to vector<16xi32>
      %add3A_1712 = arith.addi %iota3A, %add3A_1711 : vector<16xi32>
      %add3A_1713 = arith.addi %mul3A_1709, %add3A_1712 : vector<16xi32>
      %gather3A_1714 = tpu.vector_load_idx %arg8[%add3A_1713] : memref<2560xf32, #tpu.memory_space<vmem>>[vector<16xi32>], vector<16xf32>,
      %gather3A_1715 = tpu.vector_load_idx %arg7[%add3A_1713] : memref<2560xf32, #tpu.memory_space<vmem>>[vector<16xi32>], vector<16xf32>,
      %mul3A_1716 = arith.mulf %add3A_1699, %gather3A_1715 : vector<16xf32>
      %add3A_1717 = arith.addf %gather3A_1714, %mul3A_1716 : vector<16xf32>
      %add3A_1718 = arith.addf %add3A_1690, %add3A_1717 : vector<16xf32>
      %get3A_1719 = arith.index_cast %add3A_1520 : i32 to index
      %get3A_1720 = arith.constant 112 : index
      %get3A_1721 = tpu.vector_load %arg5[%get3A_1719, %get3A_1720] {strides = array<i32>} : memref<256x128xf32, #tpu.memory_space<vmem>>, vector<16xf32>,
      %mul3A_1722 = arith.constant 3.16666675 : f32
      %mul3A_1723 = vector.broadcast %mul3A_1722 : f32 to vector<16xf32>
      %mul3A_1724 = arith.mulf %get3A_1721, %mul3A_1723 : vector<16xf32>
      %add3A_1725 = arith.constant 9.500000e+00 : f32
      %add3A_1726 = vector.broadcast %add3A_1725 : f32 to vector<16xf32>
      %add3A_1727 = arith.addf %mul3A_1724, %add3A_1726 : vector<16xf32>
      %jit3A_1728 = arith.constant 0.000000e+00 : f32
      %jit3A_1729 = arith.constant 1.800000e+01 : f32
      %max3A_1730 = vector.broadcast %jit3A_1728 : f32 to vector<16xf32>
      %max3A_1731 = arith.maximumf %max3A_1730, %add3A_1727 : vector<16xf32>
      %min3A_1732 = vector.broadcast %jit3A_1729 : f32 to vector<16xf32>
      %min3A_1733 = arith.minimumf %min3A_1732, %max3A_1731 : vector<16xf32>
      %convert_element_type3A_1734 = arith.fptosi %min3A_1733 : vector<16xf32> to vector<16xi32>
      %mul3A_1735 = arith.constant 128 : i32
      %mul3A_1736 = vector.broadcast %mul3A_1735 : i32 to vector<16xi32>
      %mul3A_1737 = arith.muli %convert_element_type3A_1734, %mul3A_1736 : vector<16xi32>
      %add3A_1738 = arith.constant 112 : i32
      %add3A_1739 = vector.broadcast %add3A_1738 : i32 to vector<16xi32>
      %add3A_1740 = arith.addi %iota3A, %add3A_1739 : vector<16xi32>
      %add3A_1741 = arith.addi %mul3A_1737, %add3A_1740 : vector<16xi32>
      %gather3A_1742 = tpu.vector_load_idx %arg8[%add3A_1741] : memref<2560xf32, #tpu.memory_space<vmem>>[vector<16xi32>], vector<16xf32>,
      %gather3A_1743 = tpu.vector_load_idx %arg7[%add3A_1741] : memref<2560xf32, #tpu.memory_space<vmem>>[vector<16xi32>], vector<16xf32>,
      %mul3A_1744 = arith.mulf %add3A_1727, %gather3A_1743 : vector<16xf32>
      %add3A_1745 = arith.addf %gather3A_1742, %mul3A_1744 : vector<16xf32>
      %add3A_1746 = arith.addf %add3A_1718, %add3A_1745 : vector<16xf32>
      %eq3A_1747 = arith.constant 6 : i32
      %eq3A_1748 = vector.broadcast %eq3A_1747 : i32 to vector<16xi32>
      %eq3A_1749 = arith.cmpi eq, %iota3A, %eq3A_1748 : vector<16xi32>
      %reduce_sum3A_1750 = arith.constant true
      %reduce_sum3A_1751 = vector.broadcast %reduce_sum3A_1750 : i1 to vector<16xi1>
      %reduce_sum3A_1752 = tpu.scan <sum>, %add3A_1746 masked %reduce_sum3A_1751 : vector<16xf32>, vector<16xi1> -> vector<16xf32>
      %reduce_sum3A_1753 = vector.extract %reduce_sum3A_1752[15] : f32 from vector<16xf32>
      %broadcast_in_dim3A_1754 = vector.broadcast %reduce_sum3A_1753 : f32 to vector<16xf32>
      %select_n3A_1755 = arith.select %eq3A_1749, %broadcast_in_dim3A_1754, %select_n3A_1516 : vector<16xi1>, vector<16xf32>
      %mul3A_1756 = arith.constant 16 : i32
      %mul3A_1757 = arith.muli %add3A_71, %mul3A_1756 : i32
      %add3A_1758 = arith.constant 7 : i32
      %add3A_1759 = arith.addi %mul3A_1757, %add3A_1758 : i32
      %broadcast_in_dim3A_1760 = arith.constant 0.000000e+00 : f32
      %broadcast_in_dim3A_1761 = vector.broadcast %broadcast_in_dim3A_1760 : f32 to vector<16xf32>
      %get3A_1762 = arith.index_cast %add3A_1759 : i32 to index
      %get3A_1763 = arith.constant 0 : index
      %get3A_1764 = tpu.vector_load %arg5[%get3A_1762, %get3A_1763] {strides = array<i32>} : memref<256x128xf32, #tpu.memory_space<vmem>>, vector<16xf32>,
      %mul3A_1765 = arith.constant 3.16666675 : f32
      %mul3A_1766 = vector.broadcast %mul3A_1765 : f32 to vector<16xf32>
      %mul3A_1767 = arith.mulf %get3A_1764, %mul3A_1766 : vector<16xf32>
      %add3A_1768 = arith.constant 9.500000e+00 : f32
      %add3A_1769 = vector.broadcast %add3A_1768 : f32 to vector<16xf32>
      %add3A_1770 = arith.addf %mul3A_1767, %add3A_1769 : vector<16xf32>
      %jit3A_1771 = arith.constant 0.000000e+00 : f32
      %jit3A_1772 = arith.constant 1.800000e+01 : f32
      %max3A_1773 = vector.broadcast %jit3A_1771 : f32 to vector<16xf32>
      %max3A_1774 = arith.maximumf %max3A_1773, %add3A_1770 : vector<16xf32>
      %min3A_1775 = vector.broadcast %jit3A_1772 : f32 to vector<16xf32>
      %min3A_1776 = arith.minimumf %min3A_1775, %max3A_1774 : vector<16xf32>
      %convert_element_type3A_1777 = arith.fptosi %min3A_1776 : vector<16xf32> to vector<16xi32>
      %mul3A_1778 = arith.constant 128 : i32
      %mul3A_1779 = vector.broadcast %mul3A_1778 : i32 to vector<16xi32>
      %mul3A_1780 = arith.muli %convert_element_type3A_1777, %mul3A_1779 : vector<16xi32>
      %add3A_1781 = arith.constant 0 : i32
      %add3A_1782 = vector.broadcast %add3A_1781 : i32 to vector<16xi32>
      %add3A_1783 = arith.addi %iota3A, %add3A_1782 : vector<16xi32>
      %add3A_1784 = arith.addi %mul3A_1780, %add3A_1783 : vector<16xi32>
      %gather3A_1785 = tpu.vector_load_idx %arg8[%add3A_1784] : memref<2560xf32, #tpu.memory_space<vmem>>[vector<16xi32>], vector<16xf32>,
      %gather3A_1786 = tpu.vector_load_idx %arg7[%add3A_1784] : memref<2560xf32, #tpu.memory_space<vmem>>[vector<16xi32>], vector<16xf32>,
      %mul3A_1787 = arith.mulf %add3A_1770, %gather3A_1786 : vector<16xf32>
      %add3A_1788 = arith.addf %gather3A_1785, %mul3A_1787 : vector<16xf32>
      %add3A_1789 = arith.addf %broadcast_in_dim3A_1761, %add3A_1788 : vector<16xf32>
      %get3A_1790 = arith.index_cast %add3A_1759 : i32 to index
      %get3A_1791 = arith.constant 16 : index
      %get3A_1792 = tpu.vector_load %arg5[%get3A_1790, %get3A_1791] {strides = array<i32>} : memref<256x128xf32, #tpu.memory_space<vmem>>, vector<16xf32>,
      %mul3A_1793 = arith.constant 3.16666675 : f32
      %mul3A_1794 = vector.broadcast %mul3A_1793 : f32 to vector<16xf32>
      %mul3A_1795 = arith.mulf %get3A_1792, %mul3A_1794 : vector<16xf32>
      %add3A_1796 = arith.constant 9.500000e+00 : f32
      %add3A_1797 = vector.broadcast %add3A_1796 : f32 to vector<16xf32>
      %add3A_1798 = arith.addf %mul3A_1795, %add3A_1797 : vector<16xf32>
      %jit3A_1799 = arith.constant 0.000000e+00 : f32
      %jit3A_1800 = arith.constant 1.800000e+01 : f32
      %max3A_1801 = vector.broadcast %jit3A_1799 : f32 to vector<16xf32>
      %max3A_1802 = arith.maximumf %max3A_1801, %add3A_1798 : vector<16xf32>
      %min3A_1803 = vector.broadcast %jit3A_1800 : f32 to vector<16xf32>
      %min3A_1804 = arith.minimumf %min3A_1803, %max3A_1802 : vector<16xf32>
      %convert_element_type3A_1805 = arith.fptosi %min3A_1804 : vector<16xf32> to vector<16xi32>
      %mul3A_1806 = arith.constant 128 : i32
      %mul3A_1807 = vector.broadcast %mul3A_1806 : i32 to vector<16xi32>
      %mul3A_1808 = arith.muli %convert_element_type3A_1805, %mul3A_1807 : vector<16xi32>
      %add3A_1809 = arith.constant 16 : i32
      %add3A_1810 = vector.broadcast %add3A_1809 : i32 to vector<16xi32>
      %add3A_1811 = arith.addi %iota3A, %add3A_1810 : vector<16xi32>
      %add3A_1812 = arith.addi %mul3A_1808, %add3A_1811 : vector<16xi32>
      %gather3A_1813 = tpu.vector_load_idx %arg8[%add3A_1812] : memref<2560xf32, #tpu.memory_space<vmem>>[vector<16xi32>], vector<16xf32>,
      %gather3A_1814 = tpu.vector_load_idx %arg7[%add3A_1812] : memref<2560xf32, #tpu.memory_space<vmem>>[vector<16xi32>], vector<16xf32>,
      %mul3A_1815 = arith.mulf %add3A_1798, %gather3A_1814 : vector<16xf32>
      %add3A_1816 = arith.addf %gather3A_1813, %mul3A_1815 : vector<16xf32>
      %add3A_1817 = arith.addf %add3A_1789, %add3A_1816 : vector<16xf32>
      %get3A_1818 = arith.index_cast %add3A_1759 : i32 to index
      %get3A_1819 = arith.constant 32 : index
      %get3A_1820 = tpu.vector_load %arg5[%get3A_1818, %get3A_1819] {strides = array<i32>} : memref<256x128xf32, #tpu.memory_space<vmem>>, vector<16xf32>,
      %mul3A_1821 = arith.constant 3.16666675 : f32
      %mul3A_1822 = vector.broadcast %mul3A_1821 : f32 to vector<16xf32>
      %mul3A_1823 = arith.mulf %get3A_1820, %mul3A_1822 : vector<16xf32>
      %add3A_1824 = arith.constant 9.500000e+00 : f32
      %add3A_1825 = vector.broadcast %add3A_1824 : f32 to vector<16xf32>
      %add3A_1826 = arith.addf %mul3A_1823, %add3A_1825 : vector<16xf32>
      %jit3A_1827 = arith.constant 0.000000e+00 : f32
      %jit3A_1828 = arith.constant 1.800000e+01 : f32
      %max3A_1829 = vector.broadcast %jit3A_1827 : f32 to vector<16xf32>
      %max3A_1830 = arith.maximumf %max3A_1829, %add3A_1826 : vector<16xf32>
      %min3A_1831 = vector.broadcast %jit3A_1828 : f32 to vector<16xf32>
      %min3A_1832 = arith.minimumf %min3A_1831, %max3A_1830 : vector<16xf32>
      %convert_element_type3A_1833 = arith.fptosi %min3A_1832 : vector<16xf32> to vector<16xi32>
      %mul3A_1834 = arith.constant 128 : i32
      %mul3A_1835 = vector.broadcast %mul3A_1834 : i32 to vector<16xi32>
      %mul3A_1836 = arith.muli %convert_element_type3A_1833, %mul3A_1835 : vector<16xi32>
      %add3A_1837 = arith.constant 32 : i32
      %add3A_1838 = vector.broadcast %add3A_1837 : i32 to vector<16xi32>
      %add3A_1839 = arith.addi %iota3A, %add3A_1838 : vector<16xi32>
      %add3A_1840 = arith.addi %mul3A_1836, %add3A_1839 : vector<16xi32>
      %gather3A_1841 = tpu.vector_load_idx %arg8[%add3A_1840] : memref<2560xf32, #tpu.memory_space<vmem>>[vector<16xi32>], vector<16xf32>,
      %gather3A_1842 = tpu.vector_load_idx %arg7[%add3A_1840] : memref<2560xf32, #tpu.memory_space<vmem>>[vector<16xi32>], vector<16xf32>,
      %mul3A_1843 = arith.mulf %add3A_1826, %gather3A_1842 : vector<16xf32>
      %add3A_1844 = arith.addf %gather3A_1841, %mul3A_1843 : vector<16xf32>
      %add3A_1845 = arith.addf %add3A_1817, %add3A_1844 : vector<16xf32>
      %get3A_1846 = arith.index_cast %add3A_1759 : i32 to index
      %get3A_1847 = arith.constant 48 : index
      %get3A_1848 = tpu.vector_load %arg5[%get3A_1846, %get3A_1847] {strides = array<i32>} : memref<256x128xf32, #tpu.memory_space<vmem>>, vector<16xf32>,
      %mul3A_1849 = arith.constant 3.16666675 : f32
      %mul3A_1850 = vector.broadcast %mul3A_1849 : f32 to vector<16xf32>
      %mul3A_1851 = arith.mulf %get3A_1848, %mul3A_1850 : vector<16xf32>
      %add3A_1852 = arith.constant 9.500000e+00 : f32
      %add3A_1853 = vector.broadcast %add3A_1852 : f32 to vector<16xf32>
      %add3A_1854 = arith.addf %mul3A_1851, %add3A_1853 : vector<16xf32>
      %jit3A_1855 = arith.constant 0.000000e+00 : f32
      %jit3A_1856 = arith.constant 1.800000e+01 : f32
      %max3A_1857 = vector.broadcast %jit3A_1855 : f32 to vector<16xf32>
      %max3A_1858 = arith.maximumf %max3A_1857, %add3A_1854 : vector<16xf32>
      %min3A_1859 = vector.broadcast %jit3A_1856 : f32 to vector<16xf32>
      %min3A_1860 = arith.minimumf %min3A_1859, %max3A_1858 : vector<16xf32>
      %convert_element_type3A_1861 = arith.fptosi %min3A_1860 : vector<16xf32> to vector<16xi32>
      %mul3A_1862 = arith.constant 128 : i32
      %mul3A_1863 = vector.broadcast %mul3A_1862 : i32 to vector<16xi32>
      %mul3A_1864 = arith.muli %convert_element_type3A_1861, %mul3A_1863 : vector<16xi32>
      %add3A_1865 = arith.constant 48 : i32
      %add3A_1866 = vector.broadcast %add3A_1865 : i32 to vector<16xi32>
      %add3A_1867 = arith.addi %iota3A, %add3A_1866 : vector<16xi32>
      %add3A_1868 = arith.addi %mul3A_1864, %add3A_1867 : vector<16xi32>
      %gather3A_1869 = tpu.vector_load_idx %arg8[%add3A_1868] : memref<2560xf32, #tpu.memory_space<vmem>>[vector<16xi32>], vector<16xf32>,
      %gather3A_1870 = tpu.vector_load_idx %arg7[%add3A_1868] : memref<2560xf32, #tpu.memory_space<vmem>>[vector<16xi32>], vector<16xf32>,
      %mul3A_1871 = arith.mulf %add3A_1854, %gather3A_1870 : vector<16xf32>
      %add3A_1872 = arith.addf %gather3A_1869, %mul3A_1871 : vector<16xf32>
      %add3A_1873 = arith.addf %add3A_1845, %add3A_1872 : vector<16xf32>
      %get3A_1874 = arith.index_cast %add3A_1759 : i32 to index
      %get3A_1875 = arith.constant 64 : index
      %get3A_1876 = tpu.vector_load %arg5[%get3A_1874, %get3A_1875] {strides = array<i32>} : memref<256x128xf32, #tpu.memory_space<vmem>>, vector<16xf32>,
      %mul3A_1877 = arith.constant 3.16666675 : f32
      %mul3A_1878 = vector.broadcast %mul3A_1877 : f32 to vector<16xf32>
      %mul3A_1879 = arith.mulf %get3A_1876, %mul3A_1878 : vector<16xf32>
      %add3A_1880 = arith.constant 9.500000e+00 : f32
      %add3A_1881 = vector.broadcast %add3A_1880 : f32 to vector<16xf32>
      %add3A_1882 = arith.addf %mul3A_1879, %add3A_1881 : vector<16xf32>
      %jit3A_1883 = arith.constant 0.000000e+00 : f32
      %jit3A_1884 = arith.constant 1.800000e+01 : f32
      %max3A_1885 = vector.broadcast %jit3A_1883 : f32 to vector<16xf32>
      %max3A_1886 = arith.maximumf %max3A_1885, %add3A_1882 : vector<16xf32>
      %min3A_1887 = vector.broadcast %jit3A_1884 : f32 to vector<16xf32>
      %min3A_1888 = arith.minimumf %min3A_1887, %max3A_1886 : vector<16xf32>
      %convert_element_type3A_1889 = arith.fptosi %min3A_1888 : vector<16xf32> to vector<16xi32>
      %mul3A_1890 = arith.constant 128 : i32
      %mul3A_1891 = vector.broadcast %mul3A_1890 : i32 to vector<16xi32>
      %mul3A_1892 = arith.muli %convert_element_type3A_1889, %mul3A_1891 : vector<16xi32>
      %add3A_1893 = arith.constant 64 : i32
      %add3A_1894 = vector.broadcast %add3A_1893 : i32 to vector<16xi32>
      %add3A_1895 = arith.addi %iota3A, %add3A_1894 : vector<16xi32>
      %add3A_1896 = arith.addi %mul3A_1892, %add3A_1895 : vector<16xi32>
      %gather3A_1897 = tpu.vector_load_idx %arg8[%add3A_1896] : memref<2560xf32, #tpu.memory_space<vmem>>[vector<16xi32>], vector<16xf32>,
      %gather3A_1898 = tpu.vector_load_idx %arg7[%add3A_1896] : memref<2560xf32, #tpu.memory_space<vmem>>[vector<16xi32>], vector<16xf32>,
      %mul3A_1899 = arith.mulf %add3A_1882, %gather3A_1898 : vector<16xf32>
      %add3A_1900 = arith.addf %gather3A_1897, %mul3A_1899 : vector<16xf32>
      %add3A_1901 = arith.addf %add3A_1873, %add3A_1900 : vector<16xf32>
      %get3A_1902 = arith.index_cast %add3A_1759 : i32 to index
      %get3A_1903 = arith.constant 80 : index
      %get3A_1904 = tpu.vector_load %arg5[%get3A_1902, %get3A_1903] {strides = array<i32>} : memref<256x128xf32, #tpu.memory_space<vmem>>, vector<16xf32>,
      %mul3A_1905 = arith.constant 3.16666675 : f32
      %mul3A_1906 = vector.broadcast %mul3A_1905 : f32 to vector<16xf32>
      %mul3A_1907 = arith.mulf %get3A_1904, %mul3A_1906 : vector<16xf32>
      %add3A_1908 = arith.constant 9.500000e+00 : f32
      %add3A_1909 = vector.broadcast %add3A_1908 : f32 to vector<16xf32>
      %add3A_1910 = arith.addf %mul3A_1907, %add3A_1909 : vector<16xf32>
      %jit3A_1911 = arith.constant 0.000000e+00 : f32
      %jit3A_1912 = arith.constant 1.800000e+01 : f32
      %max3A_1913 = vector.broadcast %jit3A_1911 : f32 to vector<16xf32>
      %max3A_1914 = arith.maximumf %max3A_1913, %add3A_1910 : vector<16xf32>
      %min3A_1915 = vector.broadcast %jit3A_1912 : f32 to vector<16xf32>
      %min3A_1916 = arith.minimumf %min3A_1915, %max3A_1914 : vector<16xf32>
      %convert_element_type3A_1917 = arith.fptosi %min3A_1916 : vector<16xf32> to vector<16xi32>
      %mul3A_1918 = arith.constant 128 : i32
      %mul3A_1919 = vector.broadcast %mul3A_1918 : i32 to vector<16xi32>
      %mul3A_1920 = arith.muli %convert_element_type3A_1917, %mul3A_1919 : vector<16xi32>
      %add3A_1921 = arith.constant 80 : i32
      %add3A_1922 = vector.broadcast %add3A_1921 : i32 to vector<16xi32>
      %add3A_1923 = arith.addi %iota3A, %add3A_1922 : vector<16xi32>
      %add3A_1924 = arith.addi %mul3A_1920, %add3A_1923 : vector<16xi32>
      %gather3A_1925 = tpu.vector_load_idx %arg8[%add3A_1924] : memref<2560xf32, #tpu.memory_space<vmem>>[vector<16xi32>], vector<16xf32>,
      %gather3A_1926 = tpu.vector_load_idx %arg7[%add3A_1924] : memref<2560xf32, #tpu.memory_space<vmem>>[vector<16xi32>], vector<16xf32>,
      %mul3A_1927 = arith.mulf %add3A_1910, %gather3A_1926 : vector<16xf32>
      %add3A_1928 = arith.addf %gather3A_1925, %mul3A_1927 : vector<16xf32>
      %add3A_1929 = arith.addf %add3A_1901, %add3A_1928 : vector<16xf32>
      %get3A_1930 = arith.index_cast %add3A_1759 : i32 to index
      %get3A_1931 = arith.constant 96 : index
      %get3A_1932 = tpu.vector_load %arg5[%get3A_1930, %get3A_1931] {strides = array<i32>} : memref<256x128xf32, #tpu.memory_space<vmem>>, vector<16xf32>,
      %mul3A_1933 = arith.constant 3.16666675 : f32
      %mul3A_1934 = vector.broadcast %mul3A_1933 : f32 to vector<16xf32>
      %mul3A_1935 = arith.mulf %get3A_1932, %mul3A_1934 : vector<16xf32>
      %add3A_1936 = arith.constant 9.500000e+00 : f32
      %add3A_1937 = vector.broadcast %add3A_1936 : f32 to vector<16xf32>
      %add3A_1938 = arith.addf %mul3A_1935, %add3A_1937 : vector<16xf32>
      %jit3A_1939 = arith.constant 0.000000e+00 : f32
      %jit3A_1940 = arith.constant 1.800000e+01 : f32
      %max3A_1941 = vector.broadcast %jit3A_1939 : f32 to vector<16xf32>
      %max3A_1942 = arith.maximumf %max3A_1941, %add3A_1938 : vector<16xf32>
      %min3A_1943 = vector.broadcast %jit3A_1940 : f32 to vector<16xf32>
      %min3A_1944 = arith.minimumf %min3A_1943, %max3A_1942 : vector<16xf32>
      %convert_element_type3A_1945 = arith.fptosi %min3A_1944 : vector<16xf32> to vector<16xi32>
      %mul3A_1946 = arith.constant 128 : i32
      %mul3A_1947 = vector.broadcast %mul3A_1946 : i32 to vector<16xi32>
      %mul3A_1948 = arith.muli %convert_element_type3A_1945, %mul3A_1947 : vector<16xi32>
      %add3A_1949 = arith.constant 96 : i32
      %add3A_1950 = vector.broadcast %add3A_1949 : i32 to vector<16xi32>
      %add3A_1951 = arith.addi %iota3A, %add3A_1950 : vector<16xi32>
      %add3A_1952 = arith.addi %mul3A_1948, %add3A_1951 : vector<16xi32>
      %gather3A_1953 = tpu.vector_load_idx %arg8[%add3A_1952] : memref<2560xf32, #tpu.memory_space<vmem>>[vector<16xi32>], vector<16xf32>,
      %gather3A_1954 = tpu.vector_load_idx %arg7[%add3A_1952] : memref<2560xf32, #tpu.memory_space<vmem>>[vector<16xi32>], vector<16xf32>,
      %mul3A_1955 = arith.mulf %add3A_1938, %gather3A_1954 : vector<16xf32>
      %add3A_1956 = arith.addf %gather3A_1953, %mul3A_1955 : vector<16xf32>
      %add3A_1957 = arith.addf %add3A_1929, %add3A_1956 : vector<16xf32>
      %get3A_1958 = arith.index_cast %add3A_1759 : i32 to index
      %get3A_1959 = arith.constant 112 : index
      %get3A_1960 = tpu.vector_load %arg5[%get3A_1958, %get3A_1959] {strides = array<i32>} : memref<256x128xf32, #tpu.memory_space<vmem>>, vector<16xf32>,
      %mul3A_1961 = arith.constant 3.16666675 : f32
      %mul3A_1962 = vector.broadcast %mul3A_1961 : f32 to vector<16xf32>
      %mul3A_1963 = arith.mulf %get3A_1960, %mul3A_1962 : vector<16xf32>
      %add3A_1964 = arith.constant 9.500000e+00 : f32
      %add3A_1965 = vector.broadcast %add3A_1964 : f32 to vector<16xf32>
      %add3A_1966 = arith.addf %mul3A_1963, %add3A_1965 : vector<16xf32>
      %jit3A_1967 = arith.constant 0.000000e+00 : f32
      %jit3A_1968 = arith.constant 1.800000e+01 : f32
      %max3A_1969 = vector.broadcast %jit3A_1967 : f32 to vector<16xf32>
      %max3A_1970 = arith.maximumf %max3A_1969, %add3A_1966 : vector<16xf32>
      %min3A_1971 = vector.broadcast %jit3A_1968 : f32 to vector<16xf32>
      %min3A_1972 = arith.minimumf %min3A_1971, %max3A_1970 : vector<16xf32>
      %convert_element_type3A_1973 = arith.fptosi %min3A_1972 : vector<16xf32> to vector<16xi32>
      %mul3A_1974 = arith.constant 128 : i32
      %mul3A_1975 = vector.broadcast %mul3A_1974 : i32 to vector<16xi32>
      %mul3A_1976 = arith.muli %convert_element_type3A_1973, %mul3A_1975 : vector<16xi32>
      %add3A_1977 = arith.constant 112 : i32
      %add3A_1978 = vector.broadcast %add3A_1977 : i32 to vector<16xi32>
      %add3A_1979 = arith.addi %iota3A, %add3A_1978 : vector<16xi32>
      %add3A_1980 = arith.addi %mul3A_1976, %add3A_1979 : vector<16xi32>
      %gather3A_1981 = tpu.vector_load_idx %arg8[%add3A_1980] : memref<2560xf32, #tpu.memory_space<vmem>>[vector<16xi32>], vector<16xf32>,
      %gather3A_1982 = tpu.vector_load_idx %arg7[%add3A_1980] : memref<2560xf32, #tpu.memory_space<vmem>>[vector<16xi32>], vector<16xf32>,
      %mul3A_1983 = arith.mulf %add3A_1966, %gather3A_1982 : vector<16xf32>
      %add3A_1984 = arith.addf %gather3A_1981, %mul3A_1983 : vector<16xf32>
      %add3A_1985 = arith.addf %add3A_1957, %add3A_1984 : vector<16xf32>
      %eq3A_1986 = arith.constant 7 : i32
      %eq3A_1987 = vector.broadcast %eq3A_1986 : i32 to vector<16xi32>
      %eq3A_1988 = arith.cmpi eq, %iota3A, %eq3A_1987 : vector<16xi32>
      %reduce_sum3A_1989 = arith.constant true
      %reduce_sum3A_1990 = vector.broadcast %reduce_sum3A_1989 : i1 to vector<16xi1>
      %reduce_sum3A_1991 = tpu.scan <sum>, %add3A_1985 masked %reduce_sum3A_1990 : vector<16xf32>, vector<16xi1> -> vector<16xf32>
      %reduce_sum3A_1992 = vector.extract %reduce_sum3A_1991[15] : f32 from vector<16xf32>
      %broadcast_in_dim3A_1993 = vector.broadcast %reduce_sum3A_1992 : f32 to vector<16xf32>
      %select_n3A_1994 = arith.select %eq3A_1988, %broadcast_in_dim3A_1993, %select_n3A_1755 : vector<16xi1>, vector<16xf32>
      %mul3A_1995 = arith.constant 16 : i32
      %mul3A_1996 = arith.muli %add3A_71, %mul3A_1995 : i32
      %add3A_1997 = arith.constant 8 : i32
      %add3A_1998 = arith.addi %mul3A_1996, %add3A_1997 : i32
      %broadcast_in_dim3A_1999 = arith.constant 0.000000e+00 : f32
      %broadcast_in_dim3A_2000 = vector.broadcast %broadcast_in_dim3A_1999 : f32 to vector<16xf32>
      %get3A_2001 = arith.index_cast %add3A_1998 : i32 to index
      %get3A_2002 = arith.constant 0 : index
      %get3A_2003 = tpu.vector_load %arg5[%get3A_2001, %get3A_2002] {strides = array<i32>} : memref<256x128xf32, #tpu.memory_space<vmem>>, vector<16xf32>,
      %mul3A_2004 = arith.constant 3.16666675 : f32
      %mul3A_2005 = vector.broadcast %mul3A_2004 : f32 to vector<16xf32>
      %mul3A_2006 = arith.mulf %get3A_2003, %mul3A_2005 : vector<16xf32>
      %add3A_2007 = arith.constant 9.500000e+00 : f32
      %add3A_2008 = vector.broadcast %add3A_2007 : f32 to vector<16xf32>
      %add3A_2009 = arith.addf %mul3A_2006, %add3A_2008 : vector<16xf32>
      %jit3A_2010 = arith.constant 0.000000e+00 : f32
      %jit3A_2011 = arith.constant 1.800000e+01 : f32
      %max3A_2012 = vector.broadcast %jit3A_2010 : f32 to vector<16xf32>
      %max3A_2013 = arith.maximumf %max3A_2012, %add3A_2009 : vector<16xf32>
      %min3A_2014 = vector.broadcast %jit3A_2011 : f32 to vector<16xf32>
      %min3A_2015 = arith.minimumf %min3A_2014, %max3A_2013 : vector<16xf32>
      %convert_element_type3A_2016 = arith.fptosi %min3A_2015 : vector<16xf32> to vector<16xi32>
      %mul3A_2017 = arith.constant 128 : i32
      %mul3A_2018 = vector.broadcast %mul3A_2017 : i32 to vector<16xi32>
      %mul3A_2019 = arith.muli %convert_element_type3A_2016, %mul3A_2018 : vector<16xi32>
      %add3A_2020 = arith.constant 0 : i32
      %add3A_2021 = vector.broadcast %add3A_2020 : i32 to vector<16xi32>
      %add3A_2022 = arith.addi %iota3A, %add3A_2021 : vector<16xi32>
      %add3A_2023 = arith.addi %mul3A_2019, %add3A_2022 : vector<16xi32>
      %gather3A_2024 = tpu.vector_load_idx %arg8[%add3A_2023] : memref<2560xf32, #tpu.memory_space<vmem>>[vector<16xi32>], vector<16xf32>,
      %gather3A_2025 = tpu.vector_load_idx %arg7[%add3A_2023] : memref<2560xf32, #tpu.memory_space<vmem>>[vector<16xi32>], vector<16xf32>,
      %mul3A_2026 = arith.mulf %add3A_2009, %gather3A_2025 : vector<16xf32>
      %add3A_2027 = arith.addf %gather3A_2024, %mul3A_2026 : vector<16xf32>
      %add3A_2028 = arith.addf %broadcast_in_dim3A_2000, %add3A_2027 : vector<16xf32>
      %get3A_2029 = arith.index_cast %add3A_1998 : i32 to index
      %get3A_2030 = arith.constant 16 : index
      %get3A_2031 = tpu.vector_load %arg5[%get3A_2029, %get3A_2030] {strides = array<i32>} : memref<256x128xf32, #tpu.memory_space<vmem>>, vector<16xf32>,
      %mul3A_2032 = arith.constant 3.16666675 : f32
      %mul3A_2033 = vector.broadcast %mul3A_2032 : f32 to vector<16xf32>
      %mul3A_2034 = arith.mulf %get3A_2031, %mul3A_2033 : vector<16xf32>
      %add3A_2035 = arith.constant 9.500000e+00 : f32
      %add3A_2036 = vector.broadcast %add3A_2035 : f32 to vector<16xf32>
      %add3A_2037 = arith.addf %mul3A_2034, %add3A_2036 : vector<16xf32>
      %jit3A_2038 = arith.constant 0.000000e+00 : f32
      %jit3A_2039 = arith.constant 1.800000e+01 : f32
      %max3A_2040 = vector.broadcast %jit3A_2038 : f32 to vector<16xf32>
      %max3A_2041 = arith.maximumf %max3A_2040, %add3A_2037 : vector<16xf32>
      %min3A_2042 = vector.broadcast %jit3A_2039 : f32 to vector<16xf32>
      %min3A_2043 = arith.minimumf %min3A_2042, %max3A_2041 : vector<16xf32>
      %convert_element_type3A_2044 = arith.fptosi %min3A_2043 : vector<16xf32> to vector<16xi32>
      %mul3A_2045 = arith.constant 128 : i32
      %mul3A_2046 = vector.broadcast %mul3A_2045 : i32 to vector<16xi32>
      %mul3A_2047 = arith.muli %convert_element_type3A_2044, %mul3A_2046 : vector<16xi32>
      %add3A_2048 = arith.constant 16 : i32
      %add3A_2049 = vector.broadcast %add3A_2048 : i32 to vector<16xi32>
      %add3A_2050 = arith.addi %iota3A, %add3A_2049 : vector<16xi32>
      %add3A_2051 = arith.addi %mul3A_2047, %add3A_2050 : vector<16xi32>
      %gather3A_2052 = tpu.vector_load_idx %arg8[%add3A_2051] : memref<2560xf32, #tpu.memory_space<vmem>>[vector<16xi32>], vector<16xf32>,
      %gather3A_2053 = tpu.vector_load_idx %arg7[%add3A_2051] : memref<2560xf32, #tpu.memory_space<vmem>>[vector<16xi32>], vector<16xf32>,
      %mul3A_2054 = arith.mulf %add3A_2037, %gather3A_2053 : vector<16xf32>
      %add3A_2055 = arith.addf %gather3A_2052, %mul3A_2054 : vector<16xf32>
      %add3A_2056 = arith.addf %add3A_2028, %add3A_2055 : vector<16xf32>
      %get3A_2057 = arith.index_cast %add3A_1998 : i32 to index
      %get3A_2058 = arith.constant 32 : index
      %get3A_2059 = tpu.vector_load %arg5[%get3A_2057, %get3A_2058] {strides = array<i32>} : memref<256x128xf32, #tpu.memory_space<vmem>>, vector<16xf32>,
      %mul3A_2060 = arith.constant 3.16666675 : f32
      %mul3A_2061 = vector.broadcast %mul3A_2060 : f32 to vector<16xf32>
      %mul3A_2062 = arith.mulf %get3A_2059, %mul3A_2061 : vector<16xf32>
      %add3A_2063 = arith.constant 9.500000e+00 : f32
      %add3A_2064 = vector.broadcast %add3A_2063 : f32 to vector<16xf32>
      %add3A_2065 = arith.addf %mul3A_2062, %add3A_2064 : vector<16xf32>
      %jit3A_2066 = arith.constant 0.000000e+00 : f32
      %jit3A_2067 = arith.constant 1.800000e+01 : f32
      %max3A_2068 = vector.broadcast %jit3A_2066 : f32 to vector<16xf32>
      %max3A_2069 = arith.maximumf %max3A_2068, %add3A_2065 : vector<16xf32>
      %min3A_2070 = vector.broadcast %jit3A_2067 : f32 to vector<16xf32>
      %min3A_2071 = arith.minimumf %min3A_2070, %max3A_2069 : vector<16xf32>
      %convert_element_type3A_2072 = arith.fptosi %min3A_2071 : vector<16xf32> to vector<16xi32>
      %mul3A_2073 = arith.constant 128 : i32
      %mul3A_2074 = vector.broadcast %mul3A_2073 : i32 to vector<16xi32>
      %mul3A_2075 = arith.muli %convert_element_type3A_2072, %mul3A_2074 : vector<16xi32>
      %add3A_2076 = arith.constant 32 : i32
      %add3A_2077 = vector.broadcast %add3A_2076 : i32 to vector<16xi32>
      %add3A_2078 = arith.addi %iota3A, %add3A_2077 : vector<16xi32>
      %add3A_2079 = arith.addi %mul3A_2075, %add3A_2078 : vector<16xi32>
      %gather3A_2080 = tpu.vector_load_idx %arg8[%add3A_2079] : memref<2560xf32, #tpu.memory_space<vmem>>[vector<16xi32>], vector<16xf32>,
      %gather3A_2081 = tpu.vector_load_idx %arg7[%add3A_2079] : memref<2560xf32, #tpu.memory_space<vmem>>[vector<16xi32>], vector<16xf32>,
      %mul3A_2082 = arith.mulf %add3A_2065, %gather3A_2081 : vector<16xf32>
      %add3A_2083 = arith.addf %gather3A_2080, %mul3A_2082 : vector<16xf32>
      %add3A_2084 = arith.addf %add3A_2056, %add3A_2083 : vector<16xf32>
      %get3A_2085 = arith.index_cast %add3A_1998 : i32 to index
      %get3A_2086 = arith.constant 48 : index
      %get3A_2087 = tpu.vector_load %arg5[%get3A_2085, %get3A_2086] {strides = array<i32>} : memref<256x128xf32, #tpu.memory_space<vmem>>, vector<16xf32>,
      %mul3A_2088 = arith.constant 3.16666675 : f32
      %mul3A_2089 = vector.broadcast %mul3A_2088 : f32 to vector<16xf32>
      %mul3A_2090 = arith.mulf %get3A_2087, %mul3A_2089 : vector<16xf32>
      %add3A_2091 = arith.constant 9.500000e+00 : f32
      %add3A_2092 = vector.broadcast %add3A_2091 : f32 to vector<16xf32>
      %add3A_2093 = arith.addf %mul3A_2090, %add3A_2092 : vector<16xf32>
      %jit3A_2094 = arith.constant 0.000000e+00 : f32
      %jit3A_2095 = arith.constant 1.800000e+01 : f32
      %max3A_2096 = vector.broadcast %jit3A_2094 : f32 to vector<16xf32>
      %max3A_2097 = arith.maximumf %max3A_2096, %add3A_2093 : vector<16xf32>
      %min3A_2098 = vector.broadcast %jit3A_2095 : f32 to vector<16xf32>
      %min3A_2099 = arith.minimumf %min3A_2098, %max3A_2097 : vector<16xf32>
      %convert_element_type3A_2100 = arith.fptosi %min3A_2099 : vector<16xf32> to vector<16xi32>
      %mul3A_2101 = arith.constant 128 : i32
      %mul3A_2102 = vector.broadcast %mul3A_2101 : i32 to vector<16xi32>
      %mul3A_2103 = arith.muli %convert_element_type3A_2100, %mul3A_2102 : vector<16xi32>
      %add3A_2104 = arith.constant 48 : i32
      %add3A_2105 = vector.broadcast %add3A_2104 : i32 to vector<16xi32>
      %add3A_2106 = arith.addi %iota3A, %add3A_2105 : vector<16xi32>
      %add3A_2107 = arith.addi %mul3A_2103, %add3A_2106 : vector<16xi32>
      %gather3A_2108 = tpu.vector_load_idx %arg8[%add3A_2107] : memref<2560xf32, #tpu.memory_space<vmem>>[vector<16xi32>], vector<16xf32>,
      %gather3A_2109 = tpu.vector_load_idx %arg7[%add3A_2107] : memref<2560xf32, #tpu.memory_space<vmem>>[vector<16xi32>], vector<16xf32>,
      %mul3A_2110 = arith.mulf %add3A_2093, %gather3A_2109 : vector<16xf32>
      %add3A_2111 = arith.addf %gather3A_2108, %mul3A_2110 : vector<16xf32>
      %add3A_2112 = arith.addf %add3A_2084, %add3A_2111 : vector<16xf32>
      %get3A_2113 = arith.index_cast %add3A_1998 : i32 to index
      %get3A_2114 = arith.constant 64 : index
      %get3A_2115 = tpu.vector_load %arg5[%get3A_2113, %get3A_2114] {strides = array<i32>} : memref<256x128xf32, #tpu.memory_space<vmem>>, vector<16xf32>,
      %mul3A_2116 = arith.constant 3.16666675 : f32
      %mul3A_2117 = vector.broadcast %mul3A_2116 : f32 to vector<16xf32>
      %mul3A_2118 = arith.mulf %get3A_2115, %mul3A_2117 : vector<16xf32>
      %add3A_2119 = arith.constant 9.500000e+00 : f32
      %add3A_2120 = vector.broadcast %add3A_2119 : f32 to vector<16xf32>
      %add3A_2121 = arith.addf %mul3A_2118, %add3A_2120 : vector<16xf32>
      %jit3A_2122 = arith.constant 0.000000e+00 : f32
      %jit3A_2123 = arith.constant 1.800000e+01 : f32
      %max3A_2124 = vector.broadcast %jit3A_2122 : f32 to vector<16xf32>
      %max3A_2125 = arith.maximumf %max3A_2124, %add3A_2121 : vector<16xf32>
      %min3A_2126 = vector.broadcast %jit3A_2123 : f32 to vector<16xf32>
      %min3A_2127 = arith.minimumf %min3A_2126, %max3A_2125 : vector<16xf32>
      %convert_element_type3A_2128 = arith.fptosi %min3A_2127 : vector<16xf32> to vector<16xi32>
      %mul3A_2129 = arith.constant 128 : i32
      %mul3A_2130 = vector.broadcast %mul3A_2129 : i32 to vector<16xi32>
      %mul3A_2131 = arith.muli %convert_element_type3A_2128, %mul3A_2130 : vector<16xi32>
      %add3A_2132 = arith.constant 64 : i32
      %add3A_2133 = vector.broadcast %add3A_2132 : i32 to vector<16xi32>
      %add3A_2134 = arith.addi %iota3A, %add3A_2133 : vector<16xi32>
      %add3A_2135 = arith.addi %mul3A_2131, %add3A_2134 : vector<16xi32>
      %gather3A_2136 = tpu.vector_load_idx %arg8[%add3A_2135] : memref<2560xf32, #tpu.memory_space<vmem>>[vector<16xi32>], vector<16xf32>,
      %gather3A_2137 = tpu.vector_load_idx %arg7[%add3A_2135] : memref<2560xf32, #tpu.memory_space<vmem>>[vector<16xi32>], vector<16xf32>,
      %mul3A_2138 = arith.mulf %add3A_2121, %gather3A_2137 : vector<16xf32>
      %add3A_2139 = arith.addf %gather3A_2136, %mul3A_2138 : vector<16xf32>
      %add3A_2140 = arith.addf %add3A_2112, %add3A_2139 : vector<16xf32>
      %get3A_2141 = arith.index_cast %add3A_1998 : i32 to index
      %get3A_2142 = arith.constant 80 : index
      %get3A_2143 = tpu.vector_load %arg5[%get3A_2141, %get3A_2142] {strides = array<i32>} : memref<256x128xf32, #tpu.memory_space<vmem>>, vector<16xf32>,
      %mul3A_2144 = arith.constant 3.16666675 : f32
      %mul3A_2145 = vector.broadcast %mul3A_2144 : f32 to vector<16xf32>
      %mul3A_2146 = arith.mulf %get3A_2143, %mul3A_2145 : vector<16xf32>
      %add3A_2147 = arith.constant 9.500000e+00 : f32
      %add3A_2148 = vector.broadcast %add3A_2147 : f32 to vector<16xf32>
      %add3A_2149 = arith.addf %mul3A_2146, %add3A_2148 : vector<16xf32>
      %jit3A_2150 = arith.constant 0.000000e+00 : f32
      %jit3A_2151 = arith.constant 1.800000e+01 : f32
      %max3A_2152 = vector.broadcast %jit3A_2150 : f32 to vector<16xf32>
      %max3A_2153 = arith.maximumf %max3A_2152, %add3A_2149 : vector<16xf32>
      %min3A_2154 = vector.broadcast %jit3A_2151 : f32 to vector<16xf32>
      %min3A_2155 = arith.minimumf %min3A_2154, %max3A_2153 : vector<16xf32>
      %convert_element_type3A_2156 = arith.fptosi %min3A_2155 : vector<16xf32> to vector<16xi32>
      %mul3A_2157 = arith.constant 128 : i32
      %mul3A_2158 = vector.broadcast %mul3A_2157 : i32 to vector<16xi32>
      %mul3A_2159 = arith.muli %convert_element_type3A_2156, %mul3A_2158 : vector<16xi32>
      %add3A_2160 = arith.constant 80 : i32
      %add3A_2161 = vector.broadcast %add3A_2160 : i32 to vector<16xi32>
      %add3A_2162 = arith.addi %iota3A, %add3A_2161 : vector<16xi32>
      %add3A_2163 = arith.addi %mul3A_2159, %add3A_2162 : vector<16xi32>
      %gather3A_2164 = tpu.vector_load_idx %arg8[%add3A_2163] : memref<2560xf32, #tpu.memory_space<vmem>>[vector<16xi32>], vector<16xf32>,
      %gather3A_2165 = tpu.vector_load_idx %arg7[%add3A_2163] : memref<2560xf32, #tpu.memory_space<vmem>>[vector<16xi32>], vector<16xf32>,
      %mul3A_2166 = arith.mulf %add3A_2149, %gather3A_2165 : vector<16xf32>
      %add3A_2167 = arith.addf %gather3A_2164, %mul3A_2166 : vector<16xf32>
      %add3A_2168 = arith.addf %add3A_2140, %add3A_2167 : vector<16xf32>
      %get3A_2169 = arith.index_cast %add3A_1998 : i32 to index
      %get3A_2170 = arith.constant 96 : index
      %get3A_2171 = tpu.vector_load %arg5[%get3A_2169, %get3A_2170] {strides = array<i32>} : memref<256x128xf32, #tpu.memory_space<vmem>>, vector<16xf32>,
      %mul3A_2172 = arith.constant 3.16666675 : f32
      %mul3A_2173 = vector.broadcast %mul3A_2172 : f32 to vector<16xf32>
      %mul3A_2174 = arith.mulf %get3A_2171, %mul3A_2173 : vector<16xf32>
      %add3A_2175 = arith.constant 9.500000e+00 : f32
      %add3A_2176 = vector.broadcast %add3A_2175 : f32 to vector<16xf32>
      %add3A_2177 = arith.addf %mul3A_2174, %add3A_2176 : vector<16xf32>
      %jit3A_2178 = arith.constant 0.000000e+00 : f32
      %jit3A_2179 = arith.constant 1.800000e+01 : f32
      %max3A_2180 = vector.broadcast %jit3A_2178 : f32 to vector<16xf32>
      %max3A_2181 = arith.maximumf %max3A_2180, %add3A_2177 : vector<16xf32>
      %min3A_2182 = vector.broadcast %jit3A_2179 : f32 to vector<16xf32>
      %min3A_2183 = arith.minimumf %min3A_2182, %max3A_2181 : vector<16xf32>
      %convert_element_type3A_2184 = arith.fptosi %min3A_2183 : vector<16xf32> to vector<16xi32>
      %mul3A_2185 = arith.constant 128 : i32
      %mul3A_2186 = vector.broadcast %mul3A_2185 : i32 to vector<16xi32>
      %mul3A_2187 = arith.muli %convert_element_type3A_2184, %mul3A_2186 : vector<16xi32>
      %add3A_2188 = arith.constant 96 : i32
      %add3A_2189 = vector.broadcast %add3A_2188 : i32 to vector<16xi32>
      %add3A_2190 = arith.addi %iota3A, %add3A_2189 : vector<16xi32>
      %add3A_2191 = arith.addi %mul3A_2187, %add3A_2190 : vector<16xi32>
      %gather3A_2192 = tpu.vector_load_idx %arg8[%add3A_2191] : memref<2560xf32, #tpu.memory_space<vmem>>[vector<16xi32>], vector<16xf32>,
      %gather3A_2193 = tpu.vector_load_idx %arg7[%add3A_2191] : memref<2560xf32, #tpu.memory_space<vmem>>[vector<16xi32>], vector<16xf32>,
      %mul3A_2194 = arith.mulf %add3A_2177, %gather3A_2193 : vector<16xf32>
      %add3A_2195 = arith.addf %gather3A_2192, %mul3A_2194 : vector<16xf32>
      %add3A_2196 = arith.addf %add3A_2168, %add3A_2195 : vector<16xf32>
      %get3A_2197 = arith.index_cast %add3A_1998 : i32 to index
      %get3A_2198 = arith.constant 112 : index
      %get3A_2199 = tpu.vector_load %arg5[%get3A_2197, %get3A_2198] {strides = array<i32>} : memref<256x128xf32, #tpu.memory_space<vmem>>, vector<16xf32>,
      %mul3A_2200 = arith.constant 3.16666675 : f32
      %mul3A_2201 = vector.broadcast %mul3A_2200 : f32 to vector<16xf32>
      %mul3A_2202 = arith.mulf %get3A_2199, %mul3A_2201 : vector<16xf32>
      %add3A_2203 = arith.constant 9.500000e+00 : f32
      %add3A_2204 = vector.broadcast %add3A_2203 : f32 to vector<16xf32>
      %add3A_2205 = arith.addf %mul3A_2202, %add3A_2204 : vector<16xf32>
      %jit3A_2206 = arith.constant 0.000000e+00 : f32
      %jit3A_2207 = arith.constant 1.800000e+01 : f32
      %max3A_2208 = vector.broadcast %jit3A_2206 : f32 to vector<16xf32>
      %max3A_2209 = arith.maximumf %max3A_2208, %add3A_2205 : vector<16xf32>
      %min3A_2210 = vector.broadcast %jit3A_2207 : f32 to vector<16xf32>
      %min3A_2211 = arith.minimumf %min3A_2210, %max3A_2209 : vector<16xf32>
      %convert_element_type3A_2212 = arith.fptosi %min3A_2211 : vector<16xf32> to vector<16xi32>
      %mul3A_2213 = arith.constant 128 : i32
      %mul3A_2214 = vector.broadcast %mul3A_2213 : i32 to vector<16xi32>
      %mul3A_2215 = arith.muli %convert_element_type3A_2212, %mul3A_2214 : vector<16xi32>
      %add3A_2216 = arith.constant 112 : i32
      %add3A_2217 = vector.broadcast %add3A_2216 : i32 to vector<16xi32>
      %add3A_2218 = arith.addi %iota3A, %add3A_2217 : vector<16xi32>
      %add3A_2219 = arith.addi %mul3A_2215, %add3A_2218 : vector<16xi32>
      %gather3A_2220 = tpu.vector_load_idx %arg8[%add3A_2219] : memref<2560xf32, #tpu.memory_space<vmem>>[vector<16xi32>], vector<16xf32>,
      %gather3A_2221 = tpu.vector_load_idx %arg7[%add3A_2219] : memref<2560xf32, #tpu.memory_space<vmem>>[vector<16xi32>], vector<16xf32>,
      %mul3A_2222 = arith.mulf %add3A_2205, %gather3A_2221 : vector<16xf32>
      %add3A_2223 = arith.addf %gather3A_2220, %mul3A_2222 : vector<16xf32>
      %add3A_2224 = arith.addf %add3A_2196, %add3A_2223 : vector<16xf32>
      %eq3A_2225 = arith.constant 8 : i32
      %eq3A_2226 = vector.broadcast %eq3A_2225 : i32 to vector<16xi32>
      %eq3A_2227 = arith.cmpi eq, %iota3A, %eq3A_2226 : vector<16xi32>
      %reduce_sum3A_2228 = arith.constant true
      %reduce_sum3A_2229 = vector.broadcast %reduce_sum3A_2228 : i1 to vector<16xi1>
      %reduce_sum3A_2230 = tpu.scan <sum>, %add3A_2224 masked %reduce_sum3A_2229 : vector<16xf32>, vector<16xi1> -> vector<16xf32>
      %reduce_sum3A_2231 = vector.extract %reduce_sum3A_2230[15] : f32 from vector<16xf32>
      %broadcast_in_dim3A_2232 = vector.broadcast %reduce_sum3A_2231 : f32 to vector<16xf32>
      %select_n3A_2233 = arith.select %eq3A_2227, %broadcast_in_dim3A_2232, %select_n3A_1994 : vector<16xi1>, vector<16xf32>
      %mul3A_2234 = arith.constant 16 : i32
      %mul3A_2235 = arith.muli %add3A_71, %mul3A_2234 : i32
      %add3A_2236 = arith.constant 9 : i32
      %add3A_2237 = arith.addi %mul3A_2235, %add3A_2236 : i32
      %broadcast_in_dim3A_2238 = arith.constant 0.000000e+00 : f32
      %broadcast_in_dim3A_2239 = vector.broadcast %broadcast_in_dim3A_2238 : f32 to vector<16xf32>
      %get3A_2240 = arith.index_cast %add3A_2237 : i32 to index
      %get3A_2241 = arith.constant 0 : index
      %get3A_2242 = tpu.vector_load %arg5[%get3A_2240, %get3A_2241] {strides = array<i32>} : memref<256x128xf32, #tpu.memory_space<vmem>>, vector<16xf32>,
      %mul3A_2243 = arith.constant 3.16666675 : f32
      %mul3A_2244 = vector.broadcast %mul3A_2243 : f32 to vector<16xf32>
      %mul3A_2245 = arith.mulf %get3A_2242, %mul3A_2244 : vector<16xf32>
      %add3A_2246 = arith.constant 9.500000e+00 : f32
      %add3A_2247 = vector.broadcast %add3A_2246 : f32 to vector<16xf32>
      %add3A_2248 = arith.addf %mul3A_2245, %add3A_2247 : vector<16xf32>
      %jit3A_2249 = arith.constant 0.000000e+00 : f32
      %jit3A_2250 = arith.constant 1.800000e+01 : f32
      %max3A_2251 = vector.broadcast %jit3A_2249 : f32 to vector<16xf32>
      %max3A_2252 = arith.maximumf %max3A_2251, %add3A_2248 : vector<16xf32>
      %min3A_2253 = vector.broadcast %jit3A_2250 : f32 to vector<16xf32>
      %min3A_2254 = arith.minimumf %min3A_2253, %max3A_2252 : vector<16xf32>
      %convert_element_type3A_2255 = arith.fptosi %min3A_2254 : vector<16xf32> to vector<16xi32>
      %mul3A_2256 = arith.constant 128 : i32
      %mul3A_2257 = vector.broadcast %mul3A_2256 : i32 to vector<16xi32>
      %mul3A_2258 = arith.muli %convert_element_type3A_2255, %mul3A_2257 : vector<16xi32>
      %add3A_2259 = arith.constant 0 : i32
      %add3A_2260 = vector.broadcast %add3A_2259 : i32 to vector<16xi32>
      %add3A_2261 = arith.addi %iota3A, %add3A_2260 : vector<16xi32>
      %add3A_2262 = arith.addi %mul3A_2258, %add3A_2261 : vector<16xi32>
      %gather3A_2263 = tpu.vector_load_idx %arg8[%add3A_2262] : memref<2560xf32, #tpu.memory_space<vmem>>[vector<16xi32>], vector<16xf32>,
      %gather3A_2264 = tpu.vector_load_idx %arg7[%add3A_2262] : memref<2560xf32, #tpu.memory_space<vmem>>[vector<16xi32>], vector<16xf32>,
      %mul3A_2265 = arith.mulf %add3A_2248, %gather3A_2264 : vector<16xf32>
      %add3A_2266 = arith.addf %gather3A_2263, %mul3A_2265 : vector<16xf32>
      %add3A_2267 = arith.addf %broadcast_in_dim3A_2239, %add3A_2266 : vector<16xf32>
      %get3A_2268 = arith.index_cast %add3A_2237 : i32 to index
      %get3A_2269 = arith.constant 16 : index
      %get3A_2270 = tpu.vector_load %arg5[%get3A_2268, %get3A_2269] {strides = array<i32>} : memref<256x128xf32, #tpu.memory_space<vmem>>, vector<16xf32>,
      %mul3A_2271 = arith.constant 3.16666675 : f32
      %mul3A_2272 = vector.broadcast %mul3A_2271 : f32 to vector<16xf32>
      %mul3A_2273 = arith.mulf %get3A_2270, %mul3A_2272 : vector<16xf32>
      %add3A_2274 = arith.constant 9.500000e+00 : f32
      %add3A_2275 = vector.broadcast %add3A_2274 : f32 to vector<16xf32>
      %add3A_2276 = arith.addf %mul3A_2273, %add3A_2275 : vector<16xf32>
      %jit3A_2277 = arith.constant 0.000000e+00 : f32
      %jit3A_2278 = arith.constant 1.800000e+01 : f32
      %max3A_2279 = vector.broadcast %jit3A_2277 : f32 to vector<16xf32>
      %max3A_2280 = arith.maximumf %max3A_2279, %add3A_2276 : vector<16xf32>
      %min3A_2281 = vector.broadcast %jit3A_2278 : f32 to vector<16xf32>
      %min3A_2282 = arith.minimumf %min3A_2281, %max3A_2280 : vector<16xf32>
      %convert_element_type3A_2283 = arith.fptosi %min3A_2282 : vector<16xf32> to vector<16xi32>
      %mul3A_2284 = arith.constant 128 : i32
      %mul3A_2285 = vector.broadcast %mul3A_2284 : i32 to vector<16xi32>
      %mul3A_2286 = arith.muli %convert_element_type3A_2283, %mul3A_2285 : vector<16xi32>
      %add3A_2287 = arith.constant 16 : i32
      %add3A_2288 = vector.broadcast %add3A_2287 : i32 to vector<16xi32>
      %add3A_2289 = arith.addi %iota3A, %add3A_2288 : vector<16xi32>
      %add3A_2290 = arith.addi %mul3A_2286, %add3A_2289 : vector<16xi32>
      %gather3A_2291 = tpu.vector_load_idx %arg8[%add3A_2290] : memref<2560xf32, #tpu.memory_space<vmem>>[vector<16xi32>], vector<16xf32>,
      %gather3A_2292 = tpu.vector_load_idx %arg7[%add3A_2290] : memref<2560xf32, #tpu.memory_space<vmem>>[vector<16xi32>], vector<16xf32>,
      %mul3A_2293 = arith.mulf %add3A_2276, %gather3A_2292 : vector<16xf32>
      %add3A_2294 = arith.addf %gather3A_2291, %mul3A_2293 : vector<16xf32>
      %add3A_2295 = arith.addf %add3A_2267, %add3A_2294 : vector<16xf32>
      %get3A_2296 = arith.index_cast %add3A_2237 : i32 to index
      %get3A_2297 = arith.constant 32 : index
      %get3A_2298 = tpu.vector_load %arg5[%get3A_2296, %get3A_2297] {strides = array<i32>} : memref<256x128xf32, #tpu.memory_space<vmem>>, vector<16xf32>,
      %mul3A_2299 = arith.constant 3.16666675 : f32
      %mul3A_2300 = vector.broadcast %mul3A_2299 : f32 to vector<16xf32>
      %mul3A_2301 = arith.mulf %get3A_2298, %mul3A_2300 : vector<16xf32>
      %add3A_2302 = arith.constant 9.500000e+00 : f32
      %add3A_2303 = vector.broadcast %add3A_2302 : f32 to vector<16xf32>
      %add3A_2304 = arith.addf %mul3A_2301, %add3A_2303 : vector<16xf32>
      %jit3A_2305 = arith.constant 0.000000e+00 : f32
      %jit3A_2306 = arith.constant 1.800000e+01 : f32
      %max3A_2307 = vector.broadcast %jit3A_2305 : f32 to vector<16xf32>
      %max3A_2308 = arith.maximumf %max3A_2307, %add3A_2304 : vector<16xf32>
      %min3A_2309 = vector.broadcast %jit3A_2306 : f32 to vector<16xf32>
      %min3A_2310 = arith.minimumf %min3A_2309, %max3A_2308 : vector<16xf32>
      %convert_element_type3A_2311 = arith.fptosi %min3A_2310 : vector<16xf32> to vector<16xi32>
      %mul3A_2312 = arith.constant 128 : i32
      %mul3A_2313 = vector.broadcast %mul3A_2312 : i32 to vector<16xi32>
      %mul3A_2314 = arith.muli %convert_element_type3A_2311, %mul3A_2313 : vector<16xi32>
      %add3A_2315 = arith.constant 32 : i32
      %add3A_2316 = vector.broadcast %add3A_2315 : i32 to vector<16xi32>
      %add3A_2317 = arith.addi %iota3A, %add3A_2316 : vector<16xi32>
      %add3A_2318 = arith.addi %mul3A_2314, %add3A_2317 : vector<16xi32>
      %gather3A_2319 = tpu.vector_load_idx %arg8[%add3A_2318] : memref<2560xf32, #tpu.memory_space<vmem>>[vector<16xi32>], vector<16xf32>,
      %gather3A_2320 = tpu.vector_load_idx %arg7[%add3A_2318] : memref<2560xf32, #tpu.memory_space<vmem>>[vector<16xi32>], vector<16xf32>,
      %mul3A_2321 = arith.mulf %add3A_2304, %gather3A_2320 : vector<16xf32>
      %add3A_2322 = arith.addf %gather3A_2319, %mul3A_2321 : vector<16xf32>
      %add3A_2323 = arith.addf %add3A_2295, %add3A_2322 : vector<16xf32>
      %get3A_2324 = arith.index_cast %add3A_2237 : i32 to index
      %get3A_2325 = arith.constant 48 : index
      %get3A_2326 = tpu.vector_load %arg5[%get3A_2324, %get3A_2325] {strides = array<i32>} : memref<256x128xf32, #tpu.memory_space<vmem>>, vector<16xf32>,
      %mul3A_2327 = arith.constant 3.16666675 : f32
      %mul3A_2328 = vector.broadcast %mul3A_2327 : f32 to vector<16xf32>
      %mul3A_2329 = arith.mulf %get3A_2326, %mul3A_2328 : vector<16xf32>
      %add3A_2330 = arith.constant 9.500000e+00 : f32
      %add3A_2331 = vector.broadcast %add3A_2330 : f32 to vector<16xf32>
      %add3A_2332 = arith.addf %mul3A_2329, %add3A_2331 : vector<16xf32>
      %jit3A_2333 = arith.constant 0.000000e+00 : f32
      %jit3A_2334 = arith.constant 1.800000e+01 : f32
      %max3A_2335 = vector.broadcast %jit3A_2333 : f32 to vector<16xf32>
      %max3A_2336 = arith.maximumf %max3A_2335, %add3A_2332 : vector<16xf32>
      %min3A_2337 = vector.broadcast %jit3A_2334 : f32 to vector<16xf32>
      %min3A_2338 = arith.minimumf %min3A_2337, %max3A_2336 : vector<16xf32>
      %convert_element_type3A_2339 = arith.fptosi %min3A_2338 : vector<16xf32> to vector<16xi32>
      %mul3A_2340 = arith.constant 128 : i32
      %mul3A_2341 = vector.broadcast %mul3A_2340 : i32 to vector<16xi32>
      %mul3A_2342 = arith.muli %convert_element_type3A_2339, %mul3A_2341 : vector<16xi32>
      %add3A_2343 = arith.constant 48 : i32
      %add3A_2344 = vector.broadcast %add3A_2343 : i32 to vector<16xi32>
      %add3A_2345 = arith.addi %iota3A, %add3A_2344 : vector<16xi32>
      %add3A_2346 = arith.addi %mul3A_2342, %add3A_2345 : vector<16xi32>
      %gather3A_2347 = tpu.vector_load_idx %arg8[%add3A_2346] : memref<2560xf32, #tpu.memory_space<vmem>>[vector<16xi32>], vector<16xf32>,
      %gather3A_2348 = tpu.vector_load_idx %arg7[%add3A_2346] : memref<2560xf32, #tpu.memory_space<vmem>>[vector<16xi32>], vector<16xf32>,
      %mul3A_2349 = arith.mulf %add3A_2332, %gather3A_2348 : vector<16xf32>
      %add3A_2350 = arith.addf %gather3A_2347, %mul3A_2349 : vector<16xf32>
      %add3A_2351 = arith.addf %add3A_2323, %add3A_2350 : vector<16xf32>
      %get3A_2352 = arith.index_cast %add3A_2237 : i32 to index
      %get3A_2353 = arith.constant 64 : index
      %get3A_2354 = tpu.vector_load %arg5[%get3A_2352, %get3A_2353] {strides = array<i32>} : memref<256x128xf32, #tpu.memory_space<vmem>>, vector<16xf32>,
      %mul3A_2355 = arith.constant 3.16666675 : f32
      %mul3A_2356 = vector.broadcast %mul3A_2355 : f32 to vector<16xf32>
      %mul3A_2357 = arith.mulf %get3A_2354, %mul3A_2356 : vector<16xf32>
      %add3A_2358 = arith.constant 9.500000e+00 : f32
      %add3A_2359 = vector.broadcast %add3A_2358 : f32 to vector<16xf32>
      %add3A_2360 = arith.addf %mul3A_2357, %add3A_2359 : vector<16xf32>
      %jit3A_2361 = arith.constant 0.000000e+00 : f32
      %jit3A_2362 = arith.constant 1.800000e+01 : f32
      %max3A_2363 = vector.broadcast %jit3A_2361 : f32 to vector<16xf32>
      %max3A_2364 = arith.maximumf %max3A_2363, %add3A_2360 : vector<16xf32>
      %min3A_2365 = vector.broadcast %jit3A_2362 : f32 to vector<16xf32>
      %min3A_2366 = arith.minimumf %min3A_2365, %max3A_2364 : vector<16xf32>
      %convert_element_type3A_2367 = arith.fptosi %min3A_2366 : vector<16xf32> to vector<16xi32>
      %mul3A_2368 = arith.constant 128 : i32
      %mul3A_2369 = vector.broadcast %mul3A_2368 : i32 to vector<16xi32>
      %mul3A_2370 = arith.muli %convert_element_type3A_2367, %mul3A_2369 : vector<16xi32>
      %add3A_2371 = arith.constant 64 : i32
      %add3A_2372 = vector.broadcast %add3A_2371 : i32 to vector<16xi32>
      %add3A_2373 = arith.addi %iota3A, %add3A_2372 : vector<16xi32>
      %add3A_2374 = arith.addi %mul3A_2370, %add3A_2373 : vector<16xi32>
      %gather3A_2375 = tpu.vector_load_idx %arg8[%add3A_2374] : memref<2560xf32, #tpu.memory_space<vmem>>[vector<16xi32>], vector<16xf32>,
      %gather3A_2376 = tpu.vector_load_idx %arg7[%add3A_2374] : memref<2560xf32, #tpu.memory_space<vmem>>[vector<16xi32>], vector<16xf32>,
      %mul3A_2377 = arith.mulf %add3A_2360, %gather3A_2376 : vector<16xf32>
      %add3A_2378 = arith.addf %gather3A_2375, %mul3A_2377 : vector<16xf32>
      %add3A_2379 = arith.addf %add3A_2351, %add3A_2378 : vector<16xf32>
      %get3A_2380 = arith.index_cast %add3A_2237 : i32 to index
      %get3A_2381 = arith.constant 80 : index
      %get3A_2382 = tpu.vector_load %arg5[%get3A_2380, %get3A_2381] {strides = array<i32>} : memref<256x128xf32, #tpu.memory_space<vmem>>, vector<16xf32>,
      %mul3A_2383 = arith.constant 3.16666675 : f32
      %mul3A_2384 = vector.broadcast %mul3A_2383 : f32 to vector<16xf32>
      %mul3A_2385 = arith.mulf %get3A_2382, %mul3A_2384 : vector<16xf32>
      %add3A_2386 = arith.constant 9.500000e+00 : f32
      %add3A_2387 = vector.broadcast %add3A_2386 : f32 to vector<16xf32>
      %add3A_2388 = arith.addf %mul3A_2385, %add3A_2387 : vector<16xf32>
      %jit3A_2389 = arith.constant 0.000000e+00 : f32
      %jit3A_2390 = arith.constant 1.800000e+01 : f32
      %max3A_2391 = vector.broadcast %jit3A_2389 : f32 to vector<16xf32>
      %max3A_2392 = arith.maximumf %max3A_2391, %add3A_2388 : vector<16xf32>
      %min3A_2393 = vector.broadcast %jit3A_2390 : f32 to vector<16xf32>
      %min3A_2394 = arith.minimumf %min3A_2393, %max3A_2392 : vector<16xf32>
      %convert_element_type3A_2395 = arith.fptosi %min3A_2394 : vector<16xf32> to vector<16xi32>
      %mul3A_2396 = arith.constant 128 : i32
      %mul3A_2397 = vector.broadcast %mul3A_2396 : i32 to vector<16xi32>
      %mul3A_2398 = arith.muli %convert_element_type3A_2395, %mul3A_2397 : vector<16xi32>
      %add3A_2399 = arith.constant 80 : i32
      %add3A_2400 = vector.broadcast %add3A_2399 : i32 to vector<16xi32>
      %add3A_2401 = arith.addi %iota3A, %add3A_2400 : vector<16xi32>
      %add3A_2402 = arith.addi %mul3A_2398, %add3A_2401 : vector<16xi32>
      %gather3A_2403 = tpu.vector_load_idx %arg8[%add3A_2402] : memref<2560xf32, #tpu.memory_space<vmem>>[vector<16xi32>], vector<16xf32>,
      %gather3A_2404 = tpu.vector_load_idx %arg7[%add3A_2402] : memref<2560xf32, #tpu.memory_space<vmem>>[vector<16xi32>], vector<16xf32>,
      %mul3A_2405 = arith.mulf %add3A_2388, %gather3A_2404 : vector<16xf32>
      %add3A_2406 = arith.addf %gather3A_2403, %mul3A_2405 : vector<16xf32>
      %add3A_2407 = arith.addf %add3A_2379, %add3A_2406 : vector<16xf32>
      %get3A_2408 = arith.index_cast %add3A_2237 : i32 to index
      %get3A_2409 = arith.constant 96 : index
      %get3A_2410 = tpu.vector_load %arg5[%get3A_2408, %get3A_2409] {strides = array<i32>} : memref<256x128xf32, #tpu.memory_space<vmem>>, vector<16xf32>,
      %mul3A_2411 = arith.constant 3.16666675 : f32
      %mul3A_2412 = vector.broadcast %mul3A_2411 : f32 to vector<16xf32>
      %mul3A_2413 = arith.mulf %get3A_2410, %mul3A_2412 : vector<16xf32>
      %add3A_2414 = arith.constant 9.500000e+00 : f32
      %add3A_2415 = vector.broadcast %add3A_2414 : f32 to vector<16xf32>
      %add3A_2416 = arith.addf %mul3A_2413, %add3A_2415 : vector<16xf32>
      %jit3A_2417 = arith.constant 0.000000e+00 : f32
      %jit3A_2418 = arith.constant 1.800000e+01 : f32
      %max3A_2419 = vector.broadcast %jit3A_2417 : f32 to vector<16xf32>
      %max3A_2420 = arith.maximumf %max3A_2419, %add3A_2416 : vector<16xf32>
      %min3A_2421 = vector.broadcast %jit3A_2418 : f32 to vector<16xf32>
      %min3A_2422 = arith.minimumf %min3A_2421, %max3A_2420 : vector<16xf32>
      %convert_element_type3A_2423 = arith.fptosi %min3A_2422 : vector<16xf32> to vector<16xi32>
      %mul3A_2424 = arith.constant 128 : i32
      %mul3A_2425 = vector.broadcast %mul3A_2424 : i32 to vector<16xi32>
      %mul3A_2426 = arith.muli %convert_element_type3A_2423, %mul3A_2425 : vector<16xi32>
      %add3A_2427 = arith.constant 96 : i32
      %add3A_2428 = vector.broadcast %add3A_2427 : i32 to vector<16xi32>
      %add3A_2429 = arith.addi %iota3A, %add3A_2428 : vector<16xi32>
      %add3A_2430 = arith.addi %mul3A_2426, %add3A_2429 : vector<16xi32>
      %gather3A_2431 = tpu.vector_load_idx %arg8[%add3A_2430] : memref<2560xf32, #tpu.memory_space<vmem>>[vector<16xi32>], vector<16xf32>,
      %gather3A_2432 = tpu.vector_load_idx %arg7[%add3A_2430] : memref<2560xf32, #tpu.memory_space<vmem>>[vector<16xi32>], vector<16xf32>,
      %mul3A_2433 = arith.mulf %add3A_2416, %gather3A_2432 : vector<16xf32>
      %add3A_2434 = arith.addf %gather3A_2431, %mul3A_2433 : vector<16xf32>
      %add3A_2435 = arith.addf %add3A_2407, %add3A_2434 : vector<16xf32>
      %get3A_2436 = arith.index_cast %add3A_2237 : i32 to index
      %get3A_2437 = arith.constant 112 : index
      %get3A_2438 = tpu.vector_load %arg5[%get3A_2436, %get3A_2437] {strides = array<i32>} : memref<256x128xf32, #tpu.memory_space<vmem>>, vector<16xf32>,
      %mul3A_2439 = arith.constant 3.16666675 : f32
      %mul3A_2440 = vector.broadcast %mul3A_2439 : f32 to vector<16xf32>
      %mul3A_2441 = arith.mulf %get3A_2438, %mul3A_2440 : vector<16xf32>
      %add3A_2442 = arith.constant 9.500000e+00 : f32
      %add3A_2443 = vector.broadcast %add3A_2442 : f32 to vector<16xf32>
      %add3A_2444 = arith.addf %mul3A_2441, %add3A_2443 : vector<16xf32>
      %jit3A_2445 = arith.constant 0.000000e+00 : f32
      %jit3A_2446 = arith.constant 1.800000e+01 : f32
      %max3A_2447 = vector.broadcast %jit3A_2445 : f32 to vector<16xf32>
      %max3A_2448 = arith.maximumf %max3A_2447, %add3A_2444 : vector<16xf32>
      %min3A_2449 = vector.broadcast %jit3A_2446 : f32 to vector<16xf32>
      %min3A_2450 = arith.minimumf %min3A_2449, %max3A_2448 : vector<16xf32>
      %convert_element_type3A_2451 = arith.fptosi %min3A_2450 : vector<16xf32> to vector<16xi32>
      %mul3A_2452 = arith.constant 128 : i32
      %mul3A_2453 = vector.broadcast %mul3A_2452 : i32 to vector<16xi32>
      %mul3A_2454 = arith.muli %convert_element_type3A_2451, %mul3A_2453 : vector<16xi32>
      %add3A_2455 = arith.constant 112 : i32
      %add3A_2456 = vector.broadcast %add3A_2455 : i32 to vector<16xi32>
      %add3A_2457 = arith.addi %iota3A, %add3A_2456 : vector<16xi32>
      %add3A_2458 = arith.addi %mul3A_2454, %add3A_2457 : vector<16xi32>
      %gather3A_2459 = tpu.vector_load_idx %arg8[%add3A_2458] : memref<2560xf32, #tpu.memory_space<vmem>>[vector<16xi32>], vector<16xf32>,
      %gather3A_2460 = tpu.vector_load_idx %arg7[%add3A_2458] : memref<2560xf32, #tpu.memory_space<vmem>>[vector<16xi32>], vector<16xf32>,
      %mul3A_2461 = arith.mulf %add3A_2444, %gather3A_2460 : vector<16xf32>
      %add3A_2462 = arith.addf %gather3A_2459, %mul3A_2461 : vector<16xf32>
      %add3A_2463 = arith.addf %add3A_2435, %add3A_2462 : vector<16xf32>
      %eq3A_2464 = arith.constant 9 : i32
      %eq3A_2465 = vector.broadcast %eq3A_2464 : i32 to vector<16xi32>
      %eq3A_2466 = arith.cmpi eq, %iota3A, %eq3A_2465 : vector<16xi32>
      %reduce_sum3A_2467 = arith.constant true
      %reduce_sum3A_2468 = vector.broadcast %reduce_sum3A_2467 : i1 to vector<16xi1>
      %reduce_sum3A_2469 = tpu.scan <sum>, %add3A_2463 masked %reduce_sum3A_2468 : vector<16xf32>, vector<16xi1> -> vector<16xf32>
      %reduce_sum3A_2470 = vector.extract %reduce_sum3A_2469[15] : f32 from vector<16xf32>
      %broadcast_in_dim3A_2471 = vector.broadcast %reduce_sum3A_2470 : f32 to vector<16xf32>
      %select_n3A_2472 = arith.select %eq3A_2466, %broadcast_in_dim3A_2471, %select_n3A_2233 : vector<16xi1>, vector<16xf32>
      %mul3A_2473 = arith.constant 16 : i32
      %mul3A_2474 = arith.muli %add3A_71, %mul3A_2473 : i32
      %add3A_2475 = arith.constant 10 : i32
      %add3A_2476 = arith.addi %mul3A_2474, %add3A_2475 : i32
      %broadcast_in_dim3A_2477 = arith.constant 0.000000e+00 : f32
      %broadcast_in_dim3A_2478 = vector.broadcast %broadcast_in_dim3A_2477 : f32 to vector<16xf32>
      %get3A_2479 = arith.index_cast %add3A_2476 : i32 to index
      %get3A_2480 = arith.constant 0 : index
      %get3A_2481 = tpu.vector_load %arg5[%get3A_2479, %get3A_2480] {strides = array<i32>} : memref<256x128xf32, #tpu.memory_space<vmem>>, vector<16xf32>,
      %mul3A_2482 = arith.constant 3.16666675 : f32
      %mul3A_2483 = vector.broadcast %mul3A_2482 : f32 to vector<16xf32>
      %mul3A_2484 = arith.mulf %get3A_2481, %mul3A_2483 : vector<16xf32>
      %add3A_2485 = arith.constant 9.500000e+00 : f32
      %add3A_2486 = vector.broadcast %add3A_2485 : f32 to vector<16xf32>
      %add3A_2487 = arith.addf %mul3A_2484, %add3A_2486 : vector<16xf32>
      %jit3A_2488 = arith.constant 0.000000e+00 : f32
      %jit3A_2489 = arith.constant 1.800000e+01 : f32
      %max3A_2490 = vector.broadcast %jit3A_2488 : f32 to vector<16xf32>
      %max3A_2491 = arith.maximumf %max3A_2490, %add3A_2487 : vector<16xf32>
      %min3A_2492 = vector.broadcast %jit3A_2489 : f32 to vector<16xf32>
      %min3A_2493 = arith.minimumf %min3A_2492, %max3A_2491 : vector<16xf32>
      %convert_element_type3A_2494 = arith.fptosi %min3A_2493 : vector<16xf32> to vector<16xi32>
      %mul3A_2495 = arith.constant 128 : i32
      %mul3A_2496 = vector.broadcast %mul3A_2495 : i32 to vector<16xi32>
      %mul3A_2497 = arith.muli %convert_element_type3A_2494, %mul3A_2496 : vector<16xi32>
      %add3A_2498 = arith.constant 0 : i32
      %add3A_2499 = vector.broadcast %add3A_2498 : i32 to vector<16xi32>
      %add3A_2500 = arith.addi %iota3A, %add3A_2499 : vector<16xi32>
      %add3A_2501 = arith.addi %mul3A_2497, %add3A_2500 : vector<16xi32>
      %gather3A_2502 = tpu.vector_load_idx %arg8[%add3A_2501] : memref<2560xf32, #tpu.memory_space<vmem>>[vector<16xi32>], vector<16xf32>,
      %gather3A_2503 = tpu.vector_load_idx %arg7[%add3A_2501] : memref<2560xf32, #tpu.memory_space<vmem>>[vector<16xi32>], vector<16xf32>,
      %mul3A_2504 = arith.mulf %add3A_2487, %gather3A_2503 : vector<16xf32>
      %add3A_2505 = arith.addf %gather3A_2502, %mul3A_2504 : vector<16xf32>
      %add3A_2506 = arith.addf %broadcast_in_dim3A_2478, %add3A_2505 : vector<16xf32>
      %get3A_2507 = arith.index_cast %add3A_2476 : i32 to index
      %get3A_2508 = arith.constant 16 : index
      %get3A_2509 = tpu.vector_load %arg5[%get3A_2507, %get3A_2508] {strides = array<i32>} : memref<256x128xf32, #tpu.memory_space<vmem>>, vector<16xf32>,
      %mul3A_2510 = arith.constant 3.16666675 : f32
      %mul3A_2511 = vector.broadcast %mul3A_2510 : f32 to vector<16xf32>
      %mul3A_2512 = arith.mulf %get3A_2509, %mul3A_2511 : vector<16xf32>
      %add3A_2513 = arith.constant 9.500000e+00 : f32
      %add3A_2514 = vector.broadcast %add3A_2513 : f32 to vector<16xf32>
      %add3A_2515 = arith.addf %mul3A_2512, %add3A_2514 : vector<16xf32>
      %jit3A_2516 = arith.constant 0.000000e+00 : f32
      %jit3A_2517 = arith.constant 1.800000e+01 : f32
      %max3A_2518 = vector.broadcast %jit3A_2516 : f32 to vector<16xf32>
      %max3A_2519 = arith.maximumf %max3A_2518, %add3A_2515 : vector<16xf32>
      %min3A_2520 = vector.broadcast %jit3A_2517 : f32 to vector<16xf32>
      %min3A_2521 = arith.minimumf %min3A_2520, %max3A_2519 : vector<16xf32>
      %convert_element_type3A_2522 = arith.fptosi %min3A_2521 : vector<16xf32> to vector<16xi32>
      %mul3A_2523 = arith.constant 128 : i32
      %mul3A_2524 = vector.broadcast %mul3A_2523 : i32 to vector<16xi32>
      %mul3A_2525 = arith.muli %convert_element_type3A_2522, %mul3A_2524 : vector<16xi32>
      %add3A_2526 = arith.constant 16 : i32
      %add3A_2527 = vector.broadcast %add3A_2526 : i32 to vector<16xi32>
      %add3A_2528 = arith.addi %iota3A, %add3A_2527 : vector<16xi32>
      %add3A_2529 = arith.addi %mul3A_2525, %add3A_2528 : vector<16xi32>
      %gather3A_2530 = tpu.vector_load_idx %arg8[%add3A_2529] : memref<2560xf32, #tpu.memory_space<vmem>>[vector<16xi32>], vector<16xf32>,
      %gather3A_2531 = tpu.vector_load_idx %arg7[%add3A_2529] : memref<2560xf32, #tpu.memory_space<vmem>>[vector<16xi32>], vector<16xf32>,
      %mul3A_2532 = arith.mulf %add3A_2515, %gather3A_2531 : vector<16xf32>
      %add3A_2533 = arith.addf %gather3A_2530, %mul3A_2532 : vector<16xf32>
      %add3A_2534 = arith.addf %add3A_2506, %add3A_2533 : vector<16xf32>
      %get3A_2535 = arith.index_cast %add3A_2476 : i32 to index
      %get3A_2536 = arith.constant 32 : index
      %get3A_2537 = tpu.vector_load %arg5[%get3A_2535, %get3A_2536] {strides = array<i32>} : memref<256x128xf32, #tpu.memory_space<vmem>>, vector<16xf32>,
      %mul3A_2538 = arith.constant 3.16666675 : f32
      %mul3A_2539 = vector.broadcast %mul3A_2538 : f32 to vector<16xf32>
      %mul3A_2540 = arith.mulf %get3A_2537, %mul3A_2539 : vector<16xf32>
      %add3A_2541 = arith.constant 9.500000e+00 : f32
      %add3A_2542 = vector.broadcast %add3A_2541 : f32 to vector<16xf32>
      %add3A_2543 = arith.addf %mul3A_2540, %add3A_2542 : vector<16xf32>
      %jit3A_2544 = arith.constant 0.000000e+00 : f32
      %jit3A_2545 = arith.constant 1.800000e+01 : f32
      %max3A_2546 = vector.broadcast %jit3A_2544 : f32 to vector<16xf32>
      %max3A_2547 = arith.maximumf %max3A_2546, %add3A_2543 : vector<16xf32>
      %min3A_2548 = vector.broadcast %jit3A_2545 : f32 to vector<16xf32>
      %min3A_2549 = arith.minimumf %min3A_2548, %max3A_2547 : vector<16xf32>
      %convert_element_type3A_2550 = arith.fptosi %min3A_2549 : vector<16xf32> to vector<16xi32>
      %mul3A_2551 = arith.constant 128 : i32
      %mul3A_2552 = vector.broadcast %mul3A_2551 : i32 to vector<16xi32>
      %mul3A_2553 = arith.muli %convert_element_type3A_2550, %mul3A_2552 : vector<16xi32>
      %add3A_2554 = arith.constant 32 : i32
      %add3A_2555 = vector.broadcast %add3A_2554 : i32 to vector<16xi32>
      %add3A_2556 = arith.addi %iota3A, %add3A_2555 : vector<16xi32>
      %add3A_2557 = arith.addi %mul3A_2553, %add3A_2556 : vector<16xi32>
      %gather3A_2558 = tpu.vector_load_idx %arg8[%add3A_2557] : memref<2560xf32, #tpu.memory_space<vmem>>[vector<16xi32>], vector<16xf32>,
      %gather3A_2559 = tpu.vector_load_idx %arg7[%add3A_2557] : memref<2560xf32, #tpu.memory_space<vmem>>[vector<16xi32>], vector<16xf32>,
      %mul3A_2560 = arith.mulf %add3A_2543, %gather3A_2559 : vector<16xf32>
      %add3A_2561 = arith.addf %gather3A_2558, %mul3A_2560 : vector<16xf32>
      %add3A_2562 = arith.addf %add3A_2534, %add3A_2561 : vector<16xf32>
      %get3A_2563 = arith.index_cast %add3A_2476 : i32 to index
      %get3A_2564 = arith.constant 48 : index
      %get3A_2565 = tpu.vector_load %arg5[%get3A_2563, %get3A_2564] {strides = array<i32>} : memref<256x128xf32, #tpu.memory_space<vmem>>, vector<16xf32>,
      %mul3A_2566 = arith.constant 3.16666675 : f32
      %mul3A_2567 = vector.broadcast %mul3A_2566 : f32 to vector<16xf32>
      %mul3A_2568 = arith.mulf %get3A_2565, %mul3A_2567 : vector<16xf32>
      %add3A_2569 = arith.constant 9.500000e+00 : f32
      %add3A_2570 = vector.broadcast %add3A_2569 : f32 to vector<16xf32>
      %add3A_2571 = arith.addf %mul3A_2568, %add3A_2570 : vector<16xf32>
      %jit3A_2572 = arith.constant 0.000000e+00 : f32
      %jit3A_2573 = arith.constant 1.800000e+01 : f32
      %max3A_2574 = vector.broadcast %jit3A_2572 : f32 to vector<16xf32>
      %max3A_2575 = arith.maximumf %max3A_2574, %add3A_2571 : vector<16xf32>
      %min3A_2576 = vector.broadcast %jit3A_2573 : f32 to vector<16xf32>
      %min3A_2577 = arith.minimumf %min3A_2576, %max3A_2575 : vector<16xf32>
      %convert_element_type3A_2578 = arith.fptosi %min3A_2577 : vector<16xf32> to vector<16xi32>
      %mul3A_2579 = arith.constant 128 : i32
      %mul3A_2580 = vector.broadcast %mul3A_2579 : i32 to vector<16xi32>
      %mul3A_2581 = arith.muli %convert_element_type3A_2578, %mul3A_2580 : vector<16xi32>
      %add3A_2582 = arith.constant 48 : i32
      %add3A_2583 = vector.broadcast %add3A_2582 : i32 to vector<16xi32>
      %add3A_2584 = arith.addi %iota3A, %add3A_2583 : vector<16xi32>
      %add3A_2585 = arith.addi %mul3A_2581, %add3A_2584 : vector<16xi32>
      %gather3A_2586 = tpu.vector_load_idx %arg8[%add3A_2585] : memref<2560xf32, #tpu.memory_space<vmem>>[vector<16xi32>], vector<16xf32>,
      %gather3A_2587 = tpu.vector_load_idx %arg7[%add3A_2585] : memref<2560xf32, #tpu.memory_space<vmem>>[vector<16xi32>], vector<16xf32>,
      %mul3A_2588 = arith.mulf %add3A_2571, %gather3A_2587 : vector<16xf32>
      %add3A_2589 = arith.addf %gather3A_2586, %mul3A_2588 : vector<16xf32>
      %add3A_2590 = arith.addf %add3A_2562, %add3A_2589 : vector<16xf32>
      %get3A_2591 = arith.index_cast %add3A_2476 : i32 to index
      %get3A_2592 = arith.constant 64 : index
      %get3A_2593 = tpu.vector_load %arg5[%get3A_2591, %get3A_2592] {strides = array<i32>} : memref<256x128xf32, #tpu.memory_space<vmem>>, vector<16xf32>,
      %mul3A_2594 = arith.constant 3.16666675 : f32
      %mul3A_2595 = vector.broadcast %mul3A_2594 : f32 to vector<16xf32>
      %mul3A_2596 = arith.mulf %get3A_2593, %mul3A_2595 : vector<16xf32>
      %add3A_2597 = arith.constant 9.500000e+00 : f32
      %add3A_2598 = vector.broadcast %add3A_2597 : f32 to vector<16xf32>
      %add3A_2599 = arith.addf %mul3A_2596, %add3A_2598 : vector<16xf32>
      %jit3A_2600 = arith.constant 0.000000e+00 : f32
      %jit3A_2601 = arith.constant 1.800000e+01 : f32
      %max3A_2602 = vector.broadcast %jit3A_2600 : f32 to vector<16xf32>
      %max3A_2603 = arith.maximumf %max3A_2602, %add3A_2599 : vector<16xf32>
      %min3A_2604 = vector.broadcast %jit3A_2601 : f32 to vector<16xf32>
      %min3A_2605 = arith.minimumf %min3A_2604, %max3A_2603 : vector<16xf32>
      %convert_element_type3A_2606 = arith.fptosi %min3A_2605 : vector<16xf32> to vector<16xi32>
      %mul3A_2607 = arith.constant 128 : i32
      %mul3A_2608 = vector.broadcast %mul3A_2607 : i32 to vector<16xi32>
      %mul3A_2609 = arith.muli %convert_element_type3A_2606, %mul3A_2608 : vector<16xi32>
      %add3A_2610 = arith.constant 64 : i32
      %add3A_2611 = vector.broadcast %add3A_2610 : i32 to vector<16xi32>
      %add3A_2612 = arith.addi %iota3A, %add3A_2611 : vector<16xi32>
      %add3A_2613 = arith.addi %mul3A_2609, %add3A_2612 : vector<16xi32>
      %gather3A_2614 = tpu.vector_load_idx %arg8[%add3A_2613] : memref<2560xf32, #tpu.memory_space<vmem>>[vector<16xi32>], vector<16xf32>,
      %gather3A_2615 = tpu.vector_load_idx %arg7[%add3A_2613] : memref<2560xf32, #tpu.memory_space<vmem>>[vector<16xi32>], vector<16xf32>,
      %mul3A_2616 = arith.mulf %add3A_2599, %gather3A_2615 : vector<16xf32>
      %add3A_2617 = arith.addf %gather3A_2614, %mul3A_2616 : vector<16xf32>
      %add3A_2618 = arith.addf %add3A_2590, %add3A_2617 : vector<16xf32>
      %get3A_2619 = arith.index_cast %add3A_2476 : i32 to index
      %get3A_2620 = arith.constant 80 : index
      %get3A_2621 = tpu.vector_load %arg5[%get3A_2619, %get3A_2620] {strides = array<i32>} : memref<256x128xf32, #tpu.memory_space<vmem>>, vector<16xf32>,
      %mul3A_2622 = arith.constant 3.16666675 : f32
      %mul3A_2623 = vector.broadcast %mul3A_2622 : f32 to vector<16xf32>
      %mul3A_2624 = arith.mulf %get3A_2621, %mul3A_2623 : vector<16xf32>
      %add3A_2625 = arith.constant 9.500000e+00 : f32
      %add3A_2626 = vector.broadcast %add3A_2625 : f32 to vector<16xf32>
      %add3A_2627 = arith.addf %mul3A_2624, %add3A_2626 : vector<16xf32>
      %jit3A_2628 = arith.constant 0.000000e+00 : f32
      %jit3A_2629 = arith.constant 1.800000e+01 : f32
      %max3A_2630 = vector.broadcast %jit3A_2628 : f32 to vector<16xf32>
      %max3A_2631 = arith.maximumf %max3A_2630, %add3A_2627 : vector<16xf32>
      %min3A_2632 = vector.broadcast %jit3A_2629 : f32 to vector<16xf32>
      %min3A_2633 = arith.minimumf %min3A_2632, %max3A_2631 : vector<16xf32>
      %convert_element_type3A_2634 = arith.fptosi %min3A_2633 : vector<16xf32> to vector<16xi32>
      %mul3A_2635 = arith.constant 128 : i32
      %mul3A_2636 = vector.broadcast %mul3A_2635 : i32 to vector<16xi32>
      %mul3A_2637 = arith.muli %convert_element_type3A_2634, %mul3A_2636 : vector<16xi32>
      %add3A_2638 = arith.constant 80 : i32
      %add3A_2639 = vector.broadcast %add3A_2638 : i32 to vector<16xi32>
      %add3A_2640 = arith.addi %iota3A, %add3A_2639 : vector<16xi32>
      %add3A_2641 = arith.addi %mul3A_2637, %add3A_2640 : vector<16xi32>
      %gather3A_2642 = tpu.vector_load_idx %arg8[%add3A_2641] : memref<2560xf32, #tpu.memory_space<vmem>>[vector<16xi32>], vector<16xf32>,
      %gather3A_2643 = tpu.vector_load_idx %arg7[%add3A_2641] : memref<2560xf32, #tpu.memory_space<vmem>>[vector<16xi32>], vector<16xf32>,
      %mul3A_2644 = arith.mulf %add3A_2627, %gather3A_2643 : vector<16xf32>
      %add3A_2645 = arith.addf %gather3A_2642, %mul3A_2644 : vector<16xf32>
      %add3A_2646 = arith.addf %add3A_2618, %add3A_2645 : vector<16xf32>
      %get3A_2647 = arith.index_cast %add3A_2476 : i32 to index
      %get3A_2648 = arith.constant 96 : index
      %get3A_2649 = tpu.vector_load %arg5[%get3A_2647, %get3A_2648] {strides = array<i32>} : memref<256x128xf32, #tpu.memory_space<vmem>>, vector<16xf32>,
      %mul3A_2650 = arith.constant 3.16666675 : f32
      %mul3A_2651 = vector.broadcast %mul3A_2650 : f32 to vector<16xf32>
      %mul3A_2652 = arith.mulf %get3A_2649, %mul3A_2651 : vector<16xf32>
      %add3A_2653 = arith.constant 9.500000e+00 : f32
      %add3A_2654 = vector.broadcast %add3A_2653 : f32 to vector<16xf32>
      %add3A_2655 = arith.addf %mul3A_2652, %add3A_2654 : vector<16xf32>
      %jit3A_2656 = arith.constant 0.000000e+00 : f32
      %jit3A_2657 = arith.constant 1.800000e+01 : f32
      %max3A_2658 = vector.broadcast %jit3A_2656 : f32 to vector<16xf32>
      %max3A_2659 = arith.maximumf %max3A_2658, %add3A_2655 : vector<16xf32>
      %min3A_2660 = vector.broadcast %jit3A_2657 : f32 to vector<16xf32>
      %min3A_2661 = arith.minimumf %min3A_2660, %max3A_2659 : vector<16xf32>
      %convert_element_type3A_2662 = arith.fptosi %min3A_2661 : vector<16xf32> to vector<16xi32>
      %mul3A_2663 = arith.constant 128 : i32
      %mul3A_2664 = vector.broadcast %mul3A_2663 : i32 to vector<16xi32>
      %mul3A_2665 = arith.muli %convert_element_type3A_2662, %mul3A_2664 : vector<16xi32>
      %add3A_2666 = arith.constant 96 : i32
      %add3A_2667 = vector.broadcast %add3A_2666 : i32 to vector<16xi32>
      %add3A_2668 = arith.addi %iota3A, %add3A_2667 : vector<16xi32>
      %add3A_2669 = arith.addi %mul3A_2665, %add3A_2668 : vector<16xi32>
      %gather3A_2670 = tpu.vector_load_idx %arg8[%add3A_2669] : memref<2560xf32, #tpu.memory_space<vmem>>[vector<16xi32>], vector<16xf32>,
      %gather3A_2671 = tpu.vector_load_idx %arg7[%add3A_2669] : memref<2560xf32, #tpu.memory_space<vmem>>[vector<16xi32>], vector<16xf32>,
      %mul3A_2672 = arith.mulf %add3A_2655, %gather3A_2671 : vector<16xf32>
      %add3A_2673 = arith.addf %gather3A_2670, %mul3A_2672 : vector<16xf32>
      %add3A_2674 = arith.addf %add3A_2646, %add3A_2673 : vector<16xf32>
      %get3A_2675 = arith.index_cast %add3A_2476 : i32 to index
      %get3A_2676 = arith.constant 112 : index
      %get3A_2677 = tpu.vector_load %arg5[%get3A_2675, %get3A_2676] {strides = array<i32>} : memref<256x128xf32, #tpu.memory_space<vmem>>, vector<16xf32>,
      %mul3A_2678 = arith.constant 3.16666675 : f32
      %mul3A_2679 = vector.broadcast %mul3A_2678 : f32 to vector<16xf32>
      %mul3A_2680 = arith.mulf %get3A_2677, %mul3A_2679 : vector<16xf32>
      %add3A_2681 = arith.constant 9.500000e+00 : f32
      %add3A_2682 = vector.broadcast %add3A_2681 : f32 to vector<16xf32>
      %add3A_2683 = arith.addf %mul3A_2680, %add3A_2682 : vector<16xf32>
      %jit3A_2684 = arith.constant 0.000000e+00 : f32
      %jit3A_2685 = arith.constant 1.800000e+01 : f32
      %max3A_2686 = vector.broadcast %jit3A_2684 : f32 to vector<16xf32>
      %max3A_2687 = arith.maximumf %max3A_2686, %add3A_2683 : vector<16xf32>
      %min3A_2688 = vector.broadcast %jit3A_2685 : f32 to vector<16xf32>
      %min3A_2689 = arith.minimumf %min3A_2688, %max3A_2687 : vector<16xf32>
      %convert_element_type3A_2690 = arith.fptosi %min3A_2689 : vector<16xf32> to vector<16xi32>
      %mul3A_2691 = arith.constant 128 : i32
      %mul3A_2692 = vector.broadcast %mul3A_2691 : i32 to vector<16xi32>
      %mul3A_2693 = arith.muli %convert_element_type3A_2690, %mul3A_2692 : vector<16xi32>
      %add3A_2694 = arith.constant 112 : i32
      %add3A_2695 = vector.broadcast %add3A_2694 : i32 to vector<16xi32>
      %add3A_2696 = arith.addi %iota3A, %add3A_2695 : vector<16xi32>
      %add3A_2697 = arith.addi %mul3A_2693, %add3A_2696 : vector<16xi32>
      %gather3A_2698 = tpu.vector_load_idx %arg8[%add3A_2697] : memref<2560xf32, #tpu.memory_space<vmem>>[vector<16xi32>], vector<16xf32>,
      %gather3A_2699 = tpu.vector_load_idx %arg7[%add3A_2697] : memref<2560xf32, #tpu.memory_space<vmem>>[vector<16xi32>], vector<16xf32>,
      %mul3A_2700 = arith.mulf %add3A_2683, %gather3A_2699 : vector<16xf32>
      %add3A_2701 = arith.addf %gather3A_2698, %mul3A_2700 : vector<16xf32>
      %add3A_2702 = arith.addf %add3A_2674, %add3A_2701 : vector<16xf32>
      %eq3A_2703 = arith.constant 10 : i32
      %eq3A_2704 = vector.broadcast %eq3A_2703 : i32 to vector<16xi32>
      %eq3A_2705 = arith.cmpi eq, %iota3A, %eq3A_2704 : vector<16xi32>
      %reduce_sum3A_2706 = arith.constant true
      %reduce_sum3A_2707 = vector.broadcast %reduce_sum3A_2706 : i1 to vector<16xi1>
      %reduce_sum3A_2708 = tpu.scan <sum>, %add3A_2702 masked %reduce_sum3A_2707 : vector<16xf32>, vector<16xi1> -> vector<16xf32>
      %reduce_sum3A_2709 = vector.extract %reduce_sum3A_2708[15] : f32 from vector<16xf32>
      %broadcast_in_dim3A_2710 = vector.broadcast %reduce_sum3A_2709 : f32 to vector<16xf32>
      %select_n3A_2711 = arith.select %eq3A_2705, %broadcast_in_dim3A_2710, %select_n3A_2472 : vector<16xi1>, vector<16xf32>
      %mul3A_2712 = arith.constant 16 : i32
      %mul3A_2713 = arith.muli %add3A_71, %mul3A_2712 : i32
      %add3A_2714 = arith.constant 11 : i32
      %add3A_2715 = arith.addi %mul3A_2713, %add3A_2714 : i32
      %broadcast_in_dim3A_2716 = arith.constant 0.000000e+00 : f32
      %broadcast_in_dim3A_2717 = vector.broadcast %broadcast_in_dim3A_2716 : f32 to vector<16xf32>
      %get3A_2718 = arith.index_cast %add3A_2715 : i32 to index
      %get3A_2719 = arith.constant 0 : index
      %get3A_2720 = tpu.vector_load %arg5[%get3A_2718, %get3A_2719] {strides = array<i32>} : memref<256x128xf32, #tpu.memory_space<vmem>>, vector<16xf32>,
      %mul3A_2721 = arith.constant 3.16666675 : f32
      %mul3A_2722 = vector.broadcast %mul3A_2721 : f32 to vector<16xf32>
      %mul3A_2723 = arith.mulf %get3A_2720, %mul3A_2722 : vector<16xf32>
      %add3A_2724 = arith.constant 9.500000e+00 : f32
      %add3A_2725 = vector.broadcast %add3A_2724 : f32 to vector<16xf32>
      %add3A_2726 = arith.addf %mul3A_2723, %add3A_2725 : vector<16xf32>
      %jit3A_2727 = arith.constant 0.000000e+00 : f32
      %jit3A_2728 = arith.constant 1.800000e+01 : f32
      %max3A_2729 = vector.broadcast %jit3A_2727 : f32 to vector<16xf32>
      %max3A_2730 = arith.maximumf %max3A_2729, %add3A_2726 : vector<16xf32>
      %min3A_2731 = vector.broadcast %jit3A_2728 : f32 to vector<16xf32>
      %min3A_2732 = arith.minimumf %min3A_2731, %max3A_2730 : vector<16xf32>
      %convert_element_type3A_2733 = arith.fptosi %min3A_2732 : vector<16xf32> to vector<16xi32>
      %mul3A_2734 = arith.constant 128 : i32
      %mul3A_2735 = vector.broadcast %mul3A_2734 : i32 to vector<16xi32>
      %mul3A_2736 = arith.muli %convert_element_type3A_2733, %mul3A_2735 : vector<16xi32>
      %add3A_2737 = arith.constant 0 : i32
      %add3A_2738 = vector.broadcast %add3A_2737 : i32 to vector<16xi32>
      %add3A_2739 = arith.addi %iota3A, %add3A_2738 : vector<16xi32>
      %add3A_2740 = arith.addi %mul3A_2736, %add3A_2739 : vector<16xi32>
      %gather3A_2741 = tpu.vector_load_idx %arg8[%add3A_2740] : memref<2560xf32, #tpu.memory_space<vmem>>[vector<16xi32>], vector<16xf32>,
      %gather3A_2742 = tpu.vector_load_idx %arg7[%add3A_2740] : memref<2560xf32, #tpu.memory_space<vmem>>[vector<16xi32>], vector<16xf32>,
      %mul3A_2743 = arith.mulf %add3A_2726, %gather3A_2742 : vector<16xf32>
      %add3A_2744 = arith.addf %gather3A_2741, %mul3A_2743 : vector<16xf32>
      %add3A_2745 = arith.addf %broadcast_in_dim3A_2717, %add3A_2744 : vector<16xf32>
      %get3A_2746 = arith.index_cast %add3A_2715 : i32 to index
      %get3A_2747 = arith.constant 16 : index
      %get3A_2748 = tpu.vector_load %arg5[%get3A_2746, %get3A_2747] {strides = array<i32>} : memref<256x128xf32, #tpu.memory_space<vmem>>, vector<16xf32>,
      %mul3A_2749 = arith.constant 3.16666675 : f32
      %mul3A_2750 = vector.broadcast %mul3A_2749 : f32 to vector<16xf32>
      %mul3A_2751 = arith.mulf %get3A_2748, %mul3A_2750 : vector<16xf32>
      %add3A_2752 = arith.constant 9.500000e+00 : f32
      %add3A_2753 = vector.broadcast %add3A_2752 : f32 to vector<16xf32>
      %add3A_2754 = arith.addf %mul3A_2751, %add3A_2753 : vector<16xf32>
      %jit3A_2755 = arith.constant 0.000000e+00 : f32
      %jit3A_2756 = arith.constant 1.800000e+01 : f32
      %max3A_2757 = vector.broadcast %jit3A_2755 : f32 to vector<16xf32>
      %max3A_2758 = arith.maximumf %max3A_2757, %add3A_2754 : vector<16xf32>
      %min3A_2759 = vector.broadcast %jit3A_2756 : f32 to vector<16xf32>
      %min3A_2760 = arith.minimumf %min3A_2759, %max3A_2758 : vector<16xf32>
      %convert_element_type3A_2761 = arith.fptosi %min3A_2760 : vector<16xf32> to vector<16xi32>
      %mul3A_2762 = arith.constant 128 : i32
      %mul3A_2763 = vector.broadcast %mul3A_2762 : i32 to vector<16xi32>
      %mul3A_2764 = arith.muli %convert_element_type3A_2761, %mul3A_2763 : vector<16xi32>
      %add3A_2765 = arith.constant 16 : i32
      %add3A_2766 = vector.broadcast %add3A_2765 : i32 to vector<16xi32>
      %add3A_2767 = arith.addi %iota3A, %add3A_2766 : vector<16xi32>
      %add3A_2768 = arith.addi %mul3A_2764, %add3A_2767 : vector<16xi32>
      %gather3A_2769 = tpu.vector_load_idx %arg8[%add3A_2768] : memref<2560xf32, #tpu.memory_space<vmem>>[vector<16xi32>], vector<16xf32>,
      %gather3A_2770 = tpu.vector_load_idx %arg7[%add3A_2768] : memref<2560xf32, #tpu.memory_space<vmem>>[vector<16xi32>], vector<16xf32>,
      %mul3A_2771 = arith.mulf %add3A_2754, %gather3A_2770 : vector<16xf32>
      %add3A_2772 = arith.addf %gather3A_2769, %mul3A_2771 : vector<16xf32>
      %add3A_2773 = arith.addf %add3A_2745, %add3A_2772 : vector<16xf32>
      %get3A_2774 = arith.index_cast %add3A_2715 : i32 to index
      %get3A_2775 = arith.constant 32 : index
      %get3A_2776 = tpu.vector_load %arg5[%get3A_2774, %get3A_2775] {strides = array<i32>} : memref<256x128xf32, #tpu.memory_space<vmem>>, vector<16xf32>,
      %mul3A_2777 = arith.constant 3.16666675 : f32
      %mul3A_2778 = vector.broadcast %mul3A_2777 : f32 to vector<16xf32>
      %mul3A_2779 = arith.mulf %get3A_2776, %mul3A_2778 : vector<16xf32>
      %add3A_2780 = arith.constant 9.500000e+00 : f32
      %add3A_2781 = vector.broadcast %add3A_2780 : f32 to vector<16xf32>
      %add3A_2782 = arith.addf %mul3A_2779, %add3A_2781 : vector<16xf32>
      %jit3A_2783 = arith.constant 0.000000e+00 : f32
      %jit3A_2784 = arith.constant 1.800000e+01 : f32
      %max3A_2785 = vector.broadcast %jit3A_2783 : f32 to vector<16xf32>
      %max3A_2786 = arith.maximumf %max3A_2785, %add3A_2782 : vector<16xf32>
      %min3A_2787 = vector.broadcast %jit3A_2784 : f32 to vector<16xf32>
      %min3A_2788 = arith.minimumf %min3A_2787, %max3A_2786 : vector<16xf32>
      %convert_element_type3A_2789 = arith.fptosi %min3A_2788 : vector<16xf32> to vector<16xi32>
      %mul3A_2790 = arith.constant 128 : i32
      %mul3A_2791 = vector.broadcast %mul3A_2790 : i32 to vector<16xi32>
      %mul3A_2792 = arith.muli %convert_element_type3A_2789, %mul3A_2791 : vector<16xi32>
      %add3A_2793 = arith.constant 32 : i32
      %add3A_2794 = vector.broadcast %add3A_2793 : i32 to vector<16xi32>
      %add3A_2795 = arith.addi %iota3A, %add3A_2794 : vector<16xi32>
      %add3A_2796 = arith.addi %mul3A_2792, %add3A_2795 : vector<16xi32>
      %gather3A_2797 = tpu.vector_load_idx %arg8[%add3A_2796] : memref<2560xf32, #tpu.memory_space<vmem>>[vector<16xi32>], vector<16xf32>,
      %gather3A_2798 = tpu.vector_load_idx %arg7[%add3A_2796] : memref<2560xf32, #tpu.memory_space<vmem>>[vector<16xi32>], vector<16xf32>,
      %mul3A_2799 = arith.mulf %add3A_2782, %gather3A_2798 : vector<16xf32>
      %add3A_2800 = arith.addf %gather3A_2797, %mul3A_2799 : vector<16xf32>
      %add3A_2801 = arith.addf %add3A_2773, %add3A_2800 : vector<16xf32>
      %get3A_2802 = arith.index_cast %add3A_2715 : i32 to index
      %get3A_2803 = arith.constant 48 : index
      %get3A_2804 = tpu.vector_load %arg5[%get3A_2802, %get3A_2803] {strides = array<i32>} : memref<256x128xf32, #tpu.memory_space<vmem>>, vector<16xf32>,
      %mul3A_2805 = arith.constant 3.16666675 : f32
      %mul3A_2806 = vector.broadcast %mul3A_2805 : f32 to vector<16xf32>
      %mul3A_2807 = arith.mulf %get3A_2804, %mul3A_2806 : vector<16xf32>
      %add3A_2808 = arith.constant 9.500000e+00 : f32
      %add3A_2809 = vector.broadcast %add3A_2808 : f32 to vector<16xf32>
      %add3A_2810 = arith.addf %mul3A_2807, %add3A_2809 : vector<16xf32>
      %jit3A_2811 = arith.constant 0.000000e+00 : f32
      %jit3A_2812 = arith.constant 1.800000e+01 : f32
      %max3A_2813 = vector.broadcast %jit3A_2811 : f32 to vector<16xf32>
      %max3A_2814 = arith.maximumf %max3A_2813, %add3A_2810 : vector<16xf32>
      %min3A_2815 = vector.broadcast %jit3A_2812 : f32 to vector<16xf32>
      %min3A_2816 = arith.minimumf %min3A_2815, %max3A_2814 : vector<16xf32>
      %convert_element_type3A_2817 = arith.fptosi %min3A_2816 : vector<16xf32> to vector<16xi32>
      %mul3A_2818 = arith.constant 128 : i32
      %mul3A_2819 = vector.broadcast %mul3A_2818 : i32 to vector<16xi32>
      %mul3A_2820 = arith.muli %convert_element_type3A_2817, %mul3A_2819 : vector<16xi32>
      %add3A_2821 = arith.constant 48 : i32
      %add3A_2822 = vector.broadcast %add3A_2821 : i32 to vector<16xi32>
      %add3A_2823 = arith.addi %iota3A, %add3A_2822 : vector<16xi32>
      %add3A_2824 = arith.addi %mul3A_2820, %add3A_2823 : vector<16xi32>
      %gather3A_2825 = tpu.vector_load_idx %arg8[%add3A_2824] : memref<2560xf32, #tpu.memory_space<vmem>>[vector<16xi32>], vector<16xf32>,
      %gather3A_2826 = tpu.vector_load_idx %arg7[%add3A_2824] : memref<2560xf32, #tpu.memory_space<vmem>>[vector<16xi32>], vector<16xf32>,
      %mul3A_2827 = arith.mulf %add3A_2810, %gather3A_2826 : vector<16xf32>
      %add3A_2828 = arith.addf %gather3A_2825, %mul3A_2827 : vector<16xf32>
      %add3A_2829 = arith.addf %add3A_2801, %add3A_2828 : vector<16xf32>
      %get3A_2830 = arith.index_cast %add3A_2715 : i32 to index
      %get3A_2831 = arith.constant 64 : index
      %get3A_2832 = tpu.vector_load %arg5[%get3A_2830, %get3A_2831] {strides = array<i32>} : memref<256x128xf32, #tpu.memory_space<vmem>>, vector<16xf32>,
      %mul3A_2833 = arith.constant 3.16666675 : f32
      %mul3A_2834 = vector.broadcast %mul3A_2833 : f32 to vector<16xf32>
      %mul3A_2835 = arith.mulf %get3A_2832, %mul3A_2834 : vector<16xf32>
      %add3A_2836 = arith.constant 9.500000e+00 : f32
      %add3A_2837 = vector.broadcast %add3A_2836 : f32 to vector<16xf32>
      %add3A_2838 = arith.addf %mul3A_2835, %add3A_2837 : vector<16xf32>
      %jit3A_2839 = arith.constant 0.000000e+00 : f32
      %jit3A_2840 = arith.constant 1.800000e+01 : f32
      %max3A_2841 = vector.broadcast %jit3A_2839 : f32 to vector<16xf32>
      %max3A_2842 = arith.maximumf %max3A_2841, %add3A_2838 : vector<16xf32>
      %min3A_2843 = vector.broadcast %jit3A_2840 : f32 to vector<16xf32>
      %min3A_2844 = arith.minimumf %min3A_2843, %max3A_2842 : vector<16xf32>
      %convert_element_type3A_2845 = arith.fptosi %min3A_2844 : vector<16xf32> to vector<16xi32>
      %mul3A_2846 = arith.constant 128 : i32
      %mul3A_2847 = vector.broadcast %mul3A_2846 : i32 to vector<16xi32>
      %mul3A_2848 = arith.muli %convert_element_type3A_2845, %mul3A_2847 : vector<16xi32>
      %add3A_2849 = arith.constant 64 : i32
      %add3A_2850 = vector.broadcast %add3A_2849 : i32 to vector<16xi32>
      %add3A_2851 = arith.addi %iota3A, %add3A_2850 : vector<16xi32>
      %add3A_2852 = arith.addi %mul3A_2848, %add3A_2851 : vector<16xi32>
      %gather3A_2853 = tpu.vector_load_idx %arg8[%add3A_2852] : memref<2560xf32, #tpu.memory_space<vmem>>[vector<16xi32>], vector<16xf32>,
      %gather3A_2854 = tpu.vector_load_idx %arg7[%add3A_2852] : memref<2560xf32, #tpu.memory_space<vmem>>[vector<16xi32>], vector<16xf32>,
      %mul3A_2855 = arith.mulf %add3A_2838, %gather3A_2854 : vector<16xf32>
      %add3A_2856 = arith.addf %gather3A_2853, %mul3A_2855 : vector<16xf32>
      %add3A_2857 = arith.addf %add3A_2829, %add3A_2856 : vector<16xf32>
      %get3A_2858 = arith.index_cast %add3A_2715 : i32 to index
      %get3A_2859 = arith.constant 80 : index
      %get3A_2860 = tpu.vector_load %arg5[%get3A_2858, %get3A_2859] {strides = array<i32>} : memref<256x128xf32, #tpu.memory_space<vmem>>, vector<16xf32>,
      %mul3A_2861 = arith.constant 3.16666675 : f32
      %mul3A_2862 = vector.broadcast %mul3A_2861 : f32 to vector<16xf32>
      %mul3A_2863 = arith.mulf %get3A_2860, %mul3A_2862 : vector<16xf32>
      %add3A_2864 = arith.constant 9.500000e+00 : f32
      %add3A_2865 = vector.broadcast %add3A_2864 : f32 to vector<16xf32>
      %add3A_2866 = arith.addf %mul3A_2863, %add3A_2865 : vector<16xf32>
      %jit3A_2867 = arith.constant 0.000000e+00 : f32
      %jit3A_2868 = arith.constant 1.800000e+01 : f32
      %max3A_2869 = vector.broadcast %jit3A_2867 : f32 to vector<16xf32>
      %max3A_2870 = arith.maximumf %max3A_2869, %add3A_2866 : vector<16xf32>
      %min3A_2871 = vector.broadcast %jit3A_2868 : f32 to vector<16xf32>
      %min3A_2872 = arith.minimumf %min3A_2871, %max3A_2870 : vector<16xf32>
      %convert_element_type3A_2873 = arith.fptosi %min3A_2872 : vector<16xf32> to vector<16xi32>
      %mul3A_2874 = arith.constant 128 : i32
      %mul3A_2875 = vector.broadcast %mul3A_2874 : i32 to vector<16xi32>
      %mul3A_2876 = arith.muli %convert_element_type3A_2873, %mul3A_2875 : vector<16xi32>
      %add3A_2877 = arith.constant 80 : i32
      %add3A_2878 = vector.broadcast %add3A_2877 : i32 to vector<16xi32>
      %add3A_2879 = arith.addi %iota3A, %add3A_2878 : vector<16xi32>
      %add3A_2880 = arith.addi %mul3A_2876, %add3A_2879 : vector<16xi32>
      %gather3A_2881 = tpu.vector_load_idx %arg8[%add3A_2880] : memref<2560xf32, #tpu.memory_space<vmem>>[vector<16xi32>], vector<16xf32>,
      %gather3A_2882 = tpu.vector_load_idx %arg7[%add3A_2880] : memref<2560xf32, #tpu.memory_space<vmem>>[vector<16xi32>], vector<16xf32>,
      %mul3A_2883 = arith.mulf %add3A_2866, %gather3A_2882 : vector<16xf32>
      %add3A_2884 = arith.addf %gather3A_2881, %mul3A_2883 : vector<16xf32>
      %add3A_2885 = arith.addf %add3A_2857, %add3A_2884 : vector<16xf32>
      %get3A_2886 = arith.index_cast %add3A_2715 : i32 to index
      %get3A_2887 = arith.constant 96 : index
      %get3A_2888 = tpu.vector_load %arg5[%get3A_2886, %get3A_2887] {strides = array<i32>} : memref<256x128xf32, #tpu.memory_space<vmem>>, vector<16xf32>,
      %mul3A_2889 = arith.constant 3.16666675 : f32
      %mul3A_2890 = vector.broadcast %mul3A_2889 : f32 to vector<16xf32>
      %mul3A_2891 = arith.mulf %get3A_2888, %mul3A_2890 : vector<16xf32>
      %add3A_2892 = arith.constant 9.500000e+00 : f32
      %add3A_2893 = vector.broadcast %add3A_2892 : f32 to vector<16xf32>
      %add3A_2894 = arith.addf %mul3A_2891, %add3A_2893 : vector<16xf32>
      %jit3A_2895 = arith.constant 0.000000e+00 : f32
      %jit3A_2896 = arith.constant 1.800000e+01 : f32
      %max3A_2897 = vector.broadcast %jit3A_2895 : f32 to vector<16xf32>
      %max3A_2898 = arith.maximumf %max3A_2897, %add3A_2894 : vector<16xf32>
      %min3A_2899 = vector.broadcast %jit3A_2896 : f32 to vector<16xf32>
      %min3A_2900 = arith.minimumf %min3A_2899, %max3A_2898 : vector<16xf32>
      %convert_element_type3A_2901 = arith.fptosi %min3A_2900 : vector<16xf32> to vector<16xi32>
      %mul3A_2902 = arith.constant 128 : i32
      %mul3A_2903 = vector.broadcast %mul3A_2902 : i32 to vector<16xi32>
      %mul3A_2904 = arith.muli %convert_element_type3A_2901, %mul3A_2903 : vector<16xi32>
      %add3A_2905 = arith.constant 96 : i32
      %add3A_2906 = vector.broadcast %add3A_2905 : i32 to vector<16xi32>
      %add3A_2907 = arith.addi %iota3A, %add3A_2906 : vector<16xi32>
      %add3A_2908 = arith.addi %mul3A_2904, %add3A_2907 : vector<16xi32>
      %gather3A_2909 = tpu.vector_load_idx %arg8[%add3A_2908] : memref<2560xf32, #tpu.memory_space<vmem>>[vector<16xi32>], vector<16xf32>,
      %gather3A_2910 = tpu.vector_load_idx %arg7[%add3A_2908] : memref<2560xf32, #tpu.memory_space<vmem>>[vector<16xi32>], vector<16xf32>,
      %mul3A_2911 = arith.mulf %add3A_2894, %gather3A_2910 : vector<16xf32>
      %add3A_2912 = arith.addf %gather3A_2909, %mul3A_2911 : vector<16xf32>
      %add3A_2913 = arith.addf %add3A_2885, %add3A_2912 : vector<16xf32>
      %get3A_2914 = arith.index_cast %add3A_2715 : i32 to index
      %get3A_2915 = arith.constant 112 : index
      %get3A_2916 = tpu.vector_load %arg5[%get3A_2914, %get3A_2915] {strides = array<i32>} : memref<256x128xf32, #tpu.memory_space<vmem>>, vector<16xf32>,
      %mul3A_2917 = arith.constant 3.16666675 : f32
      %mul3A_2918 = vector.broadcast %mul3A_2917 : f32 to vector<16xf32>
      %mul3A_2919 = arith.mulf %get3A_2916, %mul3A_2918 : vector<16xf32>
      %add3A_2920 = arith.constant 9.500000e+00 : f32
      %add3A_2921 = vector.broadcast %add3A_2920 : f32 to vector<16xf32>
      %add3A_2922 = arith.addf %mul3A_2919, %add3A_2921 : vector<16xf32>
      %jit3A_2923 = arith.constant 0.000000e+00 : f32
      %jit3A_2924 = arith.constant 1.800000e+01 : f32
      %max3A_2925 = vector.broadcast %jit3A_2923 : f32 to vector<16xf32>
      %max3A_2926 = arith.maximumf %max3A_2925, %add3A_2922 : vector<16xf32>
      %min3A_2927 = vector.broadcast %jit3A_2924 : f32 to vector<16xf32>
      %min3A_2928 = arith.minimumf %min3A_2927, %max3A_2926 : vector<16xf32>
      %convert_element_type3A_2929 = arith.fptosi %min3A_2928 : vector<16xf32> to vector<16xi32>
      %mul3A_2930 = arith.constant 128 : i32
      %mul3A_2931 = vector.broadcast %mul3A_2930 : i32 to vector<16xi32>
      %mul3A_2932 = arith.muli %convert_element_type3A_2929, %mul3A_2931 : vector<16xi32>
      %add3A_2933 = arith.constant 112 : i32
      %add3A_2934 = vector.broadcast %add3A_2933 : i32 to vector<16xi32>
      %add3A_2935 = arith.addi %iota3A, %add3A_2934 : vector<16xi32>
      %add3A_2936 = arith.addi %mul3A_2932, %add3A_2935 : vector<16xi32>
      %gather3A_2937 = tpu.vector_load_idx %arg8[%add3A_2936] : memref<2560xf32, #tpu.memory_space<vmem>>[vector<16xi32>], vector<16xf32>,
      %gather3A_2938 = tpu.vector_load_idx %arg7[%add3A_2936] : memref<2560xf32, #tpu.memory_space<vmem>>[vector<16xi32>], vector<16xf32>,
      %mul3A_2939 = arith.mulf %add3A_2922, %gather3A_2938 : vector<16xf32>
      %add3A_2940 = arith.addf %gather3A_2937, %mul3A_2939 : vector<16xf32>
      %add3A_2941 = arith.addf %add3A_2913, %add3A_2940 : vector<16xf32>
      %eq3A_2942 = arith.constant 11 : i32
      %eq3A_2943 = vector.broadcast %eq3A_2942 : i32 to vector<16xi32>
      %eq3A_2944 = arith.cmpi eq, %iota3A, %eq3A_2943 : vector<16xi32>
      %reduce_sum3A_2945 = arith.constant true
      %reduce_sum3A_2946 = vector.broadcast %reduce_sum3A_2945 : i1 to vector<16xi1>
      %reduce_sum3A_2947 = tpu.scan <sum>, %add3A_2941 masked %reduce_sum3A_2946 : vector<16xf32>, vector<16xi1> -> vector<16xf32>
      %reduce_sum3A_2948 = vector.extract %reduce_sum3A_2947[15] : f32 from vector<16xf32>
      %broadcast_in_dim3A_2949 = vector.broadcast %reduce_sum3A_2948 : f32 to vector<16xf32>
      %select_n3A_2950 = arith.select %eq3A_2944, %broadcast_in_dim3A_2949, %select_n3A_2711 : vector<16xi1>, vector<16xf32>
      %mul3A_2951 = arith.constant 16 : i32
      %mul3A_2952 = arith.muli %add3A_71, %mul3A_2951 : i32
      %add3A_2953 = arith.constant 12 : i32
      %add3A_2954 = arith.addi %mul3A_2952, %add3A_2953 : i32
      %broadcast_in_dim3A_2955 = arith.constant 0.000000e+00 : f32
      %broadcast_in_dim3A_2956 = vector.broadcast %broadcast_in_dim3A_2955 : f32 to vector<16xf32>
      %get3A_2957 = arith.index_cast %add3A_2954 : i32 to index
      %get3A_2958 = arith.constant 0 : index
      %get3A_2959 = tpu.vector_load %arg5[%get3A_2957, %get3A_2958] {strides = array<i32>} : memref<256x128xf32, #tpu.memory_space<vmem>>, vector<16xf32>,
      %mul3A_2960 = arith.constant 3.16666675 : f32
      %mul3A_2961 = vector.broadcast %mul3A_2960 : f32 to vector<16xf32>
      %mul3A_2962 = arith.mulf %get3A_2959, %mul3A_2961 : vector<16xf32>
      %add3A_2963 = arith.constant 9.500000e+00 : f32
      %add3A_2964 = vector.broadcast %add3A_2963 : f32 to vector<16xf32>
      %add3A_2965 = arith.addf %mul3A_2962, %add3A_2964 : vector<16xf32>
      %jit3A_2966 = arith.constant 0.000000e+00 : f32
      %jit3A_2967 = arith.constant 1.800000e+01 : f32
      %max3A_2968 = vector.broadcast %jit3A_2966 : f32 to vector<16xf32>
      %max3A_2969 = arith.maximumf %max3A_2968, %add3A_2965 : vector<16xf32>
      %min3A_2970 = vector.broadcast %jit3A_2967 : f32 to vector<16xf32>
      %min3A_2971 = arith.minimumf %min3A_2970, %max3A_2969 : vector<16xf32>
      %convert_element_type3A_2972 = arith.fptosi %min3A_2971 : vector<16xf32> to vector<16xi32>
      %mul3A_2973 = arith.constant 128 : i32
      %mul3A_2974 = vector.broadcast %mul3A_2973 : i32 to vector<16xi32>
      %mul3A_2975 = arith.muli %convert_element_type3A_2972, %mul3A_2974 : vector<16xi32>
      %add3A_2976 = arith.constant 0 : i32
      %add3A_2977 = vector.broadcast %add3A_2976 : i32 to vector<16xi32>
      %add3A_2978 = arith.addi %iota3A, %add3A_2977 : vector<16xi32>
      %add3A_2979 = arith.addi %mul3A_2975, %add3A_2978 : vector<16xi32>
      %gather3A_2980 = tpu.vector_load_idx %arg8[%add3A_2979] : memref<2560xf32, #tpu.memory_space<vmem>>[vector<16xi32>], vector<16xf32>,
      %gather3A_2981 = tpu.vector_load_idx %arg7[%add3A_2979] : memref<2560xf32, #tpu.memory_space<vmem>>[vector<16xi32>], vector<16xf32>,
      %mul3A_2982 = arith.mulf %add3A_2965, %gather3A_2981 : vector<16xf32>
      %add3A_2983 = arith.addf %gather3A_2980, %mul3A_2982 : vector<16xf32>
      %add3A_2984 = arith.addf %broadcast_in_dim3A_2956, %add3A_2983 : vector<16xf32>
      %get3A_2985 = arith.index_cast %add3A_2954 : i32 to index
      %get3A_2986 = arith.constant 16 : index
      %get3A_2987 = tpu.vector_load %arg5[%get3A_2985, %get3A_2986] {strides = array<i32>} : memref<256x128xf32, #tpu.memory_space<vmem>>, vector<16xf32>,
      %mul3A_2988 = arith.constant 3.16666675 : f32
      %mul3A_2989 = vector.broadcast %mul3A_2988 : f32 to vector<16xf32>
      %mul3A_2990 = arith.mulf %get3A_2987, %mul3A_2989 : vector<16xf32>
      %add3A_2991 = arith.constant 9.500000e+00 : f32
      %add3A_2992 = vector.broadcast %add3A_2991 : f32 to vector<16xf32>
      %add3A_2993 = arith.addf %mul3A_2990, %add3A_2992 : vector<16xf32>
      %jit3A_2994 = arith.constant 0.000000e+00 : f32
      %jit3A_2995 = arith.constant 1.800000e+01 : f32
      %max3A_2996 = vector.broadcast %jit3A_2994 : f32 to vector<16xf32>
      %max3A_2997 = arith.maximumf %max3A_2996, %add3A_2993 : vector<16xf32>
      %min3A_2998 = vector.broadcast %jit3A_2995 : f32 to vector<16xf32>
      %min3A_2999 = arith.minimumf %min3A_2998, %max3A_2997 : vector<16xf32>
      %convert_element_type3A_3000 = arith.fptosi %min3A_2999 : vector<16xf32> to vector<16xi32>
      %mul3A_3001 = arith.constant 128 : i32
      %mul3A_3002 = vector.broadcast %mul3A_3001 : i32 to vector<16xi32>
      %mul3A_3003 = arith.muli %convert_element_type3A_3000, %mul3A_3002 : vector<16xi32>
      %add3A_3004 = arith.constant 16 : i32
      %add3A_3005 = vector.broadcast %add3A_3004 : i32 to vector<16xi32>
      %add3A_3006 = arith.addi %iota3A, %add3A_3005 : vector<16xi32>
      %add3A_3007 = arith.addi %mul3A_3003, %add3A_3006 : vector<16xi32>
      %gather3A_3008 = tpu.vector_load_idx %arg8[%add3A_3007] : memref<2560xf32, #tpu.memory_space<vmem>>[vector<16xi32>], vector<16xf32>,
      %gather3A_3009 = tpu.vector_load_idx %arg7[%add3A_3007] : memref<2560xf32, #tpu.memory_space<vmem>>[vector<16xi32>], vector<16xf32>,
      %mul3A_3010 = arith.mulf %add3A_2993, %gather3A_3009 : vector<16xf32>
      %add3A_3011 = arith.addf %gather3A_3008, %mul3A_3010 : vector<16xf32>
      %add3A_3012 = arith.addf %add3A_2984, %add3A_3011 : vector<16xf32>
      %get3A_3013 = arith.index_cast %add3A_2954 : i32 to index
      %get3A_3014 = arith.constant 32 : index
      %get3A_3015 = tpu.vector_load %arg5[%get3A_3013, %get3A_3014] {strides = array<i32>} : memref<256x128xf32, #tpu.memory_space<vmem>>, vector<16xf32>,
      %mul3A_3016 = arith.constant 3.16666675 : f32
      %mul3A_3017 = vector.broadcast %mul3A_3016 : f32 to vector<16xf32>
      %mul3A_3018 = arith.mulf %get3A_3015, %mul3A_3017 : vector<16xf32>
      %add3A_3019 = arith.constant 9.500000e+00 : f32
      %add3A_3020 = vector.broadcast %add3A_3019 : f32 to vector<16xf32>
      %add3A_3021 = arith.addf %mul3A_3018, %add3A_3020 : vector<16xf32>
      %jit3A_3022 = arith.constant 0.000000e+00 : f32
      %jit3A_3023 = arith.constant 1.800000e+01 : f32
      %max3A_3024 = vector.broadcast %jit3A_3022 : f32 to vector<16xf32>
      %max3A_3025 = arith.maximumf %max3A_3024, %add3A_3021 : vector<16xf32>
      %min3A_3026 = vector.broadcast %jit3A_3023 : f32 to vector<16xf32>
      %min3A_3027 = arith.minimumf %min3A_3026, %max3A_3025 : vector<16xf32>
      %convert_element_type3A_3028 = arith.fptosi %min3A_3027 : vector<16xf32> to vector<16xi32>
      %mul3A_3029 = arith.constant 128 : i32
      %mul3A_3030 = vector.broadcast %mul3A_3029 : i32 to vector<16xi32>
      %mul3A_3031 = arith.muli %convert_element_type3A_3028, %mul3A_3030 : vector<16xi32>
      %add3A_3032 = arith.constant 32 : i32
      %add3A_3033 = vector.broadcast %add3A_3032 : i32 to vector<16xi32>
      %add3A_3034 = arith.addi %iota3A, %add3A_3033 : vector<16xi32>
      %add3A_3035 = arith.addi %mul3A_3031, %add3A_3034 : vector<16xi32>
      %gather3A_3036 = tpu.vector_load_idx %arg8[%add3A_3035] : memref<2560xf32, #tpu.memory_space<vmem>>[vector<16xi32>], vector<16xf32>,
      %gather3A_3037 = tpu.vector_load_idx %arg7[%add3A_3035] : memref<2560xf32, #tpu.memory_space<vmem>>[vector<16xi32>], vector<16xf32>,
      %mul3A_3038 = arith.mulf %add3A_3021, %gather3A_3037 : vector<16xf32>
      %add3A_3039 = arith.addf %gather3A_3036, %mul3A_3038 : vector<16xf32>
      %add3A_3040 = arith.addf %add3A_3012, %add3A_3039 : vector<16xf32>
      %get3A_3041 = arith.index_cast %add3A_2954 : i32 to index
      %get3A_3042 = arith.constant 48 : index
      %get3A_3043 = tpu.vector_load %arg5[%get3A_3041, %get3A_3042] {strides = array<i32>} : memref<256x128xf32, #tpu.memory_space<vmem>>, vector<16xf32>,
      %mul3A_3044 = arith.constant 3.16666675 : f32
      %mul3A_3045 = vector.broadcast %mul3A_3044 : f32 to vector<16xf32>
      %mul3A_3046 = arith.mulf %get3A_3043, %mul3A_3045 : vector<16xf32>
      %add3A_3047 = arith.constant 9.500000e+00 : f32
      %add3A_3048 = vector.broadcast %add3A_3047 : f32 to vector<16xf32>
      %add3A_3049 = arith.addf %mul3A_3046, %add3A_3048 : vector<16xf32>
      %jit3A_3050 = arith.constant 0.000000e+00 : f32
      %jit3A_3051 = arith.constant 1.800000e+01 : f32
      %max3A_3052 = vector.broadcast %jit3A_3050 : f32 to vector<16xf32>
      %max3A_3053 = arith.maximumf %max3A_3052, %add3A_3049 : vector<16xf32>
      %min3A_3054 = vector.broadcast %jit3A_3051 : f32 to vector<16xf32>
      %min3A_3055 = arith.minimumf %min3A_3054, %max3A_3053 : vector<16xf32>
      %convert_element_type3A_3056 = arith.fptosi %min3A_3055 : vector<16xf32> to vector<16xi32>
      %mul3A_3057 = arith.constant 128 : i32
      %mul3A_3058 = vector.broadcast %mul3A_3057 : i32 to vector<16xi32>
      %mul3A_3059 = arith.muli %convert_element_type3A_3056, %mul3A_3058 : vector<16xi32>
      %add3A_3060 = arith.constant 48 : i32
      %add3A_3061 = vector.broadcast %add3A_3060 : i32 to vector<16xi32>
      %add3A_3062 = arith.addi %iota3A, %add3A_3061 : vector<16xi32>
      %add3A_3063 = arith.addi %mul3A_3059, %add3A_3062 : vector<16xi32>
      %gather3A_3064 = tpu.vector_load_idx %arg8[%add3A_3063] : memref<2560xf32, #tpu.memory_space<vmem>>[vector<16xi32>], vector<16xf32>,
      %gather3A_3065 = tpu.vector_load_idx %arg7[%add3A_3063] : memref<2560xf32, #tpu.memory_space<vmem>>[vector<16xi32>], vector<16xf32>,
      %mul3A_3066 = arith.mulf %add3A_3049, %gather3A_3065 : vector<16xf32>
      %add3A_3067 = arith.addf %gather3A_3064, %mul3A_3066 : vector<16xf32>
      %add3A_3068 = arith.addf %add3A_3040, %add3A_3067 : vector<16xf32>
      %get3A_3069 = arith.index_cast %add3A_2954 : i32 to index
      %get3A_3070 = arith.constant 64 : index
      %get3A_3071 = tpu.vector_load %arg5[%get3A_3069, %get3A_3070] {strides = array<i32>} : memref<256x128xf32, #tpu.memory_space<vmem>>, vector<16xf32>,
      %mul3A_3072 = arith.constant 3.16666675 : f32
      %mul3A_3073 = vector.broadcast %mul3A_3072 : f32 to vector<16xf32>
      %mul3A_3074 = arith.mulf %get3A_3071, %mul3A_3073 : vector<16xf32>
      %add3A_3075 = arith.constant 9.500000e+00 : f32
      %add3A_3076 = vector.broadcast %add3A_3075 : f32 to vector<16xf32>
      %add3A_3077 = arith.addf %mul3A_3074, %add3A_3076 : vector<16xf32>
      %jit3A_3078 = arith.constant 0.000000e+00 : f32
      %jit3A_3079 = arith.constant 1.800000e+01 : f32
      %max3A_3080 = vector.broadcast %jit3A_3078 : f32 to vector<16xf32>
      %max3A_3081 = arith.maximumf %max3A_3080, %add3A_3077 : vector<16xf32>
      %min3A_3082 = vector.broadcast %jit3A_3079 : f32 to vector<16xf32>
      %min3A_3083 = arith.minimumf %min3A_3082, %max3A_3081 : vector<16xf32>
      %convert_element_type3A_3084 = arith.fptosi %min3A_3083 : vector<16xf32> to vector<16xi32>
      %mul3A_3085 = arith.constant 128 : i32
      %mul3A_3086 = vector.broadcast %mul3A_3085 : i32 to vector<16xi32>
      %mul3A_3087 = arith.muli %convert_element_type3A_3084, %mul3A_3086 : vector<16xi32>
      %add3A_3088 = arith.constant 64 : i32
      %add3A_3089 = vector.broadcast %add3A_3088 : i32 to vector<16xi32>
      %add3A_3090 = arith.addi %iota3A, %add3A_3089 : vector<16xi32>
      %add3A_3091 = arith.addi %mul3A_3087, %add3A_3090 : vector<16xi32>
      %gather3A_3092 = tpu.vector_load_idx %arg8[%add3A_3091] : memref<2560xf32, #tpu.memory_space<vmem>>[vector<16xi32>], vector<16xf32>,
      %gather3A_3093 = tpu.vector_load_idx %arg7[%add3A_3091] : memref<2560xf32, #tpu.memory_space<vmem>>[vector<16xi32>], vector<16xf32>,
      %mul3A_3094 = arith.mulf %add3A_3077, %gather3A_3093 : vector<16xf32>
      %add3A_3095 = arith.addf %gather3A_3092, %mul3A_3094 : vector<16xf32>
      %add3A_3096 = arith.addf %add3A_3068, %add3A_3095 : vector<16xf32>
      %get3A_3097 = arith.index_cast %add3A_2954 : i32 to index
      %get3A_3098 = arith.constant 80 : index
      %get3A_3099 = tpu.vector_load %arg5[%get3A_3097, %get3A_3098] {strides = array<i32>} : memref<256x128xf32, #tpu.memory_space<vmem>>, vector<16xf32>,
      %mul3A_3100 = arith.constant 3.16666675 : f32
      %mul3A_3101 = vector.broadcast %mul3A_3100 : f32 to vector<16xf32>
      %mul3A_3102 = arith.mulf %get3A_3099, %mul3A_3101 : vector<16xf32>
      %add3A_3103 = arith.constant 9.500000e+00 : f32
      %add3A_3104 = vector.broadcast %add3A_3103 : f32 to vector<16xf32>
      %add3A_3105 = arith.addf %mul3A_3102, %add3A_3104 : vector<16xf32>
      %jit3A_3106 = arith.constant 0.000000e+00 : f32
      %jit3A_3107 = arith.constant 1.800000e+01 : f32
      %max3A_3108 = vector.broadcast %jit3A_3106 : f32 to vector<16xf32>
      %max3A_3109 = arith.maximumf %max3A_3108, %add3A_3105 : vector<16xf32>
      %min3A_3110 = vector.broadcast %jit3A_3107 : f32 to vector<16xf32>
      %min3A_3111 = arith.minimumf %min3A_3110, %max3A_3109 : vector<16xf32>
      %convert_element_type3A_3112 = arith.fptosi %min3A_3111 : vector<16xf32> to vector<16xi32>
      %mul3A_3113 = arith.constant 128 : i32
      %mul3A_3114 = vector.broadcast %mul3A_3113 : i32 to vector<16xi32>
      %mul3A_3115 = arith.muli %convert_element_type3A_3112, %mul3A_3114 : vector<16xi32>
      %add3A_3116 = arith.constant 80 : i32
      %add3A_3117 = vector.broadcast %add3A_3116 : i32 to vector<16xi32>
      %add3A_3118 = arith.addi %iota3A, %add3A_3117 : vector<16xi32>
      %add3A_3119 = arith.addi %mul3A_3115, %add3A_3118 : vector<16xi32>
      %gather3A_3120 = tpu.vector_load_idx %arg8[%add3A_3119] : memref<2560xf32, #tpu.memory_space<vmem>>[vector<16xi32>], vector<16xf32>,
      %gather3A_3121 = tpu.vector_load_idx %arg7[%add3A_3119] : memref<2560xf32, #tpu.memory_space<vmem>>[vector<16xi32>], vector<16xf32>,
      %mul3A_3122 = arith.mulf %add3A_3105, %gather3A_3121 : vector<16xf32>
      %add3A_3123 = arith.addf %gather3A_3120, %mul3A_3122 : vector<16xf32>
      %add3A_3124 = arith.addf %add3A_3096, %add3A_3123 : vector<16xf32>
      %get3A_3125 = arith.index_cast %add3A_2954 : i32 to index
      %get3A_3126 = arith.constant 96 : index
      %get3A_3127 = tpu.vector_load %arg5[%get3A_3125, %get3A_3126] {strides = array<i32>} : memref<256x128xf32, #tpu.memory_space<vmem>>, vector<16xf32>,
      %mul3A_3128 = arith.constant 3.16666675 : f32
      %mul3A_3129 = vector.broadcast %mul3A_3128 : f32 to vector<16xf32>
      %mul3A_3130 = arith.mulf %get3A_3127, %mul3A_3129 : vector<16xf32>
      %add3A_3131 = arith.constant 9.500000e+00 : f32
      %add3A_3132 = vector.broadcast %add3A_3131 : f32 to vector<16xf32>
      %add3A_3133 = arith.addf %mul3A_3130, %add3A_3132 : vector<16xf32>
      %jit3A_3134 = arith.constant 0.000000e+00 : f32
      %jit3A_3135 = arith.constant 1.800000e+01 : f32
      %max3A_3136 = vector.broadcast %jit3A_3134 : f32 to vector<16xf32>
      %max3A_3137 = arith.maximumf %max3A_3136, %add3A_3133 : vector<16xf32>
      %min3A_3138 = vector.broadcast %jit3A_3135 : f32 to vector<16xf32>
      %min3A_3139 = arith.minimumf %min3A_3138, %max3A_3137 : vector<16xf32>
      %convert_element_type3A_3140 = arith.fptosi %min3A_3139 : vector<16xf32> to vector<16xi32>
      %mul3A_3141 = arith.constant 128 : i32
      %mul3A_3142 = vector.broadcast %mul3A_3141 : i32 to vector<16xi32>
      %mul3A_3143 = arith.muli %convert_element_type3A_3140, %mul3A_3142 : vector<16xi32>
      %add3A_3144 = arith.constant 96 : i32
      %add3A_3145 = vector.broadcast %add3A_3144 : i32 to vector<16xi32>
      %add3A_3146 = arith.addi %iota3A, %add3A_3145 : vector<16xi32>
      %add3A_3147 = arith.addi %mul3A_3143, %add3A_3146 : vector<16xi32>
      %gather3A_3148 = tpu.vector_load_idx %arg8[%add3A_3147] : memref<2560xf32, #tpu.memory_space<vmem>>[vector<16xi32>], vector<16xf32>,
      %gather3A_3149 = tpu.vector_load_idx %arg7[%add3A_3147] : memref<2560xf32, #tpu.memory_space<vmem>>[vector<16xi32>], vector<16xf32>,
      %mul3A_3150 = arith.mulf %add3A_3133, %gather3A_3149 : vector<16xf32>
      %add3A_3151 = arith.addf %gather3A_3148, %mul3A_3150 : vector<16xf32>
      %add3A_3152 = arith.addf %add3A_3124, %add3A_3151 : vector<16xf32>
      %get3A_3153 = arith.index_cast %add3A_2954 : i32 to index
      %get3A_3154 = arith.constant 112 : index
      %get3A_3155 = tpu.vector_load %arg5[%get3A_3153, %get3A_3154] {strides = array<i32>} : memref<256x128xf32, #tpu.memory_space<vmem>>, vector<16xf32>,
      %mul3A_3156 = arith.constant 3.16666675 : f32
      %mul3A_3157 = vector.broadcast %mul3A_3156 : f32 to vector<16xf32>
      %mul3A_3158 = arith.mulf %get3A_3155, %mul3A_3157 : vector<16xf32>
      %add3A_3159 = arith.constant 9.500000e+00 : f32
      %add3A_3160 = vector.broadcast %add3A_3159 : f32 to vector<16xf32>
      %add3A_3161 = arith.addf %mul3A_3158, %add3A_3160 : vector<16xf32>
      %jit3A_3162 = arith.constant 0.000000e+00 : f32
      %jit3A_3163 = arith.constant 1.800000e+01 : f32
      %max3A_3164 = vector.broadcast %jit3A_3162 : f32 to vector<16xf32>
      %max3A_3165 = arith.maximumf %max3A_3164, %add3A_3161 : vector<16xf32>
      %min3A_3166 = vector.broadcast %jit3A_3163 : f32 to vector<16xf32>
      %min3A_3167 = arith.minimumf %min3A_3166, %max3A_3165 : vector<16xf32>
      %convert_element_type3A_3168 = arith.fptosi %min3A_3167 : vector<16xf32> to vector<16xi32>
      %mul3A_3169 = arith.constant 128 : i32
      %mul3A_3170 = vector.broadcast %mul3A_3169 : i32 to vector<16xi32>
      %mul3A_3171 = arith.muli %convert_element_type3A_3168, %mul3A_3170 : vector<16xi32>
      %add3A_3172 = arith.constant 112 : i32
      %add3A_3173 = vector.broadcast %add3A_3172 : i32 to vector<16xi32>
      %add3A_3174 = arith.addi %iota3A, %add3A_3173 : vector<16xi32>
      %add3A_3175 = arith.addi %mul3A_3171, %add3A_3174 : vector<16xi32>
      %gather3A_3176 = tpu.vector_load_idx %arg8[%add3A_3175] : memref<2560xf32, #tpu.memory_space<vmem>>[vector<16xi32>], vector<16xf32>,
      %gather3A_3177 = tpu.vector_load_idx %arg7[%add3A_3175] : memref<2560xf32, #tpu.memory_space<vmem>>[vector<16xi32>], vector<16xf32>,
      %mul3A_3178 = arith.mulf %add3A_3161, %gather3A_3177 : vector<16xf32>
      %add3A_3179 = arith.addf %gather3A_3176, %mul3A_3178 : vector<16xf32>
      %add3A_3180 = arith.addf %add3A_3152, %add3A_3179 : vector<16xf32>
      %eq3A_3181 = arith.constant 12 : i32
      %eq3A_3182 = vector.broadcast %eq3A_3181 : i32 to vector<16xi32>
      %eq3A_3183 = arith.cmpi eq, %iota3A, %eq3A_3182 : vector<16xi32>
      %reduce_sum3A_3184 = arith.constant true
      %reduce_sum3A_3185 = vector.broadcast %reduce_sum3A_3184 : i1 to vector<16xi1>
      %reduce_sum3A_3186 = tpu.scan <sum>, %add3A_3180 masked %reduce_sum3A_3185 : vector<16xf32>, vector<16xi1> -> vector<16xf32>
      %reduce_sum3A_3187 = vector.extract %reduce_sum3A_3186[15] : f32 from vector<16xf32>
      %broadcast_in_dim3A_3188 = vector.broadcast %reduce_sum3A_3187 : f32 to vector<16xf32>
      %select_n3A_3189 = arith.select %eq3A_3183, %broadcast_in_dim3A_3188, %select_n3A_2950 : vector<16xi1>, vector<16xf32>
      %mul3A_3190 = arith.constant 16 : i32
      %mul3A_3191 = arith.muli %add3A_71, %mul3A_3190 : i32
      %add3A_3192 = arith.constant 13 : i32
      %add3A_3193 = arith.addi %mul3A_3191, %add3A_3192 : i32
      %broadcast_in_dim3A_3194 = arith.constant 0.000000e+00 : f32
      %broadcast_in_dim3A_3195 = vector.broadcast %broadcast_in_dim3A_3194 : f32 to vector<16xf32>
      %get3A_3196 = arith.index_cast %add3A_3193 : i32 to index
      %get3A_3197 = arith.constant 0 : index
      %get3A_3198 = tpu.vector_load %arg5[%get3A_3196, %get3A_3197] {strides = array<i32>} : memref<256x128xf32, #tpu.memory_space<vmem>>, vector<16xf32>,
      %mul3A_3199 = arith.constant 3.16666675 : f32
      %mul3A_3200 = vector.broadcast %mul3A_3199 : f32 to vector<16xf32>
      %mul3A_3201 = arith.mulf %get3A_3198, %mul3A_3200 : vector<16xf32>
      %add3A_3202 = arith.constant 9.500000e+00 : f32
      %add3A_3203 = vector.broadcast %add3A_3202 : f32 to vector<16xf32>
      %add3A_3204 = arith.addf %mul3A_3201, %add3A_3203 : vector<16xf32>
      %jit3A_3205 = arith.constant 0.000000e+00 : f32
      %jit3A_3206 = arith.constant 1.800000e+01 : f32
      %max3A_3207 = vector.broadcast %jit3A_3205 : f32 to vector<16xf32>
      %max3A_3208 = arith.maximumf %max3A_3207, %add3A_3204 : vector<16xf32>
      %min3A_3209 = vector.broadcast %jit3A_3206 : f32 to vector<16xf32>
      %min3A_3210 = arith.minimumf %min3A_3209, %max3A_3208 : vector<16xf32>
      %convert_element_type3A_3211 = arith.fptosi %min3A_3210 : vector<16xf32> to vector<16xi32>
      %mul3A_3212 = arith.constant 128 : i32
      %mul3A_3213 = vector.broadcast %mul3A_3212 : i32 to vector<16xi32>
      %mul3A_3214 = arith.muli %convert_element_type3A_3211, %mul3A_3213 : vector<16xi32>
      %add3A_3215 = arith.constant 0 : i32
      %add3A_3216 = vector.broadcast %add3A_3215 : i32 to vector<16xi32>
      %add3A_3217 = arith.addi %iota3A, %add3A_3216 : vector<16xi32>
      %add3A_3218 = arith.addi %mul3A_3214, %add3A_3217 : vector<16xi32>
      %gather3A_3219 = tpu.vector_load_idx %arg8[%add3A_3218] : memref<2560xf32, #tpu.memory_space<vmem>>[vector<16xi32>], vector<16xf32>,
      %gather3A_3220 = tpu.vector_load_idx %arg7[%add3A_3218] : memref<2560xf32, #tpu.memory_space<vmem>>[vector<16xi32>], vector<16xf32>,
      %mul3A_3221 = arith.mulf %add3A_3204, %gather3A_3220 : vector<16xf32>
      %add3A_3222 = arith.addf %gather3A_3219, %mul3A_3221 : vector<16xf32>
      %add3A_3223 = arith.addf %broadcast_in_dim3A_3195, %add3A_3222 : vector<16xf32>
      %get3A_3224 = arith.index_cast %add3A_3193 : i32 to index
      %get3A_3225 = arith.constant 16 : index
      %get3A_3226 = tpu.vector_load %arg5[%get3A_3224, %get3A_3225] {strides = array<i32>} : memref<256x128xf32, #tpu.memory_space<vmem>>, vector<16xf32>,
      %mul3A_3227 = arith.constant 3.16666675 : f32
      %mul3A_3228 = vector.broadcast %mul3A_3227 : f32 to vector<16xf32>
      %mul3A_3229 = arith.mulf %get3A_3226, %mul3A_3228 : vector<16xf32>
      %add3A_3230 = arith.constant 9.500000e+00 : f32
      %add3A_3231 = vector.broadcast %add3A_3230 : f32 to vector<16xf32>
      %add3A_3232 = arith.addf %mul3A_3229, %add3A_3231 : vector<16xf32>
      %jit3A_3233 = arith.constant 0.000000e+00 : f32
      %jit3A_3234 = arith.constant 1.800000e+01 : f32
      %max3A_3235 = vector.broadcast %jit3A_3233 : f32 to vector<16xf32>
      %max3A_3236 = arith.maximumf %max3A_3235, %add3A_3232 : vector<16xf32>
      %min3A_3237 = vector.broadcast %jit3A_3234 : f32 to vector<16xf32>
      %min3A_3238 = arith.minimumf %min3A_3237, %max3A_3236 : vector<16xf32>
      %convert_element_type3A_3239 = arith.fptosi %min3A_3238 : vector<16xf32> to vector<16xi32>
      %mul3A_3240 = arith.constant 128 : i32
      %mul3A_3241 = vector.broadcast %mul3A_3240 : i32 to vector<16xi32>
      %mul3A_3242 = arith.muli %convert_element_type3A_3239, %mul3A_3241 : vector<16xi32>
      %add3A_3243 = arith.constant 16 : i32
      %add3A_3244 = vector.broadcast %add3A_3243 : i32 to vector<16xi32>
      %add3A_3245 = arith.addi %iota3A, %add3A_3244 : vector<16xi32>
      %add3A_3246 = arith.addi %mul3A_3242, %add3A_3245 : vector<16xi32>
      %gather3A_3247 = tpu.vector_load_idx %arg8[%add3A_3246] : memref<2560xf32, #tpu.memory_space<vmem>>[vector<16xi32>], vector<16xf32>,
      %gather3A_3248 = tpu.vector_load_idx %arg7[%add3A_3246] : memref<2560xf32, #tpu.memory_space<vmem>>[vector<16xi32>], vector<16xf32>,
      %mul3A_3249 = arith.mulf %add3A_3232, %gather3A_3248 : vector<16xf32>
      %add3A_3250 = arith.addf %gather3A_3247, %mul3A_3249 : vector<16xf32>
      %add3A_3251 = arith.addf %add3A_3223, %add3A_3250 : vector<16xf32>
      %get3A_3252 = arith.index_cast %add3A_3193 : i32 to index
      %get3A_3253 = arith.constant 32 : index
      %get3A_3254 = tpu.vector_load %arg5[%get3A_3252, %get3A_3253] {strides = array<i32>} : memref<256x128xf32, #tpu.memory_space<vmem>>, vector<16xf32>,
      %mul3A_3255 = arith.constant 3.16666675 : f32
      %mul3A_3256 = vector.broadcast %mul3A_3255 : f32 to vector<16xf32>
      %mul3A_3257 = arith.mulf %get3A_3254, %mul3A_3256 : vector<16xf32>
      %add3A_3258 = arith.constant 9.500000e+00 : f32
      %add3A_3259 = vector.broadcast %add3A_3258 : f32 to vector<16xf32>
      %add3A_3260 = arith.addf %mul3A_3257, %add3A_3259 : vector<16xf32>
      %jit3A_3261 = arith.constant 0.000000e+00 : f32
      %jit3A_3262 = arith.constant 1.800000e+01 : f32
      %max3A_3263 = vector.broadcast %jit3A_3261 : f32 to vector<16xf32>
      %max3A_3264 = arith.maximumf %max3A_3263, %add3A_3260 : vector<16xf32>
      %min3A_3265 = vector.broadcast %jit3A_3262 : f32 to vector<16xf32>
      %min3A_3266 = arith.minimumf %min3A_3265, %max3A_3264 : vector<16xf32>
      %convert_element_type3A_3267 = arith.fptosi %min3A_3266 : vector<16xf32> to vector<16xi32>
      %mul3A_3268 = arith.constant 128 : i32
      %mul3A_3269 = vector.broadcast %mul3A_3268 : i32 to vector<16xi32>
      %mul3A_3270 = arith.muli %convert_element_type3A_3267, %mul3A_3269 : vector<16xi32>
      %add3A_3271 = arith.constant 32 : i32
      %add3A_3272 = vector.broadcast %add3A_3271 : i32 to vector<16xi32>
      %add3A_3273 = arith.addi %iota3A, %add3A_3272 : vector<16xi32>
      %add3A_3274 = arith.addi %mul3A_3270, %add3A_3273 : vector<16xi32>
      %gather3A_3275 = tpu.vector_load_idx %arg8[%add3A_3274] : memref<2560xf32, #tpu.memory_space<vmem>>[vector<16xi32>], vector<16xf32>,
      %gather3A_3276 = tpu.vector_load_idx %arg7[%add3A_3274] : memref<2560xf32, #tpu.memory_space<vmem>>[vector<16xi32>], vector<16xf32>,
      %mul3A_3277 = arith.mulf %add3A_3260, %gather3A_3276 : vector<16xf32>
      %add3A_3278 = arith.addf %gather3A_3275, %mul3A_3277 : vector<16xf32>
      %add3A_3279 = arith.addf %add3A_3251, %add3A_3278 : vector<16xf32>
      %get3A_3280 = arith.index_cast %add3A_3193 : i32 to index
      %get3A_3281 = arith.constant 48 : index
      %get3A_3282 = tpu.vector_load %arg5[%get3A_3280, %get3A_3281] {strides = array<i32>} : memref<256x128xf32, #tpu.memory_space<vmem>>, vector<16xf32>,
      %mul3A_3283 = arith.constant 3.16666675 : f32
      %mul3A_3284 = vector.broadcast %mul3A_3283 : f32 to vector<16xf32>
      %mul3A_3285 = arith.mulf %get3A_3282, %mul3A_3284 : vector<16xf32>
      %add3A_3286 = arith.constant 9.500000e+00 : f32
      %add3A_3287 = vector.broadcast %add3A_3286 : f32 to vector<16xf32>
      %add3A_3288 = arith.addf %mul3A_3285, %add3A_3287 : vector<16xf32>
      %jit3A_3289 = arith.constant 0.000000e+00 : f32
      %jit3A_3290 = arith.constant 1.800000e+01 : f32
      %max3A_3291 = vector.broadcast %jit3A_3289 : f32 to vector<16xf32>
      %max3A_3292 = arith.maximumf %max3A_3291, %add3A_3288 : vector<16xf32>
      %min3A_3293 = vector.broadcast %jit3A_3290 : f32 to vector<16xf32>
      %min3A_3294 = arith.minimumf %min3A_3293, %max3A_3292 : vector<16xf32>
      %convert_element_type3A_3295 = arith.fptosi %min3A_3294 : vector<16xf32> to vector<16xi32>
      %mul3A_3296 = arith.constant 128 : i32
      %mul3A_3297 = vector.broadcast %mul3A_3296 : i32 to vector<16xi32>
      %mul3A_3298 = arith.muli %convert_element_type3A_3295, %mul3A_3297 : vector<16xi32>
      %add3A_3299 = arith.constant 48 : i32
      %add3A_3300 = vector.broadcast %add3A_3299 : i32 to vector<16xi32>
      %add3A_3301 = arith.addi %iota3A, %add3A_3300 : vector<16xi32>
      %add3A_3302 = arith.addi %mul3A_3298, %add3A_3301 : vector<16xi32>
      %gather3A_3303 = tpu.vector_load_idx %arg8[%add3A_3302] : memref<2560xf32, #tpu.memory_space<vmem>>[vector<16xi32>], vector<16xf32>,
      %gather3A_3304 = tpu.vector_load_idx %arg7[%add3A_3302] : memref<2560xf32, #tpu.memory_space<vmem>>[vector<16xi32>], vector<16xf32>,
      %mul3A_3305 = arith.mulf %add3A_3288, %gather3A_3304 : vector<16xf32>
      %add3A_3306 = arith.addf %gather3A_3303, %mul3A_3305 : vector<16xf32>
      %add3A_3307 = arith.addf %add3A_3279, %add3A_3306 : vector<16xf32>
      %get3A_3308 = arith.index_cast %add3A_3193 : i32 to index
      %get3A_3309 = arith.constant 64 : index
      %get3A_3310 = tpu.vector_load %arg5[%get3A_3308, %get3A_3309] {strides = array<i32>} : memref<256x128xf32, #tpu.memory_space<vmem>>, vector<16xf32>,
      %mul3A_3311 = arith.constant 3.16666675 : f32
      %mul3A_3312 = vector.broadcast %mul3A_3311 : f32 to vector<16xf32>
      %mul3A_3313 = arith.mulf %get3A_3310, %mul3A_3312 : vector<16xf32>
      %add3A_3314 = arith.constant 9.500000e+00 : f32
      %add3A_3315 = vector.broadcast %add3A_3314 : f32 to vector<16xf32>
      %add3A_3316 = arith.addf %mul3A_3313, %add3A_3315 : vector<16xf32>
      %jit3A_3317 = arith.constant 0.000000e+00 : f32
      %jit3A_3318 = arith.constant 1.800000e+01 : f32
      %max3A_3319 = vector.broadcast %jit3A_3317 : f32 to vector<16xf32>
      %max3A_3320 = arith.maximumf %max3A_3319, %add3A_3316 : vector<16xf32>
      %min3A_3321 = vector.broadcast %jit3A_3318 : f32 to vector<16xf32>
      %min3A_3322 = arith.minimumf %min3A_3321, %max3A_3320 : vector<16xf32>
      %convert_element_type3A_3323 = arith.fptosi %min3A_3322 : vector<16xf32> to vector<16xi32>
      %mul3A_3324 = arith.constant 128 : i32
      %mul3A_3325 = vector.broadcast %mul3A_3324 : i32 to vector<16xi32>
      %mul3A_3326 = arith.muli %convert_element_type3A_3323, %mul3A_3325 : vector<16xi32>
      %add3A_3327 = arith.constant 64 : i32
      %add3A_3328 = vector.broadcast %add3A_3327 : i32 to vector<16xi32>
      %add3A_3329 = arith.addi %iota3A, %add3A_3328 : vector<16xi32>
      %add3A_3330 = arith.addi %mul3A_3326, %add3A_3329 : vector<16xi32>
      %gather3A_3331 = tpu.vector_load_idx %arg8[%add3A_3330] : memref<2560xf32, #tpu.memory_space<vmem>>[vector<16xi32>], vector<16xf32>,
      %gather3A_3332 = tpu.vector_load_idx %arg7[%add3A_3330] : memref<2560xf32, #tpu.memory_space<vmem>>[vector<16xi32>], vector<16xf32>,
      %mul3A_3333 = arith.mulf %add3A_3316, %gather3A_3332 : vector<16xf32>
      %add3A_3334 = arith.addf %gather3A_3331, %mul3A_3333 : vector<16xf32>
      %add3A_3335 = arith.addf %add3A_3307, %add3A_3334 : vector<16xf32>
      %get3A_3336 = arith.index_cast %add3A_3193 : i32 to index
      %get3A_3337 = arith.constant 80 : index
      %get3A_3338 = tpu.vector_load %arg5[%get3A_3336, %get3A_3337] {strides = array<i32>} : memref<256x128xf32, #tpu.memory_space<vmem>>, vector<16xf32>,
      %mul3A_3339 = arith.constant 3.16666675 : f32
      %mul3A_3340 = vector.broadcast %mul3A_3339 : f32 to vector<16xf32>
      %mul3A_3341 = arith.mulf %get3A_3338, %mul3A_3340 : vector<16xf32>
      %add3A_3342 = arith.constant 9.500000e+00 : f32
      %add3A_3343 = vector.broadcast %add3A_3342 : f32 to vector<16xf32>
      %add3A_3344 = arith.addf %mul3A_3341, %add3A_3343 : vector<16xf32>
      %jit3A_3345 = arith.constant 0.000000e+00 : f32
      %jit3A_3346 = arith.constant 1.800000e+01 : f32
      %max3A_3347 = vector.broadcast %jit3A_3345 : f32 to vector<16xf32>
      %max3A_3348 = arith.maximumf %max3A_3347, %add3A_3344 : vector<16xf32>
      %min3A_3349 = vector.broadcast %jit3A_3346 : f32 to vector<16xf32>
      %min3A_3350 = arith.minimumf %min3A_3349, %max3A_3348 : vector<16xf32>
      %convert_element_type3A_3351 = arith.fptosi %min3A_3350 : vector<16xf32> to vector<16xi32>
      %mul3A_3352 = arith.constant 128 : i32
      %mul3A_3353 = vector.broadcast %mul3A_3352 : i32 to vector<16xi32>
      %mul3A_3354 = arith.muli %convert_element_type3A_3351, %mul3A_3353 : vector<16xi32>
      %add3A_3355 = arith.constant 80 : i32
      %add3A_3356 = vector.broadcast %add3A_3355 : i32 to vector<16xi32>
      %add3A_3357 = arith.addi %iota3A, %add3A_3356 : vector<16xi32>
      %add3A_3358 = arith.addi %mul3A_3354, %add3A_3357 : vector<16xi32>
      %gather3A_3359 = tpu.vector_load_idx %arg8[%add3A_3358] : memref<2560xf32, #tpu.memory_space<vmem>>[vector<16xi32>], vector<16xf32>,
      %gather3A_3360 = tpu.vector_load_idx %arg7[%add3A_3358] : memref<2560xf32, #tpu.memory_space<vmem>>[vector<16xi32>], vector<16xf32>,
      %mul3A_3361 = arith.mulf %add3A_3344, %gather3A_3360 : vector<16xf32>
      %add3A_3362 = arith.addf %gather3A_3359, %mul3A_3361 : vector<16xf32>
      %add3A_3363 = arith.addf %add3A_3335, %add3A_3362 : vector<16xf32>
      %get3A_3364 = arith.index_cast %add3A_3193 : i32 to index
      %get3A_3365 = arith.constant 96 : index
      %get3A_3366 = tpu.vector_load %arg5[%get3A_3364, %get3A_3365] {strides = array<i32>} : memref<256x128xf32, #tpu.memory_space<vmem>>, vector<16xf32>,
      %mul3A_3367 = arith.constant 3.16666675 : f32
      %mul3A_3368 = vector.broadcast %mul3A_3367 : f32 to vector<16xf32>
      %mul3A_3369 = arith.mulf %get3A_3366, %mul3A_3368 : vector<16xf32>
      %add3A_3370 = arith.constant 9.500000e+00 : f32
      %add3A_3371 = vector.broadcast %add3A_3370 : f32 to vector<16xf32>
      %add3A_3372 = arith.addf %mul3A_3369, %add3A_3371 : vector<16xf32>
      %jit3A_3373 = arith.constant 0.000000e+00 : f32
      %jit3A_3374 = arith.constant 1.800000e+01 : f32
      %max3A_3375 = vector.broadcast %jit3A_3373 : f32 to vector<16xf32>
      %max3A_3376 = arith.maximumf %max3A_3375, %add3A_3372 : vector<16xf32>
      %min3A_3377 = vector.broadcast %jit3A_3374 : f32 to vector<16xf32>
      %min3A_3378 = arith.minimumf %min3A_3377, %max3A_3376 : vector<16xf32>
      %convert_element_type3A_3379 = arith.fptosi %min3A_3378 : vector<16xf32> to vector<16xi32>
      %mul3A_3380 = arith.constant 128 : i32
      %mul3A_3381 = vector.broadcast %mul3A_3380 : i32 to vector<16xi32>
      %mul3A_3382 = arith.muli %convert_element_type3A_3379, %mul3A_3381 : vector<16xi32>
      %add3A_3383 = arith.constant 96 : i32
      %add3A_3384 = vector.broadcast %add3A_3383 : i32 to vector<16xi32>
      %add3A_3385 = arith.addi %iota3A, %add3A_3384 : vector<16xi32>
      %add3A_3386 = arith.addi %mul3A_3382, %add3A_3385 : vector<16xi32>
      %gather3A_3387 = tpu.vector_load_idx %arg8[%add3A_3386] : memref<2560xf32, #tpu.memory_space<vmem>>[vector<16xi32>], vector<16xf32>,
      %gather3A_3388 = tpu.vector_load_idx %arg7[%add3A_3386] : memref<2560xf32, #tpu.memory_space<vmem>>[vector<16xi32>], vector<16xf32>,
      %mul3A_3389 = arith.mulf %add3A_3372, %gather3A_3388 : vector<16xf32>
      %add3A_3390 = arith.addf %gather3A_3387, %mul3A_3389 : vector<16xf32>
      %add3A_3391 = arith.addf %add3A_3363, %add3A_3390 : vector<16xf32>
      %get3A_3392 = arith.index_cast %add3A_3193 : i32 to index
      %get3A_3393 = arith.constant 112 : index
      %get3A_3394 = tpu.vector_load %arg5[%get3A_3392, %get3A_3393] {strides = array<i32>} : memref<256x128xf32, #tpu.memory_space<vmem>>, vector<16xf32>,
      %mul3A_3395 = arith.constant 3.16666675 : f32
      %mul3A_3396 = vector.broadcast %mul3A_3395 : f32 to vector<16xf32>
      %mul3A_3397 = arith.mulf %get3A_3394, %mul3A_3396 : vector<16xf32>
      %add3A_3398 = arith.constant 9.500000e+00 : f32
      %add3A_3399 = vector.broadcast %add3A_3398 : f32 to vector<16xf32>
      %add3A_3400 = arith.addf %mul3A_3397, %add3A_3399 : vector<16xf32>
      %jit3A_3401 = arith.constant 0.000000e+00 : f32
      %jit3A_3402 = arith.constant 1.800000e+01 : f32
      %max3A_3403 = vector.broadcast %jit3A_3401 : f32 to vector<16xf32>
      %max3A_3404 = arith.maximumf %max3A_3403, %add3A_3400 : vector<16xf32>
      %min3A_3405 = vector.broadcast %jit3A_3402 : f32 to vector<16xf32>
      %min3A_3406 = arith.minimumf %min3A_3405, %max3A_3404 : vector<16xf32>
      %convert_element_type3A_3407 = arith.fptosi %min3A_3406 : vector<16xf32> to vector<16xi32>
      %mul3A_3408 = arith.constant 128 : i32
      %mul3A_3409 = vector.broadcast %mul3A_3408 : i32 to vector<16xi32>
      %mul3A_3410 = arith.muli %convert_element_type3A_3407, %mul3A_3409 : vector<16xi32>
      %add3A_3411 = arith.constant 112 : i32
      %add3A_3412 = vector.broadcast %add3A_3411 : i32 to vector<16xi32>
      %add3A_3413 = arith.addi %iota3A, %add3A_3412 : vector<16xi32>
      %add3A_3414 = arith.addi %mul3A_3410, %add3A_3413 : vector<16xi32>
      %gather3A_3415 = tpu.vector_load_idx %arg8[%add3A_3414] : memref<2560xf32, #tpu.memory_space<vmem>>[vector<16xi32>], vector<16xf32>,
      %gather3A_3416 = tpu.vector_load_idx %arg7[%add3A_3414] : memref<2560xf32, #tpu.memory_space<vmem>>[vector<16xi32>], vector<16xf32>,
      %mul3A_3417 = arith.mulf %add3A_3400, %gather3A_3416 : vector<16xf32>
      %add3A_3418 = arith.addf %gather3A_3415, %mul3A_3417 : vector<16xf32>
      %add3A_3419 = arith.addf %add3A_3391, %add3A_3418 : vector<16xf32>
      %eq3A_3420 = arith.constant 13 : i32
      %eq3A_3421 = vector.broadcast %eq3A_3420 : i32 to vector<16xi32>
      %eq3A_3422 = arith.cmpi eq, %iota3A, %eq3A_3421 : vector<16xi32>
      %reduce_sum3A_3423 = arith.constant true
      %reduce_sum3A_3424 = vector.broadcast %reduce_sum3A_3423 : i1 to vector<16xi1>
      %reduce_sum3A_3425 = tpu.scan <sum>, %add3A_3419 masked %reduce_sum3A_3424 : vector<16xf32>, vector<16xi1> -> vector<16xf32>
      %reduce_sum3A_3426 = vector.extract %reduce_sum3A_3425[15] : f32 from vector<16xf32>
      %broadcast_in_dim3A_3427 = vector.broadcast %reduce_sum3A_3426 : f32 to vector<16xf32>
      %select_n3A_3428 = arith.select %eq3A_3422, %broadcast_in_dim3A_3427, %select_n3A_3189 : vector<16xi1>, vector<16xf32>
      %mul3A_3429 = arith.constant 16 : i32
      %mul3A_3430 = arith.muli %add3A_71, %mul3A_3429 : i32
      %add3A_3431 = arith.constant 14 : i32
      %add3A_3432 = arith.addi %mul3A_3430, %add3A_3431 : i32
      %broadcast_in_dim3A_3433 = arith.constant 0.000000e+00 : f32
      %broadcast_in_dim3A_3434 = vector.broadcast %broadcast_in_dim3A_3433 : f32 to vector<16xf32>
      %get3A_3435 = arith.index_cast %add3A_3432 : i32 to index
      %get3A_3436 = arith.constant 0 : index
      %get3A_3437 = tpu.vector_load %arg5[%get3A_3435, %get3A_3436] {strides = array<i32>} : memref<256x128xf32, #tpu.memory_space<vmem>>, vector<16xf32>,
      %mul3A_3438 = arith.constant 3.16666675 : f32
      %mul3A_3439 = vector.broadcast %mul3A_3438 : f32 to vector<16xf32>
      %mul3A_3440 = arith.mulf %get3A_3437, %mul3A_3439 : vector<16xf32>
      %add3A_3441 = arith.constant 9.500000e+00 : f32
      %add3A_3442 = vector.broadcast %add3A_3441 : f32 to vector<16xf32>
      %add3A_3443 = arith.addf %mul3A_3440, %add3A_3442 : vector<16xf32>
      %jit3A_3444 = arith.constant 0.000000e+00 : f32
      %jit3A_3445 = arith.constant 1.800000e+01 : f32
      %max3A_3446 = vector.broadcast %jit3A_3444 : f32 to vector<16xf32>
      %max3A_3447 = arith.maximumf %max3A_3446, %add3A_3443 : vector<16xf32>
      %min3A_3448 = vector.broadcast %jit3A_3445 : f32 to vector<16xf32>
      %min3A_3449 = arith.minimumf %min3A_3448, %max3A_3447 : vector<16xf32>
      %convert_element_type3A_3450 = arith.fptosi %min3A_3449 : vector<16xf32> to vector<16xi32>
      %mul3A_3451 = arith.constant 128 : i32
      %mul3A_3452 = vector.broadcast %mul3A_3451 : i32 to vector<16xi32>
      %mul3A_3453 = arith.muli %convert_element_type3A_3450, %mul3A_3452 : vector<16xi32>
      %add3A_3454 = arith.constant 0 : i32
      %add3A_3455 = vector.broadcast %add3A_3454 : i32 to vector<16xi32>
      %add3A_3456 = arith.addi %iota3A, %add3A_3455 : vector<16xi32>
      %add3A_3457 = arith.addi %mul3A_3453, %add3A_3456 : vector<16xi32>
      %gather3A_3458 = tpu.vector_load_idx %arg8[%add3A_3457] : memref<2560xf32, #tpu.memory_space<vmem>>[vector<16xi32>], vector<16xf32>,
      %gather3A_3459 = tpu.vector_load_idx %arg7[%add3A_3457] : memref<2560xf32, #tpu.memory_space<vmem>>[vector<16xi32>], vector<16xf32>,
      %mul3A_3460 = arith.mulf %add3A_3443, %gather3A_3459 : vector<16xf32>
      %add3A_3461 = arith.addf %gather3A_3458, %mul3A_3460 : vector<16xf32>
      %add3A_3462 = arith.addf %broadcast_in_dim3A_3434, %add3A_3461 : vector<16xf32>
      %get3A_3463 = arith.index_cast %add3A_3432 : i32 to index
      %get3A_3464 = arith.constant 16 : index
      %get3A_3465 = tpu.vector_load %arg5[%get3A_3463, %get3A_3464] {strides = array<i32>} : memref<256x128xf32, #tpu.memory_space<vmem>>, vector<16xf32>,
      %mul3A_3466 = arith.constant 3.16666675 : f32
      %mul3A_3467 = vector.broadcast %mul3A_3466 : f32 to vector<16xf32>
      %mul3A_3468 = arith.mulf %get3A_3465, %mul3A_3467 : vector<16xf32>
      %add3A_3469 = arith.constant 9.500000e+00 : f32
      %add3A_3470 = vector.broadcast %add3A_3469 : f32 to vector<16xf32>
      %add3A_3471 = arith.addf %mul3A_3468, %add3A_3470 : vector<16xf32>
      %jit3A_3472 = arith.constant 0.000000e+00 : f32
      %jit3A_3473 = arith.constant 1.800000e+01 : f32
      %max3A_3474 = vector.broadcast %jit3A_3472 : f32 to vector<16xf32>
      %max3A_3475 = arith.maximumf %max3A_3474, %add3A_3471 : vector<16xf32>
      %min3A_3476 = vector.broadcast %jit3A_3473 : f32 to vector<16xf32>
      %min3A_3477 = arith.minimumf %min3A_3476, %max3A_3475 : vector<16xf32>
      %convert_element_type3A_3478 = arith.fptosi %min3A_3477 : vector<16xf32> to vector<16xi32>
      %mul3A_3479 = arith.constant 128 : i32
      %mul3A_3480 = vector.broadcast %mul3A_3479 : i32 to vector<16xi32>
      %mul3A_3481 = arith.muli %convert_element_type3A_3478, %mul3A_3480 : vector<16xi32>
      %add3A_3482 = arith.constant 16 : i32
      %add3A_3483 = vector.broadcast %add3A_3482 : i32 to vector<16xi32>
      %add3A_3484 = arith.addi %iota3A, %add3A_3483 : vector<16xi32>
      %add3A_3485 = arith.addi %mul3A_3481, %add3A_3484 : vector<16xi32>
      %gather3A_3486 = tpu.vector_load_idx %arg8[%add3A_3485] : memref<2560xf32, #tpu.memory_space<vmem>>[vector<16xi32>], vector<16xf32>,
      %gather3A_3487 = tpu.vector_load_idx %arg7[%add3A_3485] : memref<2560xf32, #tpu.memory_space<vmem>>[vector<16xi32>], vector<16xf32>,
      %mul3A_3488 = arith.mulf %add3A_3471, %gather3A_3487 : vector<16xf32>
      %add3A_3489 = arith.addf %gather3A_3486, %mul3A_3488 : vector<16xf32>
      %add3A_3490 = arith.addf %add3A_3462, %add3A_3489 : vector<16xf32>
      %get3A_3491 = arith.index_cast %add3A_3432 : i32 to index
      %get3A_3492 = arith.constant 32 : index
      %get3A_3493 = tpu.vector_load %arg5[%get3A_3491, %get3A_3492] {strides = array<i32>} : memref<256x128xf32, #tpu.memory_space<vmem>>, vector<16xf32>,
      %mul3A_3494 = arith.constant 3.16666675 : f32
      %mul3A_3495 = vector.broadcast %mul3A_3494 : f32 to vector<16xf32>
      %mul3A_3496 = arith.mulf %get3A_3493, %mul3A_3495 : vector<16xf32>
      %add3A_3497 = arith.constant 9.500000e+00 : f32
      %add3A_3498 = vector.broadcast %add3A_3497 : f32 to vector<16xf32>
      %add3A_3499 = arith.addf %mul3A_3496, %add3A_3498 : vector<16xf32>
      %jit3A_3500 = arith.constant 0.000000e+00 : f32
      %jit3A_3501 = arith.constant 1.800000e+01 : f32
      %max3A_3502 = vector.broadcast %jit3A_3500 : f32 to vector<16xf32>
      %max3A_3503 = arith.maximumf %max3A_3502, %add3A_3499 : vector<16xf32>
      %min3A_3504 = vector.broadcast %jit3A_3501 : f32 to vector<16xf32>
      %min3A_3505 = arith.minimumf %min3A_3504, %max3A_3503 : vector<16xf32>
      %convert_element_type3A_3506 = arith.fptosi %min3A_3505 : vector<16xf32> to vector<16xi32>
      %mul3A_3507 = arith.constant 128 : i32
      %mul3A_3508 = vector.broadcast %mul3A_3507 : i32 to vector<16xi32>
      %mul3A_3509 = arith.muli %convert_element_type3A_3506, %mul3A_3508 : vector<16xi32>
      %add3A_3510 = arith.constant 32 : i32
      %add3A_3511 = vector.broadcast %add3A_3510 : i32 to vector<16xi32>
      %add3A_3512 = arith.addi %iota3A, %add3A_3511 : vector<16xi32>
      %add3A_3513 = arith.addi %mul3A_3509, %add3A_3512 : vector<16xi32>
      %gather3A_3514 = tpu.vector_load_idx %arg8[%add3A_3513] : memref<2560xf32, #tpu.memory_space<vmem>>[vector<16xi32>], vector<16xf32>,
      %gather3A_3515 = tpu.vector_load_idx %arg7[%add3A_3513] : memref<2560xf32, #tpu.memory_space<vmem>>[vector<16xi32>], vector<16xf32>,
      %mul3A_3516 = arith.mulf %add3A_3499, %gather3A_3515 : vector<16xf32>
      %add3A_3517 = arith.addf %gather3A_3514, %mul3A_3516 : vector<16xf32>
      %add3A_3518 = arith.addf %add3A_3490, %add3A_3517 : vector<16xf32>
      %get3A_3519 = arith.index_cast %add3A_3432 : i32 to index
      %get3A_3520 = arith.constant 48 : index
      %get3A_3521 = tpu.vector_load %arg5[%get3A_3519, %get3A_3520] {strides = array<i32>} : memref<256x128xf32, #tpu.memory_space<vmem>>, vector<16xf32>,
      %mul3A_3522 = arith.constant 3.16666675 : f32
      %mul3A_3523 = vector.broadcast %mul3A_3522 : f32 to vector<16xf32>
      %mul3A_3524 = arith.mulf %get3A_3521, %mul3A_3523 : vector<16xf32>
      %add3A_3525 = arith.constant 9.500000e+00 : f32
      %add3A_3526 = vector.broadcast %add3A_3525 : f32 to vector<16xf32>
      %add3A_3527 = arith.addf %mul3A_3524, %add3A_3526 : vector<16xf32>
      %jit3A_3528 = arith.constant 0.000000e+00 : f32
      %jit3A_3529 = arith.constant 1.800000e+01 : f32
      %max3A_3530 = vector.broadcast %jit3A_3528 : f32 to vector<16xf32>
      %max3A_3531 = arith.maximumf %max3A_3530, %add3A_3527 : vector<16xf32>
      %min3A_3532 = vector.broadcast %jit3A_3529 : f32 to vector<16xf32>
      %min3A_3533 = arith.minimumf %min3A_3532, %max3A_3531 : vector<16xf32>
      %convert_element_type3A_3534 = arith.fptosi %min3A_3533 : vector<16xf32> to vector<16xi32>
      %mul3A_3535 = arith.constant 128 : i32
      %mul3A_3536 = vector.broadcast %mul3A_3535 : i32 to vector<16xi32>
      %mul3A_3537 = arith.muli %convert_element_type3A_3534, %mul3A_3536 : vector<16xi32>
      %add3A_3538 = arith.constant 48 : i32
      %add3A_3539 = vector.broadcast %add3A_3538 : i32 to vector<16xi32>
      %add3A_3540 = arith.addi %iota3A, %add3A_3539 : vector<16xi32>
      %add3A_3541 = arith.addi %mul3A_3537, %add3A_3540 : vector<16xi32>
      %gather3A_3542 = tpu.vector_load_idx %arg8[%add3A_3541] : memref<2560xf32, #tpu.memory_space<vmem>>[vector<16xi32>], vector<16xf32>,
      %gather3A_3543 = tpu.vector_load_idx %arg7[%add3A_3541] : memref<2560xf32, #tpu.memory_space<vmem>>[vector<16xi32>], vector<16xf32>,
      %mul3A_3544 = arith.mulf %add3A_3527, %gather3A_3543 : vector<16xf32>
      %add3A_3545 = arith.addf %gather3A_3542, %mul3A_3544 : vector<16xf32>
      %add3A_3546 = arith.addf %add3A_3518, %add3A_3545 : vector<16xf32>
      %get3A_3547 = arith.index_cast %add3A_3432 : i32 to index
      %get3A_3548 = arith.constant 64 : index
      %get3A_3549 = tpu.vector_load %arg5[%get3A_3547, %get3A_3548] {strides = array<i32>} : memref<256x128xf32, #tpu.memory_space<vmem>>, vector<16xf32>,
      %mul3A_3550 = arith.constant 3.16666675 : f32
      %mul3A_3551 = vector.broadcast %mul3A_3550 : f32 to vector<16xf32>
      %mul3A_3552 = arith.mulf %get3A_3549, %mul3A_3551 : vector<16xf32>
      %add3A_3553 = arith.constant 9.500000e+00 : f32
      %add3A_3554 = vector.broadcast %add3A_3553 : f32 to vector<16xf32>
      %add3A_3555 = arith.addf %mul3A_3552, %add3A_3554 : vector<16xf32>
      %jit3A_3556 = arith.constant 0.000000e+00 : f32
      %jit3A_3557 = arith.constant 1.800000e+01 : f32
      %max3A_3558 = vector.broadcast %jit3A_3556 : f32 to vector<16xf32>
      %max3A_3559 = arith.maximumf %max3A_3558, %add3A_3555 : vector<16xf32>
      %min3A_3560 = vector.broadcast %jit3A_3557 : f32 to vector<16xf32>
      %min3A_3561 = arith.minimumf %min3A_3560, %max3A_3559 : vector<16xf32>
      %convert_element_type3A_3562 = arith.fptosi %min3A_3561 : vector<16xf32> to vector<16xi32>
      %mul3A_3563 = arith.constant 128 : i32
      %mul3A_3564 = vector.broadcast %mul3A_3563 : i32 to vector<16xi32>
      %mul3A_3565 = arith.muli %convert_element_type3A_3562, %mul3A_3564 : vector<16xi32>
      %add3A_3566 = arith.constant 64 : i32
      %add3A_3567 = vector.broadcast %add3A_3566 : i32 to vector<16xi32>
      %add3A_3568 = arith.addi %iota3A, %add3A_3567 : vector<16xi32>
      %add3A_3569 = arith.addi %mul3A_3565, %add3A_3568 : vector<16xi32>
      %gather3A_3570 = tpu.vector_load_idx %arg8[%add3A_3569] : memref<2560xf32, #tpu.memory_space<vmem>>[vector<16xi32>], vector<16xf32>,
      %gather3A_3571 = tpu.vector_load_idx %arg7[%add3A_3569] : memref<2560xf32, #tpu.memory_space<vmem>>[vector<16xi32>], vector<16xf32>,
      %mul3A_3572 = arith.mulf %add3A_3555, %gather3A_3571 : vector<16xf32>
      %add3A_3573 = arith.addf %gather3A_3570, %mul3A_3572 : vector<16xf32>
      %add3A_3574 = arith.addf %add3A_3546, %add3A_3573 : vector<16xf32>
      %get3A_3575 = arith.index_cast %add3A_3432 : i32 to index
      %get3A_3576 = arith.constant 80 : index
      %get3A_3577 = tpu.vector_load %arg5[%get3A_3575, %get3A_3576] {strides = array<i32>} : memref<256x128xf32, #tpu.memory_space<vmem>>, vector<16xf32>,
      %mul3A_3578 = arith.constant 3.16666675 : f32
      %mul3A_3579 = vector.broadcast %mul3A_3578 : f32 to vector<16xf32>
      %mul3A_3580 = arith.mulf %get3A_3577, %mul3A_3579 : vector<16xf32>
      %add3A_3581 = arith.constant 9.500000e+00 : f32
      %add3A_3582 = vector.broadcast %add3A_3581 : f32 to vector<16xf32>
      %add3A_3583 = arith.addf %mul3A_3580, %add3A_3582 : vector<16xf32>
      %jit3A_3584 = arith.constant 0.000000e+00 : f32
      %jit3A_3585 = arith.constant 1.800000e+01 : f32
      %max3A_3586 = vector.broadcast %jit3A_3584 : f32 to vector<16xf32>
      %max3A_3587 = arith.maximumf %max3A_3586, %add3A_3583 : vector<16xf32>
      %min3A_3588 = vector.broadcast %jit3A_3585 : f32 to vector<16xf32>
      %min3A_3589 = arith.minimumf %min3A_3588, %max3A_3587 : vector<16xf32>
      %convert_element_type3A_3590 = arith.fptosi %min3A_3589 : vector<16xf32> to vector<16xi32>
      %mul3A_3591 = arith.constant 128 : i32
      %mul3A_3592 = vector.broadcast %mul3A_3591 : i32 to vector<16xi32>
      %mul3A_3593 = arith.muli %convert_element_type3A_3590, %mul3A_3592 : vector<16xi32>
      %add3A_3594 = arith.constant 80 : i32
      %add3A_3595 = vector.broadcast %add3A_3594 : i32 to vector<16xi32>
      %add3A_3596 = arith.addi %iota3A, %add3A_3595 : vector<16xi32>
      %add3A_3597 = arith.addi %mul3A_3593, %add3A_3596 : vector<16xi32>
      %gather3A_3598 = tpu.vector_load_idx %arg8[%add3A_3597] : memref<2560xf32, #tpu.memory_space<vmem>>[vector<16xi32>], vector<16xf32>,
      %gather3A_3599 = tpu.vector_load_idx %arg7[%add3A_3597] : memref<2560xf32, #tpu.memory_space<vmem>>[vector<16xi32>], vector<16xf32>,
      %mul3A_3600 = arith.mulf %add3A_3583, %gather3A_3599 : vector<16xf32>
      %add3A_3601 = arith.addf %gather3A_3598, %mul3A_3600 : vector<16xf32>
      %add3A_3602 = arith.addf %add3A_3574, %add3A_3601 : vector<16xf32>
      %get3A_3603 = arith.index_cast %add3A_3432 : i32 to index
      %get3A_3604 = arith.constant 96 : index
      %get3A_3605 = tpu.vector_load %arg5[%get3A_3603, %get3A_3604] {strides = array<i32>} : memref<256x128xf32, #tpu.memory_space<vmem>>, vector<16xf32>,
      %mul3A_3606 = arith.constant 3.16666675 : f32
      %mul3A_3607 = vector.broadcast %mul3A_3606 : f32 to vector<16xf32>
      %mul3A_3608 = arith.mulf %get3A_3605, %mul3A_3607 : vector<16xf32>
      %add3A_3609 = arith.constant 9.500000e+00 : f32
      %add3A_3610 = vector.broadcast %add3A_3609 : f32 to vector<16xf32>
      %add3A_3611 = arith.addf %mul3A_3608, %add3A_3610 : vector<16xf32>
      %jit3A_3612 = arith.constant 0.000000e+00 : f32
      %jit3A_3613 = arith.constant 1.800000e+01 : f32
      %max3A_3614 = vector.broadcast %jit3A_3612 : f32 to vector<16xf32>
      %max3A_3615 = arith.maximumf %max3A_3614, %add3A_3611 : vector<16xf32>
      %min3A_3616 = vector.broadcast %jit3A_3613 : f32 to vector<16xf32>
      %min3A_3617 = arith.minimumf %min3A_3616, %max3A_3615 : vector<16xf32>
      %convert_element_type3A_3618 = arith.fptosi %min3A_3617 : vector<16xf32> to vector<16xi32>
      %mul3A_3619 = arith.constant 128 : i32
      %mul3A_3620 = vector.broadcast %mul3A_3619 : i32 to vector<16xi32>
      %mul3A_3621 = arith.muli %convert_element_type3A_3618, %mul3A_3620 : vector<16xi32>
      %add3A_3622 = arith.constant 96 : i32
      %add3A_3623 = vector.broadcast %add3A_3622 : i32 to vector<16xi32>
      %add3A_3624 = arith.addi %iota3A, %add3A_3623 : vector<16xi32>
      %add3A_3625 = arith.addi %mul3A_3621, %add3A_3624 : vector<16xi32>
      %gather3A_3626 = tpu.vector_load_idx %arg8[%add3A_3625] : memref<2560xf32, #tpu.memory_space<vmem>>[vector<16xi32>], vector<16xf32>,
      %gather3A_3627 = tpu.vector_load_idx %arg7[%add3A_3625] : memref<2560xf32, #tpu.memory_space<vmem>>[vector<16xi32>], vector<16xf32>,
      %mul3A_3628 = arith.mulf %add3A_3611, %gather3A_3627 : vector<16xf32>
      %add3A_3629 = arith.addf %gather3A_3626, %mul3A_3628 : vector<16xf32>
      %add3A_3630 = arith.addf %add3A_3602, %add3A_3629 : vector<16xf32>
      %get3A_3631 = arith.index_cast %add3A_3432 : i32 to index
      %get3A_3632 = arith.constant 112 : index
      %get3A_3633 = tpu.vector_load %arg5[%get3A_3631, %get3A_3632] {strides = array<i32>} : memref<256x128xf32, #tpu.memory_space<vmem>>, vector<16xf32>,
      %mul3A_3634 = arith.constant 3.16666675 : f32
      %mul3A_3635 = vector.broadcast %mul3A_3634 : f32 to vector<16xf32>
      %mul3A_3636 = arith.mulf %get3A_3633, %mul3A_3635 : vector<16xf32>
      %add3A_3637 = arith.constant 9.500000e+00 : f32
      %add3A_3638 = vector.broadcast %add3A_3637 : f32 to vector<16xf32>
      %add3A_3639 = arith.addf %mul3A_3636, %add3A_3638 : vector<16xf32>
      %jit3A_3640 = arith.constant 0.000000e+00 : f32
      %jit3A_3641 = arith.constant 1.800000e+01 : f32
      %max3A_3642 = vector.broadcast %jit3A_3640 : f32 to vector<16xf32>
      %max3A_3643 = arith.maximumf %max3A_3642, %add3A_3639 : vector<16xf32>
      %min3A_3644 = vector.broadcast %jit3A_3641 : f32 to vector<16xf32>
      %min3A_3645 = arith.minimumf %min3A_3644, %max3A_3643 : vector<16xf32>
      %convert_element_type3A_3646 = arith.fptosi %min3A_3645 : vector<16xf32> to vector<16xi32>
      %mul3A_3647 = arith.constant 128 : i32
      %mul3A_3648 = vector.broadcast %mul3A_3647 : i32 to vector<16xi32>
      %mul3A_3649 = arith.muli %convert_element_type3A_3646, %mul3A_3648 : vector<16xi32>
      %add3A_3650 = arith.constant 112 : i32
      %add3A_3651 = vector.broadcast %add3A_3650 : i32 to vector<16xi32>
      %add3A_3652 = arith.addi %iota3A, %add3A_3651 : vector<16xi32>
      %add3A_3653 = arith.addi %mul3A_3649, %add3A_3652 : vector<16xi32>
      %gather3A_3654 = tpu.vector_load_idx %arg8[%add3A_3653] : memref<2560xf32, #tpu.memory_space<vmem>>[vector<16xi32>], vector<16xf32>,
      %gather3A_3655 = tpu.vector_load_idx %arg7[%add3A_3653] : memref<2560xf32, #tpu.memory_space<vmem>>[vector<16xi32>], vector<16xf32>,
      %mul3A_3656 = arith.mulf %add3A_3639, %gather3A_3655 : vector<16xf32>
      %add3A_3657 = arith.addf %gather3A_3654, %mul3A_3656 : vector<16xf32>
      %add3A_3658 = arith.addf %add3A_3630, %add3A_3657 : vector<16xf32>
      %eq3A_3659 = arith.constant 14 : i32
      %eq3A_3660 = vector.broadcast %eq3A_3659 : i32 to vector<16xi32>
      %eq3A_3661 = arith.cmpi eq, %iota3A, %eq3A_3660 : vector<16xi32>
      %reduce_sum3A_3662 = arith.constant true
      %reduce_sum3A_3663 = vector.broadcast %reduce_sum3A_3662 : i1 to vector<16xi1>
      %reduce_sum3A_3664 = tpu.scan <sum>, %add3A_3658 masked %reduce_sum3A_3663 : vector<16xf32>, vector<16xi1> -> vector<16xf32>
      %reduce_sum3A_3665 = vector.extract %reduce_sum3A_3664[15] : f32 from vector<16xf32>
      %broadcast_in_dim3A_3666 = vector.broadcast %reduce_sum3A_3665 : f32 to vector<16xf32>
      %select_n3A_3667 = arith.select %eq3A_3661, %broadcast_in_dim3A_3666, %select_n3A_3428 : vector<16xi1>, vector<16xf32>
      %mul3A_3668 = arith.constant 16 : i32
      %mul3A_3669 = arith.muli %add3A_71, %mul3A_3668 : i32
      %add3A_3670 = arith.constant 15 : i32
      %add3A_3671 = arith.addi %mul3A_3669, %add3A_3670 : i32
      %broadcast_in_dim3A_3672 = arith.constant 0.000000e+00 : f32
      %broadcast_in_dim3A_3673 = vector.broadcast %broadcast_in_dim3A_3672 : f32 to vector<16xf32>
      %get3A_3674 = arith.index_cast %add3A_3671 : i32 to index
      %get3A_3675 = arith.constant 0 : index
      %get3A_3676 = tpu.vector_load %arg5[%get3A_3674, %get3A_3675] {strides = array<i32>} : memref<256x128xf32, #tpu.memory_space<vmem>>, vector<16xf32>,
      %mul3A_3677 = arith.constant 3.16666675 : f32
      %mul3A_3678 = vector.broadcast %mul3A_3677 : f32 to vector<16xf32>
      %mul3A_3679 = arith.mulf %get3A_3676, %mul3A_3678 : vector<16xf32>
      %add3A_3680 = arith.constant 9.500000e+00 : f32
      %add3A_3681 = vector.broadcast %add3A_3680 : f32 to vector<16xf32>
      %add3A_3682 = arith.addf %mul3A_3679, %add3A_3681 : vector<16xf32>
      %jit3A_3683 = arith.constant 0.000000e+00 : f32
      %jit3A_3684 = arith.constant 1.800000e+01 : f32
      %max3A_3685 = vector.broadcast %jit3A_3683 : f32 to vector<16xf32>
      %max3A_3686 = arith.maximumf %max3A_3685, %add3A_3682 : vector<16xf32>
      %min3A_3687 = vector.broadcast %jit3A_3684 : f32 to vector<16xf32>
      %min3A_3688 = arith.minimumf %min3A_3687, %max3A_3686 : vector<16xf32>
      %convert_element_type3A_3689 = arith.fptosi %min3A_3688 : vector<16xf32> to vector<16xi32>
      %mul3A_3690 = arith.constant 128 : i32
      %mul3A_3691 = vector.broadcast %mul3A_3690 : i32 to vector<16xi32>
      %mul3A_3692 = arith.muli %convert_element_type3A_3689, %mul3A_3691 : vector<16xi32>
      %add3A_3693 = arith.constant 0 : i32
      %add3A_3694 = vector.broadcast %add3A_3693 : i32 to vector<16xi32>
      %add3A_3695 = arith.addi %iota3A, %add3A_3694 : vector<16xi32>
      %add3A_3696 = arith.addi %mul3A_3692, %add3A_3695 : vector<16xi32>
      %gather3A_3697 = tpu.vector_load_idx %arg8[%add3A_3696] : memref<2560xf32, #tpu.memory_space<vmem>>[vector<16xi32>], vector<16xf32>,
      %gather3A_3698 = tpu.vector_load_idx %arg7[%add3A_3696] : memref<2560xf32, #tpu.memory_space<vmem>>[vector<16xi32>], vector<16xf32>,
      %mul3A_3699 = arith.mulf %add3A_3682, %gather3A_3698 : vector<16xf32>
      %add3A_3700 = arith.addf %gather3A_3697, %mul3A_3699 : vector<16xf32>
      %add3A_3701 = arith.addf %broadcast_in_dim3A_3673, %add3A_3700 : vector<16xf32>
      %get3A_3702 = arith.index_cast %add3A_3671 : i32 to index
      %get3A_3703 = arith.constant 16 : index
      %get3A_3704 = tpu.vector_load %arg5[%get3A_3702, %get3A_3703] {strides = array<i32>} : memref<256x128xf32, #tpu.memory_space<vmem>>, vector<16xf32>,
      %mul3A_3705 = arith.constant 3.16666675 : f32
      %mul3A_3706 = vector.broadcast %mul3A_3705 : f32 to vector<16xf32>
      %mul3A_3707 = arith.mulf %get3A_3704, %mul3A_3706 : vector<16xf32>
      %add3A_3708 = arith.constant 9.500000e+00 : f32
      %add3A_3709 = vector.broadcast %add3A_3708 : f32 to vector<16xf32>
      %add3A_3710 = arith.addf %mul3A_3707, %add3A_3709 : vector<16xf32>
      %jit3A_3711 = arith.constant 0.000000e+00 : f32
      %jit3A_3712 = arith.constant 1.800000e+01 : f32
      %max3A_3713 = vector.broadcast %jit3A_3711 : f32 to vector<16xf32>
      %max3A_3714 = arith.maximumf %max3A_3713, %add3A_3710 : vector<16xf32>
      %min3A_3715 = vector.broadcast %jit3A_3712 : f32 to vector<16xf32>
      %min3A_3716 = arith.minimumf %min3A_3715, %max3A_3714 : vector<16xf32>
      %convert_element_type3A_3717 = arith.fptosi %min3A_3716 : vector<16xf32> to vector<16xi32>
      %mul3A_3718 = arith.constant 128 : i32
      %mul3A_3719 = vector.broadcast %mul3A_3718 : i32 to vector<16xi32>
      %mul3A_3720 = arith.muli %convert_element_type3A_3717, %mul3A_3719 : vector<16xi32>
      %add3A_3721 = arith.constant 16 : i32
      %add3A_3722 = vector.broadcast %add3A_3721 : i32 to vector<16xi32>
      %add3A_3723 = arith.addi %iota3A, %add3A_3722 : vector<16xi32>
      %add3A_3724 = arith.addi %mul3A_3720, %add3A_3723 : vector<16xi32>
      %gather3A_3725 = tpu.vector_load_idx %arg8[%add3A_3724] : memref<2560xf32, #tpu.memory_space<vmem>>[vector<16xi32>], vector<16xf32>,
      %gather3A_3726 = tpu.vector_load_idx %arg7[%add3A_3724] : memref<2560xf32, #tpu.memory_space<vmem>>[vector<16xi32>], vector<16xf32>,
      %mul3A_3727 = arith.mulf %add3A_3710, %gather3A_3726 : vector<16xf32>
      %add3A_3728 = arith.addf %gather3A_3725, %mul3A_3727 : vector<16xf32>
      %add3A_3729 = arith.addf %add3A_3701, %add3A_3728 : vector<16xf32>
      %get3A_3730 = arith.index_cast %add3A_3671 : i32 to index
      %get3A_3731 = arith.constant 32 : index
      %get3A_3732 = tpu.vector_load %arg5[%get3A_3730, %get3A_3731] {strides = array<i32>} : memref<256x128xf32, #tpu.memory_space<vmem>>, vector<16xf32>,
      %mul3A_3733 = arith.constant 3.16666675 : f32
      %mul3A_3734 = vector.broadcast %mul3A_3733 : f32 to vector<16xf32>
      %mul3A_3735 = arith.mulf %get3A_3732, %mul3A_3734 : vector<16xf32>
      %add3A_3736 = arith.constant 9.500000e+00 : f32
      %add3A_3737 = vector.broadcast %add3A_3736 : f32 to vector<16xf32>
      %add3A_3738 = arith.addf %mul3A_3735, %add3A_3737 : vector<16xf32>
      %jit3A_3739 = arith.constant 0.000000e+00 : f32
      %jit3A_3740 = arith.constant 1.800000e+01 : f32
      %max3A_3741 = vector.broadcast %jit3A_3739 : f32 to vector<16xf32>
      %max3A_3742 = arith.maximumf %max3A_3741, %add3A_3738 : vector<16xf32>
      %min3A_3743 = vector.broadcast %jit3A_3740 : f32 to vector<16xf32>
      %min3A_3744 = arith.minimumf %min3A_3743, %max3A_3742 : vector<16xf32>
      %convert_element_type3A_3745 = arith.fptosi %min3A_3744 : vector<16xf32> to vector<16xi32>
      %mul3A_3746 = arith.constant 128 : i32
      %mul3A_3747 = vector.broadcast %mul3A_3746 : i32 to vector<16xi32>
      %mul3A_3748 = arith.muli %convert_element_type3A_3745, %mul3A_3747 : vector<16xi32>
      %add3A_3749 = arith.constant 32 : i32
      %add3A_3750 = vector.broadcast %add3A_3749 : i32 to vector<16xi32>
      %add3A_3751 = arith.addi %iota3A, %add3A_3750 : vector<16xi32>
      %add3A_3752 = arith.addi %mul3A_3748, %add3A_3751 : vector<16xi32>
      %gather3A_3753 = tpu.vector_load_idx %arg8[%add3A_3752] : memref<2560xf32, #tpu.memory_space<vmem>>[vector<16xi32>], vector<16xf32>,
      %gather3A_3754 = tpu.vector_load_idx %arg7[%add3A_3752] : memref<2560xf32, #tpu.memory_space<vmem>>[vector<16xi32>], vector<16xf32>,
      %mul3A_3755 = arith.mulf %add3A_3738, %gather3A_3754 : vector<16xf32>
      %add3A_3756 = arith.addf %gather3A_3753, %mul3A_3755 : vector<16xf32>
      %add3A_3757 = arith.addf %add3A_3729, %add3A_3756 : vector<16xf32>
      %get3A_3758 = arith.index_cast %add3A_3671 : i32 to index
      %get3A_3759 = arith.constant 48 : index
      %get3A_3760 = tpu.vector_load %arg5[%get3A_3758, %get3A_3759] {strides = array<i32>} : memref<256x128xf32, #tpu.memory_space<vmem>>, vector<16xf32>,
      %mul3A_3761 = arith.constant 3.16666675 : f32
      %mul3A_3762 = vector.broadcast %mul3A_3761 : f32 to vector<16xf32>
      %mul3A_3763 = arith.mulf %get3A_3760, %mul3A_3762 : vector<16xf32>
      %add3A_3764 = arith.constant 9.500000e+00 : f32
      %add3A_3765 = vector.broadcast %add3A_3764 : f32 to vector<16xf32>
      %add3A_3766 = arith.addf %mul3A_3763, %add3A_3765 : vector<16xf32>
      %jit3A_3767 = arith.constant 0.000000e+00 : f32
      %jit3A_3768 = arith.constant 1.800000e+01 : f32
      %max3A_3769 = vector.broadcast %jit3A_3767 : f32 to vector<16xf32>
      %max3A_3770 = arith.maximumf %max3A_3769, %add3A_3766 : vector<16xf32>
      %min3A_3771 = vector.broadcast %jit3A_3768 : f32 to vector<16xf32>
      %min3A_3772 = arith.minimumf %min3A_3771, %max3A_3770 : vector<16xf32>
      %convert_element_type3A_3773 = arith.fptosi %min3A_3772 : vector<16xf32> to vector<16xi32>
      %mul3A_3774 = arith.constant 128 : i32
      %mul3A_3775 = vector.broadcast %mul3A_3774 : i32 to vector<16xi32>
      %mul3A_3776 = arith.muli %convert_element_type3A_3773, %mul3A_3775 : vector<16xi32>
      %add3A_3777 = arith.constant 48 : i32
      %add3A_3778 = vector.broadcast %add3A_3777 : i32 to vector<16xi32>
      %add3A_3779 = arith.addi %iota3A, %add3A_3778 : vector<16xi32>
      %add3A_3780 = arith.addi %mul3A_3776, %add3A_3779 : vector<16xi32>
      %gather3A_3781 = tpu.vector_load_idx %arg8[%add3A_3780] : memref<2560xf32, #tpu.memory_space<vmem>>[vector<16xi32>], vector<16xf32>,
      %gather3A_3782 = tpu.vector_load_idx %arg7[%add3A_3780] : memref<2560xf32, #tpu.memory_space<vmem>>[vector<16xi32>], vector<16xf32>,
      %mul3A_3783 = arith.mulf %add3A_3766, %gather3A_3782 : vector<16xf32>
      %add3A_3784 = arith.addf %gather3A_3781, %mul3A_3783 : vector<16xf32>
      %add3A_3785 = arith.addf %add3A_3757, %add3A_3784 : vector<16xf32>
      %get3A_3786 = arith.index_cast %add3A_3671 : i32 to index
      %get3A_3787 = arith.constant 64 : index
      %get3A_3788 = tpu.vector_load %arg5[%get3A_3786, %get3A_3787] {strides = array<i32>} : memref<256x128xf32, #tpu.memory_space<vmem>>, vector<16xf32>,
      %mul3A_3789 = arith.constant 3.16666675 : f32
      %mul3A_3790 = vector.broadcast %mul3A_3789 : f32 to vector<16xf32>
      %mul3A_3791 = arith.mulf %get3A_3788, %mul3A_3790 : vector<16xf32>
      %add3A_3792 = arith.constant 9.500000e+00 : f32
      %add3A_3793 = vector.broadcast %add3A_3792 : f32 to vector<16xf32>
      %add3A_3794 = arith.addf %mul3A_3791, %add3A_3793 : vector<16xf32>
      %jit3A_3795 = arith.constant 0.000000e+00 : f32
      %jit3A_3796 = arith.constant 1.800000e+01 : f32
      %max3A_3797 = vector.broadcast %jit3A_3795 : f32 to vector<16xf32>
      %max3A_3798 = arith.maximumf %max3A_3797, %add3A_3794 : vector<16xf32>
      %min3A_3799 = vector.broadcast %jit3A_3796 : f32 to vector<16xf32>
      %min3A_3800 = arith.minimumf %min3A_3799, %max3A_3798 : vector<16xf32>
      %convert_element_type3A_3801 = arith.fptosi %min3A_3800 : vector<16xf32> to vector<16xi32>
      %mul3A_3802 = arith.constant 128 : i32
      %mul3A_3803 = vector.broadcast %mul3A_3802 : i32 to vector<16xi32>
      %mul3A_3804 = arith.muli %convert_element_type3A_3801, %mul3A_3803 : vector<16xi32>
      %add3A_3805 = arith.constant 64 : i32
      %add3A_3806 = vector.broadcast %add3A_3805 : i32 to vector<16xi32>
      %add3A_3807 = arith.addi %iota3A, %add3A_3806 : vector<16xi32>
      %add3A_3808 = arith.addi %mul3A_3804, %add3A_3807 : vector<16xi32>
      %gather3A_3809 = tpu.vector_load_idx %arg8[%add3A_3808] : memref<2560xf32, #tpu.memory_space<vmem>>[vector<16xi32>], vector<16xf32>,
      %gather3A_3810 = tpu.vector_load_idx %arg7[%add3A_3808] : memref<2560xf32, #tpu.memory_space<vmem>>[vector<16xi32>], vector<16xf32>,
      %mul3A_3811 = arith.mulf %add3A_3794, %gather3A_3810 : vector<16xf32>
      %add3A_3812 = arith.addf %gather3A_3809, %mul3A_3811 : vector<16xf32>
      %add3A_3813 = arith.addf %add3A_3785, %add3A_3812 : vector<16xf32>
      %get3A_3814 = arith.index_cast %add3A_3671 : i32 to index
      %get3A_3815 = arith.constant 80 : index
      %get3A_3816 = tpu.vector_load %arg5[%get3A_3814, %get3A_3815] {strides = array<i32>} : memref<256x128xf32, #tpu.memory_space<vmem>>, vector<16xf32>,
      %mul3A_3817 = arith.constant 3.16666675 : f32
      %mul3A_3818 = vector.broadcast %mul3A_3817 : f32 to vector<16xf32>
      %mul3A_3819 = arith.mulf %get3A_3816, %mul3A_3818 : vector<16xf32>
      %add3A_3820 = arith.constant 9.500000e+00 : f32
      %add3A_3821 = vector.broadcast %add3A_3820 : f32 to vector<16xf32>
      %add3A_3822 = arith.addf %mul3A_3819, %add3A_3821 : vector<16xf32>
      %jit3A_3823 = arith.constant 0.000000e+00 : f32
      %jit3A_3824 = arith.constant 1.800000e+01 : f32
      %max3A_3825 = vector.broadcast %jit3A_3823 : f32 to vector<16xf32>
      %max3A_3826 = arith.maximumf %max3A_3825, %add3A_3822 : vector<16xf32>
      %min3A_3827 = vector.broadcast %jit3A_3824 : f32 to vector<16xf32>
      %min3A_3828 = arith.minimumf %min3A_3827, %max3A_3826 : vector<16xf32>
      %convert_element_type3A_3829 = arith.fptosi %min3A_3828 : vector<16xf32> to vector<16xi32>
      %mul3A_3830 = arith.constant 128 : i32
      %mul3A_3831 = vector.broadcast %mul3A_3830 : i32 to vector<16xi32>
      %mul3A_3832 = arith.muli %convert_element_type3A_3829, %mul3A_3831 : vector<16xi32>
      %add3A_3833 = arith.constant 80 : i32
      %add3A_3834 = vector.broadcast %add3A_3833 : i32 to vector<16xi32>
      %add3A_3835 = arith.addi %iota3A, %add3A_3834 : vector<16xi32>
      %add3A_3836 = arith.addi %mul3A_3832, %add3A_3835 : vector<16xi32>
      %gather3A_3837 = tpu.vector_load_idx %arg8[%add3A_3836] : memref<2560xf32, #tpu.memory_space<vmem>>[vector<16xi32>], vector<16xf32>,
      %gather3A_3838 = tpu.vector_load_idx %arg7[%add3A_3836] : memref<2560xf32, #tpu.memory_space<vmem>>[vector<16xi32>], vector<16xf32>,
      %mul3A_3839 = arith.mulf %add3A_3822, %gather3A_3838 : vector<16xf32>
      %add3A_3840 = arith.addf %gather3A_3837, %mul3A_3839 : vector<16xf32>
      %add3A_3841 = arith.addf %add3A_3813, %add3A_3840 : vector<16xf32>
      %get3A_3842 = arith.index_cast %add3A_3671 : i32 to index
      %get3A_3843 = arith.constant 96 : index
      %get3A_3844 = tpu.vector_load %arg5[%get3A_3842, %get3A_3843] {strides = array<i32>} : memref<256x128xf32, #tpu.memory_space<vmem>>, vector<16xf32>,
      %mul3A_3845 = arith.constant 3.16666675 : f32
      %mul3A_3846 = vector.broadcast %mul3A_3845 : f32 to vector<16xf32>
      %mul3A_3847 = arith.mulf %get3A_3844, %mul3A_3846 : vector<16xf32>
      %add3A_3848 = arith.constant 9.500000e+00 : f32
      %add3A_3849 = vector.broadcast %add3A_3848 : f32 to vector<16xf32>
      %add3A_3850 = arith.addf %mul3A_3847, %add3A_3849 : vector<16xf32>
      %jit3A_3851 = arith.constant 0.000000e+00 : f32
      %jit3A_3852 = arith.constant 1.800000e+01 : f32
      %max3A_3853 = vector.broadcast %jit3A_3851 : f32 to vector<16xf32>
      %max3A_3854 = arith.maximumf %max3A_3853, %add3A_3850 : vector<16xf32>
      %min3A_3855 = vector.broadcast %jit3A_3852 : f32 to vector<16xf32>
      %min3A_3856 = arith.minimumf %min3A_3855, %max3A_3854 : vector<16xf32>
      %convert_element_type3A_3857 = arith.fptosi %min3A_3856 : vector<16xf32> to vector<16xi32>
      %mul3A_3858 = arith.constant 128 : i32
      %mul3A_3859 = vector.broadcast %mul3A_3858 : i32 to vector<16xi32>
      %mul3A_3860 = arith.muli %convert_element_type3A_3857, %mul3A_3859 : vector<16xi32>
      %add3A_3861 = arith.constant 96 : i32
      %add3A_3862 = vector.broadcast %add3A_3861 : i32 to vector<16xi32>
      %add3A_3863 = arith.addi %iota3A, %add3A_3862 : vector<16xi32>
      %add3A_3864 = arith.addi %mul3A_3860, %add3A_3863 : vector<16xi32>
      %gather3A_3865 = tpu.vector_load_idx %arg8[%add3A_3864] : memref<2560xf32, #tpu.memory_space<vmem>>[vector<16xi32>], vector<16xf32>,
      %gather3A_3866 = tpu.vector_load_idx %arg7[%add3A_3864] : memref<2560xf32, #tpu.memory_space<vmem>>[vector<16xi32>], vector<16xf32>,
      %mul3A_3867 = arith.mulf %add3A_3850, %gather3A_3866 : vector<16xf32>
      %add3A_3868 = arith.addf %gather3A_3865, %mul3A_3867 : vector<16xf32>
      %add3A_3869 = arith.addf %add3A_3841, %add3A_3868 : vector<16xf32>
      %get3A_3870 = arith.index_cast %add3A_3671 : i32 to index
      %get3A_3871 = arith.constant 112 : index
      %get3A_3872 = tpu.vector_load %arg5[%get3A_3870, %get3A_3871] {strides = array<i32>} : memref<256x128xf32, #tpu.memory_space<vmem>>, vector<16xf32>,
      %mul3A_3873 = arith.constant 3.16666675 : f32
      %mul3A_3874 = vector.broadcast %mul3A_3873 : f32 to vector<16xf32>
      %mul3A_3875 = arith.mulf %get3A_3872, %mul3A_3874 : vector<16xf32>
      %add3A_3876 = arith.constant 9.500000e+00 : f32
      %add3A_3877 = vector.broadcast %add3A_3876 : f32 to vector<16xf32>
      %add3A_3878 = arith.addf %mul3A_3875, %add3A_3877 : vector<16xf32>
      %jit3A_3879 = arith.constant 0.000000e+00 : f32
      %jit3A_3880 = arith.constant 1.800000e+01 : f32
      %max3A_3881 = vector.broadcast %jit3A_3879 : f32 to vector<16xf32>
      %max3A_3882 = arith.maximumf %max3A_3881, %add3A_3878 : vector<16xf32>
      %min3A_3883 = vector.broadcast %jit3A_3880 : f32 to vector<16xf32>
      %min3A_3884 = arith.minimumf %min3A_3883, %max3A_3882 : vector<16xf32>
      %convert_element_type3A_3885 = arith.fptosi %min3A_3884 : vector<16xf32> to vector<16xi32>
      %mul3A_3886 = arith.constant 128 : i32
      %mul3A_3887 = vector.broadcast %mul3A_3886 : i32 to vector<16xi32>
      %mul3A_3888 = arith.muli %convert_element_type3A_3885, %mul3A_3887 : vector<16xi32>
      %add3A_3889 = arith.constant 112 : i32
      %add3A_3890 = vector.broadcast %add3A_3889 : i32 to vector<16xi32>
      %add3A_3891 = arith.addi %iota3A, %add3A_3890 : vector<16xi32>
      %add3A_3892 = arith.addi %mul3A_3888, %add3A_3891 : vector<16xi32>
      %gather3A_3893 = tpu.vector_load_idx %arg8[%add3A_3892] : memref<2560xf32, #tpu.memory_space<vmem>>[vector<16xi32>], vector<16xf32>,
      %gather3A_3894 = tpu.vector_load_idx %arg7[%add3A_3892] : memref<2560xf32, #tpu.memory_space<vmem>>[vector<16xi32>], vector<16xf32>,
      %mul3A_3895 = arith.mulf %add3A_3878, %gather3A_3894 : vector<16xf32>
      %add3A_3896 = arith.addf %gather3A_3893, %mul3A_3895 : vector<16xf32>
      %add3A_3897 = arith.addf %add3A_3869, %add3A_3896 : vector<16xf32>
      %eq3A_3898 = arith.constant 15 : i32
      %eq3A_3899 = vector.broadcast %eq3A_3898 : i32 to vector<16xi32>
      %eq3A_3900 = arith.cmpi eq, %iota3A, %eq3A_3899 : vector<16xi32>
      %reduce_sum3A_3901 = arith.constant true
      %reduce_sum3A_3902 = vector.broadcast %reduce_sum3A_3901 : i1 to vector<16xi1>
      %reduce_sum3A_3903 = tpu.scan <sum>, %add3A_3897 masked %reduce_sum3A_3902 : vector<16xf32>, vector<16xi1> -> vector<16xf32>
      %reduce_sum3A_3904 = vector.extract %reduce_sum3A_3903[15] : f32 from vector<16xf32>
      %broadcast_in_dim3A_3905 = vector.broadcast %reduce_sum3A_3904 : f32 to vector<16xf32>
      %select_n3A_3906 = arith.select %eq3A_3900, %broadcast_in_dim3A_3905, %select_n3A_3667 : vector<16xi1>, vector<16xf32>
      %mul3A_3907 = arith.constant 16 : i32
      %mul3A_3908 = arith.muli %add3A_71, %mul3A_3907 : i32
      %swap3A = arith.index_cast %mul3A_3908 : i32 to index
      %swap3A_3909 = tpu.vector_load %arg9[%swap3A] {strides = array<i32>} : memref<256xf32, #tpu.memory_space<vmem>>, vector<16xf32>,
      tpu.vector_store %arg9[%swap3A], %select_n3A_3906 {strides = array<i32>} : memref<256xf32, #tpu.memory_space<vmem>>, vector<16xf32>,
    }
    %scan3A_66 = arith.constant 16 : i32
    "tpu.region"() ({
      %run_scoped3A = tpu.sem_alloc : memref<!tpu.dma_semaphore, #tpu.memory_space<semaphore_mem>>
      %dma_start3A_67 = tpu.memref_slice %arg4[%mul3A_2] : memref<8192xf32, #tpu.memory_space<hbm>> -> memref<256xf32, #tpu.memory_space<hbm>>
      %dma_start3A_68 = tpu.memref_slice %arg4[%mul3A_2] : memref<8192xf32, #tpu.memory_space<hbm>> -> memref<256xf32, #tpu.memory_space<hbm>>
      tpu.enqueue_dma source(%arg9 : memref<256xf32, #tpu.memory_space<vmem>>) target(%dma_start3A_68 : memref<256xf32, #tpu.memory_space<hbm>>) target_semaphore(%run_scoped3A : memref<!tpu.dma_semaphore, #tpu.memory_space<semaphore_mem>>)
      %dma_wait3A = tpu.memref_slice %arg4[%mul3A_2] : memref<8192xf32, #tpu.memory_space<hbm>> -> memref<256xf32, #tpu.memory_space<hbm>>
      %dma_wait3A_69 = tpu.memref_slice %arg4[%mul3A_2] : memref<8192xf32, #tpu.memory_space<hbm>> -> memref<256xf32, #tpu.memory_space<hbm>>
      tpu.wait_dma2 semaphore(%run_scoped3A : memref<!tpu.dma_semaphore, #tpu.memory_space<semaphore_mem>>) src(%arg9 : memref<256xf32, #tpu.memory_space<vmem>>) dst(%dma_wait3A_69 : memref<256xf32, #tpu.memory_space<hbm>>)
      tpu.yield
    }) : () -> ()
    return
  }
}

module attributes {stable_mosaic.version = 14 : i64} {
  func.func @_tc_kernel(%arg0: i32, %arg1: memref<1024x128xf32, #tpu.memory_space<vmem>>, %arg2: memref<20x8x128xf32, #tpu.memory_space<vmem>>, %arg3: memref<1024xf32, #tpu.memory_space<vmem>>) attributes {dimension_semantics = [#tpu.dimension_semantics<parallel>], iteration_bounds = array<i64: 8>, scalar_prefetch = 0 : i64, scratch_operands = 0 : i64, tpu.core_type = #tpu.core_type<tc>, window_params = [{transform_indices = @transform_0, window_bounds = array<i64: 1024, 128>}, {pipeline_mode = #tpu.pipeline_mode<synchronous>, transform_indices = @transform_1, window_bounds = array<i64: 20, 8, 128>}, {transform_indices = @transform_2, window_bounds = array<i64: 1024>}]} {
    %get3A = arith.constant 0 : index
    %get3A_0 = arith.constant 0 : index
    %get3A_1 = vector.load %arg1[%get3A, %get3A_0] : memref<1024x128xf32, #tpu.memory_space<vmem>>, vector<1024x128xf32>
    %reshape3A = vector.shape_cast %get3A_1 : vector<1024x128xf32> to vector<128x8x128xf32>
    %mul3A = arith.constant 3.16666675 : f32
    %mul3A_2 = vector.broadcast %mul3A : f32 to vector<128x8x128xf32>
    %mul3A_3 = arith.mulf %reshape3A, %mul3A_2 : vector<128x8x128xf32>
    %add3A = arith.constant 9.500000e+00 : f32
    %add3A_4 = vector.broadcast %add3A : f32 to vector<128x8x128xf32>
    %add3A_5 = arith.addf %mul3A_3, %add3A_4 : vector<128x8x128xf32>
    %get3A_6 = arith.constant 1 : index
    %get3A_7 = arith.constant 0 : index
    %get3A_8 = arith.constant 0 : index
    %get3A_9 = vector.load %arg2[%get3A_6, %get3A_7, %get3A_8] : memref<20x8x128xf32, #tpu.memory_space<vmem>>, vector<1x8x128xf32>
    %get3A_10 = arith.constant 0 : index
    %get3A_11 = arith.constant 0 : index
    %get3A_12 = arith.constant 0 : index
    %get3A_13 = vector.load %arg2[%get3A_10, %get3A_11, %get3A_12] : memref<20x8x128xf32, #tpu.memory_space<vmem>>, vector<1x8x128xf32>
    %sub3A = arith.subf %get3A_9, %get3A_13 : vector<1x8x128xf32>
    %get3A_14 = arith.constant 0 : index
    %get3A_15 = arith.constant 0 : index
    %get3A_16 = arith.constant 0 : index
    %get3A_17 = vector.load %arg2[%get3A_14, %get3A_15, %get3A_16] : memref<20x8x128xf32, #tpu.memory_space<vmem>>, vector<1x8x128xf32>
    %broadcast_in_dim3A = vector.shape_cast %get3A_17 : vector<1x8x128xf32> to vector<1x8x128xf32>
    %broadcast_in_dim3A_18 = vector.broadcast %broadcast_in_dim3A : vector<1x8x128xf32> to vector<128x8x128xf32>
    %broadcast_in_dim3A_19 = vector.shape_cast %sub3A : vector<1x8x128xf32> to vector<1x8x128xf32>
    %broadcast_in_dim3A_20 = vector.broadcast %broadcast_in_dim3A_19 : vector<1x8x128xf32> to vector<128x8x128xf32>
    %get3A_21 = arith.constant 2 : index
    %get3A_22 = arith.constant 0 : index
    %get3A_23 = arith.constant 0 : index
    %get3A_24 = vector.load %arg2[%get3A_21, %get3A_22, %get3A_23] : memref<20x8x128xf32, #tpu.memory_space<vmem>>, vector<1x8x128xf32>
    %get3A_25 = arith.constant 1 : index
    %get3A_26 = arith.constant 0 : index
    %get3A_27 = arith.constant 0 : index
    %get3A_28 = vector.load %arg2[%get3A_25, %get3A_26, %get3A_27] : memref<20x8x128xf32, #tpu.memory_space<vmem>>, vector<1x8x128xf32>
    %sub3A_29 = arith.subf %get3A_24, %get3A_28 : vector<1x8x128xf32>
    %get3A_30 = arith.constant 1 : index
    %get3A_31 = arith.constant 0 : index
    %get3A_32 = arith.constant 0 : index
    %get3A_33 = vector.load %arg2[%get3A_30, %get3A_31, %get3A_32] : memref<20x8x128xf32, #tpu.memory_space<vmem>>, vector<1x8x128xf32>
    %mul3A_34 = arith.constant 1.000000e+00 : f32
    %mul3A_35 = vector.broadcast %mul3A_34 : f32 to vector<1x8x128xf32>
    %mul3A_36 = arith.mulf %mul3A_35, %sub3A_29 : vector<1x8x128xf32>
    %sub3A_37 = arith.subf %get3A_33, %mul3A_36 : vector<1x8x128xf32>
    %ge3A = arith.constant 1.000000e+00 : f32
    %ge3A_38 = vector.broadcast %ge3A : f32 to vector<128x8x128xf32>
    %ge3A_39 = arith.cmpf oge, %add3A_5, %ge3A_38 : vector<128x8x128xf32>
    %broadcast_in_dim3A_40 = vector.shape_cast %sub3A_37 : vector<1x8x128xf32> to vector<1x8x128xf32>
    %broadcast_in_dim3A_41 = vector.broadcast %broadcast_in_dim3A_40 : vector<1x8x128xf32> to vector<128x8x128xf32>
    %select_n3A = arith.select %ge3A_39, %broadcast_in_dim3A_41, %broadcast_in_dim3A_18 : vector<128x8x128xi1>, vector<128x8x128xf32>
    %broadcast_in_dim3A_42 = vector.shape_cast %sub3A_29 : vector<1x8x128xf32> to vector<1x8x128xf32>
    %broadcast_in_dim3A_43 = vector.broadcast %broadcast_in_dim3A_42 : vector<1x8x128xf32> to vector<128x8x128xf32>
    %select_n3A_44 = arith.select %ge3A_39, %broadcast_in_dim3A_43, %broadcast_in_dim3A_20 : vector<128x8x128xi1>, vector<128x8x128xf32>
    %get3A_45 = arith.constant 3 : index
    %get3A_46 = arith.constant 0 : index
    %get3A_47 = arith.constant 0 : index
    %get3A_48 = vector.load %arg2[%get3A_45, %get3A_46, %get3A_47] : memref<20x8x128xf32, #tpu.memory_space<vmem>>, vector<1x8x128xf32>
    %get3A_49 = arith.constant 2 : index
    %get3A_50 = arith.constant 0 : index
    %get3A_51 = arith.constant 0 : index
    %get3A_52 = vector.load %arg2[%get3A_49, %get3A_50, %get3A_51] : memref<20x8x128xf32, #tpu.memory_space<vmem>>, vector<1x8x128xf32>
    %sub3A_53 = arith.subf %get3A_48, %get3A_52 : vector<1x8x128xf32>
    %get3A_54 = arith.constant 2 : index
    %get3A_55 = arith.constant 0 : index
    %get3A_56 = arith.constant 0 : index
    %get3A_57 = vector.load %arg2[%get3A_54, %get3A_55, %get3A_56] : memref<20x8x128xf32, #tpu.memory_space<vmem>>, vector<1x8x128xf32>
    %mul3A_58 = arith.constant 2.000000e+00 : f32
    %mul3A_59 = vector.broadcast %mul3A_58 : f32 to vector<1x8x128xf32>
    %mul3A_60 = arith.mulf %mul3A_59, %sub3A_53 : vector<1x8x128xf32>
    %sub3A_61 = arith.subf %get3A_57, %mul3A_60 : vector<1x8x128xf32>
    %ge3A_62 = arith.constant 2.000000e+00 : f32
    %ge3A_63 = vector.broadcast %ge3A_62 : f32 to vector<128x8x128xf32>
    %ge3A_64 = arith.cmpf oge, %add3A_5, %ge3A_63 : vector<128x8x128xf32>
    %broadcast_in_dim3A_65 = vector.shape_cast %sub3A_61 : vector<1x8x128xf32> to vector<1x8x128xf32>
    %broadcast_in_dim3A_66 = vector.broadcast %broadcast_in_dim3A_65 : vector<1x8x128xf32> to vector<128x8x128xf32>
    %select_n3A_67 = arith.select %ge3A_64, %broadcast_in_dim3A_66, %select_n3A : vector<128x8x128xi1>, vector<128x8x128xf32>
    %broadcast_in_dim3A_68 = vector.shape_cast %sub3A_53 : vector<1x8x128xf32> to vector<1x8x128xf32>
    %broadcast_in_dim3A_69 = vector.broadcast %broadcast_in_dim3A_68 : vector<1x8x128xf32> to vector<128x8x128xf32>
    %select_n3A_70 = arith.select %ge3A_64, %broadcast_in_dim3A_69, %select_n3A_44 : vector<128x8x128xi1>, vector<128x8x128xf32>
    %get3A_71 = arith.constant 4 : index
    %get3A_72 = arith.constant 0 : index
    %get3A_73 = arith.constant 0 : index
    %get3A_74 = vector.load %arg2[%get3A_71, %get3A_72, %get3A_73] : memref<20x8x128xf32, #tpu.memory_space<vmem>>, vector<1x8x128xf32>
    %get3A_75 = arith.constant 3 : index
    %get3A_76 = arith.constant 0 : index
    %get3A_77 = arith.constant 0 : index
    %get3A_78 = vector.load %arg2[%get3A_75, %get3A_76, %get3A_77] : memref<20x8x128xf32, #tpu.memory_space<vmem>>, vector<1x8x128xf32>
    %sub3A_79 = arith.subf %get3A_74, %get3A_78 : vector<1x8x128xf32>
    %get3A_80 = arith.constant 3 : index
    %get3A_81 = arith.constant 0 : index
    %get3A_82 = arith.constant 0 : index
    %get3A_83 = vector.load %arg2[%get3A_80, %get3A_81, %get3A_82] : memref<20x8x128xf32, #tpu.memory_space<vmem>>, vector<1x8x128xf32>
    %mul3A_84 = arith.constant 3.000000e+00 : f32
    %mul3A_85 = vector.broadcast %mul3A_84 : f32 to vector<1x8x128xf32>
    %mul3A_86 = arith.mulf %mul3A_85, %sub3A_79 : vector<1x8x128xf32>
    %sub3A_87 = arith.subf %get3A_83, %mul3A_86 : vector<1x8x128xf32>
    %ge3A_88 = arith.constant 3.000000e+00 : f32
    %ge3A_89 = vector.broadcast %ge3A_88 : f32 to vector<128x8x128xf32>
    %ge3A_90 = arith.cmpf oge, %add3A_5, %ge3A_89 : vector<128x8x128xf32>
    %broadcast_in_dim3A_91 = vector.shape_cast %sub3A_87 : vector<1x8x128xf32> to vector<1x8x128xf32>
    %broadcast_in_dim3A_92 = vector.broadcast %broadcast_in_dim3A_91 : vector<1x8x128xf32> to vector<128x8x128xf32>
    %select_n3A_93 = arith.select %ge3A_90, %broadcast_in_dim3A_92, %select_n3A_67 : vector<128x8x128xi1>, vector<128x8x128xf32>
    %broadcast_in_dim3A_94 = vector.shape_cast %sub3A_79 : vector<1x8x128xf32> to vector<1x8x128xf32>
    %broadcast_in_dim3A_95 = vector.broadcast %broadcast_in_dim3A_94 : vector<1x8x128xf32> to vector<128x8x128xf32>
    %select_n3A_96 = arith.select %ge3A_90, %broadcast_in_dim3A_95, %select_n3A_70 : vector<128x8x128xi1>, vector<128x8x128xf32>
    %get3A_97 = arith.constant 5 : index
    %get3A_98 = arith.constant 0 : index
    %get3A_99 = arith.constant 0 : index
    %get3A_100 = vector.load %arg2[%get3A_97, %get3A_98, %get3A_99] : memref<20x8x128xf32, #tpu.memory_space<vmem>>, vector<1x8x128xf32>
    %get3A_101 = arith.constant 4 : index
    %get3A_102 = arith.constant 0 : index
    %get3A_103 = arith.constant 0 : index
    %get3A_104 = vector.load %arg2[%get3A_101, %get3A_102, %get3A_103] : memref<20x8x128xf32, #tpu.memory_space<vmem>>, vector<1x8x128xf32>
    %sub3A_105 = arith.subf %get3A_100, %get3A_104 : vector<1x8x128xf32>
    %get3A_106 = arith.constant 4 : index
    %get3A_107 = arith.constant 0 : index
    %get3A_108 = arith.constant 0 : index
    %get3A_109 = vector.load %arg2[%get3A_106, %get3A_107, %get3A_108] : memref<20x8x128xf32, #tpu.memory_space<vmem>>, vector<1x8x128xf32>
    %mul3A_110 = arith.constant 4.000000e+00 : f32
    %mul3A_111 = vector.broadcast %mul3A_110 : f32 to vector<1x8x128xf32>
    %mul3A_112 = arith.mulf %mul3A_111, %sub3A_105 : vector<1x8x128xf32>
    %sub3A_113 = arith.subf %get3A_109, %mul3A_112 : vector<1x8x128xf32>
    %ge3A_114 = arith.constant 4.000000e+00 : f32
    %ge3A_115 = vector.broadcast %ge3A_114 : f32 to vector<128x8x128xf32>
    %ge3A_116 = arith.cmpf oge, %add3A_5, %ge3A_115 : vector<128x8x128xf32>
    %broadcast_in_dim3A_117 = vector.shape_cast %sub3A_113 : vector<1x8x128xf32> to vector<1x8x128xf32>
    %broadcast_in_dim3A_118 = vector.broadcast %broadcast_in_dim3A_117 : vector<1x8x128xf32> to vector<128x8x128xf32>
    %select_n3A_119 = arith.select %ge3A_116, %broadcast_in_dim3A_118, %select_n3A_93 : vector<128x8x128xi1>, vector<128x8x128xf32>
    %broadcast_in_dim3A_120 = vector.shape_cast %sub3A_105 : vector<1x8x128xf32> to vector<1x8x128xf32>
    %broadcast_in_dim3A_121 = vector.broadcast %broadcast_in_dim3A_120 : vector<1x8x128xf32> to vector<128x8x128xf32>
    %select_n3A_122 = arith.select %ge3A_116, %broadcast_in_dim3A_121, %select_n3A_96 : vector<128x8x128xi1>, vector<128x8x128xf32>
    %get3A_123 = arith.constant 6 : index
    %get3A_124 = arith.constant 0 : index
    %get3A_125 = arith.constant 0 : index
    %get3A_126 = vector.load %arg2[%get3A_123, %get3A_124, %get3A_125] : memref<20x8x128xf32, #tpu.memory_space<vmem>>, vector<1x8x128xf32>
    %get3A_127 = arith.constant 5 : index
    %get3A_128 = arith.constant 0 : index
    %get3A_129 = arith.constant 0 : index
    %get3A_130 = vector.load %arg2[%get3A_127, %get3A_128, %get3A_129] : memref<20x8x128xf32, #tpu.memory_space<vmem>>, vector<1x8x128xf32>
    %sub3A_131 = arith.subf %get3A_126, %get3A_130 : vector<1x8x128xf32>
    %get3A_132 = arith.constant 5 : index
    %get3A_133 = arith.constant 0 : index
    %get3A_134 = arith.constant 0 : index
    %get3A_135 = vector.load %arg2[%get3A_132, %get3A_133, %get3A_134] : memref<20x8x128xf32, #tpu.memory_space<vmem>>, vector<1x8x128xf32>
    %mul3A_136 = arith.constant 5.000000e+00 : f32
    %mul3A_137 = vector.broadcast %mul3A_136 : f32 to vector<1x8x128xf32>
    %mul3A_138 = arith.mulf %mul3A_137, %sub3A_131 : vector<1x8x128xf32>
    %sub3A_139 = arith.subf %get3A_135, %mul3A_138 : vector<1x8x128xf32>
    %ge3A_140 = arith.constant 5.000000e+00 : f32
    %ge3A_141 = vector.broadcast %ge3A_140 : f32 to vector<128x8x128xf32>
    %ge3A_142 = arith.cmpf oge, %add3A_5, %ge3A_141 : vector<128x8x128xf32>
    %broadcast_in_dim3A_143 = vector.shape_cast %sub3A_139 : vector<1x8x128xf32> to vector<1x8x128xf32>
    %broadcast_in_dim3A_144 = vector.broadcast %broadcast_in_dim3A_143 : vector<1x8x128xf32> to vector<128x8x128xf32>
    %select_n3A_145 = arith.select %ge3A_142, %broadcast_in_dim3A_144, %select_n3A_119 : vector<128x8x128xi1>, vector<128x8x128xf32>
    %broadcast_in_dim3A_146 = vector.shape_cast %sub3A_131 : vector<1x8x128xf32> to vector<1x8x128xf32>
    %broadcast_in_dim3A_147 = vector.broadcast %broadcast_in_dim3A_146 : vector<1x8x128xf32> to vector<128x8x128xf32>
    %select_n3A_148 = arith.select %ge3A_142, %broadcast_in_dim3A_147, %select_n3A_122 : vector<128x8x128xi1>, vector<128x8x128xf32>
    %get3A_149 = arith.constant 7 : index
    %get3A_150 = arith.constant 0 : index
    %get3A_151 = arith.constant 0 : index
    %get3A_152 = vector.load %arg2[%get3A_149, %get3A_150, %get3A_151] : memref<20x8x128xf32, #tpu.memory_space<vmem>>, vector<1x8x128xf32>
    %get3A_153 = arith.constant 6 : index
    %get3A_154 = arith.constant 0 : index
    %get3A_155 = arith.constant 0 : index
    %get3A_156 = vector.load %arg2[%get3A_153, %get3A_154, %get3A_155] : memref<20x8x128xf32, #tpu.memory_space<vmem>>, vector<1x8x128xf32>
    %sub3A_157 = arith.subf %get3A_152, %get3A_156 : vector<1x8x128xf32>
    %get3A_158 = arith.constant 6 : index
    %get3A_159 = arith.constant 0 : index
    %get3A_160 = arith.constant 0 : index
    %get3A_161 = vector.load %arg2[%get3A_158, %get3A_159, %get3A_160] : memref<20x8x128xf32, #tpu.memory_space<vmem>>, vector<1x8x128xf32>
    %mul3A_162 = arith.constant 6.000000e+00 : f32
    %mul3A_163 = vector.broadcast %mul3A_162 : f32 to vector<1x8x128xf32>
    %mul3A_164 = arith.mulf %mul3A_163, %sub3A_157 : vector<1x8x128xf32>
    %sub3A_165 = arith.subf %get3A_161, %mul3A_164 : vector<1x8x128xf32>
    %ge3A_166 = arith.constant 6.000000e+00 : f32
    %ge3A_167 = vector.broadcast %ge3A_166 : f32 to vector<128x8x128xf32>
    %ge3A_168 = arith.cmpf oge, %add3A_5, %ge3A_167 : vector<128x8x128xf32>
    %broadcast_in_dim3A_169 = vector.shape_cast %sub3A_165 : vector<1x8x128xf32> to vector<1x8x128xf32>
    %broadcast_in_dim3A_170 = vector.broadcast %broadcast_in_dim3A_169 : vector<1x8x128xf32> to vector<128x8x128xf32>
    %select_n3A_171 = arith.select %ge3A_168, %broadcast_in_dim3A_170, %select_n3A_145 : vector<128x8x128xi1>, vector<128x8x128xf32>
    %broadcast_in_dim3A_172 = vector.shape_cast %sub3A_157 : vector<1x8x128xf32> to vector<1x8x128xf32>
    %broadcast_in_dim3A_173 = vector.broadcast %broadcast_in_dim3A_172 : vector<1x8x128xf32> to vector<128x8x128xf32>
    %select_n3A_174 = arith.select %ge3A_168, %broadcast_in_dim3A_173, %select_n3A_148 : vector<128x8x128xi1>, vector<128x8x128xf32>
    %get3A_175 = arith.constant 8 : index
    %get3A_176 = arith.constant 0 : index
    %get3A_177 = arith.constant 0 : index
    %get3A_178 = vector.load %arg2[%get3A_175, %get3A_176, %get3A_177] : memref<20x8x128xf32, #tpu.memory_space<vmem>>, vector<1x8x128xf32>
    %get3A_179 = arith.constant 7 : index
    %get3A_180 = arith.constant 0 : index
    %get3A_181 = arith.constant 0 : index
    %get3A_182 = vector.load %arg2[%get3A_179, %get3A_180, %get3A_181] : memref<20x8x128xf32, #tpu.memory_space<vmem>>, vector<1x8x128xf32>
    %sub3A_183 = arith.subf %get3A_178, %get3A_182 : vector<1x8x128xf32>
    %get3A_184 = arith.constant 7 : index
    %get3A_185 = arith.constant 0 : index
    %get3A_186 = arith.constant 0 : index
    %get3A_187 = vector.load %arg2[%get3A_184, %get3A_185, %get3A_186] : memref<20x8x128xf32, #tpu.memory_space<vmem>>, vector<1x8x128xf32>
    %mul3A_188 = arith.constant 7.000000e+00 : f32
    %mul3A_189 = vector.broadcast %mul3A_188 : f32 to vector<1x8x128xf32>
    %mul3A_190 = arith.mulf %mul3A_189, %sub3A_183 : vector<1x8x128xf32>
    %sub3A_191 = arith.subf %get3A_187, %mul3A_190 : vector<1x8x128xf32>
    %ge3A_192 = arith.constant 7.000000e+00 : f32
    %ge3A_193 = vector.broadcast %ge3A_192 : f32 to vector<128x8x128xf32>
    %ge3A_194 = arith.cmpf oge, %add3A_5, %ge3A_193 : vector<128x8x128xf32>
    %broadcast_in_dim3A_195 = vector.shape_cast %sub3A_191 : vector<1x8x128xf32> to vector<1x8x128xf32>
    %broadcast_in_dim3A_196 = vector.broadcast %broadcast_in_dim3A_195 : vector<1x8x128xf32> to vector<128x8x128xf32>
    %select_n3A_197 = arith.select %ge3A_194, %broadcast_in_dim3A_196, %select_n3A_171 : vector<128x8x128xi1>, vector<128x8x128xf32>
    %broadcast_in_dim3A_198 = vector.shape_cast %sub3A_183 : vector<1x8x128xf32> to vector<1x8x128xf32>
    %broadcast_in_dim3A_199 = vector.broadcast %broadcast_in_dim3A_198 : vector<1x8x128xf32> to vector<128x8x128xf32>
    %select_n3A_200 = arith.select %ge3A_194, %broadcast_in_dim3A_199, %select_n3A_174 : vector<128x8x128xi1>, vector<128x8x128xf32>
    %get3A_201 = arith.constant 9 : index
    %get3A_202 = arith.constant 0 : index
    %get3A_203 = arith.constant 0 : index
    %get3A_204 = vector.load %arg2[%get3A_201, %get3A_202, %get3A_203] : memref<20x8x128xf32, #tpu.memory_space<vmem>>, vector<1x8x128xf32>
    %get3A_205 = arith.constant 8 : index
    %get3A_206 = arith.constant 0 : index
    %get3A_207 = arith.constant 0 : index
    %get3A_208 = vector.load %arg2[%get3A_205, %get3A_206, %get3A_207] : memref<20x8x128xf32, #tpu.memory_space<vmem>>, vector<1x8x128xf32>
    %sub3A_209 = arith.subf %get3A_204, %get3A_208 : vector<1x8x128xf32>
    %get3A_210 = arith.constant 8 : index
    %get3A_211 = arith.constant 0 : index
    %get3A_212 = arith.constant 0 : index
    %get3A_213 = vector.load %arg2[%get3A_210, %get3A_211, %get3A_212] : memref<20x8x128xf32, #tpu.memory_space<vmem>>, vector<1x8x128xf32>
    %mul3A_214 = arith.constant 8.000000e+00 : f32
    %mul3A_215 = vector.broadcast %mul3A_214 : f32 to vector<1x8x128xf32>
    %mul3A_216 = arith.mulf %mul3A_215, %sub3A_209 : vector<1x8x128xf32>
    %sub3A_217 = arith.subf %get3A_213, %mul3A_216 : vector<1x8x128xf32>
    %ge3A_218 = arith.constant 8.000000e+00 : f32
    %ge3A_219 = vector.broadcast %ge3A_218 : f32 to vector<128x8x128xf32>
    %ge3A_220 = arith.cmpf oge, %add3A_5, %ge3A_219 : vector<128x8x128xf32>
    %broadcast_in_dim3A_221 = vector.shape_cast %sub3A_217 : vector<1x8x128xf32> to vector<1x8x128xf32>
    %broadcast_in_dim3A_222 = vector.broadcast %broadcast_in_dim3A_221 : vector<1x8x128xf32> to vector<128x8x128xf32>
    %select_n3A_223 = arith.select %ge3A_220, %broadcast_in_dim3A_222, %select_n3A_197 : vector<128x8x128xi1>, vector<128x8x128xf32>
    %broadcast_in_dim3A_224 = vector.shape_cast %sub3A_209 : vector<1x8x128xf32> to vector<1x8x128xf32>
    %broadcast_in_dim3A_225 = vector.broadcast %broadcast_in_dim3A_224 : vector<1x8x128xf32> to vector<128x8x128xf32>
    %select_n3A_226 = arith.select %ge3A_220, %broadcast_in_dim3A_225, %select_n3A_200 : vector<128x8x128xi1>, vector<128x8x128xf32>
    %get3A_227 = arith.constant 10 : index
    %get3A_228 = arith.constant 0 : index
    %get3A_229 = arith.constant 0 : index
    %get3A_230 = vector.load %arg2[%get3A_227, %get3A_228, %get3A_229] : memref<20x8x128xf32, #tpu.memory_space<vmem>>, vector<1x8x128xf32>
    %get3A_231 = arith.constant 9 : index
    %get3A_232 = arith.constant 0 : index
    %get3A_233 = arith.constant 0 : index
    %get3A_234 = vector.load %arg2[%get3A_231, %get3A_232, %get3A_233] : memref<20x8x128xf32, #tpu.memory_space<vmem>>, vector<1x8x128xf32>
    %sub3A_235 = arith.subf %get3A_230, %get3A_234 : vector<1x8x128xf32>
    %get3A_236 = arith.constant 9 : index
    %get3A_237 = arith.constant 0 : index
    %get3A_238 = arith.constant 0 : index
    %get3A_239 = vector.load %arg2[%get3A_236, %get3A_237, %get3A_238] : memref<20x8x128xf32, #tpu.memory_space<vmem>>, vector<1x8x128xf32>
    %mul3A_240 = arith.constant 9.000000e+00 : f32
    %mul3A_241 = vector.broadcast %mul3A_240 : f32 to vector<1x8x128xf32>
    %mul3A_242 = arith.mulf %mul3A_241, %sub3A_235 : vector<1x8x128xf32>
    %sub3A_243 = arith.subf %get3A_239, %mul3A_242 : vector<1x8x128xf32>
    %ge3A_244 = arith.constant 9.000000e+00 : f32
    %ge3A_245 = vector.broadcast %ge3A_244 : f32 to vector<128x8x128xf32>
    %ge3A_246 = arith.cmpf oge, %add3A_5, %ge3A_245 : vector<128x8x128xf32>
    %broadcast_in_dim3A_247 = vector.shape_cast %sub3A_243 : vector<1x8x128xf32> to vector<1x8x128xf32>
    %broadcast_in_dim3A_248 = vector.broadcast %broadcast_in_dim3A_247 : vector<1x8x128xf32> to vector<128x8x128xf32>
    %select_n3A_249 = arith.select %ge3A_246, %broadcast_in_dim3A_248, %select_n3A_223 : vector<128x8x128xi1>, vector<128x8x128xf32>
    %broadcast_in_dim3A_250 = vector.shape_cast %sub3A_235 : vector<1x8x128xf32> to vector<1x8x128xf32>
    %broadcast_in_dim3A_251 = vector.broadcast %broadcast_in_dim3A_250 : vector<1x8x128xf32> to vector<128x8x128xf32>
    %select_n3A_252 = arith.select %ge3A_246, %broadcast_in_dim3A_251, %select_n3A_226 : vector<128x8x128xi1>, vector<128x8x128xf32>
    %get3A_253 = arith.constant 11 : index
    %get3A_254 = arith.constant 0 : index
    %get3A_255 = arith.constant 0 : index
    %get3A_256 = vector.load %arg2[%get3A_253, %get3A_254, %get3A_255] : memref<20x8x128xf32, #tpu.memory_space<vmem>>, vector<1x8x128xf32>
    %get3A_257 = arith.constant 10 : index
    %get3A_258 = arith.constant 0 : index
    %get3A_259 = arith.constant 0 : index
    %get3A_260 = vector.load %arg2[%get3A_257, %get3A_258, %get3A_259] : memref<20x8x128xf32, #tpu.memory_space<vmem>>, vector<1x8x128xf32>
    %sub3A_261 = arith.subf %get3A_256, %get3A_260 : vector<1x8x128xf32>
    %get3A_262 = arith.constant 10 : index
    %get3A_263 = arith.constant 0 : index
    %get3A_264 = arith.constant 0 : index
    %get3A_265 = vector.load %arg2[%get3A_262, %get3A_263, %get3A_264] : memref<20x8x128xf32, #tpu.memory_space<vmem>>, vector<1x8x128xf32>
    %mul3A_266 = arith.constant 1.000000e+01 : f32
    %mul3A_267 = vector.broadcast %mul3A_266 : f32 to vector<1x8x128xf32>
    %mul3A_268 = arith.mulf %mul3A_267, %sub3A_261 : vector<1x8x128xf32>
    %sub3A_269 = arith.subf %get3A_265, %mul3A_268 : vector<1x8x128xf32>
    %ge3A_270 = arith.constant 1.000000e+01 : f32
    %ge3A_271 = vector.broadcast %ge3A_270 : f32 to vector<128x8x128xf32>
    %ge3A_272 = arith.cmpf oge, %add3A_5, %ge3A_271 : vector<128x8x128xf32>
    %broadcast_in_dim3A_273 = vector.shape_cast %sub3A_269 : vector<1x8x128xf32> to vector<1x8x128xf32>
    %broadcast_in_dim3A_274 = vector.broadcast %broadcast_in_dim3A_273 : vector<1x8x128xf32> to vector<128x8x128xf32>
    %select_n3A_275 = arith.select %ge3A_272, %broadcast_in_dim3A_274, %select_n3A_249 : vector<128x8x128xi1>, vector<128x8x128xf32>
    %broadcast_in_dim3A_276 = vector.shape_cast %sub3A_261 : vector<1x8x128xf32> to vector<1x8x128xf32>
    %broadcast_in_dim3A_277 = vector.broadcast %broadcast_in_dim3A_276 : vector<1x8x128xf32> to vector<128x8x128xf32>
    %select_n3A_278 = arith.select %ge3A_272, %broadcast_in_dim3A_277, %select_n3A_252 : vector<128x8x128xi1>, vector<128x8x128xf32>
    %get3A_279 = arith.constant 12 : index
    %get3A_280 = arith.constant 0 : index
    %get3A_281 = arith.constant 0 : index
    %get3A_282 = vector.load %arg2[%get3A_279, %get3A_280, %get3A_281] : memref<20x8x128xf32, #tpu.memory_space<vmem>>, vector<1x8x128xf32>
    %get3A_283 = arith.constant 11 : index
    %get3A_284 = arith.constant 0 : index
    %get3A_285 = arith.constant 0 : index
    %get3A_286 = vector.load %arg2[%get3A_283, %get3A_284, %get3A_285] : memref<20x8x128xf32, #tpu.memory_space<vmem>>, vector<1x8x128xf32>
    %sub3A_287 = arith.subf %get3A_282, %get3A_286 : vector<1x8x128xf32>
    %get3A_288 = arith.constant 11 : index
    %get3A_289 = arith.constant 0 : index
    %get3A_290 = arith.constant 0 : index
    %get3A_291 = vector.load %arg2[%get3A_288, %get3A_289, %get3A_290] : memref<20x8x128xf32, #tpu.memory_space<vmem>>, vector<1x8x128xf32>
    %mul3A_292 = arith.constant 1.100000e+01 : f32
    %mul3A_293 = vector.broadcast %mul3A_292 : f32 to vector<1x8x128xf32>
    %mul3A_294 = arith.mulf %mul3A_293, %sub3A_287 : vector<1x8x128xf32>
    %sub3A_295 = arith.subf %get3A_291, %mul3A_294 : vector<1x8x128xf32>
    %ge3A_296 = arith.constant 1.100000e+01 : f32
    %ge3A_297 = vector.broadcast %ge3A_296 : f32 to vector<128x8x128xf32>
    %ge3A_298 = arith.cmpf oge, %add3A_5, %ge3A_297 : vector<128x8x128xf32>
    %broadcast_in_dim3A_299 = vector.shape_cast %sub3A_295 : vector<1x8x128xf32> to vector<1x8x128xf32>
    %broadcast_in_dim3A_300 = vector.broadcast %broadcast_in_dim3A_299 : vector<1x8x128xf32> to vector<128x8x128xf32>
    %select_n3A_301 = arith.select %ge3A_298, %broadcast_in_dim3A_300, %select_n3A_275 : vector<128x8x128xi1>, vector<128x8x128xf32>
    %broadcast_in_dim3A_302 = vector.shape_cast %sub3A_287 : vector<1x8x128xf32> to vector<1x8x128xf32>
    %broadcast_in_dim3A_303 = vector.broadcast %broadcast_in_dim3A_302 : vector<1x8x128xf32> to vector<128x8x128xf32>
    %select_n3A_304 = arith.select %ge3A_298, %broadcast_in_dim3A_303, %select_n3A_278 : vector<128x8x128xi1>, vector<128x8x128xf32>
    %get3A_305 = arith.constant 13 : index
    %get3A_306 = arith.constant 0 : index
    %get3A_307 = arith.constant 0 : index
    %get3A_308 = vector.load %arg2[%get3A_305, %get3A_306, %get3A_307] : memref<20x8x128xf32, #tpu.memory_space<vmem>>, vector<1x8x128xf32>
    %get3A_309 = arith.constant 12 : index
    %get3A_310 = arith.constant 0 : index
    %get3A_311 = arith.constant 0 : index
    %get3A_312 = vector.load %arg2[%get3A_309, %get3A_310, %get3A_311] : memref<20x8x128xf32, #tpu.memory_space<vmem>>, vector<1x8x128xf32>
    %sub3A_313 = arith.subf %get3A_308, %get3A_312 : vector<1x8x128xf32>
    %get3A_314 = arith.constant 12 : index
    %get3A_315 = arith.constant 0 : index
    %get3A_316 = arith.constant 0 : index
    %get3A_317 = vector.load %arg2[%get3A_314, %get3A_315, %get3A_316] : memref<20x8x128xf32, #tpu.memory_space<vmem>>, vector<1x8x128xf32>
    %mul3A_318 = arith.constant 1.200000e+01 : f32
    %mul3A_319 = vector.broadcast %mul3A_318 : f32 to vector<1x8x128xf32>
    %mul3A_320 = arith.mulf %mul3A_319, %sub3A_313 : vector<1x8x128xf32>
    %sub3A_321 = arith.subf %get3A_317, %mul3A_320 : vector<1x8x128xf32>
    %ge3A_322 = arith.constant 1.200000e+01 : f32
    %ge3A_323 = vector.broadcast %ge3A_322 : f32 to vector<128x8x128xf32>
    %ge3A_324 = arith.cmpf oge, %add3A_5, %ge3A_323 : vector<128x8x128xf32>
    %broadcast_in_dim3A_325 = vector.shape_cast %sub3A_321 : vector<1x8x128xf32> to vector<1x8x128xf32>
    %broadcast_in_dim3A_326 = vector.broadcast %broadcast_in_dim3A_325 : vector<1x8x128xf32> to vector<128x8x128xf32>
    %select_n3A_327 = arith.select %ge3A_324, %broadcast_in_dim3A_326, %select_n3A_301 : vector<128x8x128xi1>, vector<128x8x128xf32>
    %broadcast_in_dim3A_328 = vector.shape_cast %sub3A_313 : vector<1x8x128xf32> to vector<1x8x128xf32>
    %broadcast_in_dim3A_329 = vector.broadcast %broadcast_in_dim3A_328 : vector<1x8x128xf32> to vector<128x8x128xf32>
    %select_n3A_330 = arith.select %ge3A_324, %broadcast_in_dim3A_329, %select_n3A_304 : vector<128x8x128xi1>, vector<128x8x128xf32>
    %get3A_331 = arith.constant 14 : index
    %get3A_332 = arith.constant 0 : index
    %get3A_333 = arith.constant 0 : index
    %get3A_334 = vector.load %arg2[%get3A_331, %get3A_332, %get3A_333] : memref<20x8x128xf32, #tpu.memory_space<vmem>>, vector<1x8x128xf32>
    %get3A_335 = arith.constant 13 : index
    %get3A_336 = arith.constant 0 : index
    %get3A_337 = arith.constant 0 : index
    %get3A_338 = vector.load %arg2[%get3A_335, %get3A_336, %get3A_337] : memref<20x8x128xf32, #tpu.memory_space<vmem>>, vector<1x8x128xf32>
    %sub3A_339 = arith.subf %get3A_334, %get3A_338 : vector<1x8x128xf32>
    %get3A_340 = arith.constant 13 : index
    %get3A_341 = arith.constant 0 : index
    %get3A_342 = arith.constant 0 : index
    %get3A_343 = vector.load %arg2[%get3A_340, %get3A_341, %get3A_342] : memref<20x8x128xf32, #tpu.memory_space<vmem>>, vector<1x8x128xf32>
    %mul3A_344 = arith.constant 1.300000e+01 : f32
    %mul3A_345 = vector.broadcast %mul3A_344 : f32 to vector<1x8x128xf32>
    %mul3A_346 = arith.mulf %mul3A_345, %sub3A_339 : vector<1x8x128xf32>
    %sub3A_347 = arith.subf %get3A_343, %mul3A_346 : vector<1x8x128xf32>
    %ge3A_348 = arith.constant 1.300000e+01 : f32
    %ge3A_349 = vector.broadcast %ge3A_348 : f32 to vector<128x8x128xf32>
    %ge3A_350 = arith.cmpf oge, %add3A_5, %ge3A_349 : vector<128x8x128xf32>
    %broadcast_in_dim3A_351 = vector.shape_cast %sub3A_347 : vector<1x8x128xf32> to vector<1x8x128xf32>
    %broadcast_in_dim3A_352 = vector.broadcast %broadcast_in_dim3A_351 : vector<1x8x128xf32> to vector<128x8x128xf32>
    %select_n3A_353 = arith.select %ge3A_350, %broadcast_in_dim3A_352, %select_n3A_327 : vector<128x8x128xi1>, vector<128x8x128xf32>
    %broadcast_in_dim3A_354 = vector.shape_cast %sub3A_339 : vector<1x8x128xf32> to vector<1x8x128xf32>
    %broadcast_in_dim3A_355 = vector.broadcast %broadcast_in_dim3A_354 : vector<1x8x128xf32> to vector<128x8x128xf32>
    %select_n3A_356 = arith.select %ge3A_350, %broadcast_in_dim3A_355, %select_n3A_330 : vector<128x8x128xi1>, vector<128x8x128xf32>
    %get3A_357 = arith.constant 15 : index
    %get3A_358 = arith.constant 0 : index
    %get3A_359 = arith.constant 0 : index
    %get3A_360 = vector.load %arg2[%get3A_357, %get3A_358, %get3A_359] : memref<20x8x128xf32, #tpu.memory_space<vmem>>, vector<1x8x128xf32>
    %get3A_361 = arith.constant 14 : index
    %get3A_362 = arith.constant 0 : index
    %get3A_363 = arith.constant 0 : index
    %get3A_364 = vector.load %arg2[%get3A_361, %get3A_362, %get3A_363] : memref<20x8x128xf32, #tpu.memory_space<vmem>>, vector<1x8x128xf32>
    %sub3A_365 = arith.subf %get3A_360, %get3A_364 : vector<1x8x128xf32>
    %get3A_366 = arith.constant 14 : index
    %get3A_367 = arith.constant 0 : index
    %get3A_368 = arith.constant 0 : index
    %get3A_369 = vector.load %arg2[%get3A_366, %get3A_367, %get3A_368] : memref<20x8x128xf32, #tpu.memory_space<vmem>>, vector<1x8x128xf32>
    %mul3A_370 = arith.constant 1.400000e+01 : f32
    %mul3A_371 = vector.broadcast %mul3A_370 : f32 to vector<1x8x128xf32>
    %mul3A_372 = arith.mulf %mul3A_371, %sub3A_365 : vector<1x8x128xf32>
    %sub3A_373 = arith.subf %get3A_369, %mul3A_372 : vector<1x8x128xf32>
    %ge3A_374 = arith.constant 1.400000e+01 : f32
    %ge3A_375 = vector.broadcast %ge3A_374 : f32 to vector<128x8x128xf32>
    %ge3A_376 = arith.cmpf oge, %add3A_5, %ge3A_375 : vector<128x8x128xf32>
    %broadcast_in_dim3A_377 = vector.shape_cast %sub3A_373 : vector<1x8x128xf32> to vector<1x8x128xf32>
    %broadcast_in_dim3A_378 = vector.broadcast %broadcast_in_dim3A_377 : vector<1x8x128xf32> to vector<128x8x128xf32>
    %select_n3A_379 = arith.select %ge3A_376, %broadcast_in_dim3A_378, %select_n3A_353 : vector<128x8x128xi1>, vector<128x8x128xf32>
    %broadcast_in_dim3A_380 = vector.shape_cast %sub3A_365 : vector<1x8x128xf32> to vector<1x8x128xf32>
    %broadcast_in_dim3A_381 = vector.broadcast %broadcast_in_dim3A_380 : vector<1x8x128xf32> to vector<128x8x128xf32>
    %select_n3A_382 = arith.select %ge3A_376, %broadcast_in_dim3A_381, %select_n3A_356 : vector<128x8x128xi1>, vector<128x8x128xf32>
    %get3A_383 = arith.constant 16 : index
    %get3A_384 = arith.constant 0 : index
    %get3A_385 = arith.constant 0 : index
    %get3A_386 = vector.load %arg2[%get3A_383, %get3A_384, %get3A_385] : memref<20x8x128xf32, #tpu.memory_space<vmem>>, vector<1x8x128xf32>
    %get3A_387 = arith.constant 15 : index
    %get3A_388 = arith.constant 0 : index
    %get3A_389 = arith.constant 0 : index
    %get3A_390 = vector.load %arg2[%get3A_387, %get3A_388, %get3A_389] : memref<20x8x128xf32, #tpu.memory_space<vmem>>, vector<1x8x128xf32>
    %sub3A_391 = arith.subf %get3A_386, %get3A_390 : vector<1x8x128xf32>
    %get3A_392 = arith.constant 15 : index
    %get3A_393 = arith.constant 0 : index
    %get3A_394 = arith.constant 0 : index
    %get3A_395 = vector.load %arg2[%get3A_392, %get3A_393, %get3A_394] : memref<20x8x128xf32, #tpu.memory_space<vmem>>, vector<1x8x128xf32>
    %mul3A_396 = arith.constant 1.500000e+01 : f32
    %mul3A_397 = vector.broadcast %mul3A_396 : f32 to vector<1x8x128xf32>
    %mul3A_398 = arith.mulf %mul3A_397, %sub3A_391 : vector<1x8x128xf32>
    %sub3A_399 = arith.subf %get3A_395, %mul3A_398 : vector<1x8x128xf32>
    %ge3A_400 = arith.constant 1.500000e+01 : f32
    %ge3A_401 = vector.broadcast %ge3A_400 : f32 to vector<128x8x128xf32>
    %ge3A_402 = arith.cmpf oge, %add3A_5, %ge3A_401 : vector<128x8x128xf32>
    %broadcast_in_dim3A_403 = vector.shape_cast %sub3A_399 : vector<1x8x128xf32> to vector<1x8x128xf32>
    %broadcast_in_dim3A_404 = vector.broadcast %broadcast_in_dim3A_403 : vector<1x8x128xf32> to vector<128x8x128xf32>
    %select_n3A_405 = arith.select %ge3A_402, %broadcast_in_dim3A_404, %select_n3A_379 : vector<128x8x128xi1>, vector<128x8x128xf32>
    %broadcast_in_dim3A_406 = vector.shape_cast %sub3A_391 : vector<1x8x128xf32> to vector<1x8x128xf32>
    %broadcast_in_dim3A_407 = vector.broadcast %broadcast_in_dim3A_406 : vector<1x8x128xf32> to vector<128x8x128xf32>
    %select_n3A_408 = arith.select %ge3A_402, %broadcast_in_dim3A_407, %select_n3A_382 : vector<128x8x128xi1>, vector<128x8x128xf32>
    %get3A_409 = arith.constant 17 : index
    %get3A_410 = arith.constant 0 : index
    %get3A_411 = arith.constant 0 : index
    %get3A_412 = vector.load %arg2[%get3A_409, %get3A_410, %get3A_411] : memref<20x8x128xf32, #tpu.memory_space<vmem>>, vector<1x8x128xf32>
    %get3A_413 = arith.constant 16 : index
    %get3A_414 = arith.constant 0 : index
    %get3A_415 = arith.constant 0 : index
    %get3A_416 = vector.load %arg2[%get3A_413, %get3A_414, %get3A_415] : memref<20x8x128xf32, #tpu.memory_space<vmem>>, vector<1x8x128xf32>
    %sub3A_417 = arith.subf %get3A_412, %get3A_416 : vector<1x8x128xf32>
    %get3A_418 = arith.constant 16 : index
    %get3A_419 = arith.constant 0 : index
    %get3A_420 = arith.constant 0 : index
    %get3A_421 = vector.load %arg2[%get3A_418, %get3A_419, %get3A_420] : memref<20x8x128xf32, #tpu.memory_space<vmem>>, vector<1x8x128xf32>
    %mul3A_422 = arith.constant 1.600000e+01 : f32
    %mul3A_423 = vector.broadcast %mul3A_422 : f32 to vector<1x8x128xf32>
    %mul3A_424 = arith.mulf %mul3A_423, %sub3A_417 : vector<1x8x128xf32>
    %sub3A_425 = arith.subf %get3A_421, %mul3A_424 : vector<1x8x128xf32>
    %ge3A_426 = arith.constant 1.600000e+01 : f32
    %ge3A_427 = vector.broadcast %ge3A_426 : f32 to vector<128x8x128xf32>
    %ge3A_428 = arith.cmpf oge, %add3A_5, %ge3A_427 : vector<128x8x128xf32>
    %broadcast_in_dim3A_429 = vector.shape_cast %sub3A_425 : vector<1x8x128xf32> to vector<1x8x128xf32>
    %broadcast_in_dim3A_430 = vector.broadcast %broadcast_in_dim3A_429 : vector<1x8x128xf32> to vector<128x8x128xf32>
    %select_n3A_431 = arith.select %ge3A_428, %broadcast_in_dim3A_430, %select_n3A_405 : vector<128x8x128xi1>, vector<128x8x128xf32>
    %broadcast_in_dim3A_432 = vector.shape_cast %sub3A_417 : vector<1x8x128xf32> to vector<1x8x128xf32>
    %broadcast_in_dim3A_433 = vector.broadcast %broadcast_in_dim3A_432 : vector<1x8x128xf32> to vector<128x8x128xf32>
    %select_n3A_434 = arith.select %ge3A_428, %broadcast_in_dim3A_433, %select_n3A_408 : vector<128x8x128xi1>, vector<128x8x128xf32>
    %get3A_435 = arith.constant 18 : index
    %get3A_436 = arith.constant 0 : index
    %get3A_437 = arith.constant 0 : index
    %get3A_438 = vector.load %arg2[%get3A_435, %get3A_436, %get3A_437] : memref<20x8x128xf32, #tpu.memory_space<vmem>>, vector<1x8x128xf32>
    %get3A_439 = arith.constant 17 : index
    %get3A_440 = arith.constant 0 : index
    %get3A_441 = arith.constant 0 : index
    %get3A_442 = vector.load %arg2[%get3A_439, %get3A_440, %get3A_441] : memref<20x8x128xf32, #tpu.memory_space<vmem>>, vector<1x8x128xf32>
    %sub3A_443 = arith.subf %get3A_438, %get3A_442 : vector<1x8x128xf32>
    %get3A_444 = arith.constant 17 : index
    %get3A_445 = arith.constant 0 : index
    %get3A_446 = arith.constant 0 : index
    %get3A_447 = vector.load %arg2[%get3A_444, %get3A_445, %get3A_446] : memref<20x8x128xf32, #tpu.memory_space<vmem>>, vector<1x8x128xf32>
    %mul3A_448 = arith.constant 1.700000e+01 : f32
    %mul3A_449 = vector.broadcast %mul3A_448 : f32 to vector<1x8x128xf32>
    %mul3A_450 = arith.mulf %mul3A_449, %sub3A_443 : vector<1x8x128xf32>
    %sub3A_451 = arith.subf %get3A_447, %mul3A_450 : vector<1x8x128xf32>
    %ge3A_452 = arith.constant 1.700000e+01 : f32
    %ge3A_453 = vector.broadcast %ge3A_452 : f32 to vector<128x8x128xf32>
    %ge3A_454 = arith.cmpf oge, %add3A_5, %ge3A_453 : vector<128x8x128xf32>
    %broadcast_in_dim3A_455 = vector.shape_cast %sub3A_451 : vector<1x8x128xf32> to vector<1x8x128xf32>
    %broadcast_in_dim3A_456 = vector.broadcast %broadcast_in_dim3A_455 : vector<1x8x128xf32> to vector<128x8x128xf32>
    %select_n3A_457 = arith.select %ge3A_454, %broadcast_in_dim3A_456, %select_n3A_431 : vector<128x8x128xi1>, vector<128x8x128xf32>
    %broadcast_in_dim3A_458 = vector.shape_cast %sub3A_443 : vector<1x8x128xf32> to vector<1x8x128xf32>
    %broadcast_in_dim3A_459 = vector.broadcast %broadcast_in_dim3A_458 : vector<1x8x128xf32> to vector<128x8x128xf32>
    %select_n3A_460 = arith.select %ge3A_454, %broadcast_in_dim3A_459, %select_n3A_434 : vector<128x8x128xi1>, vector<128x8x128xf32>
    %get3A_461 = arith.constant 19 : index
    %get3A_462 = arith.constant 0 : index
    %get3A_463 = arith.constant 0 : index
    %get3A_464 = vector.load %arg2[%get3A_461, %get3A_462, %get3A_463] : memref<20x8x128xf32, #tpu.memory_space<vmem>>, vector<1x8x128xf32>
    %get3A_465 = arith.constant 18 : index
    %get3A_466 = arith.constant 0 : index
    %get3A_467 = arith.constant 0 : index
    %get3A_468 = vector.load %arg2[%get3A_465, %get3A_466, %get3A_467] : memref<20x8x128xf32, #tpu.memory_space<vmem>>, vector<1x8x128xf32>
    %sub3A_469 = arith.subf %get3A_464, %get3A_468 : vector<1x8x128xf32>
    %get3A_470 = arith.constant 18 : index
    %get3A_471 = arith.constant 0 : index
    %get3A_472 = arith.constant 0 : index
    %get3A_473 = vector.load %arg2[%get3A_470, %get3A_471, %get3A_472] : memref<20x8x128xf32, #tpu.memory_space<vmem>>, vector<1x8x128xf32>
    %mul3A_474 = arith.constant 1.800000e+01 : f32
    %mul3A_475 = vector.broadcast %mul3A_474 : f32 to vector<1x8x128xf32>
    %mul3A_476 = arith.mulf %mul3A_475, %sub3A_469 : vector<1x8x128xf32>
    %sub3A_477 = arith.subf %get3A_473, %mul3A_476 : vector<1x8x128xf32>
    %ge3A_478 = arith.constant 1.800000e+01 : f32
    %ge3A_479 = vector.broadcast %ge3A_478 : f32 to vector<128x8x128xf32>
    %ge3A_480 = arith.cmpf oge, %add3A_5, %ge3A_479 : vector<128x8x128xf32>
    %broadcast_in_dim3A_481 = vector.shape_cast %sub3A_477 : vector<1x8x128xf32> to vector<1x8x128xf32>
    %broadcast_in_dim3A_482 = vector.broadcast %broadcast_in_dim3A_481 : vector<1x8x128xf32> to vector<128x8x128xf32>
    %select_n3A_483 = arith.select %ge3A_480, %broadcast_in_dim3A_482, %select_n3A_457 : vector<128x8x128xi1>, vector<128x8x128xf32>
    %broadcast_in_dim3A_484 = vector.shape_cast %sub3A_469 : vector<1x8x128xf32> to vector<1x8x128xf32>
    %broadcast_in_dim3A_485 = vector.broadcast %broadcast_in_dim3A_484 : vector<1x8x128xf32> to vector<128x8x128xf32>
    %select_n3A_486 = arith.select %ge3A_480, %broadcast_in_dim3A_485, %select_n3A_460 : vector<128x8x128xi1>, vector<128x8x128xf32>
    %mul3A_487 = arith.mulf %add3A_5, %select_n3A_486 : vector<128x8x128xf32>
    %add3A_488 = arith.addf %select_n3A_483, %mul3A_487 : vector<128x8x128xf32>
    %reduce_sum3A = arith.constant dense<0.000000e+00> : vector<128x8xf32>
    %reduce_sum3A_489 = vector.multi_reduction <add>, %add3A_488, %reduce_sum3A [2] : vector<128x8x128xf32> to vector<128x8xf32>
    %reshape3A_490 = vector.shape_cast %reduce_sum3A_489 : vector<128x8xf32> to vector<1024xf32>
    %swap3A = arith.constant 0 : index
    %swap3A_491 = vector.load %arg3[%swap3A] : memref<1024xf32, #tpu.memory_space<vmem>>, vector<1024xf32>
    tpu.vector_store %arg3[%swap3A], %reshape3A_490 {strides = array<i32>} : memref<1024xf32, #tpu.memory_space<vmem>>, vector<1024xf32>,
    return
  }
  func.func @transform_0(%arg0: i32) -> (i32, i32) {
    %c0_i32 = arith.constant 0 : i32
    %c0_i32_0 = arith.constant 0 : i32
    return %arg0, %c0_i32 : i32, i32
  }
  func.func @transform_1(%arg0: i32) -> (i32, i32, i32) {
    %c0_i32 = arith.constant 0 : i32
    %c0_i32_0 = arith.constant 0 : i32
    %c0_i32_1 = arith.constant 0 : i32
    %c0_i32_2 = arith.constant 0 : i32
    return %c0_i32, %c0_i32_0, %c0_i32_1 : i32, i32, i32
  }
  func.func @transform_2(%arg0: i32) -> i32 {
    %c0_i32 = arith.constant 0 : i32
    return %arg0 : i32
  }
}

</mosaic_0001>

<sc_bundles>
// kernel: kernel.4.cloned.1.call-start
scs
__scs_entry_jumppad:
0x0: {  	(pc) =	sbr.rel $0x88, $3  }
0x1: {  	(tag) =	ssettag $0x0;
	lr =	simm.s32 $0x1  }
0x2: {  	[smem:$0x3F9F] =	sst lr;
	_ =	strace $0xD0000000  }
0x3: {  	_ = 	snop  }
0x4: {  	_ = 	snop  }
0x5: {  	_ = 	snop  }
0x6: {  	_ = 	snop  }
0x7: {  	_ = 	snop  }
__scs_overlays_trampoline_lowered:
0x8: {  	[smem:$0x3FAE] =	sst s0  }
0x9: {  	[smem:$0x3FAF] =	sst s1  }
0xa: {  	[smem:$0x3FB0] =	sst s2  }
0xb: {  	[smem:$0x3FB1] =	sst s3  }
0xc: {  	[smem:$0x3FB2] =	sst s4  }
0xd: {  	[smem:$0x3FB3] =	sst s5  }
0xe: {  	[smem:$0x3FB4] =	sst s6  }
0xf: {  	[smem:$0x3FB5] =	sst s7  }
0x10: {  	[smem:$0x3FB6] =	sst s8  }
0x11: {  	[smem:$0x3FB7] =	sst s9;
	s0 =	simm.s32 @!p0 $0x0  }
0x12: {  	s1 =	sld [smem:$0x3F9D];
	s0 =	simm.s32 @p0 $0x1  }
0x13: {  	[smem:$0x3FB8] =	sst s0;
	s0 =	simm.s32 @!p1 $0x0  }
0x14: {  	s2 =	sld [smem:$0x3F9C];
	s0 =	simm.s32 @p1 $0x1  }
0x15: {  	[smem:$0x3FB9] =	sst s0;
	s0 =	simm.s32 @!p2 $0x0  }
0x16: {  	s3 =	sld [smem:$0x3FDB];
	s0 =	simm.s32 @p2 $0x1  }
0x17: {  	s4 =	simm.s32 $0x1BF5;
	[smem:$0x3FBB] =	sst s0  }
0x18: {  	s0 =	sld [smem:$0x3F9E];
	_ =	swait.ge [sflag:s4], $0x0  }
0x19: {  	s7 =	sld [smem:$0x3F9F]  }
0x1a: {  	s8 =	sadd.s32 $0xFFFFE003, lr  }
0x1b: {  	s9 =	sadd.s32 $0xFFFFFEF7, lr;
	s5 =	simm.s32 $0xFFFFFFFF;
	p2 =	slt.u32 s8, $0xFFFFF086  }
0x1c: {  	p1 =	slt.u32 s9, $0xF7A;
	s5 =	simm.s32 @!p2 $0x0  }
0x1d: {  	s5 =	simm.s32 @p1 $0x1;
	p0 =	seq.s32 s7, s2  }
0x1e: {  	s7 =	smul.u32 @!p0 $0xF7A, s2;
	p2 =	seq.s32 @!p0 s5, $0x0  }
0x1f: {  	s9 =	smul.u32 $0xF7A, s1;
	s8 =	simm.s32 @!p0 $0x1BF5;
	p2 =	por !p2, p0  }
0x20: {  	[sflag:s8] =	ssyncset.s32 @!p0 $0xFFFFF086;
	s6 =	sadd.s32 @!p0 s3, s7;
	s7 =	simm.s32 @!p0 $0x108  }
0x21: {  	s3 =	sadd.s32 s3, s9;
	s6 =	sadd.s32 @!p0 $0x88, s6;
	s7 =	simm.s32 @p2 $0x1082  }
0x22: {  	[simem:s7], [sflag:s8] =	dma.local @!p0 [hbm:s6], $0xF7A  }
0x23: {  	s9 =	sor.u32 $0xD0000000, s2;
	s6 =	simm.s32 $0x108;
	_ =	swait.ge @!p0 [sflag:s8], $0x0  }
0x24: {  	s3 =	sadd.s32 $0x88, s3;
	s6 =	simm.s32 @!p1 $0x1082;
	[sflag:s4] =	ssyncset.s32 $0xFFFFF086  }
0x25: {  	[simem:s6], [sflag:s4] =	dma.local [hbm:s3], $0xF7A  }
0x26: {  	[smem:$0x3F9F] =	sst s1;
	(tag) =	ssettag s2;
	_ =	strace s9  }
0x27: {  	s1 =	sld [smem:$0x3FAF]  }
0x28: {  	s2 =	sld [smem:$0x3FB0]  }
0x29: {  	s4 =	sld [smem:$0x3FB2]  }
0x2a: {  	p0 =	seq.s32 s5, $0x0;
	s5 =	sld [smem:$0x3FB3]  }
0x2b: {  	s6 =	sld [smem:$0x3FB4]  }
0x2c: {  	s7 =	sld [smem:$0x3FB5]  }
0x2d: {  	s3 =	simm.s32 $0x108;
	s8 =	sld [smem:$0x3FB6]  }
0x2e: {  	s3 =	simm.s32 @!p0 $0x1082;
	s9 =	sld [smem:$0x3FB7]  }
0x2f: {  	lr =	sadd.s32 s0, s3;
	s0 =	sld [smem:$0x3FAE]  }
0x30: {  	s3 =	sld [smem:$0x3FB1]  }
0x31: {  	[smem:$0x3FBA] =	sst s10  }
0x32: {  	s10 =	sld [smem:$0x3FB8];
	_ =	sdelay $0x3  }
0x33: {  	p0 =	seq.s32 s10, $0x1;
	s10 =	sld [smem:$0x3FBA];
	_ =	sdelay $0x3  }
0x34: {  	[smem:$0x3FBA] =	sst s10  }
0x35: {  	s10 =	sld [smem:$0x3FB9];
	_ =	sdelay $0x3  }
0x36: {  	p1 =	seq.s32 s10, $0x1;
	s10 =	sld [smem:$0x3FBA];
	_ =	sdelay $0x3  }
0x37: {  	[smem:$0x3FBA] =	sst s10  }
0x38: {  	s10 =	sld [smem:$0x3FBB]  }
0x39: {  	_ = 	snop;
	(pc) =	sbr.ind lr, $3  }
0x3a: {  	_ = 	snop  }
0x3b: {  	_ = 	snop  }
0x3c: {  	p2 =	seq.s32 s10, $0x1;
	s10 =	sld [smem:$0x3FBA]  }
0x3d: {  	_ =	shalt  }
0x3e: {  	_ =	shalt  }
0x3f: {  	_ =	shalt  }
0x40: {  	_ =	shalt  }
0x41: {  	_ =	shalt  }
0x42: {  	_ =	shalt  }
0x43: {  	_ =	shalt  }
0x44: {  	_ =	shalt  }
0x45: {  	_ =	shalt  }
0x46: {  	_ =	shalt  }
0x47: {  	_ =	shalt  }
0x48: {  	_ =	shalt  }
0x49: {  	_ =	shalt  }
0x4a: {  	_ =	shalt  }
0x4b: {  	_ =	shalt  }
0x4c: {  	_ =	shalt  }
0x4d: {  	_ =	shalt  }
0x4e: {  	_ =	shalt  }
0x4f: {  	_ =	shalt  }
0x50: {  	_ =	shalt  }
0x51: {  	_ =	shalt  }
0x52: {  	_ =	shalt  }
0x53: {  	_ =	shalt  }
0x54: {  	_ =	shalt  }
0x55: {  	_ =	shalt  }
0x56: {  	_ =	shalt  }
0x57: {  	_ =	shalt  }
0x58: {  	_ =	shalt  }
0x59: {  	_ =	shalt  }
0x5a: {  	_ =	shalt  }
0x5b: {  	_ =	shalt  }
0x5c: {  	_ =	shalt  }
0x5d: {  	_ =	shalt  }
0x5e: {  	_ =	shalt  }
0x5f: {  	_ =	shalt  }
0x60: {  	_ =	shalt  }
0x61: {  	_ =	shalt  }
0x62: {  	_ =	shalt  }
0x63: {  	_ =	shalt  }
0x64: {  	_ =	shalt  }
0x65: {  	_ =	shalt  }
0x66: {  	_ =	shalt  }
0x67: {  	_ =	shalt  }
0x68: {  	_ =	shalt  }
0x69: {  	_ =	shalt  }
0x6a: {  	_ =	shalt  }
0x6b: {  	_ =	shalt  }
0x6c: {  	_ =	shalt  }
0x6d: {  	_ =	shalt  }
0x6e: {  	_ =	shalt  }
0x6f: {  	_ =	shalt  }
0x70: {  	_ =	shalt  }
0x71: {  	_ =	shalt  }
0x72: {  	_ =	shalt  }
0x73: {  	_ =	shalt  }
0x74: {  	_ =	shalt  }
0x75: {  	_ =	shalt  }
0x76: {  	_ =	shalt  }
0x77: {  	_ =	shalt  }
0x78: {  	_ =	shalt  }
0x79: {  	_ =	shalt  }
0x7a: {  	_ =	shalt  }
0x7b: {  	_ =	shalt  }
0x7c: {  	_ =	shalt  }
0x7d: {  	_ =	shalt  }
0x7e: {  	_ =	shalt  }
0x7f: {  	_ =	shalt  }
0x80: {  	_ =	shalt  }
0x81: {  	_ =	shalt  }
0x82: {  	_ =	shalt  }
0x83: {  	_ =	shalt  }
0x84: {  	_ =	shalt  }
0x85: {  	_ =	shalt  }
0x86: {  	_ =	shalt  }
0x87: {  	_ =	shalt  }
.Lfunc_end0:
.L_simem_size_0:
called_computation_lowered:
.L_overlay_start_0:
0x88: {  	s2 =	sld [smem:$0x3FD9]  }
0x89: {  	s3 =	sld [smem:$0x3FFE];
	_ =	sdelay $0x1  }
0x8a: {  	s1 =	srdreg.scid  }
0x8b: {  	s0 =	sand.u32 $0x1, s1  }
0x8c: {  	s17 =	sshll.u32 s0, $0xA;
	s2 =	sadd.s32 s3, s2  }
0x8d: {  	s2 =	sadd.s32 s2, s17  }
0x8e: {  	[smem:$0x3FC6] =	sst s2  }
0x8f: {  	_ = 	snop  }
0x90: {  	s2 =	sld [smem:$0x3FC9]  }
0x91: {  	s18 =	sld [smem:$0x3FC8];
	(tm) =	ssettm $0x1  }
0x92: {  	s4 =	sld [smem:$0x3FFB];
	_ =	sdelay $0x3  }
0x93: {  	_ =	strace s4  }
0x94: {  	s4 =	sld [smem:$0x3FFC];
	_ =	sdelay $0x3  }
0x95: {  	_ =	strace s4  }
0x96: {  	s4 =	sld [smem:$0x3FFD];
	_ =	sdelay $0x3  }
0x97: {  	_ =	strace s4  }
0x98: {  	_ =	strace $0x8FFFFFFF  }
0x99: {  	s19 =	sld [smem:$0x3FDB];
	_ =	sdelay $0x1  }
0x9a: {  	s5 =	simm.s32 $_scs_section_size  }
0x9b: {  	s6 =	simm.s32 $_size__tile_overlayer_lowered;
	s7 =	simm.s32 $_tile_overlayer_lowered  }
0x9c: {  	s22 =	simm.s32 $0x1BFF;
	s21 =	sshll.u32 s7, $0x1;
	s4 =	sadd.s32 s5, s19  }
0x9d: {  	s8 =	simm.s32 $0x0;
	s20 =	sshll.u32 s6, $0x1;
	s6 =	sadd.s32 s21, s4  }
0x9e: {  	[timem:s8], [sflag:s22] =	dma.local [hbm:s6], s20  }
0x9f: {  	_ =	swait.ge [sflag:s22], s20  }
0xa0: {  	s5 =	ssub.s32 $0x0, s20;
	[sflag:s22] =	ssyncset.done $0x0  }
0xa1: {  	[sflag:s22] =	ssyncadd.s32 s5;
	_ =	sdelay $0x1  }
0xa2: {  	s23 =	simm.s32 $0x1B8B  }
0xa3: {  	_ =	swait.ge [sflag:s23], $0x1  }
0xa4: {  	[sflag:s23] =	ssyncset.done $0x0  }
0xa5: {  	s25 =	simm.s32 $0x1B8E;
	s24 =	sld [smem:$0x3FFE];
	[sflag:s23] =	ssyncadd.s32 $0xFFFFFFFF  }
0xa6: {  	s26 =	simm.s32 $execute0_lowered;
	[smem:$0x3FD2] =	sst s25  }
0xa7: {  	s6 =	sshll.u32 s26, $0x1;
	_ =	strace $0x80000046;
	[dreg:$0x1] =	wrdreg $0xFFFFFFFF  }
0xa8: {  	s28 =	simm.s32 $_size_execute0_lowered;
	s4 =	sadd.s32 s4, s6;
	[dreg:$0x0] =	wrdreg $0x0  }
0xa9: {  	s6 =	sshll.u32 s28, $0x1;
	[dreg:$0x2] =	wrdreg s4  }
0xaa: {  	[dreg:$0x3] =	wrdreg s6  }
0xab: {  	[dreg:$0x4] =	wrdreg $0xC0  }
0xac: {  	_ =	task [dreg:s8], $0x5FFFF  }
0xad: {  	[dreg:$0x1] =	wrdreg $0xFFFFFFFF  }
0xae: {  	[dreg:$0x0] =	wrdreg $0x60  }
0xaf: {  	[dreg:$0x2] =	wrdreg s2  }
0xb0: {  	[dreg:$0x3] =	wrdreg s18  }
0xb1: {  	[dreg:$0x4] =	wrdreg s24  }
0xb2: {  	[dreg:$0x5] =	wrdreg $0x9  }
0xb3: {  	_ =	task.clear_ibuf [dreg:s8], $0x6FFFF;
	_ =	strace $0x90000046  }
0xb4: {  	s29 =	simm.s32 $0x9;
	_ =	strace $0x80000048  }
0xb5: {  	_ =	swait.ge [sflag:s29], $0x1  }
0xb6: {  	[sflag:s29] =	ssyncadd.s32 $0xFFFFFFFF  }
0xb7: {  	_ =	strace $0x90000048  }
0xb8: {  	_ =	sfence  }
0xb9: {  	s30 =	sld [smem:$0x0];
	_ =	sdelay $0x2  }
0xba: {  	s31 =	sshll.u32 s1, $0xD;
	s1 =	sshrl.u32 s1, $0x2  }
0xbb: {  	s3 =	sand.u32 $0x4000, s31;
	s1 =	sadd.s32 s1, s30  }
0xbc: {  	s0 =	sor.u32 s3, s0;
	s1 =	sshll.u32 s1, $0x11  }
0xbd: {  	s0 =	sor.u32 s1, s0  }
0xbe: {  	s0 =	sadd.s32 $0x8F2B, s0  }
0xbf: {  	[sflag:s0] =	ssyncadd.remote.s32 $0x1  }
0xc0: {  	_ =	sfence.sel $0xFFFF  }
0xc1: {  	[dreg:$0x0] =	wrdreg $0xFFFFFFFF;
	(pc) =	sbr.abs _section_cstart, $3  }
0xc2: {  	[dreg:$0x1] =	wrdreg $0xFFFFFFFF  }
0xc3: {  	_ =	task.clear_ibuf [dreg:s8], $0x2FFFF;
	_ =	strace $0x9FFFFFFF  }
0xc4: {  	(tm) =	ssettm $0x7FFFFFFF  }
0xc5: {  	_ =	shalt  }
tec
execute0_lowered:
.L_overlay_start_1:
0x0: {  	(tag) =	ssettag $0x1  }
0x1: {  	s4 =	rddreg [dreg:$0x0]  }
0x2: {  	s1 =	rddreg [dreg:$0x1]  }
0x3: {  	s5 =	rddreg [dreg:$0x2]  }
0x4: {  	s0 =	rddreg [dreg:$0x3];
	s6 =	srdreg.scid;
	s3 =	simm.s32 $0x0  }
0x5: {  	s2 =	stileid.u32;
	s10 =	simm.s32 $0x2000;
	s11 =	simm.s32 $0x4000  }
0x6: {  	s12 =	simm.s32 $0x6000;
	s13 =	simm.s32 $0x8000;
	s14 =	simm.s32 $0x5  }
0x7: {  	v0 =	vlaneseq.u32;
	vm0 =	vmmov $0x1;
	s15 =	simm.s32 $0x9400;
	s16 =	simm.s32 $0x8A00;
	s17 =	simm.s32 $0x9E00  }
0x8: {  	vm1 =	vmmov $0x3;
	vm2 =	vmmov $0x7;
	vm3 =	vmmov $0xf;
	s18 =	simm.s32 $0x0;
	s6 =	sand.u32 $0x1, s6;
	[smem:$0x7FF] =	sst s3  }
0x9: {  	vm4 =	vmmov $0x1f;
	vm5 =	vmmov $0x3f;
	vm6 =	vmmov $0x7f;
	s7 =	sshll.u32 s2, $0x9;
	s8 =	sshll.u32 s6, $0x8;
	_ =	strace $0x80000047  }
.Ltmp0:
0xa: {  	vm7 =	vmmov $0xff;
	vm8 =	vmmov $0x1ff;
	vm9 =	vmmov $0x3ff;
	s6 =	ssub.s32 $0x2, s6;
	s7 =	sor.u32 s8, s7;
	(pc) =	sbr.rel .LBB2_1-.Ltmp0, $4  }
0xb: {  	vm10 =	vmmov $0x7ff;
	vm11 =	vmmov $0xfff;
	vm12 =	vmmov $0x1fff;
	s9 =	sshrl.u32 s6, $0x1;
	s8 =	sshrl.u32 s7, $0x3;
	s7 =	sshll.u32 s7, $0x4  }
0xc: {  	vm13 =	vmmov $0x3fff;
	vm14 =	vmmov $0x7fff;
	v1 =	vor.u32 $0x10, v0;
	s9 =	ssub.s32 s6, s9;
	s8 =	sadd.s32 s8, s5;
	s7 =	sadd.s32 s7, s4  }
0xd: {  	v2 =	vor.u32 $0x20, v0;
	v3 =	vor.u32 $0x30, v0;
	v4 =	vor.u32 $0x40, v0;
	s9 =	smax.u32 s9, $0x1;
	s4 =	sadd.s32 $0x20000, s7;
	s5 =	sadd.s32 $0x20400, s7  }
0xe: {  	v5 =	vor.u32 $0x50, v0;
	v6 =	vor.u32 $0x60, v0;
	v7 =	vor.u32 $0x70, v0;
	s6 =	sadd.s32 $0x20800, s7;
	s7 =	sadd.s32 $0x20C00, s7;
	s8 =	sadd.s32 $0x800, s8  }
.LBB2_15:
0xf: {  	s18 =	sadd.s32 $0x1, s18  }
0x10: {  	p0 =	sne.s32 s18, s9  }
.Ltmp1:
0x11: {  	_ = 	snop;
	(pc) =	sbr.rel @!p0 .LBB2_16-.Ltmp1, $4  }
0x12: {  	[hbm4b:s8+s3] =	stream.linear.scatter [tilespmem:s17], [sflag:$0x5], $0x100, $0x38;
	[tilespmem:$0x9F00] =	vst v63  }
0x13: {  	_ =	swait.ge [sflag:s14], $0x100  }
0x14: {  	[sflag:s14] =	ssyncset.done $0x0  }
0x15: {  	[sflag:s14] =	ssyncadd.s32 $0xFFFFFF00  }
.LBB2_1:
0x16: {  	[tilespmem:s3], [sflag:$0x1] =	stream.linear.gather [hbm4b:s4+s3], $0x2000, $0x38;
	[tilespmem:$0x9F00] =	vst v63  }
0x17: {  	_ = 	snop  }
0x18: {  	[tilespmem:s10], [sflag:$0x2] =	stream.linear.gather [hbm4b:s5+s3], $0x2000, $0x38;
	[tilespmem:$0x9F00] =	vst v63  }
0x19: {  	_ = 	snop  }
0x1a: {  	[tilespmem:s11], [sflag:$0x3] =	stream.linear.gather [hbm4b:s6+s3], $0x2000, $0x38;
	[tilespmem:$0x9F00] =	vst v63  }
0x1b: {  	_ = 	snop  }
0x1c: {  	[tilespmem:s12], [sflag:$0x4] =	stream.linear.gather [hbm4b:s7+s3], $0x2000, $0x38;
	[tilespmem:$0x9F00] =	vst v63  }
0x1d: {  	_ = 	snop  }
0x1e: {  	[tilespmem:s13], [sflag:$0x5] =	stream.linear.gather [hbm4b:s1+s3], $0xA00, $0x38;
	[tilespmem:$0x9F00] =	vst v63  }
0x1f: {  	_ =	swait.ge [sflag:s14], $0xA00  }
0x20: {  	[sflag:s14] =	ssyncset.done $0x0  }
0x21: {  	s19 =	simm.s32 $0x8080;
	[sflag:s14] =	ssyncadd.s32 $0xFFFFF600  }
0x22: {  	v8 =	vld [tilespmem:s19+$0x0]  }
0x23: {  	v9 =	vld [tilespmem:s19+$0xFFFFFF80];
	_ =	sdelay $0x4  }
0x24: {  	s22 =	scvt.s32.f32 s3;
	v8 =	vsub.f32 v8, v9;
	_ =	sdelay $0x1  }
0x25: {  	v10 =	vmul.f32 s22, v8;
	_ =	sdelay $0x1  }
0x26: {  	s20 =	simm.s32 $0x8A40;
	v9 =	vsub.f32 v9, v10  }
0x27: {  	s21 =	simm.s32 $0x9440;
	[tilespmem:s20+$0xFFFFFFC0] =	vst v8  }
0x28: {  	[tilespmem:s21+$0xFFFFFFC0] =	vst v9  }
0x29: {  	v8 =	vld [tilespmem:s19+$0xFFFFFF90]  }
0x2a: {  	v9 =	vld [tilespmem:s19+$0x10];
	_ =	sdelay $0x4  }
0x2b: {  	v9 =	vsub.f32 v9, v8;
	_ =	sdelay $0x1  }
0x2c: {  	v10 =	vmul.f32 s22, v9;
	_ =	sdelay $0x1  }
0x2d: {  	v8 =	vsub.f32 v8, v10  }
0x2e: {  	[tilespmem:s20+$0xFFFFFFD0] =	vst v9  }
0x2f: {  	[tilespmem:s21+$0xFFFFFFD0] =	vst v8  }
0x30: {  	v8 =	vld [tilespmem:s19+$0xFFFFFFA0]  }
0x31: {  	v9 =	vld [tilespmem:s19+$0x20];
	_ =	sdelay $0x4  }
0x32: {  	v9 =	vsub.f32 v9, v8;
	_ =	sdelay $0x1  }
0x33: {  	v10 =	vmul.f32 s22, v9;
	_ =	sdelay $0x1  }
0x34: {  	v8 =	vsub.f32 v8, v10  }
0x35: {  	[tilespmem:s20+$0xFFFFFFE0] =	vst v9  }
0x36: {  	[tilespmem:s21+$0xFFFFFFE0] =	vst v8  }
0x37: {  	v8 =	vld [tilespmem:s19+$0xFFFFFFB0]  }
0x38: {  	v9 =	vld [tilespmem:s19+$0x30];
	_ =	sdelay $0x4  }
0x39: {  	v9 =	vsub.f32 v9, v8;
	_ =	sdelay $0x1  }
0x3a: {  	v10 =	vmul.f32 s22, v9;
	_ =	sdelay $0x1  }
0x3b: {  	v8 =	vsub.f32 v8, v10  }
0x3c: {  	[tilespmem:s20+$0xFFFFFFF0] =	vst v9  }
0x3d: {  	[tilespmem:s21+$0xFFFFFFF0] =	vst v8  }
0x3e: {  	v8 =	vld [tilespmem:s19+$0xFFFFFFC0]  }
0x3f: {  	v9 =	vld [tilespmem:s19+$0x40];
	_ =	sdelay $0x4  }
0x40: {  	v9 =	vsub.f32 v9, v8;
	_ =	sdelay $0x1  }
0x41: {  	v10 =	vmul.f32 s22, v9;
	_ =	sdelay $0x1  }
0x42: {  	v8 =	vsub.f32 v8, v10  }
0x43: {  	[tilespmem:s20+$0x0] =	vst v9  }
0x44: {  	[tilespmem:s21+$0x0] =	vst v8  }
0x45: {  	v8 =	vld [tilespmem:s19+$0xFFFFFFD0]  }
0x46: {  	v9 =	vld [tilespmem:s19+$0x50];
	_ =	sdelay $0x4  }
0x47: {  	v9 =	vsub.f32 v9, v8;
	_ =	sdelay $0x1  }
0x48: {  	v10 =	vmul.f32 s22, v9;
	_ =	sdelay $0x1  }
0x49: {  	v8 =	vsub.f32 v8, v10  }
0x4a: {  	[tilespmem:s20+$0x10] =	vst v9  }
0x4b: {  	[tilespmem:s21+$0x10] =	vst v8  }
0x4c: {  	v8 =	vld [tilespmem:s19+$0xFFFFFFE0]  }
0x4d: {  	v9 =	vld [tilespmem:s19+$0x60];
	_ =	sdelay $0x4  }
0x4e: {  	v9 =	vsub.f32 v9, v8;
	_ =	sdelay $0x1  }
0x4f: {  	v10 =	vmul.f32 s22, v9;
	_ =	sdelay $0x1  }
0x50: {  	v8 =	vsub.f32 v8, v10  }
0x51: {  	[tilespmem:s20+$0x20] =	vst v9  }
0x52: {  	[tilespmem:s21+$0x20] =	vst v8  }
0x53: {  	v8 =	vld [tilespmem:s19+$0xFFFFFFF0]  }
0x54: {  	s25 =	simm.s32 $0x1;
	s24 =	simm.s32 $0x8A40;
	s23 =	simm.s32 $0x9440;
	v9 =	vld [tilespmem:s19+$0x70]  }
.LBB2_2:
0x55: {  	_ =	sdelay $0x2  }
0x56: {  	s19 =	sadd.s32 $0x80, s19;
	s21 =	sadd.s32 $0x80, s21;
	s20 =	sadd.s32 $0x80, s20  }
0x57: {  	p0 =	sne.s32 s25, $0x12;
	s26 =	smov.u32 s25;
	s25 =	sadd.s32 $0x1, s25;
	v9 =	vsub.f32 v9, v8  }
0x58: {  	_ = 	snop  }
0x59: {  	[tilespmem:s24+$0x30] =	vst v9;
	v9 =	vmul.f32 s22, v9;
	s24 =	smov.u32 s20;
	_ =	sdelay $0x1  }
0x5a: {  	v8 =	vsub.f32 v8, v9;
	_ =	sdelay $0x1  }
0x5b: {  	[tilespmem:s23+$0x30] =	vst v8;
	s23 =	smov.u32 s21  }
0x5c: {  	v8 =	vld [tilespmem:s19+$0x0]  }
0x5d: {  	v9 =	vld [tilespmem:s19+$0xFFFFFF80];
	_ =	sdelay $0x4  }
0x5e: {  	s22 =	scvt.s32.f32 s26;
	v8 =	vsub.f32 v8, v9;
	_ =	sdelay $0x1  }
0x5f: {  	v10 =	vmul.f32 s22, v8;
	_ =	sdelay $0x1  }
0x60: {  	v9 =	vsub.f32 v9, v10  }
0x61: {  	[tilespmem:s20+$0xFFFFFFC0] =	vst v8  }
0x62: {  	[tilespmem:s21+$0xFFFFFFC0] =	vst v9  }
0x63: {  	v8 =	vld [tilespmem:s19+$0xFFFFFF90]  }
0x64: {  	v9 =	vld [tilespmem:s19+$0x10];
	_ =	sdelay $0x4  }
0x65: {  	v9 =	vsub.f32 v9, v8;
	_ =	sdelay $0x1  }
0x66: {  	v10 =	vmul.f32 s22, v9;
	_ =	sdelay $0x1  }
0x67: {  	v8 =	vsub.f32 v8, v10  }
0x68: {  	[tilespmem:s20+$0xFFFFFFD0] =	vst v9  }
0x69: {  	[tilespmem:s21+$0xFFFFFFD0] =	vst v8  }
0x6a: {  	v8 =	vld [tilespmem:s19+$0xFFFFFFA0]  }
0x6b: {  	v9 =	vld [tilespmem:s19+$0x20];
	_ =	sdelay $0x4  }
0x6c: {  	v9 =	vsub.f32 v9, v8;
	_ =	sdelay $0x1  }
0x6d: {  	v10 =	vmul.f32 s22, v9;
	_ =	sdelay $0x1  }
0x6e: {  	v8 =	vsub.f32 v8, v10  }
0x6f: {  	[tilespmem:s20+$0xFFFFFFE0] =	vst v9  }
0x70: {  	[tilespmem:s21+$0xFFFFFFE0] =	vst v8  }
0x71: {  	v8 =	vld [tilespmem:s19+$0xFFFFFFB0]  }
0x72: {  	v9 =	vld [tilespmem:s19+$0x30];
	_ =	sdelay $0x4  }
0x73: {  	v9 =	vsub.f32 v9, v8;
	_ =	sdelay $0x1  }
0x74: {  	[tilespmem:s20+$0xFFFFFFF0] =	vst v9;
	v9 =	vmul.f32 s22, v9;
	_ =	sdelay $0x1  }
0x75: {  	v8 =	vsub.f32 v8, v9;
	_ =	sdelay $0x1  }
0x76: {  	[tilespmem:s21+$0xFFFFFFF0] =	vst v8  }
0x77: {  	v8 =	vld [tilespmem:s19+$0xFFFFFFC0]  }
0x78: {  	v9 =	vld [tilespmem:s19+$0x40];
	_ =	sdelay $0x4  }
0x79: {  	v9 =	vsub.f32 v9, v8;
	_ =	sdelay $0x1  }
0x7a: {  	[tilespmem:s20+$0x0] =	vst v9;
	v9 =	vmul.f32 s22, v9;
	_ =	sdelay $0x1  }
0x7b: {  	v8 =	vsub.f32 v8, v9;
	_ =	sdelay $0x1  }
0x7c: {  	[tilespmem:s21+$0x0] =	vst v8  }
0x7d: {  	v8 =	vld [tilespmem:s19+$0xFFFFFFD0]  }
0x7e: {  	v9 =	vld [tilespmem:s19+$0x50];
	_ =	sdelay $0x4  }
0x7f: {  	v9 =	vsub.f32 v9, v8;
	_ =	sdelay $0x1  }
0x80: {  	[tilespmem:s20+$0x10] =	vst v9;
	v9 =	vmul.f32 s22, v9;
	_ =	sdelay $0x1  }
0x81: {  	v8 =	vsub.f32 v8, v9;
	_ =	sdelay $0x1  }
0x82: {  	[tilespmem:s21+$0x10] =	vst v8  }
0x83: {  	v8 =	vld [tilespmem:s19+$0xFFFFFFE0]  }
0x84: {  	v9 =	vld [tilespmem:s19+$0x60];
	_ =	sdelay $0x4  }
0x85: {  	v9 =	vsub.f32 v9, v8;
	_ =	sdelay $0x1  }
0x86: {  	[tilespmem:s20+$0x20] =	vst v9;
	v9 =	vmul.f32 s22, v9;
	_ =	sdelay $0x1  }
.Ltmp2:
0x87: {  	v8 =	vsub.f32 v8, v9;
	(pc) =	sbr.rel @p0 .LBB2_2-.Ltmp2, $4  }
0x88: {  	_ = 	snop  }
0x89: {  	[tilespmem:s21+$0x20] =	vst v8  }
0x8a: {  	v8 =	vld [tilespmem:s19+$0xFFFFFFF0]  }
0x8b: {  	v9 =	vld [tilespmem:s19+$0x70]  }
0x8c: {  	_ =	sdelay $0x3  }
0x8d: {  	v9 =	vsub.f32 v9, v8;
	_ =	sdelay $0x1  }
.Ltmp3:
0x8e: {  	v10 =	vmul.f32 s22, v9;
	(pc) =	sbr.rel .LBB2_4-.Ltmp3, $4  }
0x8f: {  	_ = 	snop  }
0x90: {  	v8 =	vsub.f32 v8, v10  }
0x91: {  	[tilespmem:s24+$0x30] =	vst v9  }
0x92: {  	s19 =	simm.s32 $0x0;
	s20 =	simm.s32 $0x9E00;
	s21 =	simm.s32 $0x400;
	[tilespmem:s23+$0x30] =	vst v8  }
.LBB2_12:
0x93: {  	s22 =	simm.s32 $0x3  }
.LBB2_13:
0x94: {  	_ =	swait.ge [sflag:s22], $0x2000  }
0x95: {  	[sflag:s22] =	ssyncset.done $0x0  }
0x96: {  	[sflag:s22] =	ssyncadd.s32 $0xFFFFE000  }
.LBB2_14:
0x97: {  	v8 =	vld [tilespmem:s21+$0xFFFFFC00]  }
0x98: {  	v9 =	vld [tilespmem:s21+$0xFFFFFC10];
	_ =	sdelay $0x3  }
0x99: {  	v11 =	vld [tilespmem:s21+$0xFFFFFC20];
	v8 =	vmul.f32 $3.166666750e+00, v8  }
0x9a: {  	v13 =	vld [tilespmem:s21+$0xFFFFFC30];
	v9 =	vmul.f32 $3.166666750e+00, v9  }
0x9b: {  	v8 =	vadd.f32 $9.500000000e+00, v8  }
0x9c: {  	v14 =	vld [tilespmem:s21+$0xFFFFFC40];
	v9 =	vadd.f32 $9.500000000e+00, v9  }
0x9d: {  	v17 =	vld [tilespmem:s21+$0xFFFFFC50];
	v10 =	vmax.f32 v8, $0.0e+00  }
0x9e: {  	v45 =	vld [tilespmem:s21+$0xFFFFFC80];
	v11 =	vmul.f32 $3.166666750e+00, v11;
	v12 =	vmax.f32 v9, $0.0e+00;
	v10 =	vmin.f32 v10, $1.800000000e+01  }
0x9f: {  	v20 =	vld [tilespmem:s21+$0xFFFFFC90];
	v13 =	vmul.f32 $3.166666750e+00, v13;
	v12 =	vmin.f32 v12, $1.800000000e+01;
	v10 =	vtrunc.f32 v10  }
0xa0: {  	v21 =	vld [tilespmem:s21+$0xFFFFFCA0];
	v11 =	vadd.f32 $9.500000000e+00, v11;
	v12 =	vtrunc.f32 v12;
	v10 =	vcvt.f32.s32 v10  }
0xa1: {  	v23 =	vld [tilespmem:s21+$0xFFFFFC60];
	v14 =	vmul.f32 $3.166666750e+00, v14;
	v12 =	vcvt.f32.s32 v12  }
0xa2: {  	v54 =	vld [tilespmem:s21+$0xFFFFFC70];
	v13 =	vadd.f32 $9.500000000e+00, v13;
	v16 =	vmax.f32 v11, $0.0e+00;
	v10 =	vshll.u32 v10, $0x7  }
0xa3: {  	v32 =	vld [tilespmem:s21+$0xFFFFFCC0];
	v16 =	vmin.f32 v16, $1.800000000e+01;
	v12 =	vshll.u32 v12, $0x7;
	v10 =	vor.u32 v0, v10  }
0xa4: {  	v26 =	vld [tilespmem:s21+$0xFFFFFD10];
	v17 =	vmul.f32 $3.166666750e+00, v17;
	v16 =	vtrunc.f32 v16;
	v12 =	vor.u32 v1, v12  }
0xa5: {  	v47 =	vmul.f32 $3.166666750e+00, v45;
	v19 =	vmax.f32 v13, $0.0e+00;
	v16 =	vcvt.f32.s32 v16  }
0xa6: {  	v20 =	vmul.f32 $3.166666750e+00, v20;
	v21 =	vmul.f32 $3.166666750e+00, v21;
	v44 =	vmin.f32 v19, $1.800000000e+01  }
0xa7: {  	v38 =	vld [tilespmem:s21+$0xFFFFFCE0];
	v23 =	vmul.f32 $3.166666750e+00, v23;
	v43 =	vshll.u32 v16, $0x7;
	v16 =	vtrunc.f32 v44  }
0xa8: {  	v60 =	vmul.f32 $3.166666750e+00, v54;
	v16 =	vcvt.f32.s32 v16;
	v15 =	vld.idx.msk [tilespmem:v10+s16+$0x0], $0xffff  }
0xa9: {  	v37 =	vmul.f32 $3.166666750e+00, v32;
	v26 =	vmul.f32 $3.166666750e+00, v26;
	v18 =	vld.idx.msk [tilespmem:v12+s16+$0x0], $0xffff  }
0xaa: {  	v14 =	vadd.f32 $9.500000000e+00, v14;
	v17 =	vadd.f32 $9.500000000e+00, v17;
	v16 =	vshll.u32 v16, $0x7;
	v10 =	vld.idx.msk [tilespmem:v10+s15+$0x0], $0xffff  }
0xab: {  	v20 =	vadd.f32 $9.500000000e+00, v20;
	v21 =	vadd.f32 $9.500000000e+00, v21;
	v16 =	vor.u32 v3, v16;
	v12 =	vld.idx.msk [tilespmem:v12+s15+$0x0], $0xffff  }
0xac: {  	v62 =	vadd.f32 $9.500000000e+00, v23;
	v23 =	vmul.f32 $3.166666750e+00, v38;
	v26 =	vadd.f32 $9.500000000e+00, v26  }
0xad: {  	v46 =	vmax.f32 v14, $0.0e+00;
	v49 =	vmax.f32 v17, $0.0e+00;
	v8 =	vmul.f32 v15, v8  }
0xae: {  	v53 =	vmax.f32 v20, $0.0e+00;
	v15 =	vor.u32 v2, v43;
	v9 =	vmul.f32 v18, v9  }
0xaf: {  	v18 =	vadd.f32 $9.500000000e+00, v47;
	v8 =	vadd.f32 v8, v10;
	v10 =	vmin.f32 v46, $1.800000000e+01  }
0xb0: {  	v51 =	vld.idx.msk [tilespmem:v16+s15+$0x0], $0xffff;
	v9 =	vadd.f32 v9, v12;
	v12 =	vmin.f32 v49, $1.800000000e+01;
	v10 =	vtrunc.f32 v10  }
0xb1: {  	v16 =	vld.idx.msk [tilespmem:v16+s16+$0x0], $0xffff;
	v22 =	vmax.f32 v18, $0.0e+00;
	v12 =	vtrunc.f32 v12;
	v10 =	vcvt.f32.s32 v10  }
0xb2: {  	v57 =	vmax.f32 v21, $0.0e+00;
	v22 =	vmin.f32 v22, $1.800000000e+01;
	v12 =	vcvt.f32.s32 v12  }
0xb3: {  	v52 =	vtrunc.f32 v22;
	v22 =	vmin.f32 v53, $1.800000000e+01;
	v48 =	vld.idx.msk [tilespmem:v15+s16+$0x0], $0xffff;
	v10 =	vshll.u32 v10, $0x7  }
0xb4: {  	v19 =	vcvt.f32.s32 v52;
	v12 =	vshll.u32 v12, $0x7;
	v10 =	vor.u32 v4, v10  }
0xb5: {  	v29 =	vmax.f32 v62, $0.0e+00;
	v15 =	vld.idx.msk [tilespmem:v15+s15+$0x0], $0xffff;
	v22 =	vtrunc.f32 v22;
	v12 =	vor.u32 v5, v12  }
0xb6: {  	v28 =	vld [tilespmem:s21+$0xFFFFFCB0];
	v55 =	vmul.f32 v16, v13;
	v22 =	vcvt.f32.s32 v22;
	v19 =	vshll.u32 v19, $0x7  }
0xb7: {  	v34 =	vld [tilespmem:s21+$0xFFFFFCD0];
	v16 =	vmin.f32 v57, $1.800000000e+01;
	v8 =	vadd.f32 $0.0e+00, v8;
	v19 =	vor.u32 v0, v19  }
0xb8: {  	v44 =	vld [tilespmem:s21+$0xFFFFFD00];
	v56 =	vshll.u32 v22, $0x7;
	v22 =	vadd.f32 $9.500000000e+00, v37;
	v50 =	vmul.f32 v48, v11  }
0xb9: {  	v23 =	vadd.f32 $9.500000000e+00, v23;
	v61 =	vtrunc.f32 v16;
	v8 =	vadd.f32 v9, v8;
	v24 =	vld.idx.msk [tilespmem:v10+s16+$0x0], $0xffff  }
0xba: {  	v13 =	vor.u32 v1, v56;
	v42 =	vmax.f32 v22, $0.0e+00;
	v9 =	vadd.f32 v50, v15;
	v58 =	vld.idx.msk [tilespmem:v12+s15+$0x0], $0xffff  }
0xbb: {  	v59 =	vld.idx.msk [tilespmem:v12+s16+$0x0], $0xffff;
	v15 =	vcvt.f32.s32 v61;
	v12 =	vmul.f32 $3.166666750e+00, v28;
	v28 =	vmax.f32 v23, $0.0e+00  }
0xbc: {  	v43 =	vmin.f32 v42, $1.800000000e+01;
	v50 =	vld [tilespmem:s21+$0xFFFFFD30];
	v28 =	vmin.f32 v28, $1.800000000e+01;
	v8 =	vadd.f32 v9, v8  }
0xbd: {  	v63 =	vld.idx.msk [tilespmem:v19+s16+$0x0], $0xffff;
	v9 =	vadd.f32 v55, v51;
	v15 =	vshll.u32 v15, $0x7;
	v28 =	vtrunc.f32 v28  }
0xbe: {  	v10 =	vld.idx.msk [tilespmem:v10+s15+$0x0], $0xffff;
	v12 =	vadd.f32 $9.500000000e+00, v12;
	v15 =	vor.u32 v2, v15;
	v28 =	vcvt.f32.s32 v28  }
0xbf: {  	v25 =	vld.idx.msk [tilespmem:v13+s16+$0x0], $0xffff;
	v9 =	vadd.f32 v9, v8;
	v8 =	vadd.f32 $9.500000000e+00, v60;
	v14 =	vmul.f32 v24, v14  }
0xc0: {  	v39 =	vmax.f32 v12, $0.0e+00;
	v11 =	vmul.f32 v59, v17;
	v24 =	vmul.f32 $3.166666750e+00, v44  }
0xc1: {  	v28 =	vshll.u32 v28, $0x7;
	v55 =	vmul.f32 $3.166666750e+00, v50;
	v30 =	vmax.f32 v8, $0.0e+00  }
0xc2: {  	v19 =	vld.idx.msk [tilespmem:v19+s15+$0x0], $0xffff;
	v33 =	vmul.f32 v63, v18;
	v18 =	vmul.f32 $3.166666750e+00, v34;
	v28 =	vor.u32 v6, v28  }
0xc3: {  	v13 =	vld.idx.msk [tilespmem:v13+s15+$0x0], $0xffff;
	v34 =	vmax.f32 v26, $0.0e+00;
	v10 =	vadd.f32 v14, v10;
	v14 =	vmin.f32 v29, $1.800000000e+01  }
0xc4: {  	v31 =	vmin.f32 v30, $1.800000000e+01;
	v35 =	vmul.f32 v25, v20;
	v24 =	vadd.f32 $9.500000000e+00, v24  }
0xc5: {  	v34 =	vmin.f32 v34, $1.800000000e+01;
	v14 =	vtrunc.f32 v14;
	v17 =	vtrunc.f32 v31  }
0xc6: {  	v41 =	vld [tilespmem:s21+$0xFFFFFCF0];
	v18 =	vadd.f32 $9.500000000e+00, v18;
	v14 =	vcvt.f32.s32 v14;
	v9 =	vadd.f32 v10, v9  }
0xc7: {  	v38 =	vld [tilespmem:s21+$0xFFFFFD80];
	v17 =	vcvt.f32.s32 v17;
	v10 =	vadd.f32 v33, v19;
	v19 =	vmin.f32 v39, $1.800000000e+01  }
0xc8: {  	v56 =	vld [tilespmem:s21+$0xFFFFFD40];
	v13 =	vadd.f32 v35, v13;
	v32 =	vmax.f32 v24, $0.0e+00;
	v40 =	vtrunc.f32 v19  }
0xc9: {  	v61 =	vld [tilespmem:s21+$0xFFFFFD50];
	v45 =	vmax.f32 v18, $0.0e+00;
	v32 =	vmin.f32 v32, $1.800000000e+01;
	v14 =	vshll.u32 v14, $0x7  }
0xca: {  	v36 =	vld.idx.msk [tilespmem:v15+s16+$0x0], $0xffff;
	v10 =	vadd.f32 $0.0e+00, v10;
	v32 =	vtrunc.f32 v32;
	v14 =	vor.u32 v6, v14  }
0xcb: {  	v29 =	vld [tilespmem:s21+$0xFFFFFD20];
	v17 =	vshll.u32 v17, $0x7;
	v25 =	vmin.f32 v45, $1.800000000e+01;
	v32 =	vcvt.f32.s32 v32  }
0xcc: {  	v15 =	vld.idx.msk [tilespmem:v15+s15+$0x0], $0xffff;
	v17 =	vor.u32 v7, v17;
	v10 =	vadd.f32 v13, v10;
	v13 =	vcvt.f32.s32 v40  }
0xcd: {  	v19 =	vmul.f32 $3.166666750e+00, v41;
	v47 =	vld.idx.msk [tilespmem:v28+s15+$0x0], $0xffff;
	v25 =	vtrunc.f32 v25;
	v32 =	vshll.u32 v32, $0x7  }
0xce: {  	v28 =	vld.idx.msk [tilespmem:v28+s16+$0x0], $0xffff;
	v25 =	vcvt.f32.s32 v25;
	v13 =	vshll.u32 v13, $0x7;
	v32 =	vor.u32 v0, v32  }
0xcf: {  	v20 =	vmul.f32 v36, v21;
	v21 =	vtrunc.f32 v43;
	v13 =	vor.u32 v3, v13;
	v27 =	vld.idx.msk [tilespmem:v14+s15+$0x0], $0xffff  }
0xd0: {  	v19 =	vadd.f32 $9.500000000e+00, v19;
	v21 =	vcvt.f32.s32 v21;
	v25 =	vshll.u32 v25, $0x7;
	v14 =	vld.idx.msk [tilespmem:v14+s16+$0x0], $0xffff  }
0xd1: {  	v34 =	vtrunc.f32 v34;
	v29 =	vmul.f32 $3.166666750e+00, v29;
	v25 =	vor.u32 v5, v25;
	v31 =	vld.idx.msk [tilespmem:v17+s15+$0x0], $0xffff  }
0xd2: {  	v34 =	vcvt.f32.s32 v34;
	v30 =	vmax.f32 v19, $0.0e+00;
	v21 =	vshll.u32 v21, $0x7;
	v17 =	vld.idx.msk [tilespmem:v17+s16+$0x0], $0xffff  }
0xd3: {  	v29 =	vadd.f32 $9.500000000e+00, v29;
	v15 =	vadd.f32 v20, v15;
	v21 =	vor.u32 v4, v21;
	v54 =	vld.idx.msk [tilespmem:v32+s16+$0x0], $0xffff  }
0xd4: {  	v11 =	vadd.f32 v11, v58;
	v49 =	vshll.u32 v34, $0x7;
	v30 =	vmin.f32 v30, $1.800000000e+01;
	v33 =	vld.idx.msk [tilespmem:v13+s15+$0x0], $0xffff  }
0xd5: {  	v36 =	vmax.f32 v29, $0.0e+00;
	v10 =	vadd.f32 v15, v10;
	v15 =	vor.u32 v1, v49;
	v13 =	vld.idx.msk [tilespmem:v13+s16+$0x0], $0xffff  }
0xd6: {  	v30 =	vtrunc.f32 v30;
	v58 =	vmul.f32 v28, v23;
	v48 =	vmin.f32 v36, $1.800000000e+01;
	v35 =	vld.idx.msk [tilespmem:v25+s15+$0x0], $0xffff  }
0xd7: {  	v30 =	vcvt.f32.s32 v30;
	v16 =	vtrunc.f32 v48;
	v25 =	vld.idx.msk [tilespmem:v25+s16+$0x0], $0xffff  }
0xd8: {  	v9 =	vadd.f32 v11, v9;
	v60 =	vadd.f32 v58, v47;
	v16 =	vcvt.f32.s32 v16;
	v46 =	vld.idx.msk [tilespmem:v21+s15+$0x0], $0xffff  }
0xd9: {  	v30 =	vshll.u32 v30, $0x7;
	v21 =	vld.idx.msk [tilespmem:v21+s16+$0x0], $0xffff;
	v14 =	vmul.f32 v14, v62;
	v8 =	vmul.f32 v17, v8  }
0xda: {  	v30 =	vor.u32 v7, v30;
	v16 =	vshll.u32 v16, $0x7;
	v59 =	vld.idx.msk [tilespmem:v15+s16+$0x0], $0xffff;
	v17 =	vmul.f32 $3.166666750e+00, v56  }
0xdb: {  	v42 =	vld [tilespmem:s21+$0xFFFFFD90];
	v16 =	vor.u32 v2, v16;
	v14 =	vadd.f32 v14, v27;
	v8 =	vadd.f32 v8, v31  }
0xdc: {  	v53 =	vld.idx.msk [tilespmem:v32+s15+$0x0], $0xffff;
	v17 =	vadd.f32 $9.500000000e+00, v17;
	v62 =	vmul.f32 v54, v24;
	v12 =	vmul.f32 v13, v12  }
0xdd: {  	v18 =	vmul.f32 v25, v18;
	v9 =	vadd.f32 v14, v9;
	v14 =	vadd.f32 $9.500000000e+00, v55  }
0xde: {  	v27 =	vld [tilespmem:s21+$0xFFFFFD60];
	v13 =	vmul.f32 $3.166666750e+00, v61;
	v32 =	vmax.f32 v17, $0.0e+00;
	v51 =	vmul.f32 v21, v22  }
0xdf: {  	v52 =	vld.idx.msk [tilespmem:v30+s16+$0x0], $0xffff;
	v26 =	vmul.f32 v59, v26;
	v22 =	vmul.f32 $3.166666750e+00, v38;
	v12 =	vadd.f32 v12, v33  }
0xe0: {  	v15 =	vld.idx.msk [tilespmem:v15+s15+$0x0], $0xffff;
	v21 =	vmul.f32 $3.166666750e+00, v42;
	v57 =	vadd.f32 v18, v35;
	v8 =	vadd.f32 v8, v9  }
0xe1: {  	v24 =	vmax.f32 v14, $0.0e+00;
	v9 =	vadd.f32 v62, v53;
	v13 =	vadd.f32 $9.500000000e+00, v13  }
0xe2: {  	v63 =	vld.idx.msk [tilespmem:v16+s16+$0x0], $0xffff;
	v11 =	vadd.f32 v51, v46;
	v20 =	vmin.f32 v24, $1.800000000e+01;
	v22 =	vadd.f32 $9.500000000e+00, v22  }
0xe3: {  	v25 =	vld.idx.msk [tilespmem:v30+s15+$0x0], $0xffff;
	v35 =	vmul.f32 $3.166666750e+00, v27;
	v21 =	vadd.f32 $9.500000000e+00, v21;
	v10 =	vadd.f32 v12, v10  }
0xe4: {  	v47 =	vld [tilespmem:s21+$0xFFFFFDA0];
	v20 =	vtrunc.f32 v20;
	v19 =	vmul.f32 v52, v19;
	v9 =	vadd.f32 $0.0e+00, v9  }
0xe5: {  	v38 =	vld [tilespmem:s21+$0xFFFFFE00];
	v12 =	vadd.f32 v26, v15;
	v37 =	vmax.f32 v13, $0.0e+00;
	v20 =	vcvt.f32.s32 v20  }
0xe6: {  	v33 =	vld [tilespmem:s21+$0xFFFFFD70];
	v39 =	vmin.f32 v37, $1.800000000e+01;
	v40 =	vadd.f32 $9.500000000e+00, v35;
	v49 =	vmax.f32 v22, $0.0e+00  }
0xe7: {  	v55 =	vld [tilespmem:s21+$0xFFFFFDC0];
	v51 =	vmax.f32 v21, $0.0e+00;
	v10 =	vadd.f32 v11, v10;
	v30 =	vmul.f32 v63, v29  }
0xe8: {  	v28 =	vld.idx.msk [tilespmem:v16+s15+$0x0], $0xffff;
	v11 =	vadd.f32 v19, v25;
	v9 =	vadd.f32 v12, v9;
	v16 =	vtrunc.f32 v39  }
0xe9: {  	v50 =	vmin.f32 v49, $1.800000000e+01;
	v26 =	vmin.f32 v51, $1.800000000e+01;
	v25 =	vmul.f32 $3.166666750e+00, v47  }
0xea: {  	v47 =	vmul.f32 $3.166666750e+00, v38;
	v31 =	vshll.u32 v20, $0x7;
	v20 =	vmin.f32 v32, $1.800000000e+01  }
0xeb: {  	v41 =	vmul.f32 $3.166666750e+00, v33;
	v16 =	vcvt.f32.s32 v16;
	v44 =	vmax.f32 v40, $0.0e+00  }
0xec: {  	v54 =	vtrunc.f32 v26;
	v18 =	vor.u32 v3, v31;
	v34 =	vtrunc.f32 v20  }
0xed: {  	v52 =	vld [tilespmem:s21+$0xFFFFFDB0];
	v26 =	vmul.f32 $3.166666750e+00, v55;
	v10 =	vadd.f32 v57, v10;
	v36 =	vcvt.f32.s32 v34  }
0xee: {  	v15 =	vadd.f32 v30, v28;
	v45 =	vmin.f32 v44, $1.800000000e+01;
	v16 =	vshll.u32 v16, $0x7  }
0xef: {  	v20 =	vadd.f32 $9.500000000e+00, v41;
	v16 =	vor.u32 v5, v16;
	v12 =	vshll.u32 v36, $0x7  }
0xf0: {  	v9 =	vadd.f32 v15, v9;
	v15 =	vtrunc.f32 v45;
	v12 =	vor.u32 v4, v12  }
0xf1: {  	v25 =	vadd.f32 $9.500000000e+00, v25;
	v15 =	vcvt.f32.s32 v15;
	v46 =	vmax.f32 v20, $0.0e+00;
	v43 =	vld.idx.msk [tilespmem:v18+s16+$0x0], $0xffff  }
0xf2: {  	v49 =	vld [tilespmem:s21+$0xFFFFFE20];
	v27 =	vmul.f32 $3.166666750e+00, v52;
	v26 =	vadd.f32 $9.500000000e+00, v26;
	v24 =	vmin.f32 v46, $1.800000000e+01  }
0xf3: {  	v10 =	vadd.f32 v60, v10;
	v18 =	vld.idx.msk [tilespmem:v18+s15+$0x0], $0xffff;
	v15 =	vshll.u32 v15, $0x7;
	v24 =	vtrunc.f32 v24  }
0xf4: {  	v59 =	vmax.f32 v25, $0.0e+00;
	v24 =	vcvt.f32.s32 v24;
	v15 =	vor.u32 v6, v15;
	v53 =	vld.idx.msk [tilespmem:v16+s16+$0x0], $0xffff  }
0xf5: {  	v61 =	vmin.f32 v59, $1.800000000e+01;
	v27 =	vadd.f32 $9.500000000e+00, v27;
	v37 =	vmax.f32 v26, $0.0e+00;
	v48 =	vld.idx.msk [tilespmem:v12+s16+$0x0], $0xffff  }
0xf6: {  	v63 =	vtrunc.f32 v61;
	v16 =	vld.idx.msk [tilespmem:v16+s15+$0x0], $0xffff;
	v24 =	vshll.u32 v24, $0x7;
	v14 =	vmul.f32 v43, v14  }
0xf7: {  	v34 =	vld [tilespmem:s21+$0xFFFFFDD0];
	v19 =	vmin.f32 v37, $1.800000000e+01;
	v23 =	vor.u32 v7, v24;
	v24 =	vcvt.f32.s32 v54  }
0xf8: {  	v33 =	vcvt.f32.s32 v63;
	v12 =	vld.idx.msk [tilespmem:v12+s15+$0x0], $0xffff;
	v14 =	vadd.f32 v14, v18;
	v18 =	vtrunc.f32 v50  }
0xf9: {  	v57 =	vld.idx.msk [tilespmem:v15+s16+$0x0], $0xffff;
	v58 =	vshll.u32 v24, $0x7;
	v13 =	vmul.f32 v53, v13;
	v18 =	vcvt.f32.s32 v18  }
0xfa: {  	v41 =	vld [tilespmem:s21+$0xFFFFFE10];
	v36 =	vmax.f32 v27, $0.0e+00;
	v60 =	vor.u32 v1, v58;
	v17 =	vmul.f32 v48, v17  }
0xfb: {  	v15 =	vld.idx.msk [tilespmem:v15+s15+$0x0], $0xffff;
	v13 =	vadd.f32 v13, v16;
	v16 =	vmin.f32 v36, $1.800000000e+01;
	v18 =	vshll.u32 v18, $0x7  }
0xfc: {  	v14 =	vadd.f32 v14, v9;
	v62 =	vld.idx.msk [tilespmem:v23+s16+$0x0], $0xffff;
	v16 =	vtrunc.f32 v16;
	v56 =	vor.u32 v0, v18  }
0xfd: {  	v9 =	vadd.f32 v11, v10;
	v11 =	vshll.u32 v33, $0x7;
	v36 =	vld [tilespmem:s21+$0xFFFFFE30];
	v16 =	vcvt.f32.s32 v16  }
0xfe: {  	v11 =	vor.u32 v2, v11;
	v12 =	vadd.f32 v17, v12;
	v18 =	vmul.f32 v57, v40;
	v57 =	vld [tilespmem:s21+$0xFFFFFDE0]  }
0xff: {  	v40 =	vtrunc.f32 v19;
	v19 =	vmul.f32 $3.166666750e+00, v41;
	v39 =	vld.idx.msk [tilespmem:v60+s16+$0x0], $0xffff;
	v16 =	vshll.u32 v16, $0x7  }
0x100: {  	v42 =	vld.idx.msk [tilespmem:v60+s15+$0x0], $0xffff;
	v32 =	vadd.f32 v12, v14;
	v12 =	vmul.f32 $3.166666750e+00, v34;
	v16 =	vor.u32 v3, v16  }
0x101: {  	v15 =	vadd.f32 v18, v15;
	v18 =	vcvt.f32.s32 v40;
	v19 =	vadd.f32 $9.500000000e+00, v19;
	v35 =	vld.idx.msk [tilespmem:v56+s16+$0x0], $0xffff  }
0x102: {  	v60 =	vld [tilespmem:s21+$0xFFFFFDF0];
	v20 =	vmul.f32 v62, v20;
	v28 =	vmul.f32 $3.166666750e+00, v36;
	v43 =	vadd.f32 $9.500000000e+00, v12  }
0x103: {  	v10 =	vadd.f32 v13, v32;
	v46 =	vshll.u32 v18, $0x7;
	v18 =	vadd.f32 $9.500000000e+00, v47;
	v17 =	vld.idx.msk [tilespmem:v56+s15+$0x0], $0xffff  }
0x104: {  	v45 =	vld.idx.msk [tilespmem:v11+s16+$0x0], $0xffff;
	v56 =	vmax.f32 v19, $0.0e+00;
	v31 =	vmul.f32 $3.166666750e+00, v57;
	v48 =	vmax.f32 v43, $0.0e+00  }
0x105: {  	v13 =	vmul.f32 v39, v21;
	v51 =	vmax.f32 v18, $0.0e+00;
	v21 =	vmin.f32 v48, $1.800000000e+01;
	v50 =	vld.idx.msk [tilespmem:v16+s16+$0x0], $0xffff  }
0x106: {  	v11 =	vld.idx.msk [tilespmem:v11+s15+$0x0], $0xffff;
	v29 =	vmin.f32 v56, $1.800000000e+01;
	v21 =	vtrunc.f32 v21;
	v14 =	vmul.f32 v35, v22  }
0x107: {  	v10 =	vadd.f32 v15, v10;
	v54 =	vmin.f32 v51, $1.800000000e+01;
	v53 =	vld.idx.msk [tilespmem:v16+s15+$0x0], $0xffff;
	v21 =	vcvt.f32.s32 v21  }
0x108: {  	v59 =	vtrunc.f32 v29;
	v44 =	vadd.f32 v14, v17;
	v17 =	vor.u32 v4, v46  }
0x109: {  	v23 =	vld.idx.msk [tilespmem:v23+s15+$0x0], $0xffff;
	v16 =	vtrunc.f32 v54;
	v22 =	vmul.f32 $3.166666750e+00, v49;
	v21 =	vshll.u32 v21, $0x7  }
0x10a: {  	v57 =	vld [tilespmem:s21+$0xFFFFFE70];
	v52 =	vmul.f32 v45, v25;
	v21 =	vor.u32 v5, v21;
	v27 =	vmul.f32 v50, v27  }
0x10b: {  	v41 =	vld [tilespmem:s21+$0xFFFFFE40];
	v13 =	vadd.f32 v13, v42;
	v16 =	vcvt.f32.s32 v16;
	v22 =	vadd.f32 $9.500000000e+00, v22  }
0x10c: {  	v35 =	vmul.f32 $3.166666750e+00, v60;
	v11 =	vadd.f32 v52, v11;
	v61 =	vadd.f32 v27, v53;
	v53 =	vld [tilespmem:s21+$0xFFFFFE90]  }
0x10d: {  	v16 =	vshll.u32 v16, $0x7;
	v12 =	vadd.f32 $0.0e+00, v44;
	v32 =	vmax.f32 v22, $0.0e+00;
	v55 =	vld.idx.msk [tilespmem:v17+s16+$0x0], $0xffff  }
0x10e: {  	v16 =	vor.u32 v0, v16;
	v44 =	vadd.f32 $9.500000000e+00, v28;
	v34 =	vmin.f32 v32, $1.800000000e+01;
	v58 =	vld.idx.msk [tilespmem:v17+s15+$0x0], $0xffff  }
0x10f: {  	v32 =	vmul.f32 $3.166666750e+00, v57;
	v12 =	vadd.f32 v13, v12;
	v27 =	vtrunc.f32 v34;
	v63 =	vld.idx.msk [tilespmem:v21+s16+$0x0], $0xffff  }
0x110: {  	v28 =	vmax.f32 v44, $0.0e+00;
	v17 =	vcvt.f32.s32 v59;
	v33 =	vld.idx.msk [tilespmem:v21+s15+$0x0], $0xffff;
	v21 =	vadd.f32 $9.500000000e+00, v31  }
0x111: {  	v38 =	vcvt.f32.s32 v27;
	v27 =	vmul.f32 $3.166666750e+00, v41;
	v48 =	vmin.f32 v28, $1.800000000e+01  }
0x112: {  	v32 =	vadd.f32 $9.500000000e+00, v32;
	v11 =	vadd.f32 v11, v12;
	v17 =	vshll.u32 v17, $0x7  }
0x113: {  	v37 =	vld.idx.msk [tilespmem:v16+s16+$0x0], $0xffff;
	v39 =	vmax.f32 v21, $0.0e+00;
	v27 =	vadd.f32 $9.500000000e+00, v27;
	v17 =	vor.u32 v1, v17  }
0x114: {  	v12 =	vadd.f32 v61, v11;
	v11 =	vadd.f32 v20, v23;
	v23 =	vmin.f32 v39, $1.800000000e+01  }
0x115: {  	v20 =	vshll.u32 v38, $0x7;
	v28 =	vmul.f32 $3.166666750e+00, v53;
	v39 =	vmax.f32 v32, $0.0e+00  }
0x116: {  	v16 =	vld.idx.msk [tilespmem:v16+s15+$0x0], $0xffff;
	v23 =	vtrunc.f32 v23;
	v20 =	vor.u32 v2, v20;
	v51 =	vmax.f32 v27, $0.0e+00  }
0x117: {  	v39 =	vmin.f32 v39, $1.800000000e+01;
	v62 =	vmul.f32 v55, v26;
	v24 =	vmul.f32 v63, v43  }
0x118: {  	v38 =	vld [tilespmem:s21+$0xFFFFFEB0];
	v23 =	vcvt.f32.s32 v23;
	v15 =	vmul.f32 v37, v18;
	v52 =	vmin.f32 v51, $1.800000000e+01  }
0x119: {  	v28 =	vadd.f32 $9.500000000e+00, v28;
	v39 =	vtrunc.f32 v39;
	v10 =	vadd.f32 v11, v10  }
0x11a: {  	v43 =	vld [tilespmem:s21+$0xFFFFFE50];
	v25 =	vtrunc.f32 v52;
	v13 =	vadd.f32 v62, v58;
	v14 =	vadd.f32 v24, v33  }
0x11b: {  	v23 =	vshll.u32 v23, $0x7;
	v15 =	vadd.f32 v15, v16;
	v37 =	vmax.f32 v28, $0.0e+00  }
0x11c: {  	v46 =	vld [tilespmem:s21+$0xFFFFFE60];
	v25 =	vcvt.f32.s32 v25;
	v23 =	vor.u32 v6, v23;
	v37 =	vmin.f32 v37, $1.800000000e+01  }
0x11d: {  	v58 =	vld [tilespmem:s21+$0xFFFFFEA0];
	v38 =	vmul.f32 $3.166666750e+00, v38;
	v13 =	vadd.f32 v13, v12;
	v12 =	vadd.f32 $9.500000000e+00, v35  }
0x11e: {  	v40 =	vld.idx.msk [tilespmem:v17+s16+$0x0], $0xffff;
	v15 =	vadd.f32 $0.0e+00, v15;
	v25 =	vshll.u32 v25, $0x7;
	v37 =	vtrunc.f32 v37  }
0x11f: {  	v47 =	vld.idx.msk [tilespmem:v20+s16+$0x0], $0xffff;
	v18 =	vmul.f32 $3.166666750e+00, v43;
	v25 =	vor.u32 v4, v25;
	v37 =	vcvt.f32.s32 v37  }
0x120: {  	v17 =	vld.idx.msk [tilespmem:v17+s15+$0x0], $0xffff;
	v43 =	vcvt.f32.s32 v39;
	v38 =	vadd.f32 $9.500000000e+00, v38;
	v26 =	vmax.f32 v12, $0.0e+00  }
0x121: {  	v13 =	vadd.f32 v14, v13;
	v26 =	vmin.f32 v26, $1.800000000e+01;
	v18 =	vadd.f32 $9.500000000e+00, v18  }
0x122: {  	v50 =	vld [tilespmem:s21+$0xFFFFFE80];
	v33 =	vmul.f32 $3.166666750e+00, v58;
	v37 =	vshll.u32 v37, $0x7;
	v42 =	vtrunc.f32 v26  }
0x123: {  	v20 =	vld.idx.msk [tilespmem:v20+s15+$0x0], $0xffff;
	v45 =	vmul.f32 v40, v19;
	v19 =	vmul.f32 $3.166666750e+00, v46;
	v37 =	vor.u32 v1, v37  }
0x124: {  	v55 =	vld.idx.msk [tilespmem:v23+s15+$0x0], $0xffff;
	v46 =	vmax.f32 v38, $0.0e+00;
	v24 =	vcvt.f32.s32 v42;
	v22 =	vmul.f32 v47, v22  }
0x125: {  	v23 =	vld.idx.msk [tilespmem:v23+s16+$0x0], $0xffff;
	v54 =	vmax.f32 v18, $0.0e+00;
	v16 =	vadd.f32 v45, v17;
	v17 =	vtrunc.f32 v48  }
0x126: {  	v19 =	vadd.f32 $9.500000000e+00, v19;
	v29 =	vmin.f32 v54, $1.800000000e+01;
	v62 =	vld.idx.msk [tilespmem:v25+s15+$0x0], $0xffff;
	v24 =	vshll.u32 v24, $0x7  }
0x127: {  	v25 =	vld.idx.msk [tilespmem:v25+s16+$0x0], $0xffff;
	v49 =	vcvt.f32.s32 v17;
	v29 =	vtrunc.f32 v29;
	v24 =	vor.u32 v7, v24  }
0x128: {  	v54 =	vld [tilespmem:s21+$0xFFFFFED0];
	v17 =	vmul.f32 $3.166666750e+00, v50;
	v15 =	vadd.f32 v16, v15;
	v56 =	vmax.f32 v19, $0.0e+00  }
0x129: {  	v50 =	vld [tilespmem:s21+$0xFFFFFEC0];
	v29 =	vcvt.f32.s32 v29;
	v16 =	vshll.u32 v49, $0x7;
	v31 =	vmin.f32 v56, $1.800000000e+01  }
0x12a: {  	v33 =	vadd.f32 $9.500000000e+00, v33;
	v47 =	vld.idx.msk [tilespmem:v37+s15+$0x0], $0xffff;
	v16 =	vor.u32 v3, v16;
	v31 =	vtrunc.f32 v31  }
0x12b: {  	v17 =	vadd.f32 $9.500000000e+00, v17;
	v52 =	vld.idx.msk [tilespmem:v37+s16+$0x0], $0xffff;
	v29 =	vshll.u32 v29, $0x7;
	v31 =	vcvt.f32.s32 v31  }
0x12c: {  	v39 =	vmin.f32 v46, $1.800000000e+01;
	v29 =	vor.u32 v5, v29;
	v25 =	vmul.f32 v25, v27;
	v59 =	vld.idx.msk [tilespmem:v24+s15+$0x0], $0xffff  }
0x12d: {  	v40 =	vmax.f32 v33, $0.0e+00;
	v61 =	vmax.f32 v17, $0.0e+00;
	v24 =	vld.idx.msk [tilespmem:v24+s16+$0x0], $0xffff;
	v31 =	vshll.u32 v31, $0x7  }
0x12e: {  	v36 =	vmin.f32 v61, $1.800000000e+01;
	v51 =	vadd.f32 v25, v62;
	v62 =	vld [tilespmem:s21+$0xFFFFFEE0];
	v31 =	vor.u32 v6, v31  }
0x12f: {  	v40 =	vmin.f32 v40, $1.800000000e+01;
	v21 =	vmul.f32 v23, v21;
	v36 =	vtrunc.f32 v36;
	v60 =	vld.idx.msk [tilespmem:v16+s16+$0x0], $0xffff  }
0x130: {  	v20 =	vadd.f32 v22, v20;
	v40 =	vtrunc.f32 v40;
	v36 =	vcvt.f32.s32 v36;
	v16 =	vld.idx.msk [tilespmem:v16+s15+$0x0], $0xffff  }
0x131: {  	v49 =	vtrunc.f32 v39;
	v40 =	vcvt.f32.s32 v40;
	v48 =	vadd.f32 v21, v55;
	v41 =	vld.idx.msk [tilespmem:v29+s15+$0x0], $0xffff  }
0x132: {  	v21 =	vcvt.f32.s32 v49;
	v14 =	vmul.f32 $3.166666750e+00, v54;
	v36 =	vshll.u32 v36, $0x7;
	v29 =	vld.idx.msk [tilespmem:v29+s16+$0x0], $0xffff  }
0x133: {  	v15 =	vadd.f32 v20, v15;
	v45 =	vshll.u32 v40, $0x7;
	v36 =	vor.u32 v0, v36;
	v63 =	vld.idx.msk [tilespmem:v31+s15+$0x0], $0xffff  }
0x134: {  	v11 =	vadd.f32 v48, v13;
	v56 =	vshll.u32 v21, $0x7;
	v14 =	vadd.f32 $9.500000000e+00, v14;
	v42 =	vld.idx.msk [tilespmem:v31+s16+$0x0], $0xffff  }
0x135: {  	v61 =	vmul.f32 v52, v28;
	v12 =	vmul.f32 v24, v12;
	v31 =	vshll.u32 v43, $0x7;
	v43 =	vld [tilespmem:s21+$0xFFFFFF20]  }
0x136: {  	v37 =	vmax.f32 v14, $0.0e+00;
	v26 =	vmul.f32 v60, v44;
	v27 =	vor.u32 v7, v31;
	v31 =	vld [tilespmem:s21+$0xFFFFFEF0]  }
0x137: {  	v40 =	vmin.f32 v37, $1.800000000e+01;
	v20 =	vmul.f32 $3.166666750e+00, v62;
	v12 =	vadd.f32 v12, v59  }
0x138: {  	v53 =	vmul.f32 v29, v18;
	v16 =	vadd.f32 v26, v16;
	v44 =	vld.idx.msk [tilespmem:v36+s15+$0x0], $0xffff;
	v26 =	vor.u32 v2, v45  }
0x139: {  	v59 =	vmul.f32 $3.166666750e+00, v50;
	v20 =	vadd.f32 $9.500000000e+00, v20;
	v18 =	vor.u32 v3, v56;
	v36 =	vld.idx.msk [tilespmem:v36+s16+$0x0], $0xffff  }
0x13a: {  	v13 =	vadd.f32 v53, v41;
	v41 =	vld [tilespmem:s21+$0xFFFFFF10];
	v15 =	vadd.f32 v16, v15;
	v19 =	vmul.f32 v42, v19  }
0x13b: {  	v42 =	vmax.f32 v20, $0.0e+00;
	v29 =	vmul.f32 $3.166666750e+00, v43;
	v24 =	vmul.f32 $3.166666750e+00, v31  }
0x13c: {  	v49 =	vld [tilespmem:s21+$0xFFFFFF40];
	v28 =	vmin.f32 v42, $1.800000000e+01;
	v15 =	vadd.f32 v51, v15;
	v19 =	vadd.f32 v19, v63  }
0x13d: {  	v63 =	vadd.f32 $9.500000000e+00, v59;
	v28 =	vtrunc.f32 v28;
	v29 =	vadd.f32 $9.500000000e+00, v29;
	v55 =	vld.idx.msk [tilespmem:v26+s16+$0x0], $0xffff  }
0x13e: {  	v17 =	vmul.f32 v36, v17;
	v58 =	vld.idx.msk [tilespmem:v26+s15+$0x0], $0xffff;
	v24 =	vadd.f32 $9.500000000e+00, v24;
	v28 =	vcvt.f32.s32 v28  }
0x13f: {  	v36 =	vld [tilespmem:s21+$0xFFFFFF00];
	v13 =	vadd.f32 v13, v15;
	v34 =	vmax.f32 v63, $0.0e+00;
	v26 =	vmul.f32 $3.166666750e+00, v41  }
0x140: {  	v51 =	vmax.f32 v29, $0.0e+00;
	v60 =	vadd.f32 v17, v44;
	v17 =	vadd.f32 v61, v47  }
0x141: {  	v35 =	vmin.f32 v34, $1.800000000e+01;
	v44 =	vmax.f32 v24, $0.0e+00;
	v28 =	vshll.u32 v28, $0x7  }
0x142: {  	v34 =	vmul.f32 $3.166666750e+00, v49;
	v30 =	vmin.f32 v44, $1.800000000e+01;
	v26 =	vadd.f32 $9.500000000e+00, v26  }
0x143: {  	v46 =	vld [tilespmem:s21+$0xFFFFFF30];
	v15 =	vadd.f32 $0.0e+00, v60;
	v30 =	vtrunc.f32 v30;
	v16 =	vmul.f32 v55, v33  }
0x144: {  	v37 =	vld [tilespmem:s21+$0xFFFFFFC0];
	v28 =	vor.u32 v6, v28;
	v23 =	vmul.f32 $3.166666750e+00, v36;
	v30 =	vcvt.f32.s32 v30  }
0x145: {  	v33 =	vld.idx.msk [tilespmem:v18+s16+$0x0], $0xffff;
	v48 =	vmax.f32 v26, $0.0e+00;
	v15 =	vadd.f32 v17, v15;
	v17 =	vtrunc.f32 v35  }
0x146: {  	v57 =	vld.idx.msk [tilespmem:v27+s16+$0x0], $0xffff;
	v16 =	vadd.f32 v16, v58;
	v39 =	vcvt.f32.s32 v17;
	v30 =	vshll.u32 v30, $0x7  }
0x147: {  	v27 =	vld.idx.msk [tilespmem:v27+s15+$0x0], $0xffff;
	v36 =	vmin.f32 v51, $1.800000000e+01;
	v17 =	vtrunc.f32 v40;
	v30 =	vor.u32 v7, v30  }
0x148: {  	v44 =	vld [tilespmem:s21+$0xFFFFFF60];
	v23 =	vadd.f32 $9.500000000e+00, v23;
	v15 =	vadd.f32 v16, v15;
	v16 =	vshll.u32 v39, $0x7  }
0x149: {  	v18 =	vld.idx.msk [tilespmem:v18+s15+$0x0], $0xffff;
	v36 =	vtrunc.f32 v36;
	v17 =	vcvt.f32.s32 v17;
	v16 =	vor.u32 v4, v16  }
0x14a: {  	v55 =	vcvt.f32.s32 v36;
	v52 =	vld.idx.msk [tilespmem:v28+s15+$0x0], $0xffff;
	v45 =	vmax.f32 v23, $0.0e+00;
	v25 =	vmul.f32 v33, v38  }
0x14b: {  	v53 =	vld.idx.msk [tilespmem:v28+s16+$0x0], $0xffff;
	v17 =	vshll.u32 v17, $0x7;
	v31 =	vmin.f32 v45, $1.800000000e+01;
	v33 =	vmin.f32 v48, $1.800000000e+01  }
0x14c: {  	v17 =	vor.u32 v5, v17;
	v31 =	vtrunc.f32 v31;
	v33 =	vtrunc.f32 v33;
	v56 =	vld.idx.msk [tilespmem:v30+s15+$0x0], $0xffff  }
0x14d: {  	v59 =	vshll.u32 v55, $0x7;
	v31 =	vcvt.f32.s32 v31;
	v33 =	vcvt.f32.s32 v33;
	v58 =	vld.idx.msk [tilespmem:v30+s16+$0x0], $0xffff  }
0x14e: {  	v21 =	vmul.f32 v57, v32;
	v32 =	vmul.f32 $3.166666750e+00, v46;
	v30 =	vor.u32 v2, v59;
	v47 =	vld.idx.msk [tilespmem:v16+s15+$0x0], $0xffff  }
0x14f: {  	v34 =	vadd.f32 $9.500000000e+00, v34;
	v31 =	vshll.u32 v31, $0x7;
	v54 =	vshll.u32 v33, $0x7;
	v16 =	vld.idx.msk [tilespmem:v16+s16+$0x0], $0xffff  }
0x150: {  	v32 =	vadd.f32 $9.500000000e+00, v32;
	v31 =	vor.u32 v0, v31;
	v28 =	vor.u32 v1, v54;
	v54 =	vld [tilespmem:s21+$0xFFFFFF80]  }
0x151: {  	v12 =	vadd.f32 v12, v11;
	v50 =	vld.idx.msk [tilespmem:v17+s15+$0x0], $0xffff  }
0x152: {  	v13 =	vadd.f32 v19, v13;
	v57 =	vmax.f32 v32, $0.0e+00;
	v38 =	vmax.f32 v34, $0.0e+00;
	v17 =	vld.idx.msk [tilespmem:v17+s16+$0x0], $0xffff  }
0x153: {  	v21 =	vadd.f32 v21, v27;
	v60 =	vmin.f32 v57, $1.800000000e+01;
	v27 =	vmin.f32 v38, $1.800000000e+01;
	v41 =	vld.idx.msk [tilespmem:v30+s16+$0x0], $0xffff  }
0x154: {  	v18 =	vadd.f32 v25, v18;
	v27 =	vtrunc.f32 v27;
	v20 =	vmul.f32 v53, v20;
	v45 =	vld.idx.msk [tilespmem:v30+s15+$0x0], $0xffff  }
0x155: {  	v11 =	vadd.f32 v21, v13;
	v27 =	vcvt.f32.s32 v27;
	v33 =	vtrunc.f32 v60;
	v61 =	vld.idx.msk [tilespmem:v31+s16+$0x0], $0xffff  }
0x156: {  	v15 =	vadd.f32 v18, v15;
	v62 =	vcvt.f32.s32 v33;
	v16 =	vmul.f32 v16, v63;
	v63 =	vld [tilespmem:s21+$0xFFFFFF50]  }
0x157: {  	v18 =	vadd.f32 v20, v52;
	v46 =	vshll.u32 v27, $0x7;
	v49 =	vmul.f32 v58, v24;
	v39 =	vld.idx.msk [tilespmem:v28+s16+$0x0], $0xffff  }
0x158: {  	v20 =	vor.u32 v4, v46;
	v40 =	vld.idx.msk [tilespmem:v28+s15+$0x0], $0xffff;
	v22 =	vmul.f32 $3.166666750e+00, v54;
	v28 =	vmul.f32 $3.166666750e+00, v37  }
0x159: {  	v33 =	vld.idx.msk [tilespmem:v31+s15+$0x0], $0xffff;
	v14 =	vmul.f32 v17, v14;
	v17 =	vshll.u32 v62, $0x7;
	v16 =	vadd.f32 v16, v47  }
0x15a: {  	v62 =	vld [tilespmem:s21+$0xFFFFFFA0];
	v17 =	vor.u32 v3, v17;
	v22 =	vadd.f32 $9.500000000e+00, v22;
	v28 =	vadd.f32 $9.500000000e+00, v28  }
0x15b: {  	v48 =	vld [tilespmem:s21+$0xFFFFFF70];
	v14 =	vadd.f32 v14, v50;
	v51 =	vmul.f32 v41, v29;
	v15 =	vadd.f32 v16, v15  }
0x15c: {  	v36 =	vmax.f32 v22, $0.0e+00;
	v23 =	vmul.f32 v61, v23;
	v43 =	vmul.f32 $3.166666750e+00, v63  }
0x15d: {  	v47 =	vmul.f32 v39, v26;
	v19 =	vadd.f32 v51, v45;
	v27 =	vmin.f32 v36, $1.800000000e+01  }
0x15e: {  	v42 =	vadd.f32 v14, v15;
	v15 =	vmul.f32 $3.166666750e+00, v44;
	v27 =	vtrunc.f32 v27  }
0x15f: {  	v26 =	vmul.f32 $3.166666750e+00, v62;
	v16 =	vadd.f32 v23, v33;
	v14 =	vadd.f32 $9.500000000e+00, v43  }
0x160: {  	v21 =	vadd.f32 v47, v40;
	v23 =	vmul.f32 $3.166666750e+00, v48;
	v13 =	vadd.f32 v18, v42  }
0x161: {  	v55 =	vld.idx.msk [tilespmem:v20+s16+$0x0], $0xffff;
	v27 =	vcvt.f32.s32 v27;
	v18 =	vadd.f32 v49, v56;
	v15 =	vadd.f32 $9.500000000e+00, v15  }
0x162: {  	v46 =	vmax.f32 v28, $0.0e+00;
	v50 =	vld.idx.msk [tilespmem:v17+s16+$0x0], $0xffff;
	v26 =	vadd.f32 $9.500000000e+00, v26;
	v16 =	vadd.f32 $0.0e+00, v16  }
0x163: {  	v52 =	vmax.f32 v14, $0.0e+00;
	v23 =	vadd.f32 $9.500000000e+00, v23;
	v39 =	vshll.u32 v27, $0x7  }
0x164: {  	v20 =	vld.idx.msk [tilespmem:v20+s15+$0x0], $0xffff;
	v25 =	vmin.f32 v52, $1.800000000e+01;
	v13 =	vadd.f32 v18, v13;
	v58 =	vmax.f32 v15, $0.0e+00  }
0x165: {  	v57 =	vld [tilespmem:s21+$0xFFFFFF90];
	v42 =	vmax.f32 v26, $0.0e+00;
	v16 =	vadd.f32 v21, v16;
	v53 =	vtrunc.f32 v25  }
0x166: {  	v17 =	vld.idx.msk [tilespmem:v17+s15+$0x0], $0xffff;
	v60 =	vmin.f32 v58, $1.800000000e+01;
	v61 =	vmax.f32 v23, $0.0e+00;
	v25 =	vmul.f32 v55, v34  }
0x167: {  	v30 =	vmin.f32 v42, $1.800000000e+01;
	v21 =	vcvt.f32.s32 v53;
	v56 =	vmul.f32 v50, v32  }
0x168: {  	v24 =	vmin.f32 v61, $1.800000000e+01;
	v30 =	vtrunc.f32 v30;
	v16 =	vadd.f32 v19, v16  }
0x169: {  	v34 =	vld [tilespmem:s21+$0xFFFFFFB0];
	v24 =	vtrunc.f32 v24;
	v63 =	vadd.f32 v25, v20;
	v25 =	vor.u32 v0, v39  }
0x16a: {  	v19 =	vmul.f32 $3.166666750e+00, v57;
	v30 =	vcvt.f32.s32 v30;
	v21 =	vshll.u32 v21, $0x7  }
0x16b: {  	v54 =	vld [tilespmem:s21+$0x0];
	v17 =	vadd.f32 v56, v17;
	v33 =	vcvt.f32.s32 v24;
	v59 =	vor.u32 v5, v21  }
0x16c: {  	v41 =	vld [tilespmem:s21+$0xFFFFFFD0];
	v21 =	vtrunc.f32 v60;
	v19 =	vadd.f32 $9.500000000e+00, v19;
	v30 =	vshll.u32 v30, $0x7  }
0x16d: {  	v47 =	vld [tilespmem:s21+$0xFFFFFFE0];
	v21 =	vcvt.f32.s32 v21;
	v16 =	vadd.f32 v17, v16;
	v20 =	vshll.u32 v33, $0x7  }
0x16e: {  	v24 =	vmul.f32 $3.166666750e+00, v34;
	v34 =	vmin.f32 v46, $1.800000000e+01;
	v30 =	vor.u32 v2, v30;
	v48 =	vld.idx.msk [tilespmem:v25+s16+$0x0], $0xffff  }
0x16f: {  	v38 =	vmax.f32 v19, $0.0e+00;
	v20 =	vor.u32 v7, v20;
	v34 =	vtrunc.f32 v34;
	v49 =	vld.idx.msk [tilespmem:v25+s15+$0x0], $0xffff  }
0x170: {  	v21 =	vshll.u32 v21, $0x7;
	v24 =	vadd.f32 $9.500000000e+00, v24;
	v16 =	vadd.f32 v63, v16;
	v63 =	vld [tilespmem:s21+$0x10]  }
0x171: {  	v29 =	vmin.f32 v38, $1.800000000e+01;
	v51 =	vcvt.f32.s32 v34;
	v34 =	vmul.f32 $3.166666750e+00, v54;
	v38 =	vld [tilespmem:s21+$0xFFFFFFF0]  }
0x172: {  	v21 =	vor.u32 v6, v21;
	v29 =	vtrunc.f32 v29;
	v35 =	vld.idx.msk [tilespmem:v59+s16+$0x0], $0xffff;
	v44 =	vmax.f32 v24, $0.0e+00  }
0x173: {  	v40 =	vcvt.f32.s32 v29;
	v18 =	vld.idx.msk [tilespmem:v59+s15+$0x0], $0xffff;
	v29 =	vmul.f32 $3.166666750e+00, v41;
	v32 =	vmin.f32 v44, $1.800000000e+01  }
0x174: {  	v34 =	vadd.f32 $9.500000000e+00, v34;
	v57 =	vld.idx.msk [tilespmem:v30+s15+$0x0], $0xffff;
	v32 =	vtrunc.f32 v32  }
0x175: {  	v30 =	vld.idx.msk [tilespmem:v30+s16+$0x0], $0xffff;
	v27 =	vshll.u32 v40, $0x7;
	v29 =	vadd.f32 $9.500000000e+00, v29;
	v32 =	vcvt.f32.s32 v32  }
0x176: {  	v45 =	vld.idx.msk [tilespmem:v20+s15+$0x0], $0xffff;
	v37 =	vmax.f32 v34, $0.0e+00;
	v27 =	vor.u32 v1, v27;
	v56 =	vmul.f32 v48, v22  }
0x177: {  	v20 =	vld.idx.msk [tilespmem:v20+s16+$0x0], $0xffff;
	v39 =	vmin.f32 v37, $1.800000000e+01;
	v42 =	vmul.f32 $3.166666750e+00, v63;
	v50 =	vshll.u32 v32, $0x7  }
0x178: {  	v43 =	vld.idx.msk [tilespmem:v21+s15+$0x0], $0xffff;
	v53 =	vmax.f32 v29, $0.0e+00;
	v14 =	vmul.f32 v35, v14;
	v52 =	vor.u32 v3, v50  }
0x179: {  	v21 =	vld.idx.msk [tilespmem:v21+s16+$0x0], $0xffff;
	v32 =	vshll.u32 v51, $0x7;
	v25 =	vmin.f32 v53, $1.800000000e+01;
	v35 =	vmul.f32 $3.166666750e+00, v47  }
0x17a: {  	v44 =	vld [tilespmem:s21+$0x20];
	v32 =	vor.u32 v4, v32;
	v25 =	vtrunc.f32 v25;
	v26 =	vmul.f32 v30, v26  }
0x17b: {  	v14 =	vadd.f32 v14, v18;
	v25 =	vcvt.f32.s32 v25;
	v58 =	vadd.f32 $9.500000000e+00, v35;
	v55 =	vld.idx.msk [tilespmem:v27+s16+$0x0], $0xffff  }
0x17c: {  	v20 =	vmul.f32 v20, v23;
	v23 =	vtrunc.f32 v39;
	v27 =	vld.idx.msk [tilespmem:v27+s15+$0x0], $0xffff;
	v22 =	vadd.f32 v26, v57  }
0x17d: {  	v23 =	vcvt.f32.s32 v23;
	v25 =	vshll.u32 v25, $0x7;
	v61 =	vmax.f32 v58, $0.0e+00;
	v59 =	vld.idx.msk [tilespmem:v52+s15+$0x0], $0xffff  }
0x17e: {  	v15 =	vmul.f32 v21, v15;
	v60 =	vor.u32 v5, v25;
	v25 =	vmin.f32 v61, $1.800000000e+01;
	v18 =	vld.idx.msk [tilespmem:v52+s16+$0x0], $0xffff  }
0x17f: {  	v14 =	vadd.f32 v14, v16;
	v16 =	vadd.f32 v56, v49;
	v25 =	vtrunc.f32 v25;
	v36 =	vld.idx.msk [tilespmem:v32+s16+$0x0], $0xffff  }
0x180: {  	v20 =	vadd.f32 v20, v45;
	v15 =	vadd.f32 v15, v43;
	v52 =	vld [tilespmem:s21+$0x40];
	v25 =	vcvt.f32.s32 v25  }
0x181: {  	v23 =	vshll.u32 v23, $0x7;
	v62 =	vld.idx.msk [tilespmem:v32+s15+$0x0], $0xffff;
	v16 =	vadd.f32 $0.0e+00, v16;
	v19 =	vmul.f32 v55, v19  }
0x182: {  	v46 =	vld [tilespmem:s21+$0x30];
	v23 =	vor.u32 v0, v23;
	v14 =	vadd.f32 v15, v14;
	v25 =	vshll.u32 v25, $0x7  }
0x183: {  	v55 =	vld [tilespmem:s21+$0x50];
	v19 =	vadd.f32 v19, v27;
	v41 =	vor.u32 v6, v25;
	v25 =	vmul.f32 $3.166666750e+00, v44  }
0x184: {  	v40 =	vld.idx.msk [tilespmem:v60+s16+$0x0], $0xffff;
	v14 =	vadd.f32 v20, v14;
	v18 =	vmul.f32 v18, v24;
	v43 =	vmul.f32 v36, v28  }
0x185: {  	v26 =	vmul.f32 $3.166666750e+00, v52;
	v16 =	vadd.f32 v19, v16;
	v25 =	vadd.f32 $9.500000000e+00, v25  }
0x186: {  	v19 =	vmul.f32 $3.166666750e+00, v38;
	v17 =	vadd.f32 v18, v59;
	v15 =	vadd.f32 v43, v62  }
0x187: {  	v21 =	vld.idx.msk [tilespmem:v60+s15+$0x0], $0xffff;
	v18 =	vmul.f32 $3.166666750e+00, v46;
	v26 =	vadd.f32 $9.500000000e+00, v26;
	v16 =	vadd.f32 v22, v16  }
0x188: {  	v27 =	vmul.f32 $3.166666750e+00, v55;
	v22 =	vadd.f32 $9.500000000e+00, v42;
	v19 =	vadd.f32 $9.500000000e+00, v19  }
0x189: {  	v54 =	vld.idx.msk [tilespmem:v23+s16+$0x0], $0xffff;
	v56 =	vmax.f32 v25, $0.0e+00;
	v45 =	vmul.f32 v40, v29;
	v18 =	vadd.f32 $9.500000000e+00, v18  }
0x18a: {  	v28 =	vmin.f32 v56, $1.800000000e+01;
	v60 =	vmax.f32 v26, $0.0e+00;
	v27 =	vadd.f32 $9.500000000e+00, v27  }
0x18b: {  	v16 =	vadd.f32 v17, v16;
	v48 =	vmax.f32 v22, $0.0e+00;
	v51 =	vmax.f32 v19, $0.0e+00  }
0x18c: {  	v28 =	vtrunc.f32 v28;
	v32 =	vmin.f32 v60, $1.800000000e+01;
	v49 =	vadd.f32 v45, v21  }
0x18d: {  	v61 =	vld [tilespmem:s21+$0x80];
	v50 =	vmin.f32 v48, $1.800000000e+01;
	v53 =	vmin.f32 v51, $1.800000000e+01;
	v28 =	vcvt.f32.s32 v28  }
0x18e: {  	v23 =	vld.idx.msk [tilespmem:v23+s15+$0x0], $0xffff;
	v21 =	vmul.f32 v54, v34;
	v57 =	vmax.f32 v18, $0.0e+00;
	v32 =	vtrunc.f32 v32  }
0x18f: {  	v47 =	vld.idx.msk [tilespmem:v41+s16+$0x0], $0xffff;
	v62 =	vmax.f32 v27, $0.0e+00;
	v32 =	vcvt.f32.s32 v32;
	v28 =	vshll.u32 v28, $0x7  }
0x190: {  	v24 =	vld.idx.msk [tilespmem:v41+s15+$0x0], $0xffff;
	v15 =	vadd.f32 v15, v16;
	v17 =	vtrunc.f32 v50;
	v28 =	vor.u32 v2, v28  }
0x191: {  	v41 =	vld [tilespmem:s21+$0x90];
	v16 =	vtrunc.f32 v53;
	v17 =	vcvt.f32.s32 v17;
	v40 =	vshll.u32 v32, $0x7  }
0x192: {  	v60 =	vld [tilespmem:s21+$0xB0];
	v29 =	vmin.f32 v57, $1.800000000e+01;
	v39 =	vmin.f32 v62, $1.800000000e+01;
	v31 =	vor.u32 v4, v40  }
0x193: {  	v50 =	vld [tilespmem:s21+$0x70];
	v16 =	vcvt.f32.s32 v16;
	v29 =	vtrunc.f32 v29;
	v17 =	vshll.u32 v17, $0x7  }
0x194: {  	v21 =	vadd.f32 v21, v23;
	v20 =	vmul.f32 v47, v58;
	v58 =	vld [tilespmem:s21+$0x60];
	v17 =	vor.u32 v1, v17  }
0x195: {  	v23 =	vtrunc.f32 v39;
	v29 =	vcvt.f32.s32 v29;
	v16 =	vshll.u32 v16, $0x7;
	v42 =	vld.idx.msk [tilespmem:v28+s16+$0x0], $0xffff  }
0x196: {  	v23 =	vcvt.f32.s32 v23;
	v16 =	vor.u32 v7, v16;
	v28 =	vld.idx.msk [tilespmem:v28+s15+$0x0], $0xffff  }
0x197: {  	v33 =	vmul.f32 $3.166666750e+00, v61;
	v29 =	vshll.u32 v29, $0x7;
	v47 =	vld.idx.msk [tilespmem:v31+s16+$0x0], $0xffff  }
0x198: {  	v23 =	vshll.u32 v23, $0x7;
	v29 =	vor.u32 v3, v29;
	v51 =	vld.idx.msk [tilespmem:v31+s15+$0x0], $0xffff  }
0x199: {  	v33 =	vadd.f32 $9.500000000e+00, v33;
	v23 =	vor.u32 v5, v23;
	v30 =	vmul.f32 $3.166666750e+00, v58;
	v59 =	vld.idx.msk [tilespmem:v17+s16+$0x0], $0xffff  }
0x19a: {  	v15 =	vadd.f32 v49, v15;
	v46 =	vmul.f32 $3.166666750e+00, v41;
	v17 =	vld.idx.msk [tilespmem:v17+s15+$0x0], $0xffff  }
0x19b: {  	v49 =	vmax.f32 v33, $0.0e+00;
	v20 =	vadd.f32 v20, v24;
	v63 =	vld.idx.msk [tilespmem:v16+s15+$0x0], $0xffff;
	v30 =	vadd.f32 $9.500000000e+00, v30  }
0x19c: {  	v21 =	vadd.f32 $0.0e+00, v21;
	v34 =	vmin.f32 v49, $1.800000000e+01;
	v24 =	vadd.f32 $9.500000000e+00, v46;
	v16 =	vld.idx.msk [tilespmem:v16+s16+$0x0], $0xffff  }
0x19d: {  	v52 =	vtrunc.f32 v34;
	v15 =	vadd.f32 v20, v15;
	v44 =	vld.idx.msk [tilespmem:v29+s16+$0x0], $0xffff;
	v43 =	vmax.f32 v30, $0.0e+00  }
0x19e: {  	v58 =	vmul.f32 $3.166666750e+00, v50;
	v53 =	vld.idx.msk [tilespmem:v23+s16+$0x0], $0xffff;
	v36 =	vmin.f32 v43, $1.800000000e+01;
	v25 =	vmul.f32 v42, v25  }
0x19f: {  	v34 =	vld [tilespmem:s21+$0xC0];
	v54 =	vmax.f32 v24, $0.0e+00;
	v36 =	vtrunc.f32 v36;
	v26 =	vmul.f32 v47, v26  }
0x1a0: {  	v55 =	vmin.f32 v54, $1.800000000e+01;
	v45 =	vld.idx.msk [tilespmem:v29+s15+$0x0], $0xffff;
	v22 =	vmul.f32 v59, v22;
	v36 =	vcvt.f32.s32 v36  }
0x1a1: {  	v23 =	vld.idx.msk [tilespmem:v23+s15+$0x0], $0xffff;
	v25 =	vadd.f32 v25, v28;
	v28 =	vcvt.f32.s32 v52;
	v16 =	vmul.f32 v16, v19  }
0x1a2: {  	v61 =	vadd.f32 $9.500000000e+00, v58;
	v43 =	vld [tilespmem:s21+$0x100];
	v19 =	vmul.f32 $3.166666750e+00, v60;
	v18 =	vmul.f32 v44, v18  }
0x1a3: {  	v59 =	vadd.f32 v26, v51;
	v20 =	vmul.f32 v53, v27;
	v17 =	vadd.f32 v22, v17  }
0x1a4: {  	v48 =	vshll.u32 v36, $0x7;
	v28 =	vshll.u32 v28, $0x7;
	v16 =	vadd.f32 v16, v63  }
0x1a5: {  	v56 =	vld [tilespmem:s21+$0xA0];
	v19 =	vadd.f32 $9.500000000e+00, v19;
	v32 =	vor.u32 v6, v48;
	v18 =	vadd.f32 v18, v45  }
0x1a6: {  	v28 =	vor.u32 v0, v28;
	v63 =	vadd.f32 v20, v23;
	v23 =	vmul.f32 $3.166666750e+00, v34  }
0x1a7: {  	v31 =	vmul.f32 $3.166666750e+00, v43;
	v17 =	vadd.f32 v17, v21;
	v21 =	vtrunc.f32 v55  }
0x1a8: {  	v41 =	vld [tilespmem:s21+$0xD0];
	v15 =	vadd.f32 v16, v15;
	v21 =	vcvt.f32.s32 v21;
	v23 =	vadd.f32 $9.500000000e+00, v23  }
0x1a9: {  	v31 =	vadd.f32 $9.500000000e+00, v31;
	v17 =	vadd.f32 v25, v17  }
0x1aa: {  	v42 =	vmax.f32 v19, $0.0e+00;
	v25 =	vmul.f32 $3.166666750e+00, v56;
	v21 =	vshll.u32 v21, $0x7;
	v57 =	vld.idx.msk [tilespmem:v32+s16+$0x0], $0xffff  }
0x1ab: {  	v45 =	vmax.f32 v23, $0.0e+00;
	v51 =	vmax.f32 v31, $0.0e+00;
	v17 =	vadd.f32 v18, v17;
	v62 =	vld.idx.msk [tilespmem:v32+s15+$0x0], $0xffff  }
0x1ac: {  	v21 =	vor.u32 v1, v21;
	v32 =	vmax.f32 v61, $0.0e+00;
	v36 =	vld.idx.msk [tilespmem:v28+s16+$0x0], $0xffff;
	v25 =	vadd.f32 $9.500000000e+00, v25  }
0x1ad: {  	v38 =	vld.idx.msk [tilespmem:v28+s15+$0x0], $0xffff;
	v46 =	vmin.f32 v45, $1.800000000e+01;
	v28 =	vmul.f32 $3.166666750e+00, v41;
	v34 =	vmin.f32 v51, $1.800000000e+01  }
0x1ae: {  	v54 =	vld [tilespmem:s21+$0xF0];
	v20 =	vmin.f32 v32, $1.800000000e+01;
	v27 =	vtrunc.f32 v46;
	v34 =	vtrunc.f32 v34  }
0x1af: {  	v47 =	vld [tilespmem:s21+$0x110];
	v17 =	vadd.f32 v59, v17;
	v37 =	vtrunc.f32 v20;
	v39 =	vmax.f32 v25, $0.0e+00  }
0x1b0: {  	v52 =	vld [tilespmem:s21+$0xE0];
	v27 =	vcvt.f32.s32 v27;
	v55 =	vcvt.f32.s32 v34;
	v20 =	vmin.f32 v39, $1.800000000e+01  }
0x1b1: {  	v41 =	vld [tilespmem:s21+$0x130];
	v28 =	vadd.f32 $9.500000000e+00, v28;
	v16 =	vcvt.f32.s32 v37;
	v20 =	vtrunc.f32 v20  }
0x1b2: {  	v27 =	vshll.u32 v27, $0x7;
	v35 =	vmul.f32 v57, v30;
	v40 =	vld.idx.msk [tilespmem:v21+s16+$0x0], $0xffff;
	v29 =	vmul.f32 v36, v33  }
0x1b3: {  	v20 =	vcvt.f32.s32 v20;
	v30 =	vmin.f32 v42, $1.800000000e+01;
	v21 =	vld.idx.msk [tilespmem:v21+s15+$0x0], $0xffff;
	v27 =	vor.u32 v4, v27  }
0x1b4: {  	v16 =	vshll.u32 v16, $0x7;
	v44 =	vtrunc.f32 v30;
	v30 =	vmul.f32 $3.166666750e+00, v47;
	v47 =	vld [tilespmem:s21+$0x150]  }
0x1b5: {  	v17 =	vadd.f32 v63, v17;
	v16 =	vor.u32 v7, v16;
	v26 =	vadd.f32 v35, v62;
	v62 =	vld [tilespmem:s21+$0x120]  }
0x1b6: {  	v18 =	vadd.f32 v29, v38;
	v20 =	vshll.u32 v20, $0x7;
	v29 =	vcvt.f32.s32 v44;
	v44 =	vld [tilespmem:s21+$0x140]  }
0x1b7: {  	v50 =	vmax.f32 v28, $0.0e+00;
	v35 =	vmul.f32 $3.166666750e+00, v52;
	v52 =	vld [tilespmem:s21+$0x180];
	v20 =	vor.u32 v2, v20  }
0x1b8: {  	v33 =	vmin.f32 v50, $1.800000000e+01;
	v46 =	vmul.f32 $3.166666750e+00, v41;
	v29 =	vshll.u32 v29, $0x7;
	v59 =	vld.idx.msk [tilespmem:v27+s16+$0x0], $0xffff  }
0x1b9: {  	v33 =	vtrunc.f32 v33;
	v30 =	vadd.f32 $9.500000000e+00, v30;
	v29 =	vor.u32 v3, v29;
	v27 =	vld.idx.msk [tilespmem:v27+s15+$0x0], $0xffff  }
0x1ba: {  	v33 =	vcvt.f32.s32 v33;
	v17 =	vadd.f32 v26, v17;
	v26 =	vshll.u32 v55, $0x7;
	v48 =	vld.idx.msk [tilespmem:v16+s16+$0x0], $0xffff  }
0x1bb: {  	v24 =	vmul.f32 v40, v24;
	v58 =	vmax.f32 v30, $0.0e+00;
	v26 =	vor.u32 v0, v26;
	v16 =	vld.idx.msk [tilespmem:v16+s15+$0x0], $0xffff  }
0x1bc: {  	v57 =	vshll.u32 v33, $0x7;
	v33 =	vmin.f32 v58, $1.800000000e+01;
	v32 =	vmul.f32 $3.166666750e+00, v47;
	v49 =	vld.idx.msk [tilespmem:v20+s16+$0x0], $0xffff  }
0x1bd: {  	v18 =	vadd.f32 $0.0e+00, v18;
	v21 =	vadd.f32 v24, v21;
	v33 =	vtrunc.f32 v33;
	v20 =	vld.idx.msk [tilespmem:v20+s15+$0x0], $0xffff  }
0x1be: {  	v43 =	vmul.f32 $3.166666750e+00, v62;
	v33 =	vcvt.f32.s32 v33;
	v32 =	vadd.f32 $9.500000000e+00, v32;
	v53 =	vld.idx.msk [tilespmem:v29+s16+$0x0], $0xffff  }
0x1bf: {  	v18 =	vadd.f32 v21, v18;
	v21 =	vmul.f32 $3.166666750e+00, v54;
	v56 =	vld.idx.msk [tilespmem:v29+s15+$0x0], $0xffff;
	v29 =	vor.u32 v5, v57  }
0x1c0: {  	v37 =	vmul.f32 v59, v23;
	v39 =	vld.idx.msk [tilespmem:v26+s16+$0x0], $0xffff;
	v22 =	vmul.f32 v48, v61;
	v61 =	vshll.u32 v33, $0x7  }
0x1c1: {  	v55 =	vmax.f32 v32, $0.0e+00;
	v33 =	vmul.f32 $3.166666750e+00, v52;
	v36 =	vor.u32 v1, v61  }
0x1c2: {  	v24 =	vmul.f32 v49, v25;
	v16 =	vadd.f32 v22, v16;
	v22 =	vadd.f32 v37, v27  }
0x1c3: {  	v26 =	vld.idx.msk [tilespmem:v26+s15+$0x0], $0xffff;
	v27 =	vmul.f32 $3.166666750e+00, v44;
	v37 =	vmin.f32 v55, $1.800000000e+01;
	v33 =	vadd.f32 $9.500000000e+00, v33  }
0x1c4: {  	v37 =	vtrunc.f32 v37;
	v20 =	vadd.f32 v24, v20;
	v60 =	vmul.f32 v53, v19  }
0x1c5: {  	v54 =	vld [tilespmem:s21+$0x190];
	v19 =	vadd.f32 $9.500000000e+00, v35;
	v16 =	vadd.f32 v16, v17;
	v25 =	vmul.f32 v39, v31  }
0x1c6: {  	v31 =	vadd.f32 $9.500000000e+00, v46;
	v27 =	vadd.f32 $9.500000000e+00, v27;
	v37 =	vcvt.f32.s32 v37  }
0x1c7: {  	v20 =	vadd.f32 v20, v18;
	v24 =	vadd.f32 v60, v56;
	v35 =	vmax.f32 v19, $0.0e+00  }
0x1c8: {  	v18 =	vadd.f32 $9.500000000e+00, v21;
	v25 =	vadd.f32 v25, v26;
	v50 =	vmax.f32 v31, $0.0e+00  }
0x1c9: {  	v63 =	vld.idx.msk [tilespmem:v29+s16+$0x0], $0xffff;
	v53 =	vmax.f32 v27, $0.0e+00;
	v37 =	vshll.u32 v37, $0x7;
	v38 =	vmin.f32 v35, $1.800000000e+01  }
0x1ca: {  	v49 =	vld [tilespmem:s21+$0x160];
	v51 =	vmin.f32 v50, $1.800000000e+01;
	v34 =	vmin.f32 v53, $1.800000000e+01;
	v35 =	vmul.f32 $3.166666750e+00, v54  }
0x1cb: {  	v45 =	vld.idx.msk [tilespmem:v36+s16+$0x0], $0xffff;
	v37 =	vor.u32 v5, v37;
	v20 =	vadd.f32 v24, v20;
	v23 =	vtrunc.f32 v38  }
0x1cc: {  	v56 =	vld [tilespmem:s21+$0x1A0];
	v40 =	vmax.f32 v18, $0.0e+00;
	v34 =	vtrunc.f32 v34;
	v23 =	vcvt.f32.s32 v23  }
0x1cd: {  	v24 =	vmin.f32 v40, $1.800000000e+01;
	v34 =	vcvt.f32.s32 v34;
	v35 =	vadd.f32 $9.500000000e+00, v35  }
0x1ce: {  	v42 =	vtrunc.f32 v24;
	v20 =	vadd.f32 v22, v20;
	v22 =	vmul.f32 v63, v28  }
0x1cf: {  	v24 =	vadd.f32 $9.500000000e+00, v43;
	v17 =	vcvt.f32.s32 v42;
	v23 =	vshll.u32 v23, $0x7  }
0x1d0: {  	v21 =	vld.idx.msk [tilespmem:v36+s15+$0x0], $0xffff;
	v28 =	vmul.f32 v45, v30;
	v30 =	vmul.f32 $3.166666750e+00, v49;
	v34 =	vshll.u32 v34, $0x7  }
0x1d1: {  	v29 =	vld.idx.msk [tilespmem:v29+s15+$0x0], $0xffff;
	v42 =	vmax.f32 v33, $0.0e+00;
	v38 =	vmul.f32 $3.166666750e+00, v56;
	v44 =	vmax.f32 v35, $0.0e+00  }
0x1d2: {  	v40 =	vld [tilespmem:s21+$0x1D0];
	v23 =	vor.u32 v6, v23;
	v48 =	vmax.f32 v24, $0.0e+00;
	v58 =	vor.u32 v4, v34  }
0x1d3: {  	v45 =	vld [tilespmem:s21+$0x170];
	v42 =	vmin.f32 v42, $1.800000000e+01;
	v44 =	vmin.f32 v44, $1.800000000e+01;
	v30 =	vadd.f32 $9.500000000e+00, v30  }
0x1d4: {  	v50 =	vld.idx.msk [tilespmem:v37+s16+$0x0], $0xffff;
	v17 =	vshll.u32 v17, $0x7;
	v26 =	vmin.f32 v48, $1.800000000e+01;
	v38 =	vadd.f32 $9.500000000e+00, v38  }
0x1d5: {  	v21 =	vadd.f32 v28, v21;
	v28 =	vtrunc.f32 v51;
	v48 =	vld.idx.msk [tilespmem:v37+s15+$0x0], $0xffff;
	v57 =	vmax.f32 v30, $0.0e+00  }
0x1d6: {  	v28 =	vcvt.f32.s32 v28;
	v63 =	vmax.f32 v38, $0.0e+00;
	v59 =	vmin.f32 v57, $1.800000000e+01;
	v57 =	vld [tilespmem:s21+$0x1B0]  }
0x1d7: {  	v42 =	vtrunc.f32 v42;
	v17 =	vor.u32 v7, v17;
	v49 =	vmin.f32 v63, $1.800000000e+01;
	v63 =	vld [tilespmem:s21+$0x1C0]  }
0x1d8: {  	v26 =	vtrunc.f32 v26;
	v42 =	vcvt.f32.s32 v42;
	v28 =	vshll.u32 v28, $0x7;
	v36 =	vld.idx.msk [tilespmem:v23+s15+$0x0], $0xffff  }
0x1d9: {  	v44 =	vtrunc.f32 v44;
	v26 =	vcvt.f32.s32 v26;
	v23 =	vld.idx.msk [tilespmem:v23+s16+$0x0], $0xffff;
	v28 =	vor.u32 v3, v28  }
0x1da: {  	v22 =	vadd.f32 v22, v29;
	v62 =	vcvt.f32.s32 v44;
	v42 =	vshll.u32 v42, $0x7;
	v61 =	vld.idx.msk [tilespmem:v58+s15+$0x0], $0xffff  }
0x1db: {  	v26 =	vshll.u32 v26, $0x7;
	v34 =	vtrunc.f32 v59;
	v46 =	vld.idx.msk [tilespmem:v58+s16+$0x0], $0xffff;
	v42 =	vor.u32 v0, v42  }
0x1dc: {  	v52 =	vmul.f32 $3.166666750e+00, v45;
	v26 =	vor.u32 v2, v26;
	v34 =	vcvt.f32.s32 v34;
	v39 =	vld.idx.msk [tilespmem:v17+s15+$0x0], $0xffff  }
0x1dd: {  	v25 =	vadd.f32 $0.0e+00, v25;
	v20 =	vadd.f32 v22, v20;
	v41 =	vld.idx.msk [tilespmem:v17+s16+$0x0], $0xffff;
	v17 =	vshll.u32 v62, $0x7  }
0x1de: {  	v34 =	vshll.u32 v34, $0x7;
	v53 =	vor.u32 v1, v17;
	v17 =	vadd.f32 $9.500000000e+00, v52;
	v43 =	vld.idx.msk [tilespmem:v28+s15+$0x0], $0xffff  }
0x1df: {  	v21 =	vadd.f32 v21, v25;
	v34 =	vor.u32 v6, v34;
	v25 =	vmul.f32 $3.166666750e+00, v63;
	v28 =	vld.idx.msk [tilespmem:v28+s16+$0x0], $0xffff  }
0x1e0: {  	v55 =	vld.idx.msk [tilespmem:v42+s16+$0x0], $0xffff;
	v56 =	vmul.f32 v46, v27;
	v19 =	vmul.f32 v23, v19;
	v58 =	vmax.f32 v17, $0.0e+00  }
0x1e1: {  	v27 =	vmul.f32 $3.166666750e+00, v57;
	v60 =	vld.idx.msk [tilespmem:v26+s16+$0x0], $0xffff;
	v23 =	vmin.f32 v58, $1.800000000e+01;
	v25 =	vadd.f32 $9.500000000e+00, v25  }
0x1e2: {  	v59 =	vld.idx.msk [tilespmem:v42+s15+$0x0], $0xffff;
	v22 =	vadd.f32 v56, v61;
	v19 =	vadd.f32 v19, v36;
	v23 =	vtrunc.f32 v23  }
0x1e3: {  	v26 =	vld.idx.msk [tilespmem:v26+s15+$0x0], $0xffff;
	v18 =	vmul.f32 v41, v18;
	v27 =	vadd.f32 $9.500000000e+00, v27;
	v23 =	vcvt.f32.s32 v23  }
0x1e4: {  	v61 =	vld.idx.msk [tilespmem:v53+s16+$0x0], $0xffff;
	v46 =	vmax.f32 v25, $0.0e+00;
	v19 =	vadd.f32 v19, v20;
	v28 =	vmul.f32 v28, v31  }
0x1e5: {  	v54 =	vld.idx.msk [tilespmem:v34+s16+$0x0], $0xffff;
	v18 =	vadd.f32 v18, v39;
	v31 =	vmul.f32 v50, v32;
	v33 =	vmul.f32 v55, v33  }
0x1e6: {  	v42 =	vld [tilespmem:s21+$0x1E0];
	v23 =	vshll.u32 v23, $0x7;
	v24 =	vmul.f32 v60, v24;
	v28 =	vadd.f32 v28, v43  }
0x1e7: {  	v60 =	vld.idx.msk [tilespmem:v53+s15+$0x0], $0xffff;
	v23 =	vor.u32 v7, v23;
	v62 =	vadd.f32 v31, v48;
	v20 =	vadd.f32 v33, v59  }
0x1e8: {  	v53 =	vld [tilespmem:s21+$0x220];
	v43 =	vmax.f32 v27, $0.0e+00;
	v48 =	vmin.f32 v46, $1.800000000e+01;
	v24 =	vadd.f32 v24, v26  }
0x1e9: {  	v26 =	vtrunc.f32 v49;
	v41 =	vmul.f32 v61, v35;
	v31 =	vmin.f32 v43, $1.800000000e+01  }
0x1ea: {  	v51 =	vld.idx.msk [tilespmem:v34+s15+$0x0], $0xffff;
	v26 =	vcvt.f32.s32 v26;
	v39 =	vmul.f32 v54, v30;
	v20 =	vadd.f32 $0.0e+00, v20  }
0x1eb: {  	v49 =	vld [tilespmem:s21+$0x200];
	v31 =	vtrunc.f32 v31;
	v30 =	vmul.f32 $3.166666750e+00, v42;
	v21 =	vadd.f32 v24, v21  }
0x1ec: {  	v24 =	vmul.f32 $3.166666750e+00, v40;
	v44 =	vcvt.f32.s32 v31;
	v26 =	vshll.u32 v26, $0x7  }
0x1ed: {  	v30 =	vadd.f32 $9.500000000e+00, v30;
	v35 =	vmul.f32 $3.166666750e+00, v53;
	v21 =	vadd.f32 v28, v21  }
0x1ee: {  	v26 =	vor.u32 v2, v26;
	v28 =	vadd.f32 v41, v60;
	v24 =	vadd.f32 $9.500000000e+00, v24  }
0x1ef: {  	v47 =	vshll.u32 v44, $0x7;
	v52 =	vmax.f32 v30, $0.0e+00;
	v21 =	vadd.f32 v22, v21  }
0x1f0: {  	v31 =	vmul.f32 $3.166666750e+00, v49;
	v22 =	vadd.f32 v39, v51;
	v20 =	vadd.f32 v28, v20  }
0x1f1: {  	v28 =	vtrunc.f32 v48;
	v50 =	vmax.f32 v24, $0.0e+00;
	v51 =	vld [tilespmem:s21+$0x210];
	v34 =	vmin.f32 v52, $1.800000000e+01  }
0x1f2: {  	v28 =	vcvt.f32.s32 v28;
	v32 =	vmin.f32 v50, $1.800000000e+01;
	v31 =	vadd.f32 $9.500000000e+00, v31  }
0x1f3: {  	v35 =	vadd.f32 $9.500000000e+00, v35;
	v34 =	vtrunc.f32 v34;
	v32 =	vtrunc.f32 v32;
	v36 =	vld.idx.msk [tilespmem:v26+s16+$0x0], $0xffff  }
0x1f4: {  	v45 =	vld [tilespmem:s21+$0x1F0];
	v34 =	vcvt.f32.s32 v34;
	v28 =	vshll.u32 v28, $0x7;
	v56 =	vmax.f32 v31, $0.0e+00  }
0x1f5: {  	v60 =	vld [tilespmem:s21+$0x240];
	v32 =	vcvt.f32.s32 v32;
	v28 =	vor.u32 v4, v28;
	v39 =	vmin.f32 v56, $1.800000000e+01  }
0x1f6: {  	v26 =	vld.idx.msk [tilespmem:v26+s15+$0x0], $0xffff;
	v34 =	vshll.u32 v34, $0x7;
	v33 =	vmul.f32 $3.166666750e+00, v51;
	v39 =	vtrunc.f32 v39  }
0x1f7: {  	v55 =	vld [tilespmem:s21+$0x230];
	v32 =	vshll.u32 v32, $0x7;
	v34 =	vor.u32 v6, v34;
	v39 =	vcvt.f32.s32 v39  }
0x1f8: {  	v32 =	vor.u32 v5, v32;
	v33 =	vadd.f32 $9.500000000e+00, v33;
	v29 =	vmul.f32 v36, v38;
	v36 =	vld.idx.msk [tilespmem:v23+s15+$0x0], $0xffff  }
0x1f9: {  	v21 =	vadd.f32 v62, v21;
	v62 =	vmax.f32 v35, $0.0e+00;
	v23 =	vld.idx.msk [tilespmem:v23+s16+$0x0], $0xffff;
	v39 =	vshll.u32 v39, $0x7  }
0x1fa: {  	v43 =	vmul.f32 $3.166666750e+00, v60;
	v58 =	vmax.f32 v33, $0.0e+00;
	v59 =	vld.idx.msk [tilespmem:v28+s15+$0x0], $0xffff;
	v39 =	vor.u32 v0, v39  }
0x1fb: {  	v28 =	vld.idx.msk [tilespmem:v28+s16+$0x0], $0xffff;
	v26 =	vadd.f32 v29, v26;
	v29 =	vmul.f32 $3.166666750e+00, v45;
	v41 =	vmin.f32 v58, $1.800000000e+01  }
0x1fc: {  	v43 =	vadd.f32 $9.500000000e+00, v43;
	v38 =	vmul.f32 $3.166666750e+00, v55;
	v45 =	vld.idx.msk [tilespmem:v34+s15+$0x0], $0xffff;
	v41 =	vtrunc.f32 v41  }
0x1fd: {  	v63 =	vld.idx.msk [tilespmem:v32+s16+$0x0], $0xffff;
	v20 =	vadd.f32 v26, v20;
	v26 =	vor.u32 v3, v47;
	v29 =	vadd.f32 $9.500000000e+00, v29  }
0x1fe: {  	v49 =	vmin.f32 v62, $1.800000000e+01;
	v34 =	vld.idx.msk [tilespmem:v34+s16+$0x0], $0xffff;
	v41 =	vcvt.f32.s32 v41  }
0x1ff: {  	v56 =	vmax.f32 v43, $0.0e+00;
	v38 =	vadd.f32 $9.500000000e+00, v38;
	v61 =	vld.idx.msk [tilespmem:v32+s15+$0x0], $0xffff;
	v54 =	vmax.f32 v29, $0.0e+00  }
0x200: {  	v48 =	vshll.u32 v41, $0x7;
	v41 =	vtrunc.f32 v49;
	v25 =	vmul.f32 v28, v25;
	v52 =	vld.idx.msk [tilespmem:v39+s15+$0x0], $0xffff  }
0x201: {  	v53 =	vld.idx.msk [tilespmem:v39+s16+$0x0], $0xffff;
	v37 =	vmin.f32 v54, $1.800000000e+01;
	v32 =	vor.u32 v1, v48;
	v41 =	vcvt.f32.s32 v41  }
0x202: {  	v37 =	vtrunc.f32 v37;
	v25 =	vadd.f32 v25, v59;
	v24 =	vmul.f32 v63, v24;
	v57 =	vld.idx.msk [tilespmem:v26+s15+$0x0], $0xffff  }
0x203: {  	v59 =	vmin.f32 v56, $1.800000000e+01;
	v37 =	vcvt.f32.s32 v37;
	v26 =	vld.idx.msk [tilespmem:v26+s16+$0x0], $0xffff;
	v41 =	vshll.u32 v41, $0x7  }
0x204: {  	v54 =	vor.u32 v2, v41;
	v24 =	vadd.f32 v24, v61;
	v61 =	vtrunc.f32 v59;
	v59 =	vld [tilespmem:s21+$0x260]  }
0x205: {  	v50 =	vmax.f32 v38, $0.0e+00;
	v41 =	vld [tilespmem:s21+$0x2A0]  }
0x206: {  	v46 =	vmin.f32 v50, $1.800000000e+01;
	v37 =	vshll.u32 v37, $0x7;
	v44 =	vmul.f32 v53, v31;
	v53 =	vld [tilespmem:s21+$0x290]  }
0x207: {  	v51 =	vtrunc.f32 v46;
	v37 =	vor.u32 v7, v37;
	v58 =	vld.idx.msk [tilespmem:v32+s16+$0x0], $0xffff  }
0x208: {  	v40 =	vcvt.f32.s32 v51;
	v63 =	vld.idx.msk [tilespmem:v32+s15+$0x0], $0xffff  }
0x209: {  	v26 =	vmul.f32 v26, v27;
	v47 =	vld.idx.msk [tilespmem:v54+s16+$0x0], $0xffff  }
0x20a: {  	v23 =	vmul.f32 v23, v17;
	v55 =	vshll.u32 v40, $0x7;
	v49 =	vld.idx.msk [tilespmem:v54+s15+$0x0], $0xffff  }
0x20b: {  	v62 =	vadd.f32 v22, v21;
	v27 =	vor.u32 v3, v55;
	v26 =	vadd.f32 v26, v57;
	v57 =	vld [tilespmem:s21+$0x280]  }
0x20c: {  	v48 =	vmul.f32 v34, v30;
	v40 =	vadd.f32 v23, v36;
	v23 =	vadd.f32 v44, v52;
	v28 =	vld.idx.msk [tilespmem:v37+s15+$0x0], $0xffff  }
0x20d: {  	v17 =	vadd.f32 v18, v19;
	v30 =	vmul.f32 $3.166666750e+00, v41;
	v60 =	vld.idx.msk [tilespmem:v37+s16+$0x0], $0xffff;
	v37 =	vcvt.f32.s32 v61  }
0x20e: {  	v23 =	vadd.f32 $0.0e+00, v23;
	v51 =	vmul.f32 v58, v33;
	v61 =	vld [tilespmem:s21+$0x270];
	v20 =	vadd.f32 v26, v20  }
0x20f: {  	v30 =	vadd.f32 $9.500000000e+00, v30;
	v26 =	vadd.f32 v48, v45;
	v45 =	vld [tilespmem:s21+$0x2B0];
	v21 =	vshll.u32 v37, $0x7  }
0x210: {  	v52 =	vld.idx.msk [tilespmem:v27+s16+$0x0], $0xffff;
	v19 =	vadd.f32 v51, v63;
	v37 =	vmul.f32 $3.166666750e+00, v59;
	v20 =	vadd.f32 v25, v20  }
0x211: {  	v54 =	vld [tilespmem:s21+$0x250];
	v51 =	vmax.f32 v30, $0.0e+00;
	v21 =	vor.u32 v4, v21;
	v50 =	vmul.f32 $3.166666750e+00, v57  }
0x212: {  	v27 =	vld.idx.msk [tilespmem:v27+s15+$0x0], $0xffff;
	v20 =	vadd.f32 v24, v20;
	v24 =	vmul.f32 v47, v35;
	v25 =	vmul.f32 v60, v29  }
0x213: {  	v19 =	vadd.f32 v19, v23;
	v60 =	vmul.f32 $3.166666750e+00, v53;
	v39 =	vmul.f32 $3.166666750e+00, v61  }
0x214: {  	v31 =	vadd.f32 $9.500000000e+00, v50;
	v48 =	vmul.f32 $3.166666750e+00, v45;
	v20 =	vadd.f32 v26, v20  }
0x215: {  	v47 =	vld [tilespmem:s21+$0x2C0];
	v24 =	vadd.f32 v24, v49;
	v57 =	vmul.f32 v52, v38;
	v25 =	vadd.f32 v25, v28  }
0x216: {  	v26 =	vmul.f32 $3.166666750e+00, v54;
	v32 =	vadd.f32 $9.500000000e+00, v60;
	v52 =	vmin.f32 v51, $1.800000000e+01  }
0x217: {  	v53 =	vld [tilespmem:s21+$0x2E0];
	v55 =	vmax.f32 v31, $0.0e+00;
	v24 =	vadd.f32 v24, v19;
	v27 =	vadd.f32 v57, v27  }
0x218: {  	v49 =	vld [tilespmem:s21+$0x2D0];
	v56 =	vmin.f32 v55, $1.800000000e+01;
	v19 =	vadd.f32 v40, v62;
	v18 =	vadd.f32 v25, v20  }
0x219: {  	v58 =	vld.idx.msk [tilespmem:v21+s16+$0x0], $0xffff;
	v35 =	vmax.f32 v32, $0.0e+00;
	v20 =	vadd.f32 $9.500000000e+00, v39;
	v23 =	vtrunc.f32 v56  }
0x21a: {  	v62 =	vld.idx.msk [tilespmem:v21+s15+$0x0], $0xffff;
	v21 =	vmin.f32 v35, $1.800000000e+01;
	v35 =	vmul.f32 $3.166666750e+00, v47;
	v23 =	vcvt.f32.s32 v23  }
0x21b: {  	v22 =	vadd.f32 v27, v24;
	v40 =	vtrunc.f32 v21;
	v21 =	vadd.f32 $9.500000000e+00, v37  }
0x21c: {  	v46 =	vmax.f32 v20, $0.0e+00;
	v37 =	vmul.f32 $3.166666750e+00, v53;
	v42 =	vcvt.f32.s32 v40  }
0x21d: {  	v60 =	vld [tilespmem:s21+$0x310];
	v34 =	vmin.f32 v46, $1.800000000e+01;
	v35 =	vadd.f32 $9.500000000e+00, v35;
	v33 =	vmul.f32 $3.166666750e+00, v49  }
0x21e: {  	v23 =	vshll.u32 v23, $0x7;
	v36 =	vmul.f32 v58, v43;
	v44 =	vmax.f32 v21, $0.0e+00  }
0x21f: {  	v34 =	vtrunc.f32 v34;
	v37 =	vadd.f32 $9.500000000e+00, v37;
	v63 =	vor.u32 v0, v23  }
0x220: {  	v23 =	vadd.f32 $9.500000000e+00, v26;
	v26 =	vshll.u32 v42, $0x7;
	v29 =	vmin.f32 v44, $1.800000000e+01  }
0x221: {  	v34 =	vcvt.f32.s32 v34;
	v57 =	vmax.f32 v35, $0.0e+00;
	v33 =	vadd.f32 $9.500000000e+00, v33  }
0x222: {  	v49 =	vld [tilespmem:s21+$0x320];
	v44 =	vmul.f32 $3.166666750e+00, v60;
	v24 =	vadd.f32 v36, v62;
	v26 =	vor.u32 v1, v26  }
0x223: {  	v29 =	vtrunc.f32 v29;
	v40 =	vmin.f32 v57, $1.800000000e+01;
	v61 =	vmax.f32 v37, $0.0e+00  }
0x224: {  	v58 =	vld [tilespmem:s21+$0x300];
	v38 =	vmax.f32 v23, $0.0e+00;
	v29 =	vcvt.f32.s32 v29;
	v34 =	vshll.u32 v34, $0x7  }
0x225: {  	v40 =	vtrunc.f32 v40;
	v59 =	vmax.f32 v33, $0.0e+00;
	v46 =	vmin.f32 v61, $1.800000000e+01  }
0x226: {  	v44 =	vadd.f32 $9.500000000e+00, v44;
	v27 =	vmin.f32 v38, $1.800000000e+01;
	v40 =	vcvt.f32.s32 v40;
	v43 =	vld.idx.msk [tilespmem:v63+s16+$0x0], $0xffff  }
0x227: {  	v34 =	vor.u32 v7, v34;
	v46 =	vtrunc.f32 v46;
	v49 =	vmul.f32 $3.166666750e+00, v49  }
0x228: {  	v22 =	vadd.f32 v24, v22;
	v27 =	vtrunc.f32 v27;
	v29 =	vshll.u32 v29, $0x7;
	v25 =	vld.idx.msk [tilespmem:v63+s15+$0x0], $0xffff  }
0x229: {  	v56 =	vld [tilespmem:s21+$0x2F0];
	v41 =	vmul.f32 $3.166666750e+00, v58;
	v46 =	vcvt.f32.s32 v46;
	v40 =	vshll.u32 v40, $0x7  }
0x22a: {  	v27 =	vcvt.f32.s32 v27;
	v29 =	vor.u32 v6, v29;
	v50 =	vld.idx.msk [tilespmem:v26+s16+$0x0], $0xffff;
	v40 =	vor.u32 v4, v40  }
0x22b: {  	v53 =	vld [tilespmem:s21+$0x340];
	v41 =	vadd.f32 $9.500000000e+00, v41;
	v46 =	vshll.u32 v46, $0x7;
	v28 =	vmul.f32 v43, v31  }
0x22c: {  	v26 =	vld.idx.msk [tilespmem:v26+s15+$0x0], $0xffff;
	v27 =	vshll.u32 v27, $0x7;
	v63 =	vor.u32 v6, v46;
	v31 =	vadd.f32 $9.500000000e+00, v48  }
0x22d: {  	v27 =	vor.u32 v5, v27;
	v45 =	vld.idx.msk [tilespmem:v34+s15+$0x0], $0xffff;
	v25 =	vadd.f32 v28, v25;
	v28 =	vtrunc.f32 v52  }
0x22e: {  	v34 =	vld.idx.msk [tilespmem:v34+s16+$0x0], $0xffff;
	v43 =	vmin.f32 v59, $1.800000000e+01;
	v54 =	vmax.f32 v31, $0.0e+00;
	v28 =	vcvt.f32.s32 v28  }
0x22f: {  	v42 =	vld.idx.msk [tilespmem:v29+s15+$0x0], $0xffff;
	v32 =	vmul.f32 v50, v32;
	v50 =	vmax.f32 v41, $0.0e+00;
	v38 =	vmin.f32 v54, $1.800000000e+01  }
0x230: {  	v29 =	vld.idx.msk [tilespmem:v29+s16+$0x0], $0xffff;
	v55 =	vtrunc.f32 v38;
	v38 =	vmul.f32 $3.166666750e+00, v56;
	v28 =	vshll.u32 v28, $0x7  }
0x231: {  	v50 =	vmin.f32 v50, $1.800000000e+01;
	v58 =	vld.idx.msk [tilespmem:v63+s16+$0x0], $0xffff;
	v36 =	vcvt.f32.s32 v55;
	v28 =	vor.u32 v2, v28  }
0x232: {  	v43 =	vtrunc.f32 v43;
	v39 =	vld.idx.msk [tilespmem:v27+s15+$0x0], $0xffff;
	v55 =	vtrunc.f32 v50;
	v38 =	vadd.f32 $9.500000000e+00, v38  }
0x233: {  	v43 =	vcvt.f32.s32 v43;
	v27 =	vld.idx.msk [tilespmem:v27+s16+$0x0], $0xffff;
	v46 =	vcvt.f32.s32 v55;
	v36 =	vshll.u32 v36, $0x7  }
0x234: {  	v26 =	vadd.f32 v32, v26;
	v50 =	vld.idx.msk [tilespmem:v40+s15+$0x0], $0xffff;
	v36 =	vor.u32 v3, v36;
	v48 =	vmax.f32 v38, $0.0e+00  }
0x235: {  	v25 =	vadd.f32 $0.0e+00, v25;
	v40 =	vld.idx.msk [tilespmem:v40+s16+$0x0], $0xffff;
	v46 =	vshll.u32 v46, $0x7;
	v48 =	vmin.f32 v48, $1.800000000e+01  }
0x236: {  	v43 =	vshll.u32 v43, $0x7;
	v46 =	vor.u32 v0, v46;
	v48 =	vtrunc.f32 v48;
	v47 =	vld.idx.msk [tilespmem:v28+s15+$0x0], $0xffff  }
0x237: {  	v52 =	vmax.f32 v44, $0.0e+00;
	v43 =	vor.u32 v5, v43;
	v28 =	vld.idx.msk [tilespmem:v28+s16+$0x0], $0xffff;
	v48 =	vcvt.f32.s32 v48  }
0x238: {  	v49 =	vadd.f32 $9.500000000e+00, v49;
	v52 =	vmin.f32 v52, $1.800000000e+01;
	v56 =	vadd.f32 v26, v25;
	v25 =	vld.idx.msk [tilespmem:v63+s15+$0x0], $0xffff  }
0x239: {  	v20 =	vmul.f32 v34, v20;
	v52 =	vtrunc.f32 v52;
	v51 =	vld.idx.msk [tilespmem:v36+s15+$0x0], $0xffff;
	v48 =	vshll.u32 v48, $0x7  }
0x23a: {  	v60 =	vmax.f32 v49, $0.0e+00;
	v52 =	vcvt.f32.s32 v52;
	v62 =	vld.idx.msk [tilespmem:v36+s16+$0x0], $0xffff;
	v48 =	vor.u32 v7, v48  }
0x23b: {  	v21 =	vmul.f32 v29, v21;
	v20 =	vadd.f32 v20, v45;
	v23 =	vmul.f32 v27, v23;
	v63 =	vld.idx.msk [tilespmem:v46+s16+$0x0], $0xffff  }
0x23c: {  	v59 =	vshll.u32 v52, $0x7;
	v27 =	vmul.f32 v58, v37;
	v28 =	vmul.f32 v28, v30;
	v30 =	vld.idx.msk [tilespmem:v43+s15+$0x0], $0xffff  }
0x23d: {  	v21 =	vadd.f32 v21, v42;
	v23 =	vadd.f32 v23, v39;
	v42 =	vmul.f32 v40, v35;
	v43 =	vld.idx.msk [tilespmem:v43+s16+$0x0], $0xffff  }
0x23e: {  	v25 =	vadd.f32 v27, v25;
	v36 =	vmin.f32 v60, $1.800000000e+01;
	v57 =	vadd.f32 v28, v47;
	v47 =	vld [tilespmem:s21+$0x330]  }
0x23f: {  	v36 =	vtrunc.f32 v36;
	v31 =	vmul.f32 v62, v31;
	v28 =	vor.u32 v1, v59;
	v32 =	vld.idx.msk [tilespmem:v48+s15+$0x0], $0xffff  }
0x240: {  	v22 =	vadd.f32 v23, v22;
	v23 =	vadd.f32 v42, v50;
	v36 =	vcvt.f32.s32 v36;
	v61 =	vld.idx.msk [tilespmem:v48+s16+$0x0], $0xffff  }
0x241: {  	v48 =	vld.idx.msk [tilespmem:v46+s15+$0x0], $0xffff;
	v24 =	vadd.f32 v57, v56;
	v62 =	vadd.f32 v31, v51  }
0x242: {  	v21 =	vadd.f32 v21, v22;
	v22 =	vmul.f32 $3.166666750e+00, v53;
	v51 =	vshll.u32 v36, $0x7;
	v57 =	vld [tilespmem:s21+$0x350]  }
0x243: {  	v33 =	vmul.f32 v43, v33;
	v34 =	vor.u32 v2, v51;
	v24 =	vadd.f32 v62, v24;
	v62 =	vld [tilespmem:s21+$0x360]  }
0x244: {  	v20 =	vadd.f32 v20, v21;
	v22 =	vadd.f32 $9.500000000e+00, v22;
	v55 =	vmul.f32 v63, v41;
	v52 =	vld.idx.msk [tilespmem:v28+s16+$0x0], $0xffff  }
0x245: {  	v45 =	vld [tilespmem:s21+$0x390];
	v54 =	vadd.f32 v33, v30;
	v56 =	vmul.f32 $3.166666750e+00, v47;
	v23 =	vadd.f32 v23, v24  }
0x246: {  	v28 =	vld.idx.msk [tilespmem:v28+s15+$0x0], $0xffff;
	v58 =	vmul.f32 v61, v38;
	v21 =	vadd.f32 v55, v48;
	v38 =	vmax.f32 v22, $0.0e+00  }
0x247: {  	v39 =	vld [tilespmem:s21+$0x380];
	v24 =	vadd.f32 $9.500000000e+00, v56;
	v31 =	vmul.f32 $3.166666750e+00, v57;
	v23 =	vadd.f32 v54, v23  }
0x248: {  	v60 =	vld.idx.msk [tilespmem:v34+s16+$0x0], $0xffff;
	v61 =	vadd.f32 v58, v32;
	v63 =	vadd.f32 $0.0e+00, v21;
	v30 =	vmul.f32 $3.166666750e+00, v62  }
0x249: {  	v32 =	vmax.f32 v24, $0.0e+00;
	v59 =	vmul.f32 v52, v44;
	v23 =	vadd.f32 v25, v23  }
0x24a: {  	v36 =	vld [tilespmem:s21+$0x370];
	v33 =	vmin.f32 v32, $1.800000000e+01;
	v32 =	vmul.f32 $3.166666750e+00, v45;
	v25 =	vadd.f32 $9.500000000e+00, v30  }
0x24b: {  	v51 =	vld [tilespmem:s21+$0x3C0];
	v35 =	vtrunc.f32 v33;
	v26 =	vadd.f32 v59, v28;
	v21 =	vadd.f32 v61, v23  }
0x24c: {  	v47 =	vld [tilespmem:s21+$0x3A0];
	v37 =	vcvt.f32.s32 v35;
	v23 =	vadd.f32 $9.500000000e+00, v31;
	v28 =	vmin.f32 v38, $1.800000000e+01  }
0x24d: {  	v55 =	vld [tilespmem:s21+$0x3E0];
	v31 =	vmul.f32 $3.166666750e+00, v39;
	v32 =	vadd.f32 $9.500000000e+00, v32;
	v29 =	vmul.f32 v60, v49  }
0x24e: {  	v41 =	vtrunc.f32 v28;
	v46 =	vmax.f32 v25, $0.0e+00;
	v27 =	vadd.f32 v26, v63  }
0x24f: {  	v40 =	vshll.u32 v37, $0x7;
	v42 =	vmax.f32 v23, $0.0e+00;
	v43 =	vcvt.f32.s32 v41  }
0x250: {  	v26 =	vmul.f32 $3.166666750e+00, v36;
	v35 =	vmin.f32 v46, $1.800000000e+01;
	v31 =	vadd.f32 $9.500000000e+00, v31  }
0x251: {  	v36 =	vmul.f32 $3.166666750e+00, v47;
	v52 =	vmax.f32 v32, $0.0e+00;
	v41 =	vmul.f32 $3.166666750e+00, v51  }
0x252: {  	v46 =	vmul.f32 $3.166666750e+00, v55;
	v28 =	vmin.f32 v42, $1.800000000e+01;
	v44 =	vor.u32 v3, v40  }
0x253: {  	v35 =	vtrunc.f32 v35;
	v42 =	vmin.f32 v52, $1.800000000e+01;
	v28 =	vtrunc.f32 v28  }
0x254: {  	v49 =	vld [tilespmem:s21+$0x3B0];
	v33 =	vshll.u32 v43, $0x7;
	v26 =	vadd.f32 $9.500000000e+00, v26;
	v35 =	vcvt.f32.s32 v35  }
0x255: {  	v57 =	vld [tilespmem:s21+$0x3F0];
	v50 =	vmax.f32 v31, $0.0e+00;
	v36 =	vadd.f32 $9.500000000e+00, v36;
	v42 =	vtrunc.f32 v42  }
0x256: {  	v41 =	vadd.f32 $9.500000000e+00, v41;
	v46 =	vadd.f32 $9.500000000e+00, v46;
	v28 =	vcvt.f32.s32 v28  }
0x257: {  	v33 =	vor.u32 v4, v33;
	v39 =	vmin.f32 v50, $1.800000000e+01;
	v42 =	vcvt.f32.s32 v42  }
0x258: {  	v53 =	vld [tilespmem:s21+$0x3D0];
	v48 =	vmax.f32 v26, $0.0e+00;
	v35 =	vshll.u32 v35, $0x7;
	v39 =	vtrunc.f32 v39  }
0x259: {  	v34 =	vld.idx.msk [tilespmem:v34+s15+$0x0], $0xffff;
	v38 =	vmul.f32 $3.166666750e+00, v49;
	v54 =	vmax.f32 v36, $0.0e+00;
	v35 =	vor.u32 v6, v35  }
0x25a: {  	v58 =	vmax.f32 v41, $0.0e+00;
	v49 =	vmul.f32 $3.166666750e+00, v57;
	v28 =	vshll.u32 v28, $0x7;
	v40 =	vld.idx.msk [tilespmem:v44+s15+$0x0], $0xffff  }
0x25b: {  	v55 =	vmax.f32 v46, $0.0e+00;
	v37 =	vmin.f32 v48, $1.800000000e+01;
	v28 =	vor.u32 v5, v28;
	v30 =	vld.idx.msk [tilespmem:v44+s16+$0x0], $0xffff  }
0x25c: {  	v39 =	vcvt.f32.s32 v39;
	v45 =	vmin.f32 v54, $1.800000000e+01;
	v42 =	vshll.u32 v42, $0x7;
	v43 =	vld.idx.msk [tilespmem:v33+s15+$0x0], $0xffff  }
0x25d: {  	v37 =	vtrunc.f32 v37;
	v38 =	vadd.f32 $9.500000000e+00, v38;
	v42 =	vor.u32 v1, v42;
	v33 =	vld.idx.msk [tilespmem:v33+s16+$0x0], $0xffff  }
0x25e: {  	v45 =	vtrunc.f32 v45;
	v37 =	vcvt.f32.s32 v37;
	v39 =	vshll.u32 v39, $0x7;
	v50 =	vld.idx.msk [tilespmem:v35+s15+$0x0], $0xffff  }
0x25f: {  	v44 =	vmul.f32 $3.166666750e+00, v53;
	v39 =	vor.u32 v0, v39;
	v56 =	vmax.f32 v38, $0.0e+00;
	v35 =	vld.idx.msk [tilespmem:v35+s16+$0x0], $0xffff  }
0x260: {  	v45 =	vcvt.f32.s32 v45;
	v37 =	vshll.u32 v37, $0x7;
	v48 =	vmin.f32 v56, $1.800000000e+01;
	v47 =	vld.idx.msk [tilespmem:v28+s15+$0x0], $0xffff  }
0x261: {  	(xrf2) =	vadd.scan.msk.f32 $0xffff, v8;
	v44 =	vadd.f32 $9.500000000e+00, v44;
	v37 =	vor.u32 v7, v37;
	v48 =	vtrunc.f32 v48;
	v28 =	vld.idx.msk [tilespmem:v28+s16+$0x0], $0xffff  }
0x262: {  	(xrf2) =	vadd.scan.msk.f32 $0xffff, v9;
	v51 =	vmin.f32 v58, $1.800000000e+01;
	v45 =	vshll.u32 v45, $0x7;
	v48 =	vcvt.f32.s32 v48;
	v8 =	vld.idx.msk [tilespmem:v42+s16+$0x0], $0xffff  }
0x263: {  	(xrf2) =	vadd.scan.msk.f32 $0xffff, v10;
	v51 =	vtrunc.f32 v51;
	v45 =	vor.u32 v2, v45;
	v53 =	vmax.f32 v44, $0.0e+00;
	v10 =	vld.idx.msk [tilespmem:v42+s15+$0x0], $0xffff  }
0x264: {  	v51 =	vcvt.f32.s32 v51;
	v53 =	vmin.f32 v53, $1.800000000e+01;
	v48 =	vshll.u32 v48, $0x7;
	v54 =	vld.idx.msk [tilespmem:v39+s16+$0x0], $0xffff  }
0x265: {  	v49 =	vadd.f32 $9.500000000e+00, v49;
	v53 =	vtrunc.f32 v53;
	v9 =	vld.idx.msk [tilespmem:v39+s15+$0x0], $0xffff;
	v48 =	vor.u32 v3, v48  }
0x266: {  	v61 =	vmin.f32 v55, $1.800000000e+01;
	v59 =	vshll.u32 v51, $0x7;
	v60 =	vcvt.f32.s32 v53;
	v52 =	vld.idx.msk [tilespmem:v37+s15+$0x0], $0xffff  }
0x267: {  	v62 =	vtrunc.f32 v61;
	v63 =	vmax.f32 v49, $0.0e+00;
	v39 =	vor.u32 v4, v59;
	v37 =	vld.idx.msk [tilespmem:v37+s16+$0x0], $0xffff  }
0x268: {  	(xrf2) =	vadd.scan.msk.f32 $0xffff, v12;
	v42 =	vcvt.f32.s32 v62;
	v53 =	vmin.f32 v63, $1.800000000e+01;
	v12 =	vld.idx.msk [tilespmem:v45+s16+$0x0], $0xffff;
	v51 =	vshll.u32 v60, $0x7  }
0x269: {  	v59 =	vtrunc.f32 v53;
	v57 =	vld.idx.msk [tilespmem:v45+s15+$0x0], $0xffff;
	v58 =	vor.u32 v5, v51;
	v56 =	vmul.f32 v54, v31  }
0x26a: {  	(xrf2) =	vadd.scan.msk.f32 $0xffff, v11;
	v61 =	vshll.u32 v42, $0x7;
	v62 =	vcvt.f32.s32 v59;
	v8 =	vmul.f32 v8, v32;
	v60 =	vld.idx.msk [tilespmem:v48+s16+$0x0], $0xffff  }
0x26b: {  	v29 =	vadd.f32 v29, v34;
	v32 =	vor.u32 v6, v61;
	v63 =	vld.idx.msk [tilespmem:v48+s15+$0x0], $0xffff;
	v9 =	vadd.f32 v56, v9  }
0x26c: {  	(xrf2) =	vadd.scan.msk.f32 $0xffff, v13;
	v34 =	vmul.f32 v30, v24;
	v51 =	vshll.u32 v62, $0x7;
	v8 =	vadd.f32 v8, v10;
	v48 =	vld.idx.msk [tilespmem:v39+s16+$0x0], $0xffff  }
0x26d: {  	(xrf2) =	vadd.scan.msk.f32 $0xffff, v14;
	v53 =	vld.idx.msk [tilespmem:v39+s15+$0x0], $0xffff;
	v24 =	vor.u32 v7, v51;
	v12 =	vmul.f32 v12, v36;
	v9 =	vadd.f32 $0.0e+00, v9  }
0x26e: {  	v27 =	vadd.f32 v29, v27;
	v14 =	vadd.f32 v34, v40;
	v22 =	vmul.f32 v33, v22;
	v54 =	vld.idx.msk [tilespmem:v58+s16+$0x0], $0xffff  }
0x26f: {  	v55 =	vadd.f32 v12, v57;
	v57 =	vld.idx.msk [tilespmem:v58+s15+$0x0], $0xffff;
	v8 =	vadd.f32 v8, v9;
	v56 =	vmul.f32 v60, v38  }
0x270: {  	v14 =	vadd.f32 v14, v27;
	v22 =	vadd.f32 v22, v43;
	v23 =	vmul.f32 v28, v23;
	v58 =	vld.idx.msk [tilespmem:v32+s16+$0x0], $0xffff  }
0x271: {  	v10 =	vmul.f32 v48, v41;
	v60 =	vld.idx.msk [tilespmem:v32+s15+$0x0], $0xffff;
	v8 =	vadd.f32 v55, v8;
	v59 =	vadd.f32 v56, v63  }
0x272: {  	v61 =	vadd.f32 v22, v14;
	v62 =	vadd.f32 v23, v47;
	v63 =	vmul.f32 v35, v25;
	v25 =	vld.idx.msk [tilespmem:v24+s16+$0x0], $0xffff  }
0x273: {  	(xrf2) =	vadd.scan.msk.f32 $0xffff, v15;
	v28 =	vadd.f32 v10, v53;
	v29 =	vmul.f32 v54, v44;
	v8 =	vadd.f32 v59, v8  }
0x274: {  	v31 =	vmul.f32 v37, v26;
	v12 =	vadd.f32 v62, v61;
	v32 =	vld.idx.msk [tilespmem:v24+s15+$0x0], $0xffff;
	v30 =	vadd.f32 v63, v50  }
0x275: {  	(xrf2) =	vadd.scan.msk.f32 $0xffff, v16;
	v34 =	vmul.f32 v58, v46;
	v33 =	vadd.f32 v29, v57;
	v8 =	vadd.f32 v28, v8  }
0x276: {  	(xrf2) =	vadd.scan.msk.f32 $0xffff, v17;
	v36 =	vadd.f32 v31, v52;
	v12 =	vadd.f32 v30, v12  }
0x277: {  	v35, _, _ =	vpop (xrf2);
	(xrf2) =	vadd.scan.msk.f32 $0xffff, v19;
	v38 =	vadd.f32 v34, v60;
	v39 =	vmul.f32 v25, v49;
	v8 =	vadd.f32 v33, v8  }
0x278: {  	v37, _, _ =	vpop (xrf2);
	(xrf2) =	vadd.scan.msk.f32 $0xffff, v18;
	v13 =	vbroadcast v35, $0xF;
	v12 =	vadd.f32 v36, v12  }
0x279: {  	v40, _, _ =	vpop (xrf2);
	(xrf2) =	vadd.scan.msk.f32 $0xffff, v20;
	v15 =	vbroadcast v37, $0xF;
	v42 =	vadd.f32 v39, v32;
	v8 =	vadd.f32 v38, v8  }
0x27a: {  	v41, _, _ =	vpop (xrf2);
	(xrf2) =	vadd.scan.msk.f32 $0xffff, v21;
	v43 =	vbroadcast v40, $0xF  }
0x27b: {  	v44 =	vsel vm0, v13, v15;
	v45 =	vbroadcast v41, $0xF;
	v46, _, _ =	vpop (xrf2);
	(xrf2) =	vadd.scan.msk.f32 $0xffff, v12;
	v8 =	vadd.f32 v42, v8  }
0x27c: {  	v47, _, _ =	vpop (xrf2);
	v10 =	vsel vm1, v44, v43;
	v48 =	vbroadcast v46, $0xF  }
0x27d: {  	v49, _, _ =	vpop (xrf2);
	v10 =	vsel vm2, v10, v45;
	v12 =	vbroadcast v47, $0xF  }
0x27e: {  	v10 =	vsel vm3, v10, v48;
	v9 =	vbroadcast v49, $0xF;
	v50, _, _ =	vpop (xrf2);
	(xrf2) =	vadd.scan.msk.f32 $0xffff, v8  }
0x27f: {  	v11 =	vbroadcast v50, $0xF;
	v10 =	vsel vm4, v10, v12;
	v8, _, _ =	vpop (xrf2)  }
0x280: {  	v9 =	vsel vm5, v10, v9;
	v51, _, _ =	vpop (xrf2);
	v8 =	vbroadcast v8, $0xF  }
0x281: {  	v9 =	vsel vm6, v9, v11;
	v52, _, _ =	vpop (xrf2);
	v53 =	vbroadcast v51, $0xF  }
0x282: {  	v54, _, _ =	vpop (xrf2);
	v8 =	vsel vm7, v9, v8;
	v55 =	vbroadcast v52, $0xF  }
0x283: {  	v56, _, _ =	vpop (xrf2);
	v8 =	vsel vm8, v8, v53;
	v57 =	vbroadcast v54, $0xF  }
0x284: {  	s19 =	sadd.s32 $0x1, s19;
	v58, _, _ =	vpop (xrf2);
	v8 =	vsel vm9, v8, v55;
	v59 =	vbroadcast v56, $0xF  }
0x285: {  	p0 =	sne.s32 s19, $0x10;
	v60, _, _ =	vpop (xrf2);
	v8 =	vsel vm10, v8, v57;
	v61 =	vbroadcast v58, $0xF  }
.Ltmp4:
0x286: {  	v8 =	vsel vm11, v8, v59;
	v62 =	vbroadcast v60, $0xF;
	(pc) =	sbr.rel @!p0 .LBB2_15-.Ltmp4, $4  }
0x287: {  	v8 =	vsel vm12, v8, v61  }
0x288: {  	v63, _, _ =	vpop (xrf2);
	v8 =	vsel vm13, v8, v62  }
0x289: {  	v8 =	vsel vm14, v8, v63  }
0x28a: {  	s21 =	sadd.s32 $0x800, s21;
	[tilespmem:s20+$0x0] =	vst v8;
	s20 =	sadd.s32 $0x10, s20  }
.LBB2_4:
0x28b: {  	p0 =	sgt.s32 s19, $0x7  }
.Ltmp5:
0x28c: {  	_ = 	snop;
	(pc) =	sbr.rel @p0 .LBB2_7-.Ltmp5, $1  }
0x28d: {  	_ =	sdelay $0x3  }
0x28e: {  	p0 =	seq.s32 s19, $0x0  }
.Ltmp6:
0x28f: {  	_ = 	snop;
	(pc) =	sbr.rel @p0 .LBB2_6-.Ltmp6, $1  }
0x290: {  	_ =	sdelay $0x3  }
0x291: {  	p0 =	seq.s32 s19, $0x4  }
.Ltmp7:
0x292: {  	_ = 	snop;
	(pc) =	sbr.rel @!p0 .LBB2_14-.Ltmp7, $1  }
0x293: {  	_ =	sdelay $0x3  }
.Ltmp8:
0x294: {  	(pc) =	sbr.rel .LBB2_13-.Ltmp8, $2  }
0x295: {  	_ =	sdelay $0x2  }
0x296: {  	s22 =	simm.s32 $0x2  }
.LBB2_7:
0x297: {  	p0 =	seq.s32 s19, $0x8  }
.Ltmp9:
0x298: {  	_ = 	snop;
	(pc) =	sbr.rel @p0 .LBB2_12-.Ltmp9, $1  }
0x299: {  	_ =	sdelay $0x3  }
0x29a: {  	p0 =	seq.s32 s19, $0xC  }
.Ltmp10:
0x29b: {  	_ = 	snop;
	(pc) =	sbr.rel @!p0 .LBB2_14-.Ltmp10, $1  }
0x29c: {  	_ =	sdelay $0x3  }
.Ltmp11:
0x29d: {  	(pc) =	sbr.rel .LBB2_13-.Ltmp11, $2  }
0x29e: {  	_ =	sdelay $0x2  }
0x29f: {  	s22 =	simm.s32 $0x4  }
.LBB2_6:
.Ltmp12:
0x2a0: {  	(pc) =	sbr.rel .LBB2_13-.Ltmp12, $2  }
0x2a1: {  	_ =	sdelay $0x2  }
0x2a2: {  	s22 =	simm.s32 $0x1  }
.LBB2_16:
0x2a3: {  	_ =	sfence.sel $0x180000  }
0x2a4: {  	[bflag:$0x0] =	sbarrier.arrive $0xFFFF  }
0x2a5: {  	p0 =	sne.s32 s2, $0x0;
	_ =	strace $0x90000047  }
0x2a6: {  	s0 =	sadd.s32 @!p0 $0x100000, s0;
	[bflag:$0x2] =	sbarrier.arrive $0xFFFF  }
0x2a7: {  	[sflag:s0] =	ssyncadd.tile.s32 @!p0 $0x1;
	_ =	shalt  }
.Lfunc_end2:
_tile_overlayer_lowered:
.L_overlay_start_2:
0x2a8: {  	(tag) =	ssettag $0x2  }
0x2a9: {  	s0 =	rddreg [dreg:$0x0];
	s2 =	stileid.u32  }
0x2aa: {  	s1 =	rddreg [dreg:$0x1];
	p0 =	sne.s32 s2, $0x0  }
0x2ab: {  	s3 =	rddreg [dreg:$0x2];
	[bflag:$0x3] =	sbarrier.arrive $0xFFFF;
	s2 =	simm.s32 @!p0 $0x1C05  }
0x2ac: {  	[timem:s3], [sflag:s2] =	dma.local @!p0 [hbm:s0], s1  }
0x2ad: {  	s0 =	simm.s32 @!p0 $0x5  }
0x2ae: {  	_ =	swait.ge @!p0 [sflag:s0], s1  }
0x2af: {  	s1 =	ssub.s32 @!p0 $0x0, s1;
	[sflag:s0] =	ssyncset.done @!p0 $0x0  }
0x2b0: {  	[sflag:s0] =	ssyncadd.s32 @!p0 s1  }
0x2b1: {  	[bflag:$0x3] =	sbarrier.arrive $0xFFFF  }
0x2b2: {  	_ =	shalt  }

</sc_bundles>
